<compile_context>
chip_gen: v7x
topology: tpu7x:2x2x1
jax: 0.10.2.dev20260603
libtpu: 0.0.44.dev20260713+nightly
codegen_flags: <defaults>
</compile_context>

<pallas_src>
import functools

import jax
import jax.numpy as jnp
from jax import lax
from jax.experimental import pallas as pl
from jax.experimental.pallas import tpu as pltpu
from jax.experimental.pallas import tpu_sc as plsc


def kernel(x, y, name_embedding, value_table, mask_embedding):
    B, L = x.shape
    V, D = value_table.shape
    LP = 104
    DP = 2 * D
    NW = 32
    BPW = B // NW
    CB = 4
    NCH = BPW // CB
    NQ = NCH // 4
    R = CB * L
    ND = D // 16

    mesh = plsc.VectorSubcoreMesh(core_axis_name="c", subcore_axis_name="s")

    @functools.partial(
        pl.kernel,
        mesh=mesh,
        compiler_params=pltpu.CompilerParams(use_tc_tiling_on_sc=False,
                                             needs_layout_passes=False),
        out_type=jax.ShapeDtypeStruct((B, LP, DP), jnp.float32),
        scratch_types=[
            pltpu.VMEM((CB, L), jnp.int32),
            pltpu.VMEM((CB, L), jnp.int32),
            pltpu.VMEM((CB, L), jnp.int32),
            pltpu.VMEM((CB, L), jnp.int32),
            pltpu.VMEM((CB, L, D), jnp.float32),
            pltpu.VMEM((CB, L, D), jnp.float32),
            pltpu.VMEM((CB, L, D), jnp.float32),
            pltpu.VMEM((CB, L, D), jnp.float32),
            pltpu.VMEM((L, D), jnp.float32),
            pltpu.VMEM((D,), jnp.float32),
            pltpu.VMEM((BPW + 16,), jnp.int32),
            pltpu.SemaphoreType.DMA,
            pltpu.SemaphoreType.DMA,
            pltpu.SemaphoreType.DMA,
            pltpu.SemaphoreType.DMA,
            pltpu.SemaphoreType.DMA,
            pltpu.SemaphoreType.DMA,
            pltpu.SemaphoreType.DMA,
            pltpu.SemaphoreType.DMA,
        ],
    )
    def run(x_hbm, y_hbm, name_hbm, table_hbm, mask_hbm, out_hbm,
            idx0, idx1, idx2, idx3, rows0, rows1, rows2, rows3,
            name_v, mask_v, y_vmem,
            gsem0, gsem1, gsem2, gsem3, wsem0, wsem1, wsem2, wsem3):
        wid = lax.axis_index("s") * 2 + lax.axis_index("c")
        bbase = wid * BPW
        idx_bufs = [idx0, idx1, idx2, idx3]
        row_bufs = [rows0, rows1, rows2, rows3]
        gsems = [gsem0, gsem1, gsem2, gsem3]
        wsems = [wsem0, wsem1, wsem2, wsem3]
        pltpu.sync_copy(name_hbm, name_v)
        pltpu.sync_copy(mask_hbm, mask_v)
        pltpu.sync_copy(y_hbm.at[pl.ds(bbase, BPW)], y_vmem.at[pl.ds(0, BPW)])
        lane = lax.iota(jnp.int32, 16)
        dummy_chunk_hbm = out_hbm.at[pl.ds(0, CB), pl.ds(0, L), pl.ds(0, D)]

        def stage_and_gather(c, q):
            b0 = bbase + c * CB
            pltpu.sync_copy(x_hbm.at[pl.ds(b0, CB)], idx_bufs[q])
            for j in range(CB):
                pltpu.async_copy(table_hbm.at[idx_bufs[q].at[j]],
                                 row_bufs[q].at[j], gsems[q])

        def drain_write(q):
            pltpu.make_async_copy(row_bufs[q], dummy_chunk_hbm, wsems[q]).wait()

        def process(c, q):
            rows_v = row_bufs[q]
            b0 = bbase + c * CB
            pltpu.make_async_copy(dummy_chunk_hbm, rows_v, gsems[q]).wait()

            def add_l(l, carry2):
                nm = [name_v[l, pl.ds(16 * d, 16)] for d in range(ND)]
                for b in range(CB):
                    for d in range(ND):
                        rows_v[b, l, pl.ds(16 * d, 16)] = (
                            rows_v[b, l, pl.ds(16 * d, 16)] + nm[d])
                return carry2

            lax.fori_loop(0, L, add_l, 0)

            y16 = y_vmem[pl.ds(c * CB, 16)]
            for b in range(CB):
                yb = jnp.max(jnp.where(lane == b, y16, 0))
                for d in range(ND):
                    rows_v[b, yb, pl.ds(16 * d, 16)] = (
                        mask_v[pl.ds(16 * d, 16)]
                        + name_v[yb, pl.ds(16 * d, 16)])

            for j in range(CB):
                pltpu.async_copy(
                    rows_v.at[j],
                    out_hbm.at[b0 + j, pl.ds(0, L), pl.ds(0, D)], wsems[q])

        stage_and_gather(0, 0)
        stage_and_gather(1, 1)

        def ring_body(k, carry):
            c = 4 * k
            for h in range(4):
                process(c + h, h)
                if h >= 2:
                    drain_write((h + 2) % 4)
                else:
                    @pl.when(k > 0)
                    def _():
                        drain_write((h + 2) % 4)

                @pl.when(c + h + 2 < NCH)
                def _():
                    stage_and_gather(c + h + 2, (h + 2) % 4)
            return carry

        lax.fori_loop(0, NQ, ring_body, 0)
        drain_write(2)
        drain_write(3)

    out = run(x, y, name_embedding, value_table, mask_embedding)
    return out[:, :L, :D]

# --- scband reference (transcript-rebuilt; emitter-appended) ---
"""Pipeline reference for scband-embed-layer-66108136620326 (READ-ONLY COPY).

The authoritative reference and input builder live on the scoring server;
editing this copy changes nothing except your own understanding.
"""

import jax, jax.numpy as jnp
import numpy as np

B, L, D, V = 16384, 100, 64, 1000000

def setup_inputs(seed: int = 0) -> dict:
    key = jax.random.key(seed)
    k1, k2, k3, k4, k5 = jax.random.split(key, 5)
    x = jax.random.randint(k1, (B, L), 0, V, dtype=jnp.int32)
    y = jax.random.randint(k2, (B,), 0, L, dtype=jnp.int32)
    # Learned parameters per __init__: name_embedding (zeros-init Parameter),
    # value_embedding table, mask_embedding (rand-init Parameter).
    name_embedding = jax.random.normal(k3, (L, D), dtype=jnp.float32) * 0.02
    value_table = jax.random.normal(k4, (V, D), dtype=jnp.float32) * 0.02
    mask_embedding = jax.random.uniform(k5, (D,), dtype=jnp.float32)
    return {"x": x, "y": y, "name_embedding": name_embedding,
            "value_table": value_table, "mask_embedding": mask_embedding}

def reference(x, y, name_embedding, value_table, mask_embedding):
    b = x.shape[0]
    # value_embeds = self.value_embedding(x)  -> gather from table
    value_embeds = jnp.take(value_table, x, axis=0)            # [B, L, D]
    # value_embeds[arange(B), y, :] = mask_embeds (scatter-overwrite)
    mask_b = jnp.broadcast_to(mask_embedding, (b, mask_embedding.shape[0]))
    value_embeds = value_embeds.at[jnp.arange(b), y, :].set(mask_b)
    # name_embeds = name_embedding.repeat(B,1,1) -> broadcast add
    return name_embedding[None, :, :] + value_embeds

if __name__ == "__main__":
    import jax
    _d = setup_inputs()
    print(jax.jit(kernel)(*tuple(_d.values())))

</pallas_src>

<mosaic_0001>
#map = affine_map<(d0, d1) -> (0, 0)>
#map1 = affine_map<(d0, d1) -> (0)>
#map2 = affine_map<(d0, d1) -> (0, 0, 0)>
module attributes {stable_mosaic.version = 14 : i64} {
  func.func @run(%arg0: i32, %arg1: i32, %arg2: memref<16384x100xi32, #tpu.memory_space<hbm>>, %arg3: memref<16384xi32, #tpu.memory_space<hbm>>, %arg4: memref<100x64xf32, #tpu.memory_space<hbm>>, %arg5: memref<1000000x64xf32, #tpu.memory_space<hbm>>, %arg6: memref<64xf32, #tpu.memory_space<hbm>>, %arg7: memref<16384x104x128xf32, #tpu.memory_space<hbm>>, %arg8: memref<4x100xi32, #tpu.memory_space<vmem>>, %arg9: memref<4x100xi32, #tpu.memory_space<vmem>>, %arg10: memref<4x100xi32, #tpu.memory_space<vmem>>, %arg11: memref<4x100xi32, #tpu.memory_space<vmem>>, %arg12: memref<4x100x64xf32, #tpu.memory_space<vmem>>, %arg13: memref<4x100x64xf32, #tpu.memory_space<vmem>>, %arg14: memref<4x100x64xf32, #tpu.memory_space<vmem>>, %arg15: memref<4x100x64xf32, #tpu.memory_space<vmem>>, %arg16: memref<100x64xf32, #tpu.memory_space<vmem>>, %arg17: memref<64xf32, #tpu.memory_space<vmem>>, %arg18: memref<528xi32, #tpu.memory_space<vmem>>, %arg19: memref<!tpu.dma_semaphore, #tpu.memory_space<semaphore_mem>>, %arg20: memref<!tpu.dma_semaphore, #tpu.memory_space<semaphore_mem>>, %arg21: memref<!tpu.dma_semaphore, #tpu.memory_space<semaphore_mem>>, %arg22: memref<!tpu.dma_semaphore, #tpu.memory_space<semaphore_mem>>, %arg23: memref<!tpu.dma_semaphore, #tpu.memory_space<semaphore_mem>>, %arg24: memref<!tpu.dma_semaphore, #tpu.memory_space<semaphore_mem>>, %arg25: memref<!tpu.dma_semaphore, #tpu.memory_space<semaphore_mem>>, %arg26: memref<!tpu.dma_semaphore, #tpu.memory_space<semaphore_mem>>) attributes {dimension_semantics = [#tpu.dimension_semantics<core_parallel>, #tpu.dimension_semantics<subcore_parallel>], iteration_bounds = array<i64: 2, 16>, scalar_prefetch = 0 : i64, scratch_operands = 19 : i64, tpu.core_type = #tpu.core_type<sc_vector_subcore>, window_params = [{transform_indices = #map}, {transform_indices = #map1}, {transform_indices = #map}, {transform_indices = #map}, {transform_indices = #map1}, {transform_indices = #map2}]} {
    %mul3A = arith.constant 2 : i32
    %mul3A_0 = arith.muli %arg1, %mul3A : i32
    %add3A = arith.addi %mul3A_0, %arg0 : i32
    %mul3A_1 = arith.constant 512 : i32
    %mul3A_2 = arith.muli %add3A, %mul3A_1 : i32
    "tpu.region"() ({
      %run_scoped3A = tpu.sem_alloc : memref<!tpu.dma_semaphore, #tpu.memory_space<semaphore_mem>>
      tpu.enqueue_dma source(%arg4 : memref<100x64xf32, #tpu.memory_space<hbm>>) target(%arg16 : memref<100x64xf32, #tpu.memory_space<vmem>>) target_semaphore(%run_scoped3A : memref<!tpu.dma_semaphore, #tpu.memory_space<semaphore_mem>>)
      tpu.wait_dma2 semaphore(%run_scoped3A : memref<!tpu.dma_semaphore, #tpu.memory_space<semaphore_mem>>) src(%arg4 : memref<100x64xf32, #tpu.memory_space<hbm>>) dst(%arg16 : memref<100x64xf32, #tpu.memory_space<vmem>>)
      tpu.yield
    }) : () -> ()
    "tpu.region"() ({
      %run_scoped3A = tpu.sem_alloc : memref<!tpu.dma_semaphore, #tpu.memory_space<semaphore_mem>>
      tpu.enqueue_dma source(%arg6 : memref<64xf32, #tpu.memory_space<hbm>>) target(%arg17 : memref<64xf32, #tpu.memory_space<vmem>>) target_semaphore(%run_scoped3A : memref<!tpu.dma_semaphore, #tpu.memory_space<semaphore_mem>>)
      tpu.wait_dma2 semaphore(%run_scoped3A : memref<!tpu.dma_semaphore, #tpu.memory_space<semaphore_mem>>) src(%arg6 : memref<64xf32, #tpu.memory_space<hbm>>) dst(%arg17 : memref<64xf32, #tpu.memory_space<vmem>>)
      tpu.yield
    }) : () -> ()
    "tpu.region"() ({
      %run_scoped3A = tpu.sem_alloc : memref<!tpu.dma_semaphore, #tpu.memory_space<semaphore_mem>>
      %dma_start3A_122 = arith.constant 0 : i32
      %dma_start3A_123 = tpu.memref_slice %arg18[%dma_start3A_122] : memref<528xi32, #tpu.memory_space<vmem>> -> memref<512xi32, #tpu.memory_space<vmem>>
      %dma_start3A_124 = tpu.memref_slice %arg3[%mul3A_2] : memref<16384xi32, #tpu.memory_space<hbm>> -> memref<512xi32, #tpu.memory_space<hbm>>
      %dma_start3A_125 = arith.constant 0 : i32
      %dma_start3A_126 = tpu.memref_slice %arg18[%dma_start3A_125] : memref<528xi32, #tpu.memory_space<vmem>> -> memref<512xi32, #tpu.memory_space<vmem>>
      %dma_start3A_127 = tpu.memref_slice %arg3[%mul3A_2] : memref<16384xi32, #tpu.memory_space<hbm>> -> memref<512xi32, #tpu.memory_space<hbm>>
      tpu.enqueue_dma source(%dma_start3A_127 : memref<512xi32, #tpu.memory_space<hbm>>) target(%dma_start3A_126 : memref<512xi32, #tpu.memory_space<vmem>>) target_semaphore(%run_scoped3A : memref<!tpu.dma_semaphore, #tpu.memory_space<semaphore_mem>>)
      %dma_wait3A_128 = arith.constant 0 : i32
      %dma_wait3A_129 = tpu.memref_slice %arg18[%dma_wait3A_128] : memref<528xi32, #tpu.memory_space<vmem>> -> memref<512xi32, #tpu.memory_space<vmem>>
      %dma_wait3A_130 = tpu.memref_slice %arg3[%mul3A_2] : memref<16384xi32, #tpu.memory_space<hbm>> -> memref<512xi32, #tpu.memory_space<hbm>>
      %dma_wait3A_131 = arith.constant 0 : i32
      %dma_wait3A_132 = tpu.memref_slice %arg18[%dma_wait3A_131] : memref<528xi32, #tpu.memory_space<vmem>> -> memref<512xi32, #tpu.memory_space<vmem>>
      %dma_wait3A_133 = tpu.memref_slice %arg3[%mul3A_2] : memref<16384xi32, #tpu.memory_space<hbm>> -> memref<512xi32, #tpu.memory_space<hbm>>
      tpu.wait_dma2 semaphore(%run_scoped3A : memref<!tpu.dma_semaphore, #tpu.memory_space<semaphore_mem>>) src(%dma_wait3A_133 : memref<512xi32, #tpu.memory_space<hbm>>) dst(%dma_wait3A_132 : memref<512xi32, #tpu.memory_space<vmem>>)
      tpu.yield
    }) : () -> ()
    %iota3A = tpu.iota {dimensions = array<i32: 0>} : vector<16xi32>
    %add3A_3 = arith.constant 0 : i32
    %add3A_4 = arith.addi %mul3A_2, %add3A_3 : i32
    "tpu.region"() ({
      %run_scoped3A = tpu.sem_alloc : memref<!tpu.dma_semaphore, #tpu.memory_space<semaphore_mem>>
      %dma_start3A_122 = arith.constant 0 : i32
      %dma_start3A_123 = tpu.memref_slice %arg2[%add3A_4, %dma_start3A_122] : memref<16384x100xi32, #tpu.memory_space<hbm>> -> memref<4x100xi32, #tpu.memory_space<hbm>>
      %dma_start3A_124 = arith.constant 0 : i32
      %dma_start3A_125 = tpu.memref_slice %arg2[%add3A_4, %dma_start3A_124] : memref<16384x100xi32, #tpu.memory_space<hbm>> -> memref<4x100xi32, #tpu.memory_space<hbm>>
      tpu.enqueue_dma source(%dma_start3A_125 : memref<4x100xi32, #tpu.memory_space<hbm>>) target(%arg8 : memref<4x100xi32, #tpu.memory_space<vmem>>) target_semaphore(%run_scoped3A : memref<!tpu.dma_semaphore, #tpu.memory_space<semaphore_mem>>)
      %dma_wait3A_126 = arith.constant 0 : i32
      %dma_wait3A_127 = tpu.memref_slice %arg2[%add3A_4, %dma_wait3A_126] : memref<16384x100xi32, #tpu.memory_space<hbm>> -> memref<4x100xi32, #tpu.memory_space<hbm>>
      %dma_wait3A_128 = arith.constant 0 : i32
      %dma_wait3A_129 = tpu.memref_slice %arg2[%add3A_4, %dma_wait3A_128] : memref<16384x100xi32, #tpu.memory_space<hbm>> -> memref<4x100xi32, #tpu.memory_space<hbm>>
      tpu.wait_dma2 semaphore(%run_scoped3A : memref<!tpu.dma_semaphore, #tpu.memory_space<semaphore_mem>>) src(%dma_wait3A_129 : memref<4x100xi32, #tpu.memory_space<hbm>>) dst(%arg8 : memref<4x100xi32, #tpu.memory_space<vmem>>)
      tpu.yield
    }) : () -> ()
    %dma_start3A = arith.constant 0 : i32
    %dma_start3A_5 = arith.constant 0 : i32
    %dma_start3A_6 = arith.constant 0 : i32
    %dma_start3A_7 = arith.constant 0 : i32
    %dma_start3A_8 = tpu.memref_slice %arg12[%dma_start3A_5, %dma_start3A_6, %dma_start3A_7] : memref<4x100x64xf32, #tpu.memory_space<vmem>> -> memref<1x100x64xf32, #tpu.memory_space<vmem>>
    %dma_start3A_9 = tpu.memref_squeeze %dma_start3A_8 : memref<1x100x64xf32, #tpu.memory_space<vmem>> -> memref<100x64xf32, #tpu.memory_space<vmem>>
    %dma_start3A_10 = arith.constant 0 : i32
    %dma_start3A_11 = tpu.memref_slice %arg8[%dma_start3A, %dma_start3A_10] : memref<4x100xi32, #tpu.memory_space<vmem>> -> memref<1x100xi32, #tpu.memory_space<vmem>>
    %dma_start3A_12 = tpu.memref_squeeze %dma_start3A_11 : memref<1x100xi32, #tpu.memory_space<vmem>> -> memref<100xi32, #tpu.memory_space<vmem>>
    %dma_start3A_13 = arith.constant 0 : i32
    %dma_start3A_14 = arith.constant 0 : i32
    %dma_start3A_15 = tpu.memref_slice %arg5[%dma_start3A_13, %dma_start3A_14] : memref<1000000x64xf32, #tpu.memory_space<hbm>> -> memref<1000000x64xf32, #tpu.memory_space<hbm>>
    tpu.enqueue_indirect_dma source(%dma_start3A_15 : memref<1000000x64xf32, #tpu.memory_space<hbm>>) target(%dma_start3A_9 : memref<100x64xf32, #tpu.memory_space<vmem>>) offsets(%dma_start3A_12 : memref<100xi32, #tpu.memory_space<vmem>>) semaphore(%arg19 : memref<!tpu.dma_semaphore, #tpu.memory_space<semaphore_mem>>)
    %dma_start3A_16 = arith.constant 1 : i32
    %dma_start3A_17 = arith.constant 1 : i32
    %dma_start3A_18 = arith.constant 0 : i32
    %dma_start3A_19 = arith.constant 0 : i32
    %dma_start3A_20 = tpu.memref_slice %arg12[%dma_start3A_17, %dma_start3A_18, %dma_start3A_19] : memref<4x100x64xf32, #tpu.memory_space<vmem>> -> memref<1x100x64xf32, #tpu.memory_space<vmem>>
    %dma_start3A_21 = tpu.memref_squeeze %dma_start3A_20 : memref<1x100x64xf32, #tpu.memory_space<vmem>> -> memref<100x64xf32, #tpu.memory_space<vmem>>
    %dma_start3A_22 = arith.constant 0 : i32
    %dma_start3A_23 = tpu.memref_slice %arg8[%dma_start3A_16, %dma_start3A_22] : memref<4x100xi32, #tpu.memory_space<vmem>> -> memref<1x100xi32, #tpu.memory_space<vmem>>
    %dma_start3A_24 = tpu.memref_squeeze %dma_start3A_23 : memref<1x100xi32, #tpu.memory_space<vmem>> -> memref<100xi32, #tpu.memory_space<vmem>>
    %dma_start3A_25 = arith.constant 0 : i32
    %dma_start3A_26 = arith.constant 0 : i32
    %dma_start3A_27 = tpu.memref_slice %arg5[%dma_start3A_25, %dma_start3A_26] : memref<1000000x64xf32, #tpu.memory_space<hbm>> -> memref<1000000x64xf32, #tpu.memory_space<hbm>>
    tpu.enqueue_indirect_dma source(%dma_start3A_27 : memref<1000000x64xf32, #tpu.memory_space<hbm>>) target(%dma_start3A_21 : memref<100x64xf32, #tpu.memory_space<vmem>>) offsets(%dma_start3A_24 : memref<100xi32, #tpu.memory_space<vmem>>) semaphore(%arg19 : memref<!tpu.dma_semaphore, #tpu.memory_space<semaphore_mem>>)
    %dma_start3A_28 = arith.constant 2 : i32
    %dma_start3A_29 = arith.constant 2 : i32
    %dma_start3A_30 = arith.constant 0 : i32
    %dma_start3A_31 = arith.constant 0 : i32
    %dma_start3A_32 = tpu.memref_slice %arg12[%dma_start3A_29, %dma_start3A_30, %dma_start3A_31] : memref<4x100x64xf32, #tpu.memory_space<vmem>> -> memref<1x100x64xf32, #tpu.memory_space<vmem>>
    %dma_start3A_33 = tpu.memref_squeeze %dma_start3A_32 : memref<1x100x64xf32, #tpu.memory_space<vmem>> -> memref<100x64xf32, #tpu.memory_space<vmem>>
    %dma_start3A_34 = arith.constant 0 : i32
    %dma_start3A_35 = tpu.memref_slice %arg8[%dma_start3A_28, %dma_start3A_34] : memref<4x100xi32, #tpu.memory_space<vmem>> -> memref<1x100xi32, #tpu.memory_space<vmem>>
    %dma_start3A_36 = tpu.memref_squeeze %dma_start3A_35 : memref<1x100xi32, #tpu.memory_space<vmem>> -> memref<100xi32, #tpu.memory_space<vmem>>
    %dma_start3A_37 = arith.constant 0 : i32
    %dma_start3A_38 = arith.constant 0 : i32
    %dma_start3A_39 = tpu.memref_slice %arg5[%dma_start3A_37, %dma_start3A_38] : memref<1000000x64xf32, #tpu.memory_space<hbm>> -> memref<1000000x64xf32, #tpu.memory_space<hbm>>
    tpu.enqueue_indirect_dma source(%dma_start3A_39 : memref<1000000x64xf32, #tpu.memory_space<hbm>>) target(%dma_start3A_33 : memref<100x64xf32, #tpu.memory_space<vmem>>) offsets(%dma_start3A_36 : memref<100xi32, #tpu.memory_space<vmem>>) semaphore(%arg19 : memref<!tpu.dma_semaphore, #tpu.memory_space<semaphore_mem>>)
    %dma_start3A_40 = arith.constant 3 : i32
    %dma_start3A_41 = arith.constant 3 : i32
    %dma_start3A_42 = arith.constant 0 : i32
    %dma_start3A_43 = arith.constant 0 : i32
    %dma_start3A_44 = tpu.memref_slice %arg12[%dma_start3A_41, %dma_start3A_42, %dma_start3A_43] : memref<4x100x64xf32, #tpu.memory_space<vmem>> -> memref<1x100x64xf32, #tpu.memory_space<vmem>>
    %dma_start3A_45 = tpu.memref_squeeze %dma_start3A_44 : memref<1x100x64xf32, #tpu.memory_space<vmem>> -> memref<100x64xf32, #tpu.memory_space<vmem>>
    %dma_start3A_46 = arith.constant 0 : i32
    %dma_start3A_47 = tpu.memref_slice %arg8[%dma_start3A_40, %dma_start3A_46] : memref<4x100xi32, #tpu.memory_space<vmem>> -> memref<1x100xi32, #tpu.memory_space<vmem>>
    %dma_start3A_48 = tpu.memref_squeeze %dma_start3A_47 : memref<1x100xi32, #tpu.memory_space<vmem>> -> memref<100xi32, #tpu.memory_space<vmem>>
    %dma_start3A_49 = arith.constant 0 : i32
    %dma_start3A_50 = arith.constant 0 : i32
    %dma_start3A_51 = tpu.memref_slice %arg5[%dma_start3A_49, %dma_start3A_50] : memref<1000000x64xf32, #tpu.memory_space<hbm>> -> memref<1000000x64xf32, #tpu.memory_space<hbm>>
    tpu.enqueue_indirect_dma source(%dma_start3A_51 : memref<1000000x64xf32, #tpu.memory_space<hbm>>) target(%dma_start3A_45 : memref<100x64xf32, #tpu.memory_space<vmem>>) offsets(%dma_start3A_48 : memref<100xi32, #tpu.memory_space<vmem>>) semaphore(%arg19 : memref<!tpu.dma_semaphore, #tpu.memory_space<semaphore_mem>>)
    %add3A_52 = arith.constant 4 : i32
    %add3A_53 = arith.addi %mul3A_2, %add3A_52 : i32
    "tpu.region"() ({
      %run_scoped3A = tpu.sem_alloc : memref<!tpu.dma_semaphore, #tpu.memory_space<semaphore_mem>>
      %dma_start3A_122 = arith.constant 0 : i32
      %dma_start3A_123 = tpu.memref_slice %arg2[%add3A_53, %dma_start3A_122] : memref<16384x100xi32, #tpu.memory_space<hbm>> -> memref<4x100xi32, #tpu.memory_space<hbm>>
      %dma_start3A_124 = arith.constant 0 : i32
      %dma_start3A_125 = tpu.memref_slice %arg2[%add3A_53, %dma_start3A_124] : memref<16384x100xi32, #tpu.memory_space<hbm>> -> memref<4x100xi32, #tpu.memory_space<hbm>>
      tpu.enqueue_dma source(%dma_start3A_125 : memref<4x100xi32, #tpu.memory_space<hbm>>) target(%arg9 : memref<4x100xi32, #tpu.memory_space<vmem>>) target_semaphore(%run_scoped3A : memref<!tpu.dma_semaphore, #tpu.memory_space<semaphore_mem>>)
      %dma_wait3A_126 = arith.constant 0 : i32
      %dma_wait3A_127 = tpu.memref_slice %arg2[%add3A_53, %dma_wait3A_126] : memref<16384x100xi32, #tpu.memory_space<hbm>> -> memref<4x100xi32, #tpu.memory_space<hbm>>
      %dma_wait3A_128 = arith.constant 0 : i32
      %dma_wait3A_129 = tpu.memref_slice %arg2[%add3A_53, %dma_wait3A_128] : memref<16384x100xi32, #tpu.memory_space<hbm>> -> memref<4x100xi32, #tpu.memory_space<hbm>>
      tpu.wait_dma2 semaphore(%run_scoped3A : memref<!tpu.dma_semaphore, #tpu.memory_space<semaphore_mem>>) src(%dma_wait3A_129 : memref<4x100xi32, #tpu.memory_space<hbm>>) dst(%arg9 : memref<4x100xi32, #tpu.memory_space<vmem>>)
      tpu.yield
    }) : () -> ()
    %dma_start3A_54 = arith.constant 0 : i32
    %dma_start3A_55 = arith.constant 0 : i32
    %dma_start3A_56 = arith.constant 0 : i32
    %dma_start3A_57 = arith.constant 0 : i32
    %dma_start3A_58 = tpu.memref_slice %arg13[%dma_start3A_55, %dma_start3A_56, %dma_start3A_57] : memref<4x100x64xf32, #tpu.memory_space<vmem>> -> memref<1x100x64xf32, #tpu.memory_space<vmem>>
    %dma_start3A_59 = tpu.memref_squeeze %dma_start3A_58 : memref<1x100x64xf32, #tpu.memory_space<vmem>> -> memref<100x64xf32, #tpu.memory_space<vmem>>
    %dma_start3A_60 = arith.constant 0 : i32
    %dma_start3A_61 = tpu.memref_slice %arg9[%dma_start3A_54, %dma_start3A_60] : memref<4x100xi32, #tpu.memory_space<vmem>> -> memref<1x100xi32, #tpu.memory_space<vmem>>
    %dma_start3A_62 = tpu.memref_squeeze %dma_start3A_61 : memref<1x100xi32, #tpu.memory_space<vmem>> -> memref<100xi32, #tpu.memory_space<vmem>>
    %dma_start3A_63 = arith.constant 0 : i32
    %dma_start3A_64 = arith.constant 0 : i32
    %dma_start3A_65 = tpu.memref_slice %arg5[%dma_start3A_63, %dma_start3A_64] : memref<1000000x64xf32, #tpu.memory_space<hbm>> -> memref<1000000x64xf32, #tpu.memory_space<hbm>>
    tpu.enqueue_indirect_dma source(%dma_start3A_65 : memref<1000000x64xf32, #tpu.memory_space<hbm>>) target(%dma_start3A_59 : memref<100x64xf32, #tpu.memory_space<vmem>>) offsets(%dma_start3A_62 : memref<100xi32, #tpu.memory_space<vmem>>) semaphore(%arg20 : memref<!tpu.dma_semaphore, #tpu.memory_space<semaphore_mem>>)
    %dma_start3A_66 = arith.constant 1 : i32
    %dma_start3A_67 = arith.constant 1 : i32
    %dma_start3A_68 = arith.constant 0 : i32
    %dma_start3A_69 = arith.constant 0 : i32
    %dma_start3A_70 = tpu.memref_slice %arg13[%dma_start3A_67, %dma_start3A_68, %dma_start3A_69] : memref<4x100x64xf32, #tpu.memory_space<vmem>> -> memref<1x100x64xf32, #tpu.memory_space<vmem>>
    %dma_start3A_71 = tpu.memref_squeeze %dma_start3A_70 : memref<1x100x64xf32, #tpu.memory_space<vmem>> -> memref<100x64xf32, #tpu.memory_space<vmem>>
    %dma_start3A_72 = arith.constant 0 : i32
    %dma_start3A_73 = tpu.memref_slice %arg9[%dma_start3A_66, %dma_start3A_72] : memref<4x100xi32, #tpu.memory_space<vmem>> -> memref<1x100xi32, #tpu.memory_space<vmem>>
    %dma_start3A_74 = tpu.memref_squeeze %dma_start3A_73 : memref<1x100xi32, #tpu.memory_space<vmem>> -> memref<100xi32, #tpu.memory_space<vmem>>
    %dma_start3A_75 = arith.constant 0 : i32
    %dma_start3A_76 = arith.constant 0 : i32
    %dma_start3A_77 = tpu.memref_slice %arg5[%dma_start3A_75, %dma_start3A_76] : memref<1000000x64xf32, #tpu.memory_space<hbm>> -> memref<1000000x64xf32, #tpu.memory_space<hbm>>
    tpu.enqueue_indirect_dma source(%dma_start3A_77 : memref<1000000x64xf32, #tpu.memory_space<hbm>>) target(%dma_start3A_71 : memref<100x64xf32, #tpu.memory_space<vmem>>) offsets(%dma_start3A_74 : memref<100xi32, #tpu.memory_space<vmem>>) semaphore(%arg20 : memref<!tpu.dma_semaphore, #tpu.memory_space<semaphore_mem>>)
    %dma_start3A_78 = arith.constant 2 : i32
    %dma_start3A_79 = arith.constant 2 : i32
    %dma_start3A_80 = arith.constant 0 : i32
    %dma_start3A_81 = arith.constant 0 : i32
    %dma_start3A_82 = tpu.memref_slice %arg13[%dma_start3A_79, %dma_start3A_80, %dma_start3A_81] : memref<4x100x64xf32, #tpu.memory_space<vmem>> -> memref<1x100x64xf32, #tpu.memory_space<vmem>>
    %dma_start3A_83 = tpu.memref_squeeze %dma_start3A_82 : memref<1x100x64xf32, #tpu.memory_space<vmem>> -> memref<100x64xf32, #tpu.memory_space<vmem>>
    %dma_start3A_84 = arith.constant 0 : i32
    %dma_start3A_85 = tpu.memref_slice %arg9[%dma_start3A_78, %dma_start3A_84] : memref<4x100xi32, #tpu.memory_space<vmem>> -> memref<1x100xi32, #tpu.memory_space<vmem>>
    %dma_start3A_86 = tpu.memref_squeeze %dma_start3A_85 : memref<1x100xi32, #tpu.memory_space<vmem>> -> memref<100xi32, #tpu.memory_space<vmem>>
    %dma_start3A_87 = arith.constant 0 : i32
    %dma_start3A_88 = arith.constant 0 : i32
    %dma_start3A_89 = tpu.memref_slice %arg5[%dma_start3A_87, %dma_start3A_88] : memref<1000000x64xf32, #tpu.memory_space<hbm>> -> memref<1000000x64xf32, #tpu.memory_space<hbm>>
    tpu.enqueue_indirect_dma source(%dma_start3A_89 : memref<1000000x64xf32, #tpu.memory_space<hbm>>) target(%dma_start3A_83 : memref<100x64xf32, #tpu.memory_space<vmem>>) offsets(%dma_start3A_86 : memref<100xi32, #tpu.memory_space<vmem>>) semaphore(%arg20 : memref<!tpu.dma_semaphore, #tpu.memory_space<semaphore_mem>>)
    %dma_start3A_90 = arith.constant 3 : i32
    %dma_start3A_91 = arith.constant 3 : i32
    %dma_start3A_92 = arith.constant 0 : i32
    %dma_start3A_93 = arith.constant 0 : i32
    %dma_start3A_94 = tpu.memref_slice %arg13[%dma_start3A_91, %dma_start3A_92, %dma_start3A_93] : memref<4x100x64xf32, #tpu.memory_space<vmem>> -> memref<1x100x64xf32, #tpu.memory_space<vmem>>
    %dma_start3A_95 = tpu.memref_squeeze %dma_start3A_94 : memref<1x100x64xf32, #tpu.memory_space<vmem>> -> memref<100x64xf32, #tpu.memory_space<vmem>>
    %dma_start3A_96 = arith.constant 0 : i32
    %dma_start3A_97 = tpu.memref_slice %arg9[%dma_start3A_90, %dma_start3A_96] : memref<4x100xi32, #tpu.memory_space<vmem>> -> memref<1x100xi32, #tpu.memory_space<vmem>>
    %dma_start3A_98 = tpu.memref_squeeze %dma_start3A_97 : memref<1x100xi32, #tpu.memory_space<vmem>> -> memref<100xi32, #tpu.memory_space<vmem>>
    %dma_start3A_99 = arith.constant 0 : i32
    %dma_start3A_100 = arith.constant 0 : i32
    %dma_start3A_101 = tpu.memref_slice %arg5[%dma_start3A_99, %dma_start3A_100] : memref<1000000x64xf32, #tpu.memory_space<hbm>> -> memref<1000000x64xf32, #tpu.memory_space<hbm>>
    tpu.enqueue_indirect_dma source(%dma_start3A_101 : memref<1000000x64xf32, #tpu.memory_space<hbm>>) target(%dma_start3A_95 : memref<100x64xf32, #tpu.memory_space<vmem>>) offsets(%dma_start3A_98 : memref<100xi32, #tpu.memory_space<vmem>>) semaphore(%arg20 : memref<!tpu.dma_semaphore, #tpu.memory_space<semaphore_mem>>)
    %scan3A = arith.constant 0 : i32
    %scan3A_102 = arith.constant 0 : i32
    %scan3A_103 = arith.constant 32 : i32
    %scan3A_104 = arith.addi %scan3A_102, %scan3A_103 : i32
    %scan3A_105 = arith.constant 1 : i32
    scf.for %scan3A_122 = %scan3A_102 to %scan3A_104 step %scan3A_105  : i32 {
      %mul3A_123 = arith.constant 4 : i32
      %mul3A_124 = arith.muli %mul3A_123, %scan3A_122 : i32
      %add3A_125 = arith.constant 0 : i32
      %add3A_126 = arith.addi %mul3A_124, %add3A_125 : i32
      %mul3A_127 = arith.constant 4 : i32
      %mul3A_128 = arith.muli %add3A_126, %mul3A_127 : i32
      %add3A_129 = arith.addi %mul3A_2, %mul3A_128 : i32
      %dma_wait3A_130 = arith.constant 0 : i32
      %dma_wait3A_131 = arith.constant 0 : i32
      %dma_wait3A_132 = arith.constant 0 : i32
      %dma_wait3A_133 = tpu.memref_slice %arg7[%dma_wait3A_130, %dma_wait3A_131, %dma_wait3A_132] : memref<16384x104x128xf32, #tpu.memory_space<hbm>> -> memref<4x100x64xf32, #tpu.memory_space<hbm>>
      %dma_wait3A_134 = arith.constant 0 : i32
      %dma_wait3A_135 = arith.constant 0 : i32
      %dma_wait3A_136 = arith.constant 0 : i32
      %dma_wait3A_137 = tpu.memref_slice %arg7[%dma_wait3A_134, %dma_wait3A_135, %dma_wait3A_136] : memref<16384x104x128xf32, #tpu.memory_space<hbm>> -> memref<4x100x64xf32, #tpu.memory_space<hbm>>
      tpu.wait_dma2 semaphore(%arg19 : memref<!tpu.dma_semaphore, #tpu.memory_space<semaphore_mem>>) src(%dma_wait3A_137 : memref<4x100x64xf32, #tpu.memory_space<hbm>>) dst(%arg12 : memref<4x100x64xf32, #tpu.memory_space<vmem>>)
      %scan3A_138 = arith.constant 0 : i32
      %scan3A_139 = arith.constant 0 : i32
      %scan3A_140 = arith.constant 100 : i32
      %scan3A_141 = arith.addi %scan3A_139, %scan3A_140 : i32
      %scan3A_142 = arith.constant 1 : i32
      scf.for %scan3A_1500 = %scan3A_139 to %scan3A_141 step %scan3A_142  : i32 {
        %get3A_1501 = arith.index_cast %scan3A_1500 : i32 to index
        %get3A_1502 = arith.constant 0 : index
        %get3A_1503 = tpu.vector_load %arg16[%get3A_1501, %get3A_1502] {strides = array<i32>} : memref<100x64xf32, #tpu.memory_space<vmem>>, vector<16xf32>,
        %get3A_1504 = arith.index_cast %scan3A_1500 : i32 to index
        %get3A_1505 = arith.constant 16 : index
        %get3A_1506 = tpu.vector_load %arg16[%get3A_1504, %get3A_1505] {strides = array<i32>} : memref<100x64xf32, #tpu.memory_space<vmem>>, vector<16xf32>,
        %get3A_1507 = arith.index_cast %scan3A_1500 : i32 to index
        %get3A_1508 = arith.constant 32 : index
        %get3A_1509 = tpu.vector_load %arg16[%get3A_1507, %get3A_1508] {strides = array<i32>} : memref<100x64xf32, #tpu.memory_space<vmem>>, vector<16xf32>,
        %get3A_1510 = arith.index_cast %scan3A_1500 : i32 to index
        %get3A_1511 = arith.constant 48 : index
        %get3A_1512 = tpu.vector_load %arg16[%get3A_1510, %get3A_1511] {strides = array<i32>} : memref<100x64xf32, #tpu.memory_space<vmem>>, vector<16xf32>,
        %get3A_1513 = arith.constant 0 : i32
        %get3A_1514 = arith.index_cast %get3A_1513 : i32 to index
        %get3A_1515 = arith.index_cast %scan3A_1500 : i32 to index
        %get3A_1516 = arith.constant 0 : index
        %get3A_1517 = tpu.vector_load %arg12[%get3A_1514, %get3A_1515, %get3A_1516] {strides = array<i32>} : memref<4x100x64xf32, #tpu.memory_space<vmem>>, vector<16xf32>,
        %add3A_1518 = arith.addf %get3A_1517, %get3A_1503 : vector<16xf32>
        %swap3A_1519 = arith.constant 0 : i32
        %swap3A_1520 = arith.index_cast %swap3A_1519 : i32 to index
        %swap3A_1521 = arith.index_cast %scan3A_1500 : i32 to index
        %swap3A_1522 = arith.constant 0 : index
        %swap3A_1523 = tpu.vector_load %arg12[%swap3A_1520, %swap3A_1521, %swap3A_1522] {strides = array<i32>} : memref<4x100x64xf32, #tpu.memory_space<vmem>>, vector<16xf32>,
        tpu.vector_store %arg12[%swap3A_1520, %swap3A_1521, %swap3A_1522], %add3A_1518 {strides = array<i32>} : memref<4x100x64xf32, #tpu.memory_space<vmem>>, vector<16xf32>,
        %get3A_1524 = arith.constant 0 : i32
        %get3A_1525 = arith.index_cast %get3A_1524 : i32 to index
        %get3A_1526 = arith.index_cast %scan3A_1500 : i32 to index
        %get3A_1527 = arith.constant 16 : index
        %get3A_1528 = tpu.vector_load %arg12[%get3A_1525, %get3A_1526, %get3A_1527] {strides = array<i32>} : memref<4x100x64xf32, #tpu.memory_space<vmem>>, vector<16xf32>,
        %add3A_1529 = arith.addf %get3A_1528, %get3A_1506 : vector<16xf32>
        %swap3A_1530 = arith.constant 0 : i32
        %swap3A_1531 = arith.index_cast %swap3A_1530 : i32 to index
        %swap3A_1532 = arith.index_cast %scan3A_1500 : i32 to index
        %swap3A_1533 = arith.constant 16 : index
        %swap3A_1534 = tpu.vector_load %arg12[%swap3A_1531, %swap3A_1532, %swap3A_1533] {strides = array<i32>} : memref<4x100x64xf32, #tpu.memory_space<vmem>>, vector<16xf32>,
        tpu.vector_store %arg12[%swap3A_1531, %swap3A_1532, %swap3A_1533], %add3A_1529 {strides = array<i32>} : memref<4x100x64xf32, #tpu.memory_space<vmem>>, vector<16xf32>,
        %get3A_1535 = arith.constant 0 : i32
        %get3A_1536 = arith.index_cast %get3A_1535 : i32 to index
        %get3A_1537 = arith.index_cast %scan3A_1500 : i32 to index
        %get3A_1538 = arith.constant 32 : index
        %get3A_1539 = tpu.vector_load %arg12[%get3A_1536, %get3A_1537, %get3A_1538] {strides = array<i32>} : memref<4x100x64xf32, #tpu.memory_space<vmem>>, vector<16xf32>,
        %add3A_1540 = arith.addf %get3A_1539, %get3A_1509 : vector<16xf32>
        %swap3A_1541 = arith.constant 0 : i32
        %swap3A_1542 = arith.index_cast %swap3A_1541 : i32 to index
        %swap3A_1543 = arith.index_cast %scan3A_1500 : i32 to index
        %swap3A_1544 = arith.constant 32 : index
        %swap3A_1545 = tpu.vector_load %arg12[%swap3A_1542, %swap3A_1543, %swap3A_1544] {strides = array<i32>} : memref<4x100x64xf32, #tpu.memory_space<vmem>>, vector<16xf32>,
        tpu.vector_store %arg12[%swap3A_1542, %swap3A_1543, %swap3A_1544], %add3A_1540 {strides = array<i32>} : memref<4x100x64xf32, #tpu.memory_space<vmem>>, vector<16xf32>,
        %get3A_1546 = arith.constant 0 : i32
        %get3A_1547 = arith.index_cast %get3A_1546 : i32 to index
        %get3A_1548 = arith.index_cast %scan3A_1500 : i32 to index
        %get3A_1549 = arith.constant 48 : index
        %get3A_1550 = tpu.vector_load %arg12[%get3A_1547, %get3A_1548, %get3A_1549] {strides = array<i32>} : memref<4x100x64xf32, #tpu.memory_space<vmem>>, vector<16xf32>,
        %add3A_1551 = arith.addf %get3A_1550, %get3A_1512 : vector<16xf32>
        %swap3A_1552 = arith.constant 0 : i32
        %swap3A_1553 = arith.index_cast %swap3A_1552 : i32 to index
        %swap3A_1554 = arith.index_cast %scan3A_1500 : i32 to index
        %swap3A_1555 = arith.constant 48 : index
        %swap3A_1556 = tpu.vector_load %arg12[%swap3A_1553, %swap3A_1554, %swap3A_1555] {strides = array<i32>} : memref<4x100x64xf32, #tpu.memory_space<vmem>>, vector<16xf32>,
        tpu.vector_store %arg12[%swap3A_1553, %swap3A_1554, %swap3A_1555], %add3A_1551 {strides = array<i32>} : memref<4x100x64xf32, #tpu.memory_space<vmem>>, vector<16xf32>,
        %get3A_1557 = arith.constant 1 : i32
        %get3A_1558 = arith.index_cast %get3A_1557 : i32 to index
        %get3A_1559 = arith.index_cast %scan3A_1500 : i32 to index
        %get3A_1560 = arith.constant 0 : index
        %get3A_1561 = tpu.vector_load %arg12[%get3A_1558, %get3A_1559, %get3A_1560] {strides = array<i32>} : memref<4x100x64xf32, #tpu.memory_space<vmem>>, vector<16xf32>,
        %add3A_1562 = arith.addf %get3A_1561, %get3A_1503 : vector<16xf32>
        %swap3A_1563 = arith.constant 1 : i32
        %swap3A_1564 = arith.index_cast %swap3A_1563 : i32 to index
        %swap3A_1565 = arith.index_cast %scan3A_1500 : i32 to index
        %swap3A_1566 = arith.constant 0 : index
        %swap3A_1567 = tpu.vector_load %arg12[%swap3A_1564, %swap3A_1565, %swap3A_1566] {strides = array<i32>} : memref<4x100x64xf32, #tpu.memory_space<vmem>>, vector<16xf32>,
        tpu.vector_store %arg12[%swap3A_1564, %swap3A_1565, %swap3A_1566], %add3A_1562 {strides = array<i32>} : memref<4x100x64xf32, #tpu.memory_space<vmem>>, vector<16xf32>,
        %get3A_1568 = arith.constant 1 : i32
        %get3A_1569 = arith.index_cast %get3A_1568 : i32 to index
        %get3A_1570 = arith.index_cast %scan3A_1500 : i32 to index
        %get3A_1571 = arith.constant 16 : index
        %get3A_1572 = tpu.vector_load %arg12[%get3A_1569, %get3A_1570, %get3A_1571] {strides = array<i32>} : memref<4x100x64xf32, #tpu.memory_space<vmem>>, vector<16xf32>,
        %add3A_1573 = arith.addf %get3A_1572, %get3A_1506 : vector<16xf32>
        %swap3A_1574 = arith.constant 1 : i32
        %swap3A_1575 = arith.index_cast %swap3A_1574 : i32 to index
        %swap3A_1576 = arith.index_cast %scan3A_1500 : i32 to index
        %swap3A_1577 = arith.constant 16 : index
        %swap3A_1578 = tpu.vector_load %arg12[%swap3A_1575, %swap3A_1576, %swap3A_1577] {strides = array<i32>} : memref<4x100x64xf32, #tpu.memory_space<vmem>>, vector<16xf32>,
        tpu.vector_store %arg12[%swap3A_1575, %swap3A_1576, %swap3A_1577], %add3A_1573 {strides = array<i32>} : memref<4x100x64xf32, #tpu.memory_space<vmem>>, vector<16xf32>,
        %get3A_1579 = arith.constant 1 : i32
        %get3A_1580 = arith.index_cast %get3A_1579 : i32 to index
        %get3A_1581 = arith.index_cast %scan3A_1500 : i32 to index
        %get3A_1582 = arith.constant 32 : index
        %get3A_1583 = tpu.vector_load %arg12[%get3A_1580, %get3A_1581, %get3A_1582] {strides = array<i32>} : memref<4x100x64xf32, #tpu.memory_space<vmem>>, vector<16xf32>,
        %add3A_1584 = arith.addf %get3A_1583, %get3A_1509 : vector<16xf32>
        %swap3A_1585 = arith.constant 1 : i32
        %swap3A_1586 = arith.index_cast %swap3A_1585 : i32 to index
        %swap3A_1587 = arith.index_cast %scan3A_1500 : i32 to index
        %swap3A_1588 = arith.constant 32 : index
        %swap3A_1589 = tpu.vector_load %arg12[%swap3A_1586, %swap3A_1587, %swap3A_1588] {strides = array<i32>} : memref<4x100x64xf32, #tpu.memory_space<vmem>>, vector<16xf32>,
        tpu.vector_store %arg12[%swap3A_1586, %swap3A_1587, %swap3A_1588], %add3A_1584 {strides = array<i32>} : memref<4x100x64xf32, #tpu.memory_space<vmem>>, vector<16xf32>,
        %get3A_1590 = arith.constant 1 : i32
        %get3A_1591 = arith.index_cast %get3A_1590 : i32 to index
        %get3A_1592 = arith.index_cast %scan3A_1500 : i32 to index
        %get3A_1593 = arith.constant 48 : index
        %get3A_1594 = tpu.vector_load %arg12[%get3A_1591, %get3A_1592, %get3A_1593] {strides = array<i32>} : memref<4x100x64xf32, #tpu.memory_space<vmem>>, vector<16xf32>,
        %add3A_1595 = arith.addf %get3A_1594, %get3A_1512 : vector<16xf32>
        %swap3A_1596 = arith.constant 1 : i32
        %swap3A_1597 = arith.index_cast %swap3A_1596 : i32 to index
        %swap3A_1598 = arith.index_cast %scan3A_1500 : i32 to index
        %swap3A_1599 = arith.constant 48 : index
        %swap3A_1600 = tpu.vector_load %arg12[%swap3A_1597, %swap3A_1598, %swap3A_1599] {strides = array<i32>} : memref<4x100x64xf32, #tpu.memory_space<vmem>>, vector<16xf32>,
        tpu.vector_store %arg12[%swap3A_1597, %swap3A_1598, %swap3A_1599], %add3A_1595 {strides = array<i32>} : memref<4x100x64xf32, #tpu.memory_space<vmem>>, vector<16xf32>,
        %get3A_1601 = arith.constant 2 : i32
        %get3A_1602 = arith.index_cast %get3A_1601 : i32 to index
        %get3A_1603 = arith.index_cast %scan3A_1500 : i32 to index
        %get3A_1604 = arith.constant 0 : index
        %get3A_1605 = tpu.vector_load %arg12[%get3A_1602, %get3A_1603, %get3A_1604] {strides = array<i32>} : memref<4x100x64xf32, #tpu.memory_space<vmem>>, vector<16xf32>,
        %add3A_1606 = arith.addf %get3A_1605, %get3A_1503 : vector<16xf32>
        %swap3A_1607 = arith.constant 2 : i32
        %swap3A_1608 = arith.index_cast %swap3A_1607 : i32 to index
        %swap3A_1609 = arith.index_cast %scan3A_1500 : i32 to index
        %swap3A_1610 = arith.constant 0 : index
        %swap3A_1611 = tpu.vector_load %arg12[%swap3A_1608, %swap3A_1609, %swap3A_1610] {strides = array<i32>} : memref<4x100x64xf32, #tpu.memory_space<vmem>>, vector<16xf32>,
        tpu.vector_store %arg12[%swap3A_1608, %swap3A_1609, %swap3A_1610], %add3A_1606 {strides = array<i32>} : memref<4x100x64xf32, #tpu.memory_space<vmem>>, vector<16xf32>,
        %get3A_1612 = arith.constant 2 : i32
        %get3A_1613 = arith.index_cast %get3A_1612 : i32 to index
        %get3A_1614 = arith.index_cast %scan3A_1500 : i32 to index
        %get3A_1615 = arith.constant 16 : index
        %get3A_1616 = tpu.vector_load %arg12[%get3A_1613, %get3A_1614, %get3A_1615] {strides = array<i32>} : memref<4x100x64xf32, #tpu.memory_space<vmem>>, vector<16xf32>,
        %add3A_1617 = arith.addf %get3A_1616, %get3A_1506 : vector<16xf32>
        %swap3A_1618 = arith.constant 2 : i32
        %swap3A_1619 = arith.index_cast %swap3A_1618 : i32 to index
        %swap3A_1620 = arith.index_cast %scan3A_1500 : i32 to index
        %swap3A_1621 = arith.constant 16 : index
        %swap3A_1622 = tpu.vector_load %arg12[%swap3A_1619, %swap3A_1620, %swap3A_1621] {strides = array<i32>} : memref<4x100x64xf32, #tpu.memory_space<vmem>>, vector<16xf32>,
        tpu.vector_store %arg12[%swap3A_1619, %swap3A_1620, %swap3A_1621], %add3A_1617 {strides = array<i32>} : memref<4x100x64xf32, #tpu.memory_space<vmem>>, vector<16xf32>,
        %get3A_1623 = arith.constant 2 : i32
        %get3A_1624 = arith.index_cast %get3A_1623 : i32 to index
        %get3A_1625 = arith.index_cast %scan3A_1500 : i32 to index
        %get3A_1626 = arith.constant 32 : index
        %get3A_1627 = tpu.vector_load %arg12[%get3A_1624, %get3A_1625, %get3A_1626] {strides = array<i32>} : memref<4x100x64xf32, #tpu.memory_space<vmem>>, vector<16xf32>,
        %add3A_1628 = arith.addf %get3A_1627, %get3A_1509 : vector<16xf32>
        %swap3A_1629 = arith.constant 2 : i32
        %swap3A_1630 = arith.index_cast %swap3A_1629 : i32 to index
        %swap3A_1631 = arith.index_cast %scan3A_1500 : i32 to index
        %swap3A_1632 = arith.constant 32 : index
        %swap3A_1633 = tpu.vector_load %arg12[%swap3A_1630, %swap3A_1631, %swap3A_1632] {strides = array<i32>} : memref<4x100x64xf32, #tpu.memory_space<vmem>>, vector<16xf32>,
        tpu.vector_store %arg12[%swap3A_1630, %swap3A_1631, %swap3A_1632], %add3A_1628 {strides = array<i32>} : memref<4x100x64xf32, #tpu.memory_space<vmem>>, vector<16xf32>,
        %get3A_1634 = arith.constant 2 : i32
        %get3A_1635 = arith.index_cast %get3A_1634 : i32 to index
        %get3A_1636 = arith.index_cast %scan3A_1500 : i32 to index
        %get3A_1637 = arith.constant 48 : index
        %get3A_1638 = tpu.vector_load %arg12[%get3A_1635, %get3A_1636, %get3A_1637] {strides = array<i32>} : memref<4x100x64xf32, #tpu.memory_space<vmem>>, vector<16xf32>,
        %add3A_1639 = arith.addf %get3A_1638, %get3A_1512 : vector<16xf32>
        %swap3A_1640 = arith.constant 2 : i32
        %swap3A_1641 = arith.index_cast %swap3A_1640 : i32 to index
        %swap3A_1642 = arith.index_cast %scan3A_1500 : i32 to index
        %swap3A_1643 = arith.constant 48 : index
        %swap3A_1644 = tpu.vector_load %arg12[%swap3A_1641, %swap3A_1642, %swap3A_1643] {strides = array<i32>} : memref<4x100x64xf32, #tpu.memory_space<vmem>>, vector<16xf32>,
        tpu.vector_store %arg12[%swap3A_1641, %swap3A_1642, %swap3A_1643], %add3A_1639 {strides = array<i32>} : memref<4x100x64xf32, #tpu.memory_space<vmem>>, vector<16xf32>,
        %get3A_1645 = arith.constant 3 : i32
        %get3A_1646 = arith.index_cast %get3A_1645 : i32 to index
        %get3A_1647 = arith.index_cast %scan3A_1500 : i32 to index
        %get3A_1648 = arith.constant 0 : index
        %get3A_1649 = tpu.vector_load %arg12[%get3A_1646, %get3A_1647, %get3A_1648] {strides = array<i32>} : memref<4x100x64xf32, #tpu.memory_space<vmem>>, vector<16xf32>,
        %add3A_1650 = arith.addf %get3A_1649, %get3A_1503 : vector<16xf32>
        %swap3A_1651 = arith.constant 3 : i32
        %swap3A_1652 = arith.index_cast %swap3A_1651 : i32 to index
        %swap3A_1653 = arith.index_cast %scan3A_1500 : i32 to index
        %swap3A_1654 = arith.constant 0 : index
        %swap3A_1655 = tpu.vector_load %arg12[%swap3A_1652, %swap3A_1653, %swap3A_1654] {strides = array<i32>} : memref<4x100x64xf32, #tpu.memory_space<vmem>>, vector<16xf32>,
        tpu.vector_store %arg12[%swap3A_1652, %swap3A_1653, %swap3A_1654], %add3A_1650 {strides = array<i32>} : memref<4x100x64xf32, #tpu.memory_space<vmem>>, vector<16xf32>,
        %get3A_1656 = arith.constant 3 : i32
        %get3A_1657 = arith.index_cast %get3A_1656 : i32 to index
        %get3A_1658 = arith.index_cast %scan3A_1500 : i32 to index
        %get3A_1659 = arith.constant 16 : index
        %get3A_1660 = tpu.vector_load %arg12[%get3A_1657, %get3A_1658, %get3A_1659] {strides = array<i32>} : memref<4x100x64xf32, #tpu.memory_space<vmem>>, vector<16xf32>,
        %add3A_1661 = arith.addf %get3A_1660, %get3A_1506 : vector<16xf32>
        %swap3A_1662 = arith.constant 3 : i32
        %swap3A_1663 = arith.index_cast %swap3A_1662 : i32 to index
        %swap3A_1664 = arith.index_cast %scan3A_1500 : i32 to index
        %swap3A_1665 = arith.constant 16 : index
        %swap3A_1666 = tpu.vector_load %arg12[%swap3A_1663, %swap3A_1664, %swap3A_1665] {strides = array<i32>} : memref<4x100x64xf32, #tpu.memory_space<vmem>>, vector<16xf32>,
        tpu.vector_store %arg12[%swap3A_1663, %swap3A_1664, %swap3A_1665], %add3A_1661 {strides = array<i32>} : memref<4x100x64xf32, #tpu.memory_space<vmem>>, vector<16xf32>,
        %get3A_1667 = arith.constant 3 : i32
        %get3A_1668 = arith.index_cast %get3A_1667 : i32 to index
        %get3A_1669 = arith.index_cast %scan3A_1500 : i32 to index
        %get3A_1670 = arith.constant 32 : index
        %get3A_1671 = tpu.vector_load %arg12[%get3A_1668, %get3A_1669, %get3A_1670] {strides = array<i32>} : memref<4x100x64xf32, #tpu.memory_space<vmem>>, vector<16xf32>,
        %add3A_1672 = arith.addf %get3A_1671, %get3A_1509 : vector<16xf32>
        %swap3A_1673 = arith.constant 3 : i32
        %swap3A_1674 = arith.index_cast %swap3A_1673 : i32 to index
        %swap3A_1675 = arith.index_cast %scan3A_1500 : i32 to index
        %swap3A_1676 = arith.constant 32 : index
        %swap3A_1677 = tpu.vector_load %arg12[%swap3A_1674, %swap3A_1675, %swap3A_1676] {strides = array<i32>} : memref<4x100x64xf32, #tpu.memory_space<vmem>>, vector<16xf32>,
        tpu.vector_store %arg12[%swap3A_1674, %swap3A_1675, %swap3A_1676], %add3A_1672 {strides = array<i32>} : memref<4x100x64xf32, #tpu.memory_space<vmem>>, vector<16xf32>,
        %get3A_1678 = arith.constant 3 : i32
        %get3A_1679 = arith.index_cast %get3A_1678 : i32 to index
        %get3A_1680 = arith.index_cast %scan3A_1500 : i32 to index
        %get3A_1681 = arith.constant 48 : index
        %get3A_1682 = tpu.vector_load %arg12[%get3A_1679, %get3A_1680, %get3A_1681] {strides = array<i32>} : memref<4x100x64xf32, #tpu.memory_space<vmem>>, vector<16xf32>,
        %add3A_1683 = arith.addf %get3A_1682, %get3A_1512 : vector<16xf32>
        %swap3A_1684 = arith.constant 3 : i32
        %swap3A_1685 = arith.index_cast %swap3A_1684 : i32 to index
        %swap3A_1686 = arith.index_cast %scan3A_1500 : i32 to index
        %swap3A_1687 = arith.constant 48 : index
        %swap3A_1688 = tpu.vector_load %arg12[%swap3A_1685, %swap3A_1686, %swap3A_1687] {strides = array<i32>} : memref<4x100x64xf32, #tpu.memory_space<vmem>>, vector<16xf32>,
        tpu.vector_store %arg12[%swap3A_1685, %swap3A_1686, %swap3A_1687], %add3A_1683 {strides = array<i32>} : memref<4x100x64xf32, #tpu.memory_space<vmem>>, vector<16xf32>,
      }
      %scan3A_143 = arith.constant 100 : i32
      %mul3A_144 = arith.constant 4 : i32
      %mul3A_145 = arith.muli %add3A_126, %mul3A_144 : i32
      %get3A = arith.index_cast %mul3A_145 : i32 to index
      %get3A_146 = tpu.vector_load %arg18[%get3A] {strides = array<i32>} : memref<528xi32, #tpu.memory_space<vmem>>, vector<16xi32>,
      %eq3A = arith.constant 0 : i32
      %eq3A_147 = vector.broadcast %eq3A : i32 to vector<16xi32>
      %eq3A_148 = arith.cmpi eq, %iota3A, %eq3A_147 : vector<16xi32>
      %jit3A = arith.constant 0 : i32
      %broadcast_in_dim3A = vector.broadcast %jit3A : i32 to vector<16xi32>
      %select_n3A = arith.select %eq3A_148, %get3A_146, %broadcast_in_dim3A : vector<16xi1>, vector<16xi32>
      %reduce_max3A = arith.constant true
      %reduce_max3A_149 = vector.broadcast %reduce_max3A : i1 to vector<16xi1>
      %reduce_max3A_150 = arith.constant -2147483648 : i32
      %reduce_max3A_151 = vector.broadcast %reduce_max3A_150 : i32 to vector<16xi32>
      %reduce_max3A_152 = arith.xori %select_n3A, %reduce_max3A_151 : vector<16xi32>
      %reduce_max3A_153 = tpu.scan <max>, %reduce_max3A_152 masked %reduce_max3A_149 : vector<16xi32>, vector<16xi1> -> vector<16xi32>
      %reduce_max3A_154 = arith.xori %reduce_max3A_153, %reduce_max3A_151 : vector<16xi32>
      %reduce_max3A_155 = vector.extract %reduce_max3A_154[15] : i32 from vector<16xi32>
      %get3A_156 = arith.constant 0 : index
      %get3A_157 = tpu.vector_load %arg17[%get3A_156] {strides = array<i32>} : memref<64xf32, #tpu.memory_space<vmem>>, vector<16xf32>,
      %get3A_158 = arith.index_cast %reduce_max3A_155 : i32 to index
      %get3A_159 = arith.constant 0 : index
      %get3A_160 = tpu.vector_load %arg16[%get3A_158, %get3A_159] {strides = array<i32>} : memref<100x64xf32, #tpu.memory_space<vmem>>, vector<16xf32>,
      %add3A_161 = arith.addf %get3A_157, %get3A_160 : vector<16xf32>
      %swap3A = arith.constant 0 : i32
      %swap3A_162 = arith.index_cast %swap3A : i32 to index
      %swap3A_163 = arith.index_cast %reduce_max3A_155 : i32 to index
      %swap3A_164 = arith.constant 0 : index
      %swap3A_165 = tpu.vector_load %arg12[%swap3A_162, %swap3A_163, %swap3A_164] {strides = array<i32>} : memref<4x100x64xf32, #tpu.memory_space<vmem>>, vector<16xf32>,
      tpu.vector_store %arg12[%swap3A_162, %swap3A_163, %swap3A_164], %add3A_161 {strides = array<i32>} : memref<4x100x64xf32, #tpu.memory_space<vmem>>, vector<16xf32>,
      %get3A_166 = arith.constant 16 : index
      %get3A_167 = tpu.vector_load %arg17[%get3A_166] {strides = array<i32>} : memref<64xf32, #tpu.memory_space<vmem>>, vector<16xf32>,
      %get3A_168 = arith.index_cast %reduce_max3A_155 : i32 to index
      %get3A_169 = arith.constant 16 : index
      %get3A_170 = tpu.vector_load %arg16[%get3A_168, %get3A_169] {strides = array<i32>} : memref<100x64xf32, #tpu.memory_space<vmem>>, vector<16xf32>,
      %add3A_171 = arith.addf %get3A_167, %get3A_170 : vector<16xf32>
      %swap3A_172 = arith.constant 0 : i32
      %swap3A_173 = arith.index_cast %swap3A_172 : i32 to index
      %swap3A_174 = arith.index_cast %reduce_max3A_155 : i32 to index
      %swap3A_175 = arith.constant 16 : index
      %swap3A_176 = tpu.vector_load %arg12[%swap3A_173, %swap3A_174, %swap3A_175] {strides = array<i32>} : memref<4x100x64xf32, #tpu.memory_space<vmem>>, vector<16xf32>,
      tpu.vector_store %arg12[%swap3A_173, %swap3A_174, %swap3A_175], %add3A_171 {strides = array<i32>} : memref<4x100x64xf32, #tpu.memory_space<vmem>>, vector<16xf32>,
      %get3A_177 = arith.constant 32 : index
      %get3A_178 = tpu.vector_load %arg17[%get3A_177] {strides = array<i32>} : memref<64xf32, #tpu.memory_space<vmem>>, vector<16xf32>,
      %get3A_179 = arith.index_cast %reduce_max3A_155 : i32 to index
      %get3A_180 = arith.constant 32 : index
      %get3A_181 = tpu.vector_load %arg16[%get3A_179, %get3A_180] {strides = array<i32>} : memref<100x64xf32, #tpu.memory_space<vmem>>, vector<16xf32>,
      %add3A_182 = arith.addf %get3A_178, %get3A_181 : vector<16xf32>
      %swap3A_183 = arith.constant 0 : i32
      %swap3A_184 = arith.index_cast %swap3A_183 : i32 to index
      %swap3A_185 = arith.index_cast %reduce_max3A_155 : i32 to index
      %swap3A_186 = arith.constant 32 : index
      %swap3A_187 = tpu.vector_load %arg12[%swap3A_184, %swap3A_185, %swap3A_186] {strides = array<i32>} : memref<4x100x64xf32, #tpu.memory_space<vmem>>, vector<16xf32>,
      tpu.vector_store %arg12[%swap3A_184, %swap3A_185, %swap3A_186], %add3A_182 {strides = array<i32>} : memref<4x100x64xf32, #tpu.memory_space<vmem>>, vector<16xf32>,
      %get3A_188 = arith.constant 48 : index
      %get3A_189 = tpu.vector_load %arg17[%get3A_188] {strides = array<i32>} : memref<64xf32, #tpu.memory_space<vmem>>, vector<16xf32>,
      %get3A_190 = arith.index_cast %reduce_max3A_155 : i32 to index
      %get3A_191 = arith.constant 48 : index
      %get3A_192 = tpu.vector_load %arg16[%get3A_190, %get3A_191] {strides = array<i32>} : memref<100x64xf32, #tpu.memory_space<vmem>>, vector<16xf32>,
      %add3A_193 = arith.addf %get3A_189, %get3A_192 : vector<16xf32>
      %swap3A_194 = arith.constant 0 : i32
      %swap3A_195 = arith.index_cast %swap3A_194 : i32 to index
      %swap3A_196 = arith.index_cast %reduce_max3A_155 : i32 to index
      %swap3A_197 = arith.constant 48 : index
      %swap3A_198 = tpu.vector_load %arg12[%swap3A_195, %swap3A_196, %swap3A_197] {strides = array<i32>} : memref<4x100x64xf32, #tpu.memory_space<vmem>>, vector<16xf32>,
      tpu.vector_store %arg12[%swap3A_195, %swap3A_196, %swap3A_197], %add3A_193 {strides = array<i32>} : memref<4x100x64xf32, #tpu.memory_space<vmem>>, vector<16xf32>,
      %eq3A_199 = arith.constant 1 : i32
      %eq3A_200 = vector.broadcast %eq3A_199 : i32 to vector<16xi32>
      %eq3A_201 = arith.cmpi eq, %iota3A, %eq3A_200 : vector<16xi32>
      %jit3A_202 = arith.constant 0 : i32
      %broadcast_in_dim3A_203 = vector.broadcast %jit3A_202 : i32 to vector<16xi32>
      %select_n3A_204 = arith.select %eq3A_201, %get3A_146, %broadcast_in_dim3A_203 : vector<16xi1>, vector<16xi32>
      %reduce_max3A_205 = arith.constant true
      %reduce_max3A_206 = vector.broadcast %reduce_max3A_205 : i1 to vector<16xi1>
      %reduce_max3A_207 = arith.constant -2147483648 : i32
      %reduce_max3A_208 = vector.broadcast %reduce_max3A_207 : i32 to vector<16xi32>
      %reduce_max3A_209 = arith.xori %select_n3A_204, %reduce_max3A_208 : vector<16xi32>
      %reduce_max3A_210 = tpu.scan <max>, %reduce_max3A_209 masked %reduce_max3A_206 : vector<16xi32>, vector<16xi1> -> vector<16xi32>
      %reduce_max3A_211 = arith.xori %reduce_max3A_210, %reduce_max3A_208 : vector<16xi32>
      %reduce_max3A_212 = vector.extract %reduce_max3A_211[15] : i32 from vector<16xi32>
      %get3A_213 = arith.constant 0 : index
      %get3A_214 = tpu.vector_load %arg17[%get3A_213] {strides = array<i32>} : memref<64xf32, #tpu.memory_space<vmem>>, vector<16xf32>,
      %get3A_215 = arith.index_cast %reduce_max3A_212 : i32 to index
      %get3A_216 = arith.constant 0 : index
      %get3A_217 = tpu.vector_load %arg16[%get3A_215, %get3A_216] {strides = array<i32>} : memref<100x64xf32, #tpu.memory_space<vmem>>, vector<16xf32>,
      %add3A_218 = arith.addf %get3A_214, %get3A_217 : vector<16xf32>
      %swap3A_219 = arith.constant 1 : i32
      %swap3A_220 = arith.index_cast %swap3A_219 : i32 to index
      %swap3A_221 = arith.index_cast %reduce_max3A_212 : i32 to index
      %swap3A_222 = arith.constant 0 : index
      %swap3A_223 = tpu.vector_load %arg12[%swap3A_220, %swap3A_221, %swap3A_222] {strides = array<i32>} : memref<4x100x64xf32, #tpu.memory_space<vmem>>, vector<16xf32>,
      tpu.vector_store %arg12[%swap3A_220, %swap3A_221, %swap3A_222], %add3A_218 {strides = array<i32>} : memref<4x100x64xf32, #tpu.memory_space<vmem>>, vector<16xf32>,
      %get3A_224 = arith.constant 16 : index
      %get3A_225 = tpu.vector_load %arg17[%get3A_224] {strides = array<i32>} : memref<64xf32, #tpu.memory_space<vmem>>, vector<16xf32>,
      %get3A_226 = arith.index_cast %reduce_max3A_212 : i32 to index
      %get3A_227 = arith.constant 16 : index
      %get3A_228 = tpu.vector_load %arg16[%get3A_226, %get3A_227] {strides = array<i32>} : memref<100x64xf32, #tpu.memory_space<vmem>>, vector<16xf32>,
      %add3A_229 = arith.addf %get3A_225, %get3A_228 : vector<16xf32>
      %swap3A_230 = arith.constant 1 : i32
      %swap3A_231 = arith.index_cast %swap3A_230 : i32 to index
      %swap3A_232 = arith.index_cast %reduce_max3A_212 : i32 to index
      %swap3A_233 = arith.constant 16 : index
      %swap3A_234 = tpu.vector_load %arg12[%swap3A_231, %swap3A_232, %swap3A_233] {strides = array<i32>} : memref<4x100x64xf32, #tpu.memory_space<vmem>>, vector<16xf32>,
      tpu.vector_store %arg12[%swap3A_231, %swap3A_232, %swap3A_233], %add3A_229 {strides = array<i32>} : memref<4x100x64xf32, #tpu.memory_space<vmem>>, vector<16xf32>,
      %get3A_235 = arith.constant 32 : index
      %get3A_236 = tpu.vector_load %arg17[%get3A_235] {strides = array<i32>} : memref<64xf32, #tpu.memory_space<vmem>>, vector<16xf32>,
      %get3A_237 = arith.index_cast %reduce_max3A_212 : i32 to index
      %get3A_238 = arith.constant 32 : index
      %get3A_239 = tpu.vector_load %arg16[%get3A_237, %get3A_238] {strides = array<i32>} : memref<100x64xf32, #tpu.memory_space<vmem>>, vector<16xf32>,
      %add3A_240 = arith.addf %get3A_236, %get3A_239 : vector<16xf32>
      %swap3A_241 = arith.constant 1 : i32
      %swap3A_242 = arith.index_cast %swap3A_241 : i32 to index
      %swap3A_243 = arith.index_cast %reduce_max3A_212 : i32 to index
      %swap3A_244 = arith.constant 32 : index
      %swap3A_245 = tpu.vector_load %arg12[%swap3A_242, %swap3A_243, %swap3A_244] {strides = array<i32>} : memref<4x100x64xf32, #tpu.memory_space<vmem>>, vector<16xf32>,
      tpu.vector_store %arg12[%swap3A_242, %swap3A_243, %swap3A_244], %add3A_240 {strides = array<i32>} : memref<4x100x64xf32, #tpu.memory_space<vmem>>, vector<16xf32>,
      %get3A_246 = arith.constant 48 : index
      %get3A_247 = tpu.vector_load %arg17[%get3A_246] {strides = array<i32>} : memref<64xf32, #tpu.memory_space<vmem>>, vector<16xf32>,
      %get3A_248 = arith.index_cast %reduce_max3A_212 : i32 to index
      %get3A_249 = arith.constant 48 : index
      %get3A_250 = tpu.vector_load %arg16[%get3A_248, %get3A_249] {strides = array<i32>} : memref<100x64xf32, #tpu.memory_space<vmem>>, vector<16xf32>,
      %add3A_251 = arith.addf %get3A_247, %get3A_250 : vector<16xf32>
      %swap3A_252 = arith.constant 1 : i32
      %swap3A_253 = arith.index_cast %swap3A_252 : i32 to index
      %swap3A_254 = arith.index_cast %reduce_max3A_212 : i32 to index
      %swap3A_255 = arith.constant 48 : index
      %swap3A_256 = tpu.vector_load %arg12[%swap3A_253, %swap3A_254, %swap3A_255] {strides = array<i32>} : memref<4x100x64xf32, #tpu.memory_space<vmem>>, vector<16xf32>,
      tpu.vector_store %arg12[%swap3A_253, %swap3A_254, %swap3A_255], %add3A_251 {strides = array<i32>} : memref<4x100x64xf32, #tpu.memory_space<vmem>>, vector<16xf32>,
      %eq3A_257 = arith.constant 2 : i32
      %eq3A_258 = vector.broadcast %eq3A_257 : i32 to vector<16xi32>
      %eq3A_259 = arith.cmpi eq, %iota3A, %eq3A_258 : vector<16xi32>
      %jit3A_260 = arith.constant 0 : i32
      %broadcast_in_dim3A_261 = vector.broadcast %jit3A_260 : i32 to vector<16xi32>
      %select_n3A_262 = arith.select %eq3A_259, %get3A_146, %broadcast_in_dim3A_261 : vector<16xi1>, vector<16xi32>
      %reduce_max3A_263 = arith.constant true
      %reduce_max3A_264 = vector.broadcast %reduce_max3A_263 : i1 to vector<16xi1>
      %reduce_max3A_265 = arith.constant -2147483648 : i32
      %reduce_max3A_266 = vector.broadcast %reduce_max3A_265 : i32 to vector<16xi32>
      %reduce_max3A_267 = arith.xori %select_n3A_262, %reduce_max3A_266 : vector<16xi32>
      %reduce_max3A_268 = tpu.scan <max>, %reduce_max3A_267 masked %reduce_max3A_264 : vector<16xi32>, vector<16xi1> -> vector<16xi32>
      %reduce_max3A_269 = arith.xori %reduce_max3A_268, %reduce_max3A_266 : vector<16xi32>
      %reduce_max3A_270 = vector.extract %reduce_max3A_269[15] : i32 from vector<16xi32>
      %get3A_271 = arith.constant 0 : index
      %get3A_272 = tpu.vector_load %arg17[%get3A_271] {strides = array<i32>} : memref<64xf32, #tpu.memory_space<vmem>>, vector<16xf32>,
      %get3A_273 = arith.index_cast %reduce_max3A_270 : i32 to index
      %get3A_274 = arith.constant 0 : index
      %get3A_275 = tpu.vector_load %arg16[%get3A_273, %get3A_274] {strides = array<i32>} : memref<100x64xf32, #tpu.memory_space<vmem>>, vector<16xf32>,
      %add3A_276 = arith.addf %get3A_272, %get3A_275 : vector<16xf32>
      %swap3A_277 = arith.constant 2 : i32
      %swap3A_278 = arith.index_cast %swap3A_277 : i32 to index
      %swap3A_279 = arith.index_cast %reduce_max3A_270 : i32 to index
      %swap3A_280 = arith.constant 0 : index
      %swap3A_281 = tpu.vector_load %arg12[%swap3A_278, %swap3A_279, %swap3A_280] {strides = array<i32>} : memref<4x100x64xf32, #tpu.memory_space<vmem>>, vector<16xf32>,
      tpu.vector_store %arg12[%swap3A_278, %swap3A_279, %swap3A_280], %add3A_276 {strides = array<i32>} : memref<4x100x64xf32, #tpu.memory_space<vmem>>, vector<16xf32>,
      %get3A_282 = arith.constant 16 : index
      %get3A_283 = tpu.vector_load %arg17[%get3A_282] {strides = array<i32>} : memref<64xf32, #tpu.memory_space<vmem>>, vector<16xf32>,
      %get3A_284 = arith.index_cast %reduce_max3A_270 : i32 to index
      %get3A_285 = arith.constant 16 : index
      %get3A_286 = tpu.vector_load %arg16[%get3A_284, %get3A_285] {strides = array<i32>} : memref<100x64xf32, #tpu.memory_space<vmem>>, vector<16xf32>,
      %add3A_287 = arith.addf %get3A_283, %get3A_286 : vector<16xf32>
      %swap3A_288 = arith.constant 2 : i32
      %swap3A_289 = arith.index_cast %swap3A_288 : i32 to index
      %swap3A_290 = arith.index_cast %reduce_max3A_270 : i32 to index
      %swap3A_291 = arith.constant 16 : index
      %swap3A_292 = tpu.vector_load %arg12[%swap3A_289, %swap3A_290, %swap3A_291] {strides = array<i32>} : memref<4x100x64xf32, #tpu.memory_space<vmem>>, vector<16xf32>,
      tpu.vector_store %arg12[%swap3A_289, %swap3A_290, %swap3A_291], %add3A_287 {strides = array<i32>} : memref<4x100x64xf32, #tpu.memory_space<vmem>>, vector<16xf32>,
      %get3A_293 = arith.constant 32 : index
      %get3A_294 = tpu.vector_load %arg17[%get3A_293] {strides = array<i32>} : memref<64xf32, #tpu.memory_space<vmem>>, vector<16xf32>,
      %get3A_295 = arith.index_cast %reduce_max3A_270 : i32 to index
      %get3A_296 = arith.constant 32 : index
      %get3A_297 = tpu.vector_load %arg16[%get3A_295, %get3A_296] {strides = array<i32>} : memref<100x64xf32, #tpu.memory_space<vmem>>, vector<16xf32>,
      %add3A_298 = arith.addf %get3A_294, %get3A_297 : vector<16xf32>
      %swap3A_299 = arith.constant 2 : i32
      %swap3A_300 = arith.index_cast %swap3A_299 : i32 to index
      %swap3A_301 = arith.index_cast %reduce_max3A_270 : i32 to index
      %swap3A_302 = arith.constant 32 : index
      %swap3A_303 = tpu.vector_load %arg12[%swap3A_300, %swap3A_301, %swap3A_302] {strides = array<i32>} : memref<4x100x64xf32, #tpu.memory_space<vmem>>, vector<16xf32>,
      tpu.vector_store %arg12[%swap3A_300, %swap3A_301, %swap3A_302], %add3A_298 {strides = array<i32>} : memref<4x100x64xf32, #tpu.memory_space<vmem>>, vector<16xf32>,
      %get3A_304 = arith.constant 48 : index
      %get3A_305 = tpu.vector_load %arg17[%get3A_304] {strides = array<i32>} : memref<64xf32, #tpu.memory_space<vmem>>, vector<16xf32>,
      %get3A_306 = arith.index_cast %reduce_max3A_270 : i32 to index
      %get3A_307 = arith.constant 48 : index
      %get3A_308 = tpu.vector_load %arg16[%get3A_306, %get3A_307] {strides = array<i32>} : memref<100x64xf32, #tpu.memory_space<vmem>>, vector<16xf32>,
      %add3A_309 = arith.addf %get3A_305, %get3A_308 : vector<16xf32>
      %swap3A_310 = arith.constant 2 : i32
      %swap3A_311 = arith.index_cast %swap3A_310 : i32 to index
      %swap3A_312 = arith.index_cast %reduce_max3A_270 : i32 to index
      %swap3A_313 = arith.constant 48 : index
      %swap3A_314 = tpu.vector_load %arg12[%swap3A_311, %swap3A_312, %swap3A_313] {strides = array<i32>} : memref<4x100x64xf32, #tpu.memory_space<vmem>>, vector<16xf32>,
      tpu.vector_store %arg12[%swap3A_311, %swap3A_312, %swap3A_313], %add3A_309 {strides = array<i32>} : memref<4x100x64xf32, #tpu.memory_space<vmem>>, vector<16xf32>,
      %eq3A_315 = arith.constant 3 : i32
      %eq3A_316 = vector.broadcast %eq3A_315 : i32 to vector<16xi32>
      %eq3A_317 = arith.cmpi eq, %iota3A, %eq3A_316 : vector<16xi32>
      %jit3A_318 = arith.constant 0 : i32
      %broadcast_in_dim3A_319 = vector.broadcast %jit3A_318 : i32 to vector<16xi32>
      %select_n3A_320 = arith.select %eq3A_317, %get3A_146, %broadcast_in_dim3A_319 : vector<16xi1>, vector<16xi32>
      %reduce_max3A_321 = arith.constant true
      %reduce_max3A_322 = vector.broadcast %reduce_max3A_321 : i1 to vector<16xi1>
      %reduce_max3A_323 = arith.constant -2147483648 : i32
      %reduce_max3A_324 = vector.broadcast %reduce_max3A_323 : i32 to vector<16xi32>
      %reduce_max3A_325 = arith.xori %select_n3A_320, %reduce_max3A_324 : vector<16xi32>
      %reduce_max3A_326 = tpu.scan <max>, %reduce_max3A_325 masked %reduce_max3A_322 : vector<16xi32>, vector<16xi1> -> vector<16xi32>
      %reduce_max3A_327 = arith.xori %reduce_max3A_326, %reduce_max3A_324 : vector<16xi32>
      %reduce_max3A_328 = vector.extract %reduce_max3A_327[15] : i32 from vector<16xi32>
      %get3A_329 = arith.constant 0 : index
      %get3A_330 = tpu.vector_load %arg17[%get3A_329] {strides = array<i32>} : memref<64xf32, #tpu.memory_space<vmem>>, vector<16xf32>,
      %get3A_331 = arith.index_cast %reduce_max3A_328 : i32 to index
      %get3A_332 = arith.constant 0 : index
      %get3A_333 = tpu.vector_load %arg16[%get3A_331, %get3A_332] {strides = array<i32>} : memref<100x64xf32, #tpu.memory_space<vmem>>, vector<16xf32>,
      %add3A_334 = arith.addf %get3A_330, %get3A_333 : vector<16xf32>
      %swap3A_335 = arith.constant 3 : i32
      %swap3A_336 = arith.index_cast %swap3A_335 : i32 to index
      %swap3A_337 = arith.index_cast %reduce_max3A_328 : i32 to index
      %swap3A_338 = arith.constant 0 : index
      %swap3A_339 = tpu.vector_load %arg12[%swap3A_336, %swap3A_337, %swap3A_338] {strides = array<i32>} : memref<4x100x64xf32, #tpu.memory_space<vmem>>, vector<16xf32>,
      tpu.vector_store %arg12[%swap3A_336, %swap3A_337, %swap3A_338], %add3A_334 {strides = array<i32>} : memref<4x100x64xf32, #tpu.memory_space<vmem>>, vector<16xf32>,
      %get3A_340 = arith.constant 16 : index
      %get3A_341 = tpu.vector_load %arg17[%get3A_340] {strides = array<i32>} : memref<64xf32, #tpu.memory_space<vmem>>, vector<16xf32>,
      %get3A_342 = arith.index_cast %reduce_max3A_328 : i32 to index
      %get3A_343 = arith.constant 16 : index
      %get3A_344 = tpu.vector_load %arg16[%get3A_342, %get3A_343] {strides = array<i32>} : memref<100x64xf32, #tpu.memory_space<vmem>>, vector<16xf32>,
      %add3A_345 = arith.addf %get3A_341, %get3A_344 : vector<16xf32>
      %swap3A_346 = arith.constant 3 : i32
      %swap3A_347 = arith.index_cast %swap3A_346 : i32 to index
      %swap3A_348 = arith.index_cast %reduce_max3A_328 : i32 to index
      %swap3A_349 = arith.constant 16 : index
      %swap3A_350 = tpu.vector_load %arg12[%swap3A_347, %swap3A_348, %swap3A_349] {strides = array<i32>} : memref<4x100x64xf32, #tpu.memory_space<vmem>>, vector<16xf32>,
      tpu.vector_store %arg12[%swap3A_347, %swap3A_348, %swap3A_349], %add3A_345 {strides = array<i32>} : memref<4x100x64xf32, #tpu.memory_space<vmem>>, vector<16xf32>,
      %get3A_351 = arith.constant 32 : index
      %get3A_352 = tpu.vector_load %arg17[%get3A_351] {strides = array<i32>} : memref<64xf32, #tpu.memory_space<vmem>>, vector<16xf32>,
      %get3A_353 = arith.index_cast %reduce_max3A_328 : i32 to index
      %get3A_354 = arith.constant 32 : index
      %get3A_355 = tpu.vector_load %arg16[%get3A_353, %get3A_354] {strides = array<i32>} : memref<100x64xf32, #tpu.memory_space<vmem>>, vector<16xf32>,
      %add3A_356 = arith.addf %get3A_352, %get3A_355 : vector<16xf32>
      %swap3A_357 = arith.constant 3 : i32
      %swap3A_358 = arith.index_cast %swap3A_357 : i32 to index
      %swap3A_359 = arith.index_cast %reduce_max3A_328 : i32 to index
      %swap3A_360 = arith.constant 32 : index
      %swap3A_361 = tpu.vector_load %arg12[%swap3A_358, %swap3A_359, %swap3A_360] {strides = array<i32>} : memref<4x100x64xf32, #tpu.memory_space<vmem>>, vector<16xf32>,
      tpu.vector_store %arg12[%swap3A_358, %swap3A_359, %swap3A_360], %add3A_356 {strides = array<i32>} : memref<4x100x64xf32, #tpu.memory_space<vmem>>, vector<16xf32>,
      %get3A_362 = arith.constant 48 : index
      %get3A_363 = tpu.vector_load %arg17[%get3A_362] {strides = array<i32>} : memref<64xf32, #tpu.memory_space<vmem>>, vector<16xf32>,
      %get3A_364 = arith.index_cast %reduce_max3A_328 : i32 to index
      %get3A_365 = arith.constant 48 : index
      %get3A_366 = tpu.vector_load %arg16[%get3A_364, %get3A_365] {strides = array<i32>} : memref<100x64xf32, #tpu.memory_space<vmem>>, vector<16xf32>,
      %add3A_367 = arith.addf %get3A_363, %get3A_366 : vector<16xf32>
      %swap3A_368 = arith.constant 3 : i32
      %swap3A_369 = arith.index_cast %swap3A_368 : i32 to index
      %swap3A_370 = arith.index_cast %reduce_max3A_328 : i32 to index
      %swap3A_371 = arith.constant 48 : index
      %swap3A_372 = tpu.vector_load %arg12[%swap3A_369, %swap3A_370, %swap3A_371] {strides = array<i32>} : memref<4x100x64xf32, #tpu.memory_space<vmem>>, vector<16xf32>,
      tpu.vector_store %arg12[%swap3A_369, %swap3A_370, %swap3A_371], %add3A_367 {strides = array<i32>} : memref<4x100x64xf32, #tpu.memory_space<vmem>>, vector<16xf32>,
      %add3A_373 = arith.constant 0 : i32
      %add3A_374 = arith.addi %add3A_129, %add3A_373 : i32
      %dma_start3A_375 = arith.constant 0 : i32
      %dma_start3A_376 = arith.constant 0 : i32
      %dma_start3A_377 = arith.constant 0 : i32
      %dma_start3A_378 = tpu.memref_slice %arg12[%dma_start3A_375, %dma_start3A_376, %dma_start3A_377] : memref<4x100x64xf32, #tpu.memory_space<vmem>> -> memref<1x100x64xf32, #tpu.memory_space<vmem>>
      %dma_start3A_379 = tpu.memref_squeeze %dma_start3A_378 : memref<1x100x64xf32, #tpu.memory_space<vmem>> -> memref<100x64xf32, #tpu.memory_space<vmem>>
      %dma_start3A_380 = arith.constant 0 : i32
      %dma_start3A_381 = arith.constant 0 : i32
      %dma_start3A_382 = tpu.memref_slice %arg7[%add3A_374, %dma_start3A_380, %dma_start3A_381] : memref<16384x104x128xf32, #tpu.memory_space<hbm>> -> memref<1x100x64xf32, #tpu.memory_space<hbm>>
      %dma_start3A_383 = tpu.memref_squeeze %dma_start3A_382 : memref<1x100x64xf32, #tpu.memory_space<hbm>> -> memref<100x64xf32, #tpu.memory_space<hbm>>
      %dma_start3A_384 = arith.constant 0 : i32
      %dma_start3A_385 = arith.constant 0 : i32
      %dma_start3A_386 = tpu.memref_slice %arg7[%add3A_374, %dma_start3A_384, %dma_start3A_385] : memref<16384x104x128xf32, #tpu.memory_space<hbm>> -> memref<1x100x64xf32, #tpu.memory_space<hbm>>
      %dma_start3A_387 = tpu.memref_squeeze %dma_start3A_386 : memref<1x100x64xf32, #tpu.memory_space<hbm>> -> memref<100x64xf32, #tpu.memory_space<hbm>>
      %dma_start3A_388 = arith.constant 0 : i32
      %dma_start3A_389 = arith.constant 0 : i32
      %dma_start3A_390 = tpu.memref_slice %arg12[%dma_start3A_375, %dma_start3A_388, %dma_start3A_389] : memref<4x100x64xf32, #tpu.memory_space<vmem>> -> memref<1x100x64xf32, #tpu.memory_space<vmem>>
      %dma_start3A_391 = tpu.memref_squeeze %dma_start3A_390 : memref<1x100x64xf32, #tpu.memory_space<vmem>> -> memref<100x64xf32, #tpu.memory_space<vmem>>
      tpu.enqueue_dma source(%dma_start3A_391 : memref<100x64xf32, #tpu.memory_space<vmem>>) target(%dma_start3A_387 : memref<100x64xf32, #tpu.memory_space<hbm>>) target_semaphore(%arg23 : memref<!tpu.dma_semaphore, #tpu.memory_space<semaphore_mem>>)
      %add3A_392 = arith.constant 1 : i32
      %add3A_393 = arith.addi %add3A_129, %add3A_392 : i32
      %dma_start3A_394 = arith.constant 1 : i32
      %dma_start3A_395 = arith.constant 0 : i32
      %dma_start3A_396 = arith.constant 0 : i32
      %dma_start3A_397 = tpu.memref_slice %arg12[%dma_start3A_394, %dma_start3A_395, %dma_start3A_396] : memref<4x100x64xf32, #tpu.memory_space<vmem>> -> memref<1x100x64xf32, #tpu.memory_space<vmem>>
      %dma_start3A_398 = tpu.memref_squeeze %dma_start3A_397 : memref<1x100x64xf32, #tpu.memory_space<vmem>> -> memref<100x64xf32, #tpu.memory_space<vmem>>
      %dma_start3A_399 = arith.constant 0 : i32
      %dma_start3A_400 = arith.constant 0 : i32
      %dma_start3A_401 = tpu.memref_slice %arg7[%add3A_393, %dma_start3A_399, %dma_start3A_400] : memref<16384x104x128xf32, #tpu.memory_space<hbm>> -> memref<1x100x64xf32, #tpu.memory_space<hbm>>
      %dma_start3A_402 = tpu.memref_squeeze %dma_start3A_401 : memref<1x100x64xf32, #tpu.memory_space<hbm>> -> memref<100x64xf32, #tpu.memory_space<hbm>>
      %dma_start3A_403 = arith.constant 0 : i32
      %dma_start3A_404 = arith.constant 0 : i32
      %dma_start3A_405 = tpu.memref_slice %arg7[%add3A_393, %dma_start3A_403, %dma_start3A_404] : memref<16384x104x128xf32, #tpu.memory_space<hbm>> -> memref<1x100x64xf32, #tpu.memory_space<hbm>>
      %dma_start3A_406 = tpu.memref_squeeze %dma_start3A_405 : memref<1x100x64xf32, #tpu.memory_space<hbm>> -> memref<100x64xf32, #tpu.memory_space<hbm>>
      %dma_start3A_407 = arith.constant 0 : i32
      %dma_start3A_408 = arith.constant 0 : i32
      %dma_start3A_409 = tpu.memref_slice %arg12[%dma_start3A_394, %dma_start3A_407, %dma_start3A_408] : memref<4x100x64xf32, #tpu.memory_space<vmem>> -> memref<1x100x64xf32, #tpu.memory_space<vmem>>
      %dma_start3A_410 = tpu.memref_squeeze %dma_start3A_409 : memref<1x100x64xf32, #tpu.memory_space<vmem>> -> memref<100x64xf32, #tpu.memory_space<vmem>>
      tpu.enqueue_dma source(%dma_start3A_410 : memref<100x64xf32, #tpu.memory_space<vmem>>) target(%dma_start3A_406 : memref<100x64xf32, #tpu.memory_space<hbm>>) target_semaphore(%arg23 : memref<!tpu.dma_semaphore, #tpu.memory_space<semaphore_mem>>)
      %add3A_411 = arith.constant 2 : i32
      %add3A_412 = arith.addi %add3A_129, %add3A_411 : i32
      %dma_start3A_413 = arith.constant 2 : i32
      %dma_start3A_414 = arith.constant 0 : i32
      %dma_start3A_415 = arith.constant 0 : i32
      %dma_start3A_416 = tpu.memref_slice %arg12[%dma_start3A_413, %dma_start3A_414, %dma_start3A_415] : memref<4x100x64xf32, #tpu.memory_space<vmem>> -> memref<1x100x64xf32, #tpu.memory_space<vmem>>
      %dma_start3A_417 = tpu.memref_squeeze %dma_start3A_416 : memref<1x100x64xf32, #tpu.memory_space<vmem>> -> memref<100x64xf32, #tpu.memory_space<vmem>>
      %dma_start3A_418 = arith.constant 0 : i32
      %dma_start3A_419 = arith.constant 0 : i32
      %dma_start3A_420 = tpu.memref_slice %arg7[%add3A_412, %dma_start3A_418, %dma_start3A_419] : memref<16384x104x128xf32, #tpu.memory_space<hbm>> -> memref<1x100x64xf32, #tpu.memory_space<hbm>>
      %dma_start3A_421 = tpu.memref_squeeze %dma_start3A_420 : memref<1x100x64xf32, #tpu.memory_space<hbm>> -> memref<100x64xf32, #tpu.memory_space<hbm>>
      %dma_start3A_422 = arith.constant 0 : i32
      %dma_start3A_423 = arith.constant 0 : i32
      %dma_start3A_424 = tpu.memref_slice %arg7[%add3A_412, %dma_start3A_422, %dma_start3A_423] : memref<16384x104x128xf32, #tpu.memory_space<hbm>> -> memref<1x100x64xf32, #tpu.memory_space<hbm>>
      %dma_start3A_425 = tpu.memref_squeeze %dma_start3A_424 : memref<1x100x64xf32, #tpu.memory_space<hbm>> -> memref<100x64xf32, #tpu.memory_space<hbm>>
      %dma_start3A_426 = arith.constant 0 : i32
      %dma_start3A_427 = arith.constant 0 : i32
      %dma_start3A_428 = tpu.memref_slice %arg12[%dma_start3A_413, %dma_start3A_426, %dma_start3A_427] : memref<4x100x64xf32, #tpu.memory_space<vmem>> -> memref<1x100x64xf32, #tpu.memory_space<vmem>>
      %dma_start3A_429 = tpu.memref_squeeze %dma_start3A_428 : memref<1x100x64xf32, #tpu.memory_space<vmem>> -> memref<100x64xf32, #tpu.memory_space<vmem>>
      tpu.enqueue_dma source(%dma_start3A_429 : memref<100x64xf32, #tpu.memory_space<vmem>>) target(%dma_start3A_425 : memref<100x64xf32, #tpu.memory_space<hbm>>) target_semaphore(%arg23 : memref<!tpu.dma_semaphore, #tpu.memory_space<semaphore_mem>>)
      %add3A_430 = arith.constant 3 : i32
      %add3A_431 = arith.addi %add3A_129, %add3A_430 : i32
      %dma_start3A_432 = arith.constant 3 : i32
      %dma_start3A_433 = arith.constant 0 : i32
      %dma_start3A_434 = arith.constant 0 : i32
      %dma_start3A_435 = tpu.memref_slice %arg12[%dma_start3A_432, %dma_start3A_433, %dma_start3A_434] : memref<4x100x64xf32, #tpu.memory_space<vmem>> -> memref<1x100x64xf32, #tpu.memory_space<vmem>>
      %dma_start3A_436 = tpu.memref_squeeze %dma_start3A_435 : memref<1x100x64xf32, #tpu.memory_space<vmem>> -> memref<100x64xf32, #tpu.memory_space<vmem>>
      %dma_start3A_437 = arith.constant 0 : i32
      %dma_start3A_438 = arith.constant 0 : i32
      %dma_start3A_439 = tpu.memref_slice %arg7[%add3A_431, %dma_start3A_437, %dma_start3A_438] : memref<16384x104x128xf32, #tpu.memory_space<hbm>> -> memref<1x100x64xf32, #tpu.memory_space<hbm>>
      %dma_start3A_440 = tpu.memref_squeeze %dma_start3A_439 : memref<1x100x64xf32, #tpu.memory_space<hbm>> -> memref<100x64xf32, #tpu.memory_space<hbm>>
      %dma_start3A_441 = arith.constant 0 : i32
      %dma_start3A_442 = arith.constant 0 : i32
      %dma_start3A_443 = tpu.memref_slice %arg7[%add3A_431, %dma_start3A_441, %dma_start3A_442] : memref<16384x104x128xf32, #tpu.memory_space<hbm>> -> memref<1x100x64xf32, #tpu.memory_space<hbm>>
      %dma_start3A_444 = tpu.memref_squeeze %dma_start3A_443 : memref<1x100x64xf32, #tpu.memory_space<hbm>> -> memref<100x64xf32, #tpu.memory_space<hbm>>
      %dma_start3A_445 = arith.constant 0 : i32
      %dma_start3A_446 = arith.constant 0 : i32
      %dma_start3A_447 = tpu.memref_slice %arg12[%dma_start3A_432, %dma_start3A_445, %dma_start3A_446] : memref<4x100x64xf32, #tpu.memory_space<vmem>> -> memref<1x100x64xf32, #tpu.memory_space<vmem>>
      %dma_start3A_448 = tpu.memref_squeeze %dma_start3A_447 : memref<1x100x64xf32, #tpu.memory_space<vmem>> -> memref<100x64xf32, #tpu.memory_space<vmem>>
      tpu.enqueue_dma source(%dma_start3A_448 : memref<100x64xf32, #tpu.memory_space<vmem>>) target(%dma_start3A_444 : memref<100x64xf32, #tpu.memory_space<hbm>>) target_semaphore(%arg23 : memref<!tpu.dma_semaphore, #tpu.memory_space<semaphore_mem>>)
      %gt3A = arith.constant 0 : i32
      %gt3A_449 = arith.cmpi sgt, %scan3A_122, %gt3A : i32
      %convert_element_type3A = arith.extui %gt3A_449 : i1 to i32
      %cond3A = arith.constant 0 : i32
      %cond3A_450 = arith.cmpi ne, %convert_element_type3A, %cond3A : i32
      scf.if %cond3A_450 {
        %dma_wait3A_1500 = arith.constant 0 : i32
        %dma_wait3A_1501 = arith.constant 0 : i32
        %dma_wait3A_1502 = arith.constant 0 : i32
        %dma_wait3A_1503 = tpu.memref_slice %arg7[%dma_wait3A_1500, %dma_wait3A_1501, %dma_wait3A_1502] : memref<16384x104x128xf32, #tpu.memory_space<hbm>> -> memref<4x100x64xf32, #tpu.memory_space<hbm>>
        %dma_wait3A_1504 = arith.constant 0 : i32
        %dma_wait3A_1505 = arith.constant 0 : i32
        %dma_wait3A_1506 = arith.constant 0 : i32
        %dma_wait3A_1507 = tpu.memref_slice %arg7[%dma_wait3A_1504, %dma_wait3A_1505, %dma_wait3A_1506] : memref<16384x104x128xf32, #tpu.memory_space<hbm>> -> memref<4x100x64xf32, #tpu.memory_space<hbm>>
        tpu.wait_dma2 semaphore(%arg25 : memref<!tpu.dma_semaphore, #tpu.memory_space<semaphore_mem>>) src(%arg14 : memref<4x100x64xf32, #tpu.memory_space<vmem>>) dst(%dma_wait3A_1507 : memref<4x100x64xf32, #tpu.memory_space<hbm>>)
      } else {
      }
      %add3A_451 = arith.constant 0 : i32
      %add3A_452 = arith.addi %mul3A_124, %add3A_451 : i32
      %add3A_453 = arith.constant 2 : i32
      %add3A_454 = arith.addi %add3A_452, %add3A_453 : i32
      %lt3A = arith.constant 128 : i32
      %lt3A_455 = arith.cmpi slt, %add3A_454, %lt3A : i32
      %convert_element_type3A_456 = arith.extui %lt3A_455 : i1 to i32
      %cond3A_457 = arith.constant 0 : i32
      %cond3A_458 = arith.cmpi ne, %convert_element_type3A_456, %cond3A_457 : i32
      scf.if %cond3A_458 {
        %add3A_1500 = arith.constant 0 : i32
        %add3A_1501 = arith.addi %mul3A_124, %add3A_1500 : i32
        %add3A_1502 = arith.constant 2 : i32
        %add3A_1503 = arith.addi %add3A_1501, %add3A_1502 : i32
        %mul3A_1504 = arith.constant 4 : i32
        %mul3A_1505 = arith.muli %add3A_1503, %mul3A_1504 : i32
        %add3A_1506 = arith.addi %mul3A_2, %mul3A_1505 : i32
        "tpu.region"() ({
          %run_scoped3A = tpu.sem_alloc : memref<!tpu.dma_semaphore, #tpu.memory_space<semaphore_mem>>
          %dma_start3A_1555 = arith.constant 0 : i32
          %dma_start3A_1556 = tpu.memref_slice %arg2[%add3A_1506, %dma_start3A_1555] : memref<16384x100xi32, #tpu.memory_space<hbm>> -> memref<4x100xi32, #tpu.memory_space<hbm>>
          %dma_start3A_1557 = arith.constant 0 : i32
          %dma_start3A_1558 = tpu.memref_slice %arg2[%add3A_1506, %dma_start3A_1557] : memref<16384x100xi32, #tpu.memory_space<hbm>> -> memref<4x100xi32, #tpu.memory_space<hbm>>
          tpu.enqueue_dma source(%dma_start3A_1558 : memref<4x100xi32, #tpu.memory_space<hbm>>) target(%arg10 : memref<4x100xi32, #tpu.memory_space<vmem>>) target_semaphore(%run_scoped3A : memref<!tpu.dma_semaphore, #tpu.memory_space<semaphore_mem>>)
          %dma_wait3A_1559 = arith.constant 0 : i32
          %dma_wait3A_1560 = tpu.memref_slice %arg2[%add3A_1506, %dma_wait3A_1559] : memref<16384x100xi32, #tpu.memory_space<hbm>> -> memref<4x100xi32, #tpu.memory_space<hbm>>
          %dma_wait3A_1561 = arith.constant 0 : i32
          %dma_wait3A_1562 = tpu.memref_slice %arg2[%add3A_1506, %dma_wait3A_1561] : memref<16384x100xi32, #tpu.memory_space<hbm>> -> memref<4x100xi32, #tpu.memory_space<hbm>>
          tpu.wait_dma2 semaphore(%run_scoped3A : memref<!tpu.dma_semaphore, #tpu.memory_space<semaphore_mem>>) src(%dma_wait3A_1562 : memref<4x100xi32, #tpu.memory_space<hbm>>) dst(%arg10 : memref<4x100xi32, #tpu.memory_space<vmem>>)
          tpu.yield
        }) : () -> ()
        %dma_start3A_1507 = arith.constant 0 : i32
        %dma_start3A_1508 = arith.constant 0 : i32
        %dma_start3A_1509 = arith.constant 0 : i32
        %dma_start3A_1510 = arith.constant 0 : i32
        %dma_start3A_1511 = tpu.memref_slice %arg14[%dma_start3A_1508, %dma_start3A_1509, %dma_start3A_1510] : memref<4x100x64xf32, #tpu.memory_space<vmem>> -> memref<1x100x64xf32, #tpu.memory_space<vmem>>
        %dma_start3A_1512 = tpu.memref_squeeze %dma_start3A_1511 : memref<1x100x64xf32, #tpu.memory_space<vmem>> -> memref<100x64xf32, #tpu.memory_space<vmem>>
        %dma_start3A_1513 = arith.constant 0 : i32
        %dma_start3A_1514 = tpu.memref_slice %arg10[%dma_start3A_1507, %dma_start3A_1513] : memref<4x100xi32, #tpu.memory_space<vmem>> -> memref<1x100xi32, #tpu.memory_space<vmem>>
        %dma_start3A_1515 = tpu.memref_squeeze %dma_start3A_1514 : memref<1x100xi32, #tpu.memory_space<vmem>> -> memref<100xi32, #tpu.memory_space<vmem>>
        %dma_start3A_1516 = arith.constant 0 : i32
        %dma_start3A_1517 = arith.constant 0 : i32
        %dma_start3A_1518 = tpu.memref_slice %arg5[%dma_start3A_1516, %dma_start3A_1517] : memref<1000000x64xf32, #tpu.memory_space<hbm>> -> memref<1000000x64xf32, #tpu.memory_space<hbm>>
        tpu.enqueue_indirect_dma source(%dma_start3A_1518 : memref<1000000x64xf32, #tpu.memory_space<hbm>>) target(%dma_start3A_1512 : memref<100x64xf32, #tpu.memory_space<vmem>>) offsets(%dma_start3A_1515 : memref<100xi32, #tpu.memory_space<vmem>>) semaphore(%arg21 : memref<!tpu.dma_semaphore, #tpu.memory_space<semaphore_mem>>)
        %dma_start3A_1519 = arith.constant 1 : i32
        %dma_start3A_1520 = arith.constant 1 : i32
        %dma_start3A_1521 = arith.constant 0 : i32
        %dma_start3A_1522 = arith.constant 0 : i32
        %dma_start3A_1523 = tpu.memref_slice %arg14[%dma_start3A_1520, %dma_start3A_1521, %dma_start3A_1522] : memref<4x100x64xf32, #tpu.memory_space<vmem>> -> memref<1x100x64xf32, #tpu.memory_space<vmem>>
        %dma_start3A_1524 = tpu.memref_squeeze %dma_start3A_1523 : memref<1x100x64xf32, #tpu.memory_space<vmem>> -> memref<100x64xf32, #tpu.memory_space<vmem>>
        %dma_start3A_1525 = arith.constant 0 : i32
        %dma_start3A_1526 = tpu.memref_slice %arg10[%dma_start3A_1519, %dma_start3A_1525] : memref<4x100xi32, #tpu.memory_space<vmem>> -> memref<1x100xi32, #tpu.memory_space<vmem>>
        %dma_start3A_1527 = tpu.memref_squeeze %dma_start3A_1526 : memref<1x100xi32, #tpu.memory_space<vmem>> -> memref<100xi32, #tpu.memory_space<vmem>>
        %dma_start3A_1528 = arith.constant 0 : i32
        %dma_start3A_1529 = arith.constant 0 : i32
        %dma_start3A_1530 = tpu.memref_slice %arg5[%dma_start3A_1528, %dma_start3A_1529] : memref<1000000x64xf32, #tpu.memory_space<hbm>> -> memref<1000000x64xf32, #tpu.memory_space<hbm>>
        tpu.enqueue_indirect_dma source(%dma_start3A_1530 : memref<1000000x64xf32, #tpu.memory_space<hbm>>) target(%dma_start3A_1524 : memref<100x64xf32, #tpu.memory_space<vmem>>) offsets(%dma_start3A_1527 : memref<100xi32, #tpu.memory_space<vmem>>) semaphore(%arg21 : memref<!tpu.dma_semaphore, #tpu.memory_space<semaphore_mem>>)
        %dma_start3A_1531 = arith.constant 2 : i32
        %dma_start3A_1532 = arith.constant 2 : i32
        %dma_start3A_1533 = arith.constant 0 : i32
        %dma_start3A_1534 = arith.constant 0 : i32
        %dma_start3A_1535 = tpu.memref_slice %arg14[%dma_start3A_1532, %dma_start3A_1533, %dma_start3A_1534] : memref<4x100x64xf32, #tpu.memory_space<vmem>> -> memref<1x100x64xf32, #tpu.memory_space<vmem>>
        %dma_start3A_1536 = tpu.memref_squeeze %dma_start3A_1535 : memref<1x100x64xf32, #tpu.memory_space<vmem>> -> memref<100x64xf32, #tpu.memory_space<vmem>>
        %dma_start3A_1537 = arith.constant 0 : i32
        %dma_start3A_1538 = tpu.memref_slice %arg10[%dma_start3A_1531, %dma_start3A_1537] : memref<4x100xi32, #tpu.memory_space<vmem>> -> memref<1x100xi32, #tpu.memory_space<vmem>>
        %dma_start3A_1539 = tpu.memref_squeeze %dma_start3A_1538 : memref<1x100xi32, #tpu.memory_space<vmem>> -> memref<100xi32, #tpu.memory_space<vmem>>
        %dma_start3A_1540 = arith.constant 0 : i32
        %dma_start3A_1541 = arith.constant 0 : i32
        %dma_start3A_1542 = tpu.memref_slice %arg5[%dma_start3A_1540, %dma_start3A_1541] : memref<1000000x64xf32, #tpu.memory_space<hbm>> -> memref<1000000x64xf32, #tpu.memory_space<hbm>>
        tpu.enqueue_indirect_dma source(%dma_start3A_1542 : memref<1000000x64xf32, #tpu.memory_space<hbm>>) target(%dma_start3A_1536 : memref<100x64xf32, #tpu.memory_space<vmem>>) offsets(%dma_start3A_1539 : memref<100xi32, #tpu.memory_space<vmem>>) semaphore(%arg21 : memref<!tpu.dma_semaphore, #tpu.memory_space<semaphore_mem>>)
        %dma_start3A_1543 = arith.constant 3 : i32
        %dma_start3A_1544 = arith.constant 3 : i32
        %dma_start3A_1545 = arith.constant 0 : i32
        %dma_start3A_1546 = arith.constant 0 : i32
        %dma_start3A_1547 = tpu.memref_slice %arg14[%dma_start3A_1544, %dma_start3A_1545, %dma_start3A_1546] : memref<4x100x64xf32, #tpu.memory_space<vmem>> -> memref<1x100x64xf32, #tpu.memory_space<vmem>>
        %dma_start3A_1548 = tpu.memref_squeeze %dma_start3A_1547 : memref<1x100x64xf32, #tpu.memory_space<vmem>> -> memref<100x64xf32, #tpu.memory_space<vmem>>
        %dma_start3A_1549 = arith.constant 0 : i32
        %dma_start3A_1550 = tpu.memref_slice %arg10[%dma_start3A_1543, %dma_start3A_1549] : memref<4x100xi32, #tpu.memory_space<vmem>> -> memref<1x100xi32, #tpu.memory_space<vmem>>
        %dma_start3A_1551 = tpu.memref_squeeze %dma_start3A_1550 : memref<1x100xi32, #tpu.memory_space<vmem>> -> memref<100xi32, #tpu.memory_space<vmem>>
        %dma_start3A_1552 = arith.constant 0 : i32
        %dma_start3A_1553 = arith.constant 0 : i32
        %dma_start3A_1554 = tpu.memref_slice %arg5[%dma_start3A_1552, %dma_start3A_1553] : memref<1000000x64xf32, #tpu.memory_space<hbm>> -> memref<1000000x64xf32, #tpu.memory_space<hbm>>
        tpu.enqueue_indirect_dma source(%dma_start3A_1554 : memref<1000000x64xf32, #tpu.memory_space<hbm>>) target(%dma_start3A_1548 : memref<100x64xf32, #tpu.memory_space<vmem>>) offsets(%dma_start3A_1551 : memref<100xi32, #tpu.memory_space<vmem>>) semaphore(%arg21 : memref<!tpu.dma_semaphore, #tpu.memory_space<semaphore_mem>>)
      } else {
      }
      %add3A_459 = arith.constant 1 : i32
      %add3A_460 = arith.addi %mul3A_124, %add3A_459 : i32
      %mul3A_461 = arith.constant 4 : i32
      %mul3A_462 = arith.muli %add3A_460, %mul3A_461 : i32
      %add3A_463 = arith.addi %mul3A_2, %mul3A_462 : i32
      %dma_wait3A_464 = arith.constant 0 : i32
      %dma_wait3A_465 = arith.constant 0 : i32
      %dma_wait3A_466 = arith.constant 0 : i32
      %dma_wait3A_467 = tpu.memref_slice %arg7[%dma_wait3A_464, %dma_wait3A_465, %dma_wait3A_466] : memref<16384x104x128xf32, #tpu.memory_space<hbm>> -> memref<4x100x64xf32, #tpu.memory_space<hbm>>
      %dma_wait3A_468 = arith.constant 0 : i32
      %dma_wait3A_469 = arith.constant 0 : i32
      %dma_wait3A_470 = arith.constant 0 : i32
      %dma_wait3A_471 = tpu.memref_slice %arg7[%dma_wait3A_468, %dma_wait3A_469, %dma_wait3A_470] : memref<16384x104x128xf32, #tpu.memory_space<hbm>> -> memref<4x100x64xf32, #tpu.memory_space<hbm>>
      tpu.wait_dma2 semaphore(%arg20 : memref<!tpu.dma_semaphore, #tpu.memory_space<semaphore_mem>>) src(%dma_wait3A_471 : memref<4x100x64xf32, #tpu.memory_space<hbm>>) dst(%arg13 : memref<4x100x64xf32, #tpu.memory_space<vmem>>)
      %scan3A_472 = arith.constant 0 : i32
      %scan3A_473 = arith.constant 0 : i32
      %scan3A_474 = arith.constant 100 : i32
      %scan3A_475 = arith.addi %scan3A_473, %scan3A_474 : i32
      %scan3A_476 = arith.constant 1 : i32
      scf.for %scan3A_1500 = %scan3A_473 to %scan3A_475 step %scan3A_476  : i32 {
        %get3A_1501 = arith.index_cast %scan3A_1500 : i32 to index
        %get3A_1502 = arith.constant 0 : index
        %get3A_1503 = tpu.vector_load %arg16[%get3A_1501, %get3A_1502] {strides = array<i32>} : memref<100x64xf32, #tpu.memory_space<vmem>>, vector<16xf32>,
        %get3A_1504 = arith.index_cast %scan3A_1500 : i32 to index
        %get3A_1505 = arith.constant 16 : index
        %get3A_1506 = tpu.vector_load %arg16[%get3A_1504, %get3A_1505] {strides = array<i32>} : memref<100x64xf32, #tpu.memory_space<vmem>>, vector<16xf32>,
        %get3A_1507 = arith.index_cast %scan3A_1500 : i32 to index
        %get3A_1508 = arith.constant 32 : index
        %get3A_1509 = tpu.vector_load %arg16[%get3A_1507, %get3A_1508] {strides = array<i32>} : memref<100x64xf32, #tpu.memory_space<vmem>>, vector<16xf32>,
        %get3A_1510 = arith.index_cast %scan3A_1500 : i32 to index
        %get3A_1511 = arith.constant 48 : index
        %get3A_1512 = tpu.vector_load %arg16[%get3A_1510, %get3A_1511] {strides = array<i32>} : memref<100x64xf32, #tpu.memory_space<vmem>>, vector<16xf32>,
        %get3A_1513 = arith.constant 0 : i32
        %get3A_1514 = arith.index_cast %get3A_1513 : i32 to index
        %get3A_1515 = arith.index_cast %scan3A_1500 : i32 to index
        %get3A_1516 = arith.constant 0 : index
        %get3A_1517 = tpu.vector_load %arg13[%get3A_1514, %get3A_1515, %get3A_1516] {strides = array<i32>} : memref<4x100x64xf32, #tpu.memory_space<vmem>>, vector<16xf32>,
        %add3A_1518 = arith.addf %get3A_1517, %get3A_1503 : vector<16xf32>
        %swap3A_1519 = arith.constant 0 : i32
        %swap3A_1520 = arith.index_cast %swap3A_1519 : i32 to index
        %swap3A_1521 = arith.index_cast %scan3A_1500 : i32 to index
        %swap3A_1522 = arith.constant 0 : index
        %swap3A_1523 = tpu.vector_load %arg13[%swap3A_1520, %swap3A_1521, %swap3A_1522] {strides = array<i32>} : memref<4x100x64xf32, #tpu.memory_space<vmem>>, vector<16xf32>,
        tpu.vector_store %arg13[%swap3A_1520, %swap3A_1521, %swap3A_1522], %add3A_1518 {strides = array<i32>} : memref<4x100x64xf32, #tpu.memory_space<vmem>>, vector<16xf32>,
        %get3A_1524 = arith.constant 0 : i32
        %get3A_1525 = arith.index_cast %get3A_1524 : i32 to index
        %get3A_1526 = arith.index_cast %scan3A_1500 : i32 to index
        %get3A_1527 = arith.constant 16 : index
        %get3A_1528 = tpu.vector_load %arg13[%get3A_1525, %get3A_1526, %get3A_1527] {strides = array<i32>} : memref<4x100x64xf32, #tpu.memory_space<vmem>>, vector<16xf32>,
        %add3A_1529 = arith.addf %get3A_1528, %get3A_1506 : vector<16xf32>
        %swap3A_1530 = arith.constant 0 : i32
        %swap3A_1531 = arith.index_cast %swap3A_1530 : i32 to index
        %swap3A_1532 = arith.index_cast %scan3A_1500 : i32 to index
        %swap3A_1533 = arith.constant 16 : index
        %swap3A_1534 = tpu.vector_load %arg13[%swap3A_1531, %swap3A_1532, %swap3A_1533] {strides = array<i32>} : memref<4x100x64xf32, #tpu.memory_space<vmem>>, vector<16xf32>,
        tpu.vector_store %arg13[%swap3A_1531, %swap3A_1532, %swap3A_1533], %add3A_1529 {strides = array<i32>} : memref<4x100x64xf32, #tpu.memory_space<vmem>>, vector<16xf32>,
        %get3A_1535 = arith.constant 0 : i32
        %get3A_1536 = arith.index_cast %get3A_1535 : i32 to index
        %get3A_1537 = arith.index_cast %scan3A_1500 : i32 to index
        %get3A_1538 = arith.constant 32 : index
        %get3A_1539 = tpu.vector_load %arg13[%get3A_1536, %get3A_1537, %get3A_1538] {strides = array<i32>} : memref<4x100x64xf32, #tpu.memory_space<vmem>>, vector<16xf32>,
        %add3A_1540 = arith.addf %get3A_1539, %get3A_1509 : vector<16xf32>
        %swap3A_1541 = arith.constant 0 : i32
        %swap3A_1542 = arith.index_cast %swap3A_1541 : i32 to index
        %swap3A_1543 = arith.index_cast %scan3A_1500 : i32 to index
        %swap3A_1544 = arith.constant 32 : index
        %swap3A_1545 = tpu.vector_load %arg13[%swap3A_1542, %swap3A_1543, %swap3A_1544] {strides = array<i32>} : memref<4x100x64xf32, #tpu.memory_space<vmem>>, vector<16xf32>,
        tpu.vector_store %arg13[%swap3A_1542, %swap3A_1543, %swap3A_1544], %add3A_1540 {strides = array<i32>} : memref<4x100x64xf32, #tpu.memory_space<vmem>>, vector<16xf32>,
        %get3A_1546 = arith.constant 0 : i32
        %get3A_1547 = arith.index_cast %get3A_1546 : i32 to index
        %get3A_1548 = arith.index_cast %scan3A_1500 : i32 to index
        %get3A_1549 = arith.constant 48 : index
        %get3A_1550 = tpu.vector_load %arg13[%get3A_1547, %get3A_1548, %get3A_1549] {strides = array<i32>} : memref<4x100x64xf32, #tpu.memory_space<vmem>>, vector<16xf32>,
        %add3A_1551 = arith.addf %get3A_1550, %get3A_1512 : vector<16xf32>
        %swap3A_1552 = arith.constant 0 : i32
        %swap3A_1553 = arith.index_cast %swap3A_1552 : i32 to index
        %swap3A_1554 = arith.index_cast %scan3A_1500 : i32 to index
        %swap3A_1555 = arith.constant 48 : index
        %swap3A_1556 = tpu.vector_load %arg13[%swap3A_1553, %swap3A_1554, %swap3A_1555] {strides = array<i32>} : memref<4x100x64xf32, #tpu.memory_space<vmem>>, vector<16xf32>,
        tpu.vector_store %arg13[%swap3A_1553, %swap3A_1554, %swap3A_1555], %add3A_1551 {strides = array<i32>} : memref<4x100x64xf32, #tpu.memory_space<vmem>>, vector<16xf32>,
        %get3A_1557 = arith.constant 1 : i32
        %get3A_1558 = arith.index_cast %get3A_1557 : i32 to index
        %get3A_1559 = arith.index_cast %scan3A_1500 : i32 to index
        %get3A_1560 = arith.constant 0 : index
        %get3A_1561 = tpu.vector_load %arg13[%get3A_1558, %get3A_1559, %get3A_1560] {strides = array<i32>} : memref<4x100x64xf32, #tpu.memory_space<vmem>>, vector<16xf32>,
        %add3A_1562 = arith.addf %get3A_1561, %get3A_1503 : vector<16xf32>
        %swap3A_1563 = arith.constant 1 : i32
        %swap3A_1564 = arith.index_cast %swap3A_1563 : i32 to index
        %swap3A_1565 = arith.index_cast %scan3A_1500 : i32 to index
        %swap3A_1566 = arith.constant 0 : index
        %swap3A_1567 = tpu.vector_load %arg13[%swap3A_1564, %swap3A_1565, %swap3A_1566] {strides = array<i32>} : memref<4x100x64xf32, #tpu.memory_space<vmem>>, vector<16xf32>,
        tpu.vector_store %arg13[%swap3A_1564, %swap3A_1565, %swap3A_1566], %add3A_1562 {strides = array<i32>} : memref<4x100x64xf32, #tpu.memory_space<vmem>>, vector<16xf32>,
        %get3A_1568 = arith.constant 1 : i32
        %get3A_1569 = arith.index_cast %get3A_1568 : i32 to index
        %get3A_1570 = arith.index_cast %scan3A_1500 : i32 to index
        %get3A_1571 = arith.constant 16 : index
        %get3A_1572 = tpu.vector_load %arg13[%get3A_1569, %get3A_1570, %get3A_1571] {strides = array<i32>} : memref<4x100x64xf32, #tpu.memory_space<vmem>>, vector<16xf32>,
        %add3A_1573 = arith.addf %get3A_1572, %get3A_1506 : vector<16xf32>
        %swap3A_1574 = arith.constant 1 : i32
        %swap3A_1575 = arith.index_cast %swap3A_1574 : i32 to index
        %swap3A_1576 = arith.index_cast %scan3A_1500 : i32 to index
        %swap3A_1577 = arith.constant 16 : index
        %swap3A_1578 = tpu.vector_load %arg13[%swap3A_1575, %swap3A_1576, %swap3A_1577] {strides = array<i32>} : memref<4x100x64xf32, #tpu.memory_space<vmem>>, vector<16xf32>,
        tpu.vector_store %arg13[%swap3A_1575, %swap3A_1576, %swap3A_1577], %add3A_1573 {strides = array<i32>} : memref<4x100x64xf32, #tpu.memory_space<vmem>>, vector<16xf32>,
        %get3A_1579 = arith.constant 1 : i32
        %get3A_1580 = arith.index_cast %get3A_1579 : i32 to index
        %get3A_1581 = arith.index_cast %scan3A_1500 : i32 to index
        %get3A_1582 = arith.constant 32 : index
        %get3A_1583 = tpu.vector_load %arg13[%get3A_1580, %get3A_1581, %get3A_1582] {strides = array<i32>} : memref<4x100x64xf32, #tpu.memory_space<vmem>>, vector<16xf32>,
        %add3A_1584 = arith.addf %get3A_1583, %get3A_1509 : vector<16xf32>
        %swap3A_1585 = arith.constant 1 : i32
        %swap3A_1586 = arith.index_cast %swap3A_1585 : i32 to index
        %swap3A_1587 = arith.index_cast %scan3A_1500 : i32 to index
        %swap3A_1588 = arith.constant 32 : index
        %swap3A_1589 = tpu.vector_load %arg13[%swap3A_1586, %swap3A_1587, %swap3A_1588] {strides = array<i32>} : memref<4x100x64xf32, #tpu.memory_space<vmem>>, vector<16xf32>,
        tpu.vector_store %arg13[%swap3A_1586, %swap3A_1587, %swap3A_1588], %add3A_1584 {strides = array<i32>} : memref<4x100x64xf32, #tpu.memory_space<vmem>>, vector<16xf32>,
        %get3A_1590 = arith.constant 1 : i32
        %get3A_1591 = arith.index_cast %get3A_1590 : i32 to index
        %get3A_1592 = arith.index_cast %scan3A_1500 : i32 to index
        %get3A_1593 = arith.constant 48 : index
        %get3A_1594 = tpu.vector_load %arg13[%get3A_1591, %get3A_1592, %get3A_1593] {strides = array<i32>} : memref<4x100x64xf32, #tpu.memory_space<vmem>>, vector<16xf32>,
        %add3A_1595 = arith.addf %get3A_1594, %get3A_1512 : vector<16xf32>
        %swap3A_1596 = arith.constant 1 : i32
        %swap3A_1597 = arith.index_cast %swap3A_1596 : i32 to index
        %swap3A_1598 = arith.index_cast %scan3A_1500 : i32 to index
        %swap3A_1599 = arith.constant 48 : index
        %swap3A_1600 = tpu.vector_load %arg13[%swap3A_1597, %swap3A_1598, %swap3A_1599] {strides = array<i32>} : memref<4x100x64xf32, #tpu.memory_space<vmem>>, vector<16xf32>,
        tpu.vector_store %arg13[%swap3A_1597, %swap3A_1598, %swap3A_1599], %add3A_1595 {strides = array<i32>} : memref<4x100x64xf32, #tpu.memory_space<vmem>>, vector<16xf32>,
        %get3A_1601 = arith.constant 2 : i32
        %get3A_1602 = arith.index_cast %get3A_1601 : i32 to index
        %get3A_1603 = arith.index_cast %scan3A_1500 : i32 to index
        %get3A_1604 = arith.constant 0 : index
        %get3A_1605 = tpu.vector_load %arg13[%get3A_1602, %get3A_1603, %get3A_1604] {strides = array<i32>} : memref<4x100x64xf32, #tpu.memory_space<vmem>>, vector<16xf32>,
        %add3A_1606 = arith.addf %get3A_1605, %get3A_1503 : vector<16xf32>
        %swap3A_1607 = arith.constant 2 : i32
        %swap3A_1608 = arith.index_cast %swap3A_1607 : i32 to index
        %swap3A_1609 = arith.index_cast %scan3A_1500 : i32 to index
        %swap3A_1610 = arith.constant 0 : index
        %swap3A_1611 = tpu.vector_load %arg13[%swap3A_1608, %swap3A_1609, %swap3A_1610] {strides = array<i32>} : memref<4x100x64xf32, #tpu.memory_space<vmem>>, vector<16xf32>,
        tpu.vector_store %arg13[%swap3A_1608, %swap3A_1609, %swap3A_1610], %add3A_1606 {strides = array<i32>} : memref<4x100x64xf32, #tpu.memory_space<vmem>>, vector<16xf32>,
        %get3A_1612 = arith.constant 2 : i32
        %get3A_1613 = arith.index_cast %get3A_1612 : i32 to index
        %get3A_1614 = arith.index_cast %scan3A_1500 : i32 to index
        %get3A_1615 = arith.constant 16 : index
        %get3A_1616 = tpu.vector_load %arg13[%get3A_1613, %get3A_1614, %get3A_1615] {strides = array<i32>} : memref<4x100x64xf32, #tpu.memory_space<vmem>>, vector<16xf32>,
        %add3A_1617 = arith.addf %get3A_1616, %get3A_1506 : vector<16xf32>
        %swap3A_1618 = arith.constant 2 : i32
        %swap3A_1619 = arith.index_cast %swap3A_1618 : i32 to index
        %swap3A_1620 = arith.index_cast %scan3A_1500 : i32 to index
        %swap3A_1621 = arith.constant 16 : index
        %swap3A_1622 = tpu.vector_load %arg13[%swap3A_1619, %swap3A_1620, %swap3A_1621] {strides = array<i32>} : memref<4x100x64xf32, #tpu.memory_space<vmem>>, vector<16xf32>,
        tpu.vector_store %arg13[%swap3A_1619, %swap3A_1620, %swap3A_1621], %add3A_1617 {strides = array<i32>} : memref<4x100x64xf32, #tpu.memory_space<vmem>>, vector<16xf32>,
        %get3A_1623 = arith.constant 2 : i32
        %get3A_1624 = arith.index_cast %get3A_1623 : i32 to index
        %get3A_1625 = arith.index_cast %scan3A_1500 : i32 to index
        %get3A_1626 = arith.constant 32 : index
        %get3A_1627 = tpu.vector_load %arg13[%get3A_1624, %get3A_1625, %get3A_1626] {strides = array<i32>} : memref<4x100x64xf32, #tpu.memory_space<vmem>>, vector<16xf32>,
        %add3A_1628 = arith.addf %get3A_1627, %get3A_1509 : vector<16xf32>
        %swap3A_1629 = arith.constant 2 : i32
        %swap3A_1630 = arith.index_cast %swap3A_1629 : i32 to index
        %swap3A_1631 = arith.index_cast %scan3A_1500 : i32 to index
        %swap3A_1632 = arith.constant 32 : index
        %swap3A_1633 = tpu.vector_load %arg13[%swap3A_1630, %swap3A_1631, %swap3A_1632] {strides = array<i32>} : memref<4x100x64xf32, #tpu.memory_space<vmem>>, vector<16xf32>,
        tpu.vector_store %arg13[%swap3A_1630, %swap3A_1631, %swap3A_1632], %add3A_1628 {strides = array<i32>} : memref<4x100x64xf32, #tpu.memory_space<vmem>>, vector<16xf32>,
        %get3A_1634 = arith.constant 2 : i32
        %get3A_1635 = arith.index_cast %get3A_1634 : i32 to index
        %get3A_1636 = arith.index_cast %scan3A_1500 : i32 to index
        %get3A_1637 = arith.constant 48 : index
        %get3A_1638 = tpu.vector_load %arg13[%get3A_1635, %get3A_1636, %get3A_1637] {strides = array<i32>} : memref<4x100x64xf32, #tpu.memory_space<vmem>>, vector<16xf32>,
        %add3A_1639 = arith.addf %get3A_1638, %get3A_1512 : vector<16xf32>
        %swap3A_1640 = arith.constant 2 : i32
        %swap3A_1641 = arith.index_cast %swap3A_1640 : i32 to index
        %swap3A_1642 = arith.index_cast %scan3A_1500 : i32 to index
        %swap3A_1643 = arith.constant 48 : index
        %swap3A_1644 = tpu.vector_load %arg13[%swap3A_1641, %swap3A_1642, %swap3A_1643] {strides = array<i32>} : memref<4x100x64xf32, #tpu.memory_space<vmem>>, vector<16xf32>,
        tpu.vector_store %arg13[%swap3A_1641, %swap3A_1642, %swap3A_1643], %add3A_1639 {strides = array<i32>} : memref<4x100x64xf32, #tpu.memory_space<vmem>>, vector<16xf32>,
        %get3A_1645 = arith.constant 3 : i32
        %get3A_1646 = arith.index_cast %get3A_1645 : i32 to index
        %get3A_1647 = arith.index_cast %scan3A_1500 : i32 to index
        %get3A_1648 = arith.constant 0 : index
        %get3A_1649 = tpu.vector_load %arg13[%get3A_1646, %get3A_1647, %get3A_1648] {strides = array<i32>} : memref<4x100x64xf32, #tpu.memory_space<vmem>>, vector<16xf32>,
        %add3A_1650 = arith.addf %get3A_1649, %get3A_1503 : vector<16xf32>
        %swap3A_1651 = arith.constant 3 : i32
        %swap3A_1652 = arith.index_cast %swap3A_1651 : i32 to index
        %swap3A_1653 = arith.index_cast %scan3A_1500 : i32 to index
        %swap3A_1654 = arith.constant 0 : index
        %swap3A_1655 = tpu.vector_load %arg13[%swap3A_1652, %swap3A_1653, %swap3A_1654] {strides = array<i32>} : memref<4x100x64xf32, #tpu.memory_space<vmem>>, vector<16xf32>,
        tpu.vector_store %arg13[%swap3A_1652, %swap3A_1653, %swap3A_1654], %add3A_1650 {strides = array<i32>} : memref<4x100x64xf32, #tpu.memory_space<vmem>>, vector<16xf32>,
        %get3A_1656 = arith.constant 3 : i32
        %get3A_1657 = arith.index_cast %get3A_1656 : i32 to index
        %get3A_1658 = arith.index_cast %scan3A_1500 : i32 to index
        %get3A_1659 = arith.constant 16 : index
        %get3A_1660 = tpu.vector_load %arg13[%get3A_1657, %get3A_1658, %get3A_1659] {strides = array<i32>} : memref<4x100x64xf32, #tpu.memory_space<vmem>>, vector<16xf32>,
        %add3A_1661 = arith.addf %get3A_1660, %get3A_1506 : vector<16xf32>
        %swap3A_1662 = arith.constant 3 : i32
        %swap3A_1663 = arith.index_cast %swap3A_1662 : i32 to index
        %swap3A_1664 = arith.index_cast %scan3A_1500 : i32 to index
        %swap3A_1665 = arith.constant 16 : index
        %swap3A_1666 = tpu.vector_load %arg13[%swap3A_1663, %swap3A_1664, %swap3A_1665] {strides = array<i32>} : memref<4x100x64xf32, #tpu.memory_space<vmem>>, vector<16xf32>,
        tpu.vector_store %arg13[%swap3A_1663, %swap3A_1664, %swap3A_1665], %add3A_1661 {strides = array<i32>} : memref<4x100x64xf32, #tpu.memory_space<vmem>>, vector<16xf32>,
        %get3A_1667 = arith.constant 3 : i32
        %get3A_1668 = arith.index_cast %get3A_1667 : i32 to index
        %get3A_1669 = arith.index_cast %scan3A_1500 : i32 to index
        %get3A_1670 = arith.constant 32 : index
        %get3A_1671 = tpu.vector_load %arg13[%get3A_1668, %get3A_1669, %get3A_1670] {strides = array<i32>} : memref<4x100x64xf32, #tpu.memory_space<vmem>>, vector<16xf32>,
        %add3A_1672 = arith.addf %get3A_1671, %get3A_1509 : vector<16xf32>
        %swap3A_1673 = arith.constant 3 : i32
        %swap3A_1674 = arith.index_cast %swap3A_1673 : i32 to index
        %swap3A_1675 = arith.index_cast %scan3A_1500 : i32 to index
        %swap3A_1676 = arith.constant 32 : index
        %swap3A_1677 = tpu.vector_load %arg13[%swap3A_1674, %swap3A_1675, %swap3A_1676] {strides = array<i32>} : memref<4x100x64xf32, #tpu.memory_space<vmem>>, vector<16xf32>,
        tpu.vector_store %arg13[%swap3A_1674, %swap3A_1675, %swap3A_1676], %add3A_1672 {strides = array<i32>} : memref<4x100x64xf32, #tpu.memory_space<vmem>>, vector<16xf32>,
        %get3A_1678 = arith.constant 3 : i32
        %get3A_1679 = arith.index_cast %get3A_1678 : i32 to index
        %get3A_1680 = arith.index_cast %scan3A_1500 : i32 to index
        %get3A_1681 = arith.constant 48 : index
        %get3A_1682 = tpu.vector_load %arg13[%get3A_1679, %get3A_1680, %get3A_1681] {strides = array<i32>} : memref<4x100x64xf32, #tpu.memory_space<vmem>>, vector<16xf32>,
        %add3A_1683 = arith.addf %get3A_1682, %get3A_1512 : vector<16xf32>
        %swap3A_1684 = arith.constant 3 : i32
        %swap3A_1685 = arith.index_cast %swap3A_1684 : i32 to index
        %swap3A_1686 = arith.index_cast %scan3A_1500 : i32 to index
        %swap3A_1687 = arith.constant 48 : index
        %swap3A_1688 = tpu.vector_load %arg13[%swap3A_1685, %swap3A_1686, %swap3A_1687] {strides = array<i32>} : memref<4x100x64xf32, #tpu.memory_space<vmem>>, vector<16xf32>,
        tpu.vector_store %arg13[%swap3A_1685, %swap3A_1686, %swap3A_1687], %add3A_1683 {strides = array<i32>} : memref<4x100x64xf32, #tpu.memory_space<vmem>>, vector<16xf32>,
      }
      %scan3A_477 = arith.constant 100 : i32
      %mul3A_478 = arith.constant 4 : i32
      %mul3A_479 = arith.muli %add3A_460, %mul3A_478 : i32
      %get3A_480 = arith.index_cast %mul3A_479 : i32 to index
      %get3A_481 = tpu.vector_load %arg18[%get3A_480] {strides = array<i32>} : memref<528xi32, #tpu.memory_space<vmem>>, vector<16xi32>,
      %eq3A_482 = arith.constant 0 : i32
      %eq3A_483 = vector.broadcast %eq3A_482 : i32 to vector<16xi32>
      %eq3A_484 = arith.cmpi eq, %iota3A, %eq3A_483 : vector<16xi32>
      %jit3A_485 = arith.constant 0 : i32
      %broadcast_in_dim3A_486 = vector.broadcast %jit3A_485 : i32 to vector<16xi32>
      %select_n3A_487 = arith.select %eq3A_484, %get3A_481, %broadcast_in_dim3A_486 : vector<16xi1>, vector<16xi32>
      %reduce_max3A_488 = arith.constant true
      %reduce_max3A_489 = vector.broadcast %reduce_max3A_488 : i1 to vector<16xi1>
      %reduce_max3A_490 = arith.constant -2147483648 : i32
      %reduce_max3A_491 = vector.broadcast %reduce_max3A_490 : i32 to vector<16xi32>
      %reduce_max3A_492 = arith.xori %select_n3A_487, %reduce_max3A_491 : vector<16xi32>
      %reduce_max3A_493 = tpu.scan <max>, %reduce_max3A_492 masked %reduce_max3A_489 : vector<16xi32>, vector<16xi1> -> vector<16xi32>
      %reduce_max3A_494 = arith.xori %reduce_max3A_493, %reduce_max3A_491 : vector<16xi32>
      %reduce_max3A_495 = vector.extract %reduce_max3A_494[15] : i32 from vector<16xi32>
      %get3A_496 = arith.constant 0 : index
      %get3A_497 = tpu.vector_load %arg17[%get3A_496] {strides = array<i32>} : memref<64xf32, #tpu.memory_space<vmem>>, vector<16xf32>,
      %get3A_498 = arith.index_cast %reduce_max3A_495 : i32 to index
      %get3A_499 = arith.constant 0 : index
      %get3A_500 = tpu.vector_load %arg16[%get3A_498, %get3A_499] {strides = array<i32>} : memref<100x64xf32, #tpu.memory_space<vmem>>, vector<16xf32>,
      %add3A_501 = arith.addf %get3A_497, %get3A_500 : vector<16xf32>
      %swap3A_502 = arith.constant 0 : i32
      %swap3A_503 = arith.index_cast %swap3A_502 : i32 to index
      %swap3A_504 = arith.index_cast %reduce_max3A_495 : i32 to index
      %swap3A_505 = arith.constant 0 : index
      %swap3A_506 = tpu.vector_load %arg13[%swap3A_503, %swap3A_504, %swap3A_505] {strides = array<i32>} : memref<4x100x64xf32, #tpu.memory_space<vmem>>, vector<16xf32>,
      tpu.vector_store %arg13[%swap3A_503, %swap3A_504, %swap3A_505], %add3A_501 {strides = array<i32>} : memref<4x100x64xf32, #tpu.memory_space<vmem>>, vector<16xf32>,
      %get3A_507 = arith.constant 16 : index
      %get3A_508 = tpu.vector_load %arg17[%get3A_507] {strides = array<i32>} : memref<64xf32, #tpu.memory_space<vmem>>, vector<16xf32>,
      %get3A_509 = arith.index_cast %reduce_max3A_495 : i32 to index
      %get3A_510 = arith.constant 16 : index
      %get3A_511 = tpu.vector_load %arg16[%get3A_509, %get3A_510] {strides = array<i32>} : memref<100x64xf32, #tpu.memory_space<vmem>>, vector<16xf32>,
      %add3A_512 = arith.addf %get3A_508, %get3A_511 : vector<16xf32>
      %swap3A_513 = arith.constant 0 : i32
      %swap3A_514 = arith.index_cast %swap3A_513 : i32 to index
      %swap3A_515 = arith.index_cast %reduce_max3A_495 : i32 to index
      %swap3A_516 = arith.constant 16 : index
      %swap3A_517 = tpu.vector_load %arg13[%swap3A_514, %swap3A_515, %swap3A_516] {strides = array<i32>} : memref<4x100x64xf32, #tpu.memory_space<vmem>>, vector<16xf32>,
      tpu.vector_store %arg13[%swap3A_514, %swap3A_515, %swap3A_516], %add3A_512 {strides = array<i32>} : memref<4x100x64xf32, #tpu.memory_space<vmem>>, vector<16xf32>,
      %get3A_518 = arith.constant 32 : index
      %get3A_519 = tpu.vector_load %arg17[%get3A_518] {strides = array<i32>} : memref<64xf32, #tpu.memory_space<vmem>>, vector<16xf32>,
      %get3A_520 = arith.index_cast %reduce_max3A_495 : i32 to index
      %get3A_521 = arith.constant 32 : index
      %get3A_522 = tpu.vector_load %arg16[%get3A_520, %get3A_521] {strides = array<i32>} : memref<100x64xf32, #tpu.memory_space<vmem>>, vector<16xf32>,
      %add3A_523 = arith.addf %get3A_519, %get3A_522 : vector<16xf32>
      %swap3A_524 = arith.constant 0 : i32
      %swap3A_525 = arith.index_cast %swap3A_524 : i32 to index
      %swap3A_526 = arith.index_cast %reduce_max3A_495 : i32 to index
      %swap3A_527 = arith.constant 32 : index
      %swap3A_528 = tpu.vector_load %arg13[%swap3A_525, %swap3A_526, %swap3A_527] {strides = array<i32>} : memref<4x100x64xf32, #tpu.memory_space<vmem>>, vector<16xf32>,
      tpu.vector_store %arg13[%swap3A_525, %swap3A_526, %swap3A_527], %add3A_523 {strides = array<i32>} : memref<4x100x64xf32, #tpu.memory_space<vmem>>, vector<16xf32>,
      %get3A_529 = arith.constant 48 : index
      %get3A_530 = tpu.vector_load %arg17[%get3A_529] {strides = array<i32>} : memref<64xf32, #tpu.memory_space<vmem>>, vector<16xf32>,
      %get3A_531 = arith.index_cast %reduce_max3A_495 : i32 to index
      %get3A_532 = arith.constant 48 : index
      %get3A_533 = tpu.vector_load %arg16[%get3A_531, %get3A_532] {strides = array<i32>} : memref<100x64xf32, #tpu.memory_space<vmem>>, vector<16xf32>,
      %add3A_534 = arith.addf %get3A_530, %get3A_533 : vector<16xf32>
      %swap3A_535 = arith.constant 0 : i32
      %swap3A_536 = arith.index_cast %swap3A_535 : i32 to index
      %swap3A_537 = arith.index_cast %reduce_max3A_495 : i32 to index
      %swap3A_538 = arith.constant 48 : index
      %swap3A_539 = tpu.vector_load %arg13[%swap3A_536, %swap3A_537, %swap3A_538] {strides = array<i32>} : memref<4x100x64xf32, #tpu.memory_space<vmem>>, vector<16xf32>,
      tpu.vector_store %arg13[%swap3A_536, %swap3A_537, %swap3A_538], %add3A_534 {strides = array<i32>} : memref<4x100x64xf32, #tpu.memory_space<vmem>>, vector<16xf32>,
      %eq3A_540 = arith.constant 1 : i32
      %eq3A_541 = vector.broadcast %eq3A_540 : i32 to vector<16xi32>
      %eq3A_542 = arith.cmpi eq, %iota3A, %eq3A_541 : vector<16xi32>
      %jit3A_543 = arith.constant 0 : i32
      %broadcast_in_dim3A_544 = vector.broadcast %jit3A_543 : i32 to vector<16xi32>
      %select_n3A_545 = arith.select %eq3A_542, %get3A_481, %broadcast_in_dim3A_544 : vector<16xi1>, vector<16xi32>
      %reduce_max3A_546 = arith.constant true
      %reduce_max3A_547 = vector.broadcast %reduce_max3A_546 : i1 to vector<16xi1>
      %reduce_max3A_548 = arith.constant -2147483648 : i32
      %reduce_max3A_549 = vector.broadcast %reduce_max3A_548 : i32 to vector<16xi32>
      %reduce_max3A_550 = arith.xori %select_n3A_545, %reduce_max3A_549 : vector<16xi32>
      %reduce_max3A_551 = tpu.scan <max>, %reduce_max3A_550 masked %reduce_max3A_547 : vector<16xi32>, vector<16xi1> -> vector<16xi32>
      %reduce_max3A_552 = arith.xori %reduce_max3A_551, %reduce_max3A_549 : vector<16xi32>
      %reduce_max3A_553 = vector.extract %reduce_max3A_552[15] : i32 from vector<16xi32>
      %get3A_554 = arith.constant 0 : index
      %get3A_555 = tpu.vector_load %arg17[%get3A_554] {strides = array<i32>} : memref<64xf32, #tpu.memory_space<vmem>>, vector<16xf32>,
      %get3A_556 = arith.index_cast %reduce_max3A_553 : i32 to index
      %get3A_557 = arith.constant 0 : index
      %get3A_558 = tpu.vector_load %arg16[%get3A_556, %get3A_557] {strides = array<i32>} : memref<100x64xf32, #tpu.memory_space<vmem>>, vector<16xf32>,
      %add3A_559 = arith.addf %get3A_555, %get3A_558 : vector<16xf32>
      %swap3A_560 = arith.constant 1 : i32
      %swap3A_561 = arith.index_cast %swap3A_560 : i32 to index
      %swap3A_562 = arith.index_cast %reduce_max3A_553 : i32 to index
      %swap3A_563 = arith.constant 0 : index
      %swap3A_564 = tpu.vector_load %arg13[%swap3A_561, %swap3A_562, %swap3A_563] {strides = array<i32>} : memref<4x100x64xf32, #tpu.memory_space<vmem>>, vector<16xf32>,
      tpu.vector_store %arg13[%swap3A_561, %swap3A_562, %swap3A_563], %add3A_559 {strides = array<i32>} : memref<4x100x64xf32, #tpu.memory_space<vmem>>, vector<16xf32>,
      %get3A_565 = arith.constant 16 : index
      %get3A_566 = tpu.vector_load %arg17[%get3A_565] {strides = array<i32>} : memref<64xf32, #tpu.memory_space<vmem>>, vector<16xf32>,
      %get3A_567 = arith.index_cast %reduce_max3A_553 : i32 to index
      %get3A_568 = arith.constant 16 : index
      %get3A_569 = tpu.vector_load %arg16[%get3A_567, %get3A_568] {strides = array<i32>} : memref<100x64xf32, #tpu.memory_space<vmem>>, vector<16xf32>,
      %add3A_570 = arith.addf %get3A_566, %get3A_569 : vector<16xf32>
      %swap3A_571 = arith.constant 1 : i32
      %swap3A_572 = arith.index_cast %swap3A_571 : i32 to index
      %swap3A_573 = arith.index_cast %reduce_max3A_553 : i32 to index
      %swap3A_574 = arith.constant 16 : index
      %swap3A_575 = tpu.vector_load %arg13[%swap3A_572, %swap3A_573, %swap3A_574] {strides = array<i32>} : memref<4x100x64xf32, #tpu.memory_space<vmem>>, vector<16xf32>,
      tpu.vector_store %arg13[%swap3A_572, %swap3A_573, %swap3A_574], %add3A_570 {strides = array<i32>} : memref<4x100x64xf32, #tpu.memory_space<vmem>>, vector<16xf32>,
      %get3A_576 = arith.constant 32 : index
      %get3A_577 = tpu.vector_load %arg17[%get3A_576] {strides = array<i32>} : memref<64xf32, #tpu.memory_space<vmem>>, vector<16xf32>,
      %get3A_578 = arith.index_cast %reduce_max3A_553 : i32 to index
      %get3A_579 = arith.constant 32 : index
      %get3A_580 = tpu.vector_load %arg16[%get3A_578, %get3A_579] {strides = array<i32>} : memref<100x64xf32, #tpu.memory_space<vmem>>, vector<16xf32>,
      %add3A_581 = arith.addf %get3A_577, %get3A_580 : vector<16xf32>
      %swap3A_582 = arith.constant 1 : i32
      %swap3A_583 = arith.index_cast %swap3A_582 : i32 to index
      %swap3A_584 = arith.index_cast %reduce_max3A_553 : i32 to index
      %swap3A_585 = arith.constant 32 : index
      %swap3A_586 = tpu.vector_load %arg13[%swap3A_583, %swap3A_584, %swap3A_585] {strides = array<i32>} : memref<4x100x64xf32, #tpu.memory_space<vmem>>, vector<16xf32>,
      tpu.vector_store %arg13[%swap3A_583, %swap3A_584, %swap3A_585], %add3A_581 {strides = array<i32>} : memref<4x100x64xf32, #tpu.memory_space<vmem>>, vector<16xf32>,
      %get3A_587 = arith.constant 48 : index
      %get3A_588 = tpu.vector_load %arg17[%get3A_587] {strides = array<i32>} : memref<64xf32, #tpu.memory_space<vmem>>, vector<16xf32>,
      %get3A_589 = arith.index_cast %reduce_max3A_553 : i32 to index
      %get3A_590 = arith.constant 48 : index
      %get3A_591 = tpu.vector_load %arg16[%get3A_589, %get3A_590] {strides = array<i32>} : memref<100x64xf32, #tpu.memory_space<vmem>>, vector<16xf32>,
      %add3A_592 = arith.addf %get3A_588, %get3A_591 : vector<16xf32>
      %swap3A_593 = arith.constant 1 : i32
      %swap3A_594 = arith.index_cast %swap3A_593 : i32 to index
      %swap3A_595 = arith.index_cast %reduce_max3A_553 : i32 to index
      %swap3A_596 = arith.constant 48 : index
      %swap3A_597 = tpu.vector_load %arg13[%swap3A_594, %swap3A_595, %swap3A_596] {strides = array<i32>} : memref<4x100x64xf32, #tpu.memory_space<vmem>>, vector<16xf32>,
      tpu.vector_store %arg13[%swap3A_594, %swap3A_595, %swap3A_596], %add3A_592 {strides = array<i32>} : memref<4x100x64xf32, #tpu.memory_space<vmem>>, vector<16xf32>,
      %eq3A_598 = arith.constant 2 : i32
      %eq3A_599 = vector.broadcast %eq3A_598 : i32 to vector<16xi32>
      %eq3A_600 = arith.cmpi eq, %iota3A, %eq3A_599 : vector<16xi32>
      %jit3A_601 = arith.constant 0 : i32
      %broadcast_in_dim3A_602 = vector.broadcast %jit3A_601 : i32 to vector<16xi32>
      %select_n3A_603 = arith.select %eq3A_600, %get3A_481, %broadcast_in_dim3A_602 : vector<16xi1>, vector<16xi32>
      %reduce_max3A_604 = arith.constant true
      %reduce_max3A_605 = vector.broadcast %reduce_max3A_604 : i1 to vector<16xi1>
      %reduce_max3A_606 = arith.constant -2147483648 : i32
      %reduce_max3A_607 = vector.broadcast %reduce_max3A_606 : i32 to vector<16xi32>
      %reduce_max3A_608 = arith.xori %select_n3A_603, %reduce_max3A_607 : vector<16xi32>
      %reduce_max3A_609 = tpu.scan <max>, %reduce_max3A_608 masked %reduce_max3A_605 : vector<16xi32>, vector<16xi1> -> vector<16xi32>
      %reduce_max3A_610 = arith.xori %reduce_max3A_609, %reduce_max3A_607 : vector<16xi32>
      %reduce_max3A_611 = vector.extract %reduce_max3A_610[15] : i32 from vector<16xi32>
      %get3A_612 = arith.constant 0 : index
      %get3A_613 = tpu.vector_load %arg17[%get3A_612] {strides = array<i32>} : memref<64xf32, #tpu.memory_space<vmem>>, vector<16xf32>,
      %get3A_614 = arith.index_cast %reduce_max3A_611 : i32 to index
      %get3A_615 = arith.constant 0 : index
      %get3A_616 = tpu.vector_load %arg16[%get3A_614, %get3A_615] {strides = array<i32>} : memref<100x64xf32, #tpu.memory_space<vmem>>, vector<16xf32>,
      %add3A_617 = arith.addf %get3A_613, %get3A_616 : vector<16xf32>
      %swap3A_618 = arith.constant 2 : i32
      %swap3A_619 = arith.index_cast %swap3A_618 : i32 to index
      %swap3A_620 = arith.index_cast %reduce_max3A_611 : i32 to index
      %swap3A_621 = arith.constant 0 : index
      %swap3A_622 = tpu.vector_load %arg13[%swap3A_619, %swap3A_620, %swap3A_621] {strides = array<i32>} : memref<4x100x64xf32, #tpu.memory_space<vmem>>, vector<16xf32>,
      tpu.vector_store %arg13[%swap3A_619, %swap3A_620, %swap3A_621], %add3A_617 {strides = array<i32>} : memref<4x100x64xf32, #tpu.memory_space<vmem>>, vector<16xf32>,
      %get3A_623 = arith.constant 16 : index
      %get3A_624 = tpu.vector_load %arg17[%get3A_623] {strides = array<i32>} : memref<64xf32, #tpu.memory_space<vmem>>, vector<16xf32>,
      %get3A_625 = arith.index_cast %reduce_max3A_611 : i32 to index
      %get3A_626 = arith.constant 16 : index
      %get3A_627 = tpu.vector_load %arg16[%get3A_625, %get3A_626] {strides = array<i32>} : memref<100x64xf32, #tpu.memory_space<vmem>>, vector<16xf32>,
      %add3A_628 = arith.addf %get3A_624, %get3A_627 : vector<16xf32>
      %swap3A_629 = arith.constant 2 : i32
      %swap3A_630 = arith.index_cast %swap3A_629 : i32 to index
      %swap3A_631 = arith.index_cast %reduce_max3A_611 : i32 to index
      %swap3A_632 = arith.constant 16 : index
      %swap3A_633 = tpu.vector_load %arg13[%swap3A_630, %swap3A_631, %swap3A_632] {strides = array<i32>} : memref<4x100x64xf32, #tpu.memory_space<vmem>>, vector<16xf32>,
      tpu.vector_store %arg13[%swap3A_630, %swap3A_631, %swap3A_632], %add3A_628 {strides = array<i32>} : memref<4x100x64xf32, #tpu.memory_space<vmem>>, vector<16xf32>,
      %get3A_634 = arith.constant 32 : index
      %get3A_635 = tpu.vector_load %arg17[%get3A_634] {strides = array<i32>} : memref<64xf32, #tpu.memory_space<vmem>>, vector<16xf32>,
      %get3A_636 = arith.index_cast %reduce_max3A_611 : i32 to index
      %get3A_637 = arith.constant 32 : index
      %get3A_638 = tpu.vector_load %arg16[%get3A_636, %get3A_637] {strides = array<i32>} : memref<100x64xf32, #tpu.memory_space<vmem>>, vector<16xf32>,
      %add3A_639 = arith.addf %get3A_635, %get3A_638 : vector<16xf32>
      %swap3A_640 = arith.constant 2 : i32
      %swap3A_641 = arith.index_cast %swap3A_640 : i32 to index
      %swap3A_642 = arith.index_cast %reduce_max3A_611 : i32 to index
      %swap3A_643 = arith.constant 32 : index
      %swap3A_644 = tpu.vector_load %arg13[%swap3A_641, %swap3A_642, %swap3A_643] {strides = array<i32>} : memref<4x100x64xf32, #tpu.memory_space<vmem>>, vector<16xf32>,
      tpu.vector_store %arg13[%swap3A_641, %swap3A_642, %swap3A_643], %add3A_639 {strides = array<i32>} : memref<4x100x64xf32, #tpu.memory_space<vmem>>, vector<16xf32>,
      %get3A_645 = arith.constant 48 : index
      %get3A_646 = tpu.vector_load %arg17[%get3A_645] {strides = array<i32>} : memref<64xf32, #tpu.memory_space<vmem>>, vector<16xf32>,
      %get3A_647 = arith.index_cast %reduce_max3A_611 : i32 to index
      %get3A_648 = arith.constant 48 : index
      %get3A_649 = tpu.vector_load %arg16[%get3A_647, %get3A_648] {strides = array<i32>} : memref<100x64xf32, #tpu.memory_space<vmem>>, vector<16xf32>,
      %add3A_650 = arith.addf %get3A_646, %get3A_649 : vector<16xf32>
      %swap3A_651 = arith.constant 2 : i32
      %swap3A_652 = arith.index_cast %swap3A_651 : i32 to index
      %swap3A_653 = arith.index_cast %reduce_max3A_611 : i32 to index
      %swap3A_654 = arith.constant 48 : index
      %swap3A_655 = tpu.vector_load %arg13[%swap3A_652, %swap3A_653, %swap3A_654] {strides = array<i32>} : memref<4x100x64xf32, #tpu.memory_space<vmem>>, vector<16xf32>,
      tpu.vector_store %arg13[%swap3A_652, %swap3A_653, %swap3A_654], %add3A_650 {strides = array<i32>} : memref<4x100x64xf32, #tpu.memory_space<vmem>>, vector<16xf32>,
      %eq3A_656 = arith.constant 3 : i32
      %eq3A_657 = vector.broadcast %eq3A_656 : i32 to vector<16xi32>
      %eq3A_658 = arith.cmpi eq, %iota3A, %eq3A_657 : vector<16xi32>
      %jit3A_659 = arith.constant 0 : i32
      %broadcast_in_dim3A_660 = vector.broadcast %jit3A_659 : i32 to vector<16xi32>
      %select_n3A_661 = arith.select %eq3A_658, %get3A_481, %broadcast_in_dim3A_660 : vector<16xi1>, vector<16xi32>
      %reduce_max3A_662 = arith.constant true
      %reduce_max3A_663 = vector.broadcast %reduce_max3A_662 : i1 to vector<16xi1>
      %reduce_max3A_664 = arith.constant -2147483648 : i32
      %reduce_max3A_665 = vector.broadcast %reduce_max3A_664 : i32 to vector<16xi32>
      %reduce_max3A_666 = arith.xori %select_n3A_661, %reduce_max3A_665 : vector<16xi32>
      %reduce_max3A_667 = tpu.scan <max>, %reduce_max3A_666 masked %reduce_max3A_663 : vector<16xi32>, vector<16xi1> -> vector<16xi32>
      %reduce_max3A_668 = arith.xori %reduce_max3A_667, %reduce_max3A_665 : vector<16xi32>
      %reduce_max3A_669 = vector.extract %reduce_max3A_668[15] : i32 from vector<16xi32>
      %get3A_670 = arith.constant 0 : index
      %get3A_671 = tpu.vector_load %arg17[%get3A_670] {strides = array<i32>} : memref<64xf32, #tpu.memory_space<vmem>>, vector<16xf32>,
      %get3A_672 = arith.index_cast %reduce_max3A_669 : i32 to index
      %get3A_673 = arith.constant 0 : index
      %get3A_674 = tpu.vector_load %arg16[%get3A_672, %get3A_673] {strides = array<i32>} : memref<100x64xf32, #tpu.memory_space<vmem>>, vector<16xf32>,
      %add3A_675 = arith.addf %get3A_671, %get3A_674 : vector<16xf32>
      %swap3A_676 = arith.constant 3 : i32
      %swap3A_677 = arith.index_cast %swap3A_676 : i32 to index
      %swap3A_678 = arith.index_cast %reduce_max3A_669 : i32 to index
      %swap3A_679 = arith.constant 0 : index
      %swap3A_680 = tpu.vector_load %arg13[%swap3A_677, %swap3A_678, %swap3A_679] {strides = array<i32>} : memref<4x100x64xf32, #tpu.memory_space<vmem>>, vector<16xf32>,
      tpu.vector_store %arg13[%swap3A_677, %swap3A_678, %swap3A_679], %add3A_675 {strides = array<i32>} : memref<4x100x64xf32, #tpu.memory_space<vmem>>, vector<16xf32>,
      %get3A_681 = arith.constant 16 : index
      %get3A_682 = tpu.vector_load %arg17[%get3A_681] {strides = array<i32>} : memref<64xf32, #tpu.memory_space<vmem>>, vector<16xf32>,
      %get3A_683 = arith.index_cast %reduce_max3A_669 : i32 to index
      %get3A_684 = arith.constant 16 : index
      %get3A_685 = tpu.vector_load %arg16[%get3A_683, %get3A_684] {strides = array<i32>} : memref<100x64xf32, #tpu.memory_space<vmem>>, vector<16xf32>,
      %add3A_686 = arith.addf %get3A_682, %get3A_685 : vector<16xf32>
      %swap3A_687 = arith.constant 3 : i32
      %swap3A_688 = arith.index_cast %swap3A_687 : i32 to index
      %swap3A_689 = arith.index_cast %reduce_max3A_669 : i32 to index
      %swap3A_690 = arith.constant 16 : index
      %swap3A_691 = tpu.vector_load %arg13[%swap3A_688, %swap3A_689, %swap3A_690] {strides = array<i32>} : memref<4x100x64xf32, #tpu.memory_space<vmem>>, vector<16xf32>,
      tpu.vector_store %arg13[%swap3A_688, %swap3A_689, %swap3A_690], %add3A_686 {strides = array<i32>} : memref<4x100x64xf32, #tpu.memory_space<vmem>>, vector<16xf32>,
      %get3A_692 = arith.constant 32 : index
      %get3A_693 = tpu.vector_load %arg17[%get3A_692] {strides = array<i32>} : memref<64xf32, #tpu.memory_space<vmem>>, vector<16xf32>,
      %get3A_694 = arith.index_cast %reduce_max3A_669 : i32 to index
      %get3A_695 = arith.constant 32 : index
      %get3A_696 = tpu.vector_load %arg16[%get3A_694, %get3A_695] {strides = array<i32>} : memref<100x64xf32, #tpu.memory_space<vmem>>, vector<16xf32>,
      %add3A_697 = arith.addf %get3A_693, %get3A_696 : vector<16xf32>
      %swap3A_698 = arith.constant 3 : i32
      %swap3A_699 = arith.index_cast %swap3A_698 : i32 to index
      %swap3A_700 = arith.index_cast %reduce_max3A_669 : i32 to index
      %swap3A_701 = arith.constant 32 : index
      %swap3A_702 = tpu.vector_load %arg13[%swap3A_699, %swap3A_700, %swap3A_701] {strides = array<i32>} : memref<4x100x64xf32, #tpu.memory_space<vmem>>, vector<16xf32>,
      tpu.vector_store %arg13[%swap3A_699, %swap3A_700, %swap3A_701], %add3A_697 {strides = array<i32>} : memref<4x100x64xf32, #tpu.memory_space<vmem>>, vector<16xf32>,
      %get3A_703 = arith.constant 48 : index
      %get3A_704 = tpu.vector_load %arg17[%get3A_703] {strides = array<i32>} : memref<64xf32, #tpu.memory_space<vmem>>, vector<16xf32>,
      %get3A_705 = arith.index_cast %reduce_max3A_669 : i32 to index
      %get3A_706 = arith.constant 48 : index
      %get3A_707 = tpu.vector_load %arg16[%get3A_705, %get3A_706] {strides = array<i32>} : memref<100x64xf32, #tpu.memory_space<vmem>>, vector<16xf32>,
      %add3A_708 = arith.addf %get3A_704, %get3A_707 : vector<16xf32>
      %swap3A_709 = arith.constant 3 : i32
      %swap3A_710 = arith.index_cast %swap3A_709 : i32 to index
      %swap3A_711 = arith.index_cast %reduce_max3A_669 : i32 to index
      %swap3A_712 = arith.constant 48 : index
      %swap3A_713 = tpu.vector_load %arg13[%swap3A_710, %swap3A_711, %swap3A_712] {strides = array<i32>} : memref<4x100x64xf32, #tpu.memory_space<vmem>>, vector<16xf32>,
      tpu.vector_store %arg13[%swap3A_710, %swap3A_711, %swap3A_712], %add3A_708 {strides = array<i32>} : memref<4x100x64xf32, #tpu.memory_space<vmem>>, vector<16xf32>,
      %add3A_714 = arith.constant 0 : i32
      %add3A_715 = arith.addi %add3A_463, %add3A_714 : i32
      %dma_start3A_716 = arith.constant 0 : i32
      %dma_start3A_717 = arith.constant 0 : i32
      %dma_start3A_718 = arith.constant 0 : i32
      %dma_start3A_719 = tpu.memref_slice %arg13[%dma_start3A_716, %dma_start3A_717, %dma_start3A_718] : memref<4x100x64xf32, #tpu.memory_space<vmem>> -> memref<1x100x64xf32, #tpu.memory_space<vmem>>
      %dma_start3A_720 = tpu.memref_squeeze %dma_start3A_719 : memref<1x100x64xf32, #tpu.memory_space<vmem>> -> memref<100x64xf32, #tpu.memory_space<vmem>>
      %dma_start3A_721 = arith.constant 0 : i32
      %dma_start3A_722 = arith.constant 0 : i32
      %dma_start3A_723 = tpu.memref_slice %arg7[%add3A_715, %dma_start3A_721, %dma_start3A_722] : memref<16384x104x128xf32, #tpu.memory_space<hbm>> -> memref<1x100x64xf32, #tpu.memory_space<hbm>>
      %dma_start3A_724 = tpu.memref_squeeze %dma_start3A_723 : memref<1x100x64xf32, #tpu.memory_space<hbm>> -> memref<100x64xf32, #tpu.memory_space<hbm>>
      %dma_start3A_725 = arith.constant 0 : i32
      %dma_start3A_726 = arith.constant 0 : i32
      %dma_start3A_727 = tpu.memref_slice %arg7[%add3A_715, %dma_start3A_725, %dma_start3A_726] : memref<16384x104x128xf32, #tpu.memory_space<hbm>> -> memref<1x100x64xf32, #tpu.memory_space<hbm>>
      %dma_start3A_728 = tpu.memref_squeeze %dma_start3A_727 : memref<1x100x64xf32, #tpu.memory_space<hbm>> -> memref<100x64xf32, #tpu.memory_space<hbm>>
      %dma_start3A_729 = arith.constant 0 : i32
      %dma_start3A_730 = arith.constant 0 : i32
      %dma_start3A_731 = tpu.memref_slice %arg13[%dma_start3A_716, %dma_start3A_729, %dma_start3A_730] : memref<4x100x64xf32, #tpu.memory_space<vmem>> -> memref<1x100x64xf32, #tpu.memory_space<vmem>>
      %dma_start3A_732 = tpu.memref_squeeze %dma_start3A_731 : memref<1x100x64xf32, #tpu.memory_space<vmem>> -> memref<100x64xf32, #tpu.memory_space<vmem>>
      tpu.enqueue_dma source(%dma_start3A_732 : memref<100x64xf32, #tpu.memory_space<vmem>>) target(%dma_start3A_728 : memref<100x64xf32, #tpu.memory_space<hbm>>) target_semaphore(%arg24 : memref<!tpu.dma_semaphore, #tpu.memory_space<semaphore_mem>>)
      %add3A_733 = arith.constant 1 : i32
      %add3A_734 = arith.addi %add3A_463, %add3A_733 : i32
      %dma_start3A_735 = arith.constant 1 : i32
      %dma_start3A_736 = arith.constant 0 : i32
      %dma_start3A_737 = arith.constant 0 : i32
      %dma_start3A_738 = tpu.memref_slice %arg13[%dma_start3A_735, %dma_start3A_736, %dma_start3A_737] : memref<4x100x64xf32, #tpu.memory_space<vmem>> -> memref<1x100x64xf32, #tpu.memory_space<vmem>>
      %dma_start3A_739 = tpu.memref_squeeze %dma_start3A_738 : memref<1x100x64xf32, #tpu.memory_space<vmem>> -> memref<100x64xf32, #tpu.memory_space<vmem>>
      %dma_start3A_740 = arith.constant 0 : i32
      %dma_start3A_741 = arith.constant 0 : i32
      %dma_start3A_742 = tpu.memref_slice %arg7[%add3A_734, %dma_start3A_740, %dma_start3A_741] : memref<16384x104x128xf32, #tpu.memory_space<hbm>> -> memref<1x100x64xf32, #tpu.memory_space<hbm>>
      %dma_start3A_743 = tpu.memref_squeeze %dma_start3A_742 : memref<1x100x64xf32, #tpu.memory_space<hbm>> -> memref<100x64xf32, #tpu.memory_space<hbm>>
      %dma_start3A_744 = arith.constant 0 : i32
      %dma_start3A_745 = arith.constant 0 : i32
      %dma_start3A_746 = tpu.memref_slice %arg7[%add3A_734, %dma_start3A_744, %dma_start3A_745] : memref<16384x104x128xf32, #tpu.memory_space<hbm>> -> memref<1x100x64xf32, #tpu.memory_space<hbm>>
      %dma_start3A_747 = tpu.memref_squeeze %dma_start3A_746 : memref<1x100x64xf32, #tpu.memory_space<hbm>> -> memref<100x64xf32, #tpu.memory_space<hbm>>
      %dma_start3A_748 = arith.constant 0 : i32
      %dma_start3A_749 = arith.constant 0 : i32
      %dma_start3A_750 = tpu.memref_slice %arg13[%dma_start3A_735, %dma_start3A_748, %dma_start3A_749] : memref<4x100x64xf32, #tpu.memory_space<vmem>> -> memref<1x100x64xf32, #tpu.memory_space<vmem>>
      %dma_start3A_751 = tpu.memref_squeeze %dma_start3A_750 : memref<1x100x64xf32, #tpu.memory_space<vmem>> -> memref<100x64xf32, #tpu.memory_space<vmem>>
      tpu.enqueue_dma source(%dma_start3A_751 : memref<100x64xf32, #tpu.memory_space<vmem>>) target(%dma_start3A_747 : memref<100x64xf32, #tpu.memory_space<hbm>>) target_semaphore(%arg24 : memref<!tpu.dma_semaphore, #tpu.memory_space<semaphore_mem>>)
      %add3A_752 = arith.constant 2 : i32
      %add3A_753 = arith.addi %add3A_463, %add3A_752 : i32
      %dma_start3A_754 = arith.constant 2 : i32
      %dma_start3A_755 = arith.constant 0 : i32
      %dma_start3A_756 = arith.constant 0 : i32
      %dma_start3A_757 = tpu.memref_slice %arg13[%dma_start3A_754, %dma_start3A_755, %dma_start3A_756] : memref<4x100x64xf32, #tpu.memory_space<vmem>> -> memref<1x100x64xf32, #tpu.memory_space<vmem>>
      %dma_start3A_758 = tpu.memref_squeeze %dma_start3A_757 : memref<1x100x64xf32, #tpu.memory_space<vmem>> -> memref<100x64xf32, #tpu.memory_space<vmem>>
      %dma_start3A_759 = arith.constant 0 : i32
      %dma_start3A_760 = arith.constant 0 : i32
      %dma_start3A_761 = tpu.memref_slice %arg7[%add3A_753, %dma_start3A_759, %dma_start3A_760] : memref<16384x104x128xf32, #tpu.memory_space<hbm>> -> memref<1x100x64xf32, #tpu.memory_space<hbm>>
      %dma_start3A_762 = tpu.memref_squeeze %dma_start3A_761 : memref<1x100x64xf32, #tpu.memory_space<hbm>> -> memref<100x64xf32, #tpu.memory_space<hbm>>
      %dma_start3A_763 = arith.constant 0 : i32
      %dma_start3A_764 = arith.constant 0 : i32
      %dma_start3A_765 = tpu.memref_slice %arg7[%add3A_753, %dma_start3A_763, %dma_start3A_764] : memref<16384x104x128xf32, #tpu.memory_space<hbm>> -> memref<1x100x64xf32, #tpu.memory_space<hbm>>
      %dma_start3A_766 = tpu.memref_squeeze %dma_start3A_765 : memref<1x100x64xf32, #tpu.memory_space<hbm>> -> memref<100x64xf32, #tpu.memory_space<hbm>>
      %dma_start3A_767 = arith.constant 0 : i32
      %dma_start3A_768 = arith.constant 0 : i32
      %dma_start3A_769 = tpu.memref_slice %arg13[%dma_start3A_754, %dma_start3A_767, %dma_start3A_768] : memref<4x100x64xf32, #tpu.memory_space<vmem>> -> memref<1x100x64xf32, #tpu.memory_space<vmem>>
      %dma_start3A_770 = tpu.memref_squeeze %dma_start3A_769 : memref<1x100x64xf32, #tpu.memory_space<vmem>> -> memref<100x64xf32, #tpu.memory_space<vmem>>
      tpu.enqueue_dma source(%dma_start3A_770 : memref<100x64xf32, #tpu.memory_space<vmem>>) target(%dma_start3A_766 : memref<100x64xf32, #tpu.memory_space<hbm>>) target_semaphore(%arg24 : memref<!tpu.dma_semaphore, #tpu.memory_space<semaphore_mem>>)
      %add3A_771 = arith.constant 3 : i32
      %add3A_772 = arith.addi %add3A_463, %add3A_771 : i32
      %dma_start3A_773 = arith.constant 3 : i32
      %dma_start3A_774 = arith.constant 0 : i32
      %dma_start3A_775 = arith.constant 0 : i32
      %dma_start3A_776 = tpu.memref_slice %arg13[%dma_start3A_773, %dma_start3A_774, %dma_start3A_775] : memref<4x100x64xf32, #tpu.memory_space<vmem>> -> memref<1x100x64xf32, #tpu.memory_space<vmem>>
      %dma_start3A_777 = tpu.memref_squeeze %dma_start3A_776 : memref<1x100x64xf32, #tpu.memory_space<vmem>> -> memref<100x64xf32, #tpu.memory_space<vmem>>
      %dma_start3A_778 = arith.constant 0 : i32
      %dma_start3A_779 = arith.constant 0 : i32
      %dma_start3A_780 = tpu.memref_slice %arg7[%add3A_772, %dma_start3A_778, %dma_start3A_779] : memref<16384x104x128xf32, #tpu.memory_space<hbm>> -> memref<1x100x64xf32, #tpu.memory_space<hbm>>
      %dma_start3A_781 = tpu.memref_squeeze %dma_start3A_780 : memref<1x100x64xf32, #tpu.memory_space<hbm>> -> memref<100x64xf32, #tpu.memory_space<hbm>>
      %dma_start3A_782 = arith.constant 0 : i32
      %dma_start3A_783 = arith.constant 0 : i32
      %dma_start3A_784 = tpu.memref_slice %arg7[%add3A_772, %dma_start3A_782, %dma_start3A_783] : memref<16384x104x128xf32, #tpu.memory_space<hbm>> -> memref<1x100x64xf32, #tpu.memory_space<hbm>>
      %dma_start3A_785 = tpu.memref_squeeze %dma_start3A_784 : memref<1x100x64xf32, #tpu.memory_space<hbm>> -> memref<100x64xf32, #tpu.memory_space<hbm>>
      %dma_start3A_786 = arith.constant 0 : i32
      %dma_start3A_787 = arith.constant 0 : i32
      %dma_start3A_788 = tpu.memref_slice %arg13[%dma_start3A_773, %dma_start3A_786, %dma_start3A_787] : memref<4x100x64xf32, #tpu.memory_space<vmem>> -> memref<1x100x64xf32, #tpu.memory_space<vmem>>
      %dma_start3A_789 = tpu.memref_squeeze %dma_start3A_788 : memref<1x100x64xf32, #tpu.memory_space<vmem>> -> memref<100x64xf32, #tpu.memory_space<vmem>>
      tpu.enqueue_dma source(%dma_start3A_789 : memref<100x64xf32, #tpu.memory_space<vmem>>) target(%dma_start3A_785 : memref<100x64xf32, #tpu.memory_space<hbm>>) target_semaphore(%arg24 : memref<!tpu.dma_semaphore, #tpu.memory_space<semaphore_mem>>)
      %gt3A_790 = arith.constant 0 : i32
      %gt3A_791 = arith.cmpi sgt, %scan3A_122, %gt3A_790 : i32
      %convert_element_type3A_792 = arith.extui %gt3A_791 : i1 to i32
      %cond3A_793 = arith.constant 0 : i32
      %cond3A_794 = arith.cmpi ne, %convert_element_type3A_792, %cond3A_793 : i32
      scf.if %cond3A_794 {
        %dma_wait3A_1500 = arith.constant 0 : i32
        %dma_wait3A_1501 = arith.constant 0 : i32
        %dma_wait3A_1502 = arith.constant 0 : i32
        %dma_wait3A_1503 = tpu.memref_slice %arg7[%dma_wait3A_1500, %dma_wait3A_1501, %dma_wait3A_1502] : memref<16384x104x128xf32, #tpu.memory_space<hbm>> -> memref<4x100x64xf32, #tpu.memory_space<hbm>>
        %dma_wait3A_1504 = arith.constant 0 : i32
        %dma_wait3A_1505 = arith.constant 0 : i32
        %dma_wait3A_1506 = arith.constant 0 : i32
        %dma_wait3A_1507 = tpu.memref_slice %arg7[%dma_wait3A_1504, %dma_wait3A_1505, %dma_wait3A_1506] : memref<16384x104x128xf32, #tpu.memory_space<hbm>> -> memref<4x100x64xf32, #tpu.memory_space<hbm>>
        tpu.wait_dma2 semaphore(%arg26 : memref<!tpu.dma_semaphore, #tpu.memory_space<semaphore_mem>>) src(%arg15 : memref<4x100x64xf32, #tpu.memory_space<vmem>>) dst(%dma_wait3A_1507 : memref<4x100x64xf32, #tpu.memory_space<hbm>>)
      } else {
      }
      %add3A_795 = arith.constant 1 : i32
      %add3A_796 = arith.addi %mul3A_124, %add3A_795 : i32
      %add3A_797 = arith.constant 2 : i32
      %add3A_798 = arith.addi %add3A_796, %add3A_797 : i32
      %lt3A_799 = arith.constant 128 : i32
      %lt3A_800 = arith.cmpi slt, %add3A_798, %lt3A_799 : i32
      %convert_element_type3A_801 = arith.extui %lt3A_800 : i1 to i32
      %cond3A_802 = arith.constant 0 : i32
      %cond3A_803 = arith.cmpi ne, %convert_element_type3A_801, %cond3A_802 : i32
      scf.if %cond3A_803 {
        %add3A_1500 = arith.constant 1 : i32
        %add3A_1501 = arith.addi %mul3A_124, %add3A_1500 : i32
        %add3A_1502 = arith.constant 2 : i32
        %add3A_1503 = arith.addi %add3A_1501, %add3A_1502 : i32
        %mul3A_1504 = arith.constant 4 : i32
        %mul3A_1505 = arith.muli %add3A_1503, %mul3A_1504 : i32
        %add3A_1506 = arith.addi %mul3A_2, %mul3A_1505 : i32
        "tpu.region"() ({
          %run_scoped3A = tpu.sem_alloc : memref<!tpu.dma_semaphore, #tpu.memory_space<semaphore_mem>>
          %dma_start3A_1555 = arith.constant 0 : i32
          %dma_start3A_1556 = tpu.memref_slice %arg2[%add3A_1506, %dma_start3A_1555] : memref<16384x100xi32, #tpu.memory_space<hbm>> -> memref<4x100xi32, #tpu.memory_space<hbm>>
          %dma_start3A_1557 = arith.constant 0 : i32
          %dma_start3A_1558 = tpu.memref_slice %arg2[%add3A_1506, %dma_start3A_1557] : memref<16384x100xi32, #tpu.memory_space<hbm>> -> memref<4x100xi32, #tpu.memory_space<hbm>>
          tpu.enqueue_dma source(%dma_start3A_1558 : memref<4x100xi32, #tpu.memory_space<hbm>>) target(%arg11 : memref<4x100xi32, #tpu.memory_space<vmem>>) target_semaphore(%run_scoped3A : memref<!tpu.dma_semaphore, #tpu.memory_space<semaphore_mem>>)
          %dma_wait3A_1559 = arith.constant 0 : i32
          %dma_wait3A_1560 = tpu.memref_slice %arg2[%add3A_1506, %dma_wait3A_1559] : memref<16384x100xi32, #tpu.memory_space<hbm>> -> memref<4x100xi32, #tpu.memory_space<hbm>>
          %dma_wait3A_1561 = arith.constant 0 : i32
          %dma_wait3A_1562 = tpu.memref_slice %arg2[%add3A_1506, %dma_wait3A_1561] : memref<16384x100xi32, #tpu.memory_space<hbm>> -> memref<4x100xi32, #tpu.memory_space<hbm>>
          tpu.wait_dma2 semaphore(%run_scoped3A : memref<!tpu.dma_semaphore, #tpu.memory_space<semaphore_mem>>) src(%dma_wait3A_1562 : memref<4x100xi32, #tpu.memory_space<hbm>>) dst(%arg11 : memref<4x100xi32, #tpu.memory_space<vmem>>)
          tpu.yield
        }) : () -> ()
        %dma_start3A_1507 = arith.constant 0 : i32
        %dma_start3A_1508 = arith.constant 0 : i32
        %dma_start3A_1509 = arith.constant 0 : i32
        %dma_start3A_1510 = arith.constant 0 : i32
        %dma_start3A_1511 = tpu.memref_slice %arg15[%dma_start3A_1508, %dma_start3A_1509, %dma_start3A_1510] : memref<4x100x64xf32, #tpu.memory_space<vmem>> -> memref<1x100x64xf32, #tpu.memory_space<vmem>>
        %dma_start3A_1512 = tpu.memref_squeeze %dma_start3A_1511 : memref<1x100x64xf32, #tpu.memory_space<vmem>> -> memref<100x64xf32, #tpu.memory_space<vmem>>
        %dma_start3A_1513 = arith.constant 0 : i32
        %dma_start3A_1514 = tpu.memref_slice %arg11[%dma_start3A_1507, %dma_start3A_1513] : memref<4x100xi32, #tpu.memory_space<vmem>> -> memref<1x100xi32, #tpu.memory_space<vmem>>
        %dma_start3A_1515 = tpu.memref_squeeze %dma_start3A_1514 : memref<1x100xi32, #tpu.memory_space<vmem>> -> memref<100xi32, #tpu.memory_space<vmem>>
        %dma_start3A_1516 = arith.constant 0 : i32
        %dma_start3A_1517 = arith.constant 0 : i32
        %dma_start3A_1518 = tpu.memref_slice %arg5[%dma_start3A_1516, %dma_start3A_1517] : memref<1000000x64xf32, #tpu.memory_space<hbm>> -> memref<1000000x64xf32, #tpu.memory_space<hbm>>
        tpu.enqueue_indirect_dma source(%dma_start3A_1518 : memref<1000000x64xf32, #tpu.memory_space<hbm>>) target(%dma_start3A_1512 : memref<100x64xf32, #tpu.memory_space<vmem>>) offsets(%dma_start3A_1515 : memref<100xi32, #tpu.memory_space<vmem>>) semaphore(%arg22 : memref<!tpu.dma_semaphore, #tpu.memory_space<semaphore_mem>>)
        %dma_start3A_1519 = arith.constant 1 : i32
        %dma_start3A_1520 = arith.constant 1 : i32
        %dma_start3A_1521 = arith.constant 0 : i32
        %dma_start3A_1522 = arith.constant 0 : i32
        %dma_start3A_1523 = tpu.memref_slice %arg15[%dma_start3A_1520, %dma_start3A_1521, %dma_start3A_1522] : memref<4x100x64xf32, #tpu.memory_space<vmem>> -> memref<1x100x64xf32, #tpu.memory_space<vmem>>
        %dma_start3A_1524 = tpu.memref_squeeze %dma_start3A_1523 : memref<1x100x64xf32, #tpu.memory_space<vmem>> -> memref<100x64xf32, #tpu.memory_space<vmem>>
        %dma_start3A_1525 = arith.constant 0 : i32
        %dma_start3A_1526 = tpu.memref_slice %arg11[%dma_start3A_1519, %dma_start3A_1525] : memref<4x100xi32, #tpu.memory_space<vmem>> -> memref<1x100xi32, #tpu.memory_space<vmem>>
        %dma_start3A_1527 = tpu.memref_squeeze %dma_start3A_1526 : memref<1x100xi32, #tpu.memory_space<vmem>> -> memref<100xi32, #tpu.memory_space<vmem>>
        %dma_start3A_1528 = arith.constant 0 : i32
        %dma_start3A_1529 = arith.constant 0 : i32
        %dma_start3A_1530 = tpu.memref_slice %arg5[%dma_start3A_1528, %dma_start3A_1529] : memref<1000000x64xf32, #tpu.memory_space<hbm>> -> memref<1000000x64xf32, #tpu.memory_space<hbm>>
        tpu.enqueue_indirect_dma source(%dma_start3A_1530 : memref<1000000x64xf32, #tpu.memory_space<hbm>>) target(%dma_start3A_1524 : memref<100x64xf32, #tpu.memory_space<vmem>>) offsets(%dma_start3A_1527 : memref<100xi32, #tpu.memory_space<vmem>>) semaphore(%arg22 : memref<!tpu.dma_semaphore, #tpu.memory_space<semaphore_mem>>)
        %dma_start3A_1531 = arith.constant 2 : i32
        %dma_start3A_1532 = arith.constant 2 : i32
        %dma_start3A_1533 = arith.constant 0 : i32
        %dma_start3A_1534 = arith.constant 0 : i32
        %dma_start3A_1535 = tpu.memref_slice %arg15[%dma_start3A_1532, %dma_start3A_1533, %dma_start3A_1534] : memref<4x100x64xf32, #tpu.memory_space<vmem>> -> memref<1x100x64xf32, #tpu.memory_space<vmem>>
        %dma_start3A_1536 = tpu.memref_squeeze %dma_start3A_1535 : memref<1x100x64xf32, #tpu.memory_space<vmem>> -> memref<100x64xf32, #tpu.memory_space<vmem>>
        %dma_start3A_1537 = arith.constant 0 : i32
        %dma_start3A_1538 = tpu.memref_slice %arg11[%dma_start3A_1531, %dma_start3A_1537] : memref<4x100xi32, #tpu.memory_space<vmem>> -> memref<1x100xi32, #tpu.memory_space<vmem>>
        %dma_start3A_1539 = tpu.memref_squeeze %dma_start3A_1538 : memref<1x100xi32, #tpu.memory_space<vmem>> -> memref<100xi32, #tpu.memory_space<vmem>>
        %dma_start3A_1540 = arith.constant 0 : i32
        %dma_start3A_1541 = arith.constant 0 : i32
        %dma_start3A_1542 = tpu.memref_slice %arg5[%dma_start3A_1540, %dma_start3A_1541] : memref<1000000x64xf32, #tpu.memory_space<hbm>> -> memref<1000000x64xf32, #tpu.memory_space<hbm>>
        tpu.enqueue_indirect_dma source(%dma_start3A_1542 : memref<1000000x64xf32, #tpu.memory_space<hbm>>) target(%dma_start3A_1536 : memref<100x64xf32, #tpu.memory_space<vmem>>) offsets(%dma_start3A_1539 : memref<100xi32, #tpu.memory_space<vmem>>) semaphore(%arg22 : memref<!tpu.dma_semaphore, #tpu.memory_space<semaphore_mem>>)
        %dma_start3A_1543 = arith.constant 3 : i32
        %dma_start3A_1544 = arith.constant 3 : i32
        %dma_start3A_1545 = arith.constant 0 : i32
        %dma_start3A_1546 = arith.constant 0 : i32
        %dma_start3A_1547 = tpu.memref_slice %arg15[%dma_start3A_1544, %dma_start3A_1545, %dma_start3A_1546] : memref<4x100x64xf32, #tpu.memory_space<vmem>> -> memref<1x100x64xf32, #tpu.memory_space<vmem>>
        %dma_start3A_1548 = tpu.memref_squeeze %dma_start3A_1547 : memref<1x100x64xf32, #tpu.memory_space<vmem>> -> memref<100x64xf32, #tpu.memory_space<vmem>>
        %dma_start3A_1549 = arith.constant 0 : i32
        %dma_start3A_1550 = tpu.memref_slice %arg11[%dma_start3A_1543, %dma_start3A_1549] : memref<4x100xi32, #tpu.memory_space<vmem>> -> memref<1x100xi32, #tpu.memory_space<vmem>>
        %dma_start3A_1551 = tpu.memref_squeeze %dma_start3A_1550 : memref<1x100xi32, #tpu.memory_space<vmem>> -> memref<100xi32, #tpu.memory_space<vmem>>
        %dma_start3A_1552 = arith.constant 0 : i32
        %dma_start3A_1553 = arith.constant 0 : i32
        %dma_start3A_1554 = tpu.memref_slice %arg5[%dma_start3A_1552, %dma_start3A_1553] : memref<1000000x64xf32, #tpu.memory_space<hbm>> -> memref<1000000x64xf32, #tpu.memory_space<hbm>>
        tpu.enqueue_indirect_dma source(%dma_start3A_1554 : memref<1000000x64xf32, #tpu.memory_space<hbm>>) target(%dma_start3A_1548 : memref<100x64xf32, #tpu.memory_space<vmem>>) offsets(%dma_start3A_1551 : memref<100xi32, #tpu.memory_space<vmem>>) semaphore(%arg22 : memref<!tpu.dma_semaphore, #tpu.memory_space<semaphore_mem>>)
      } else {
      }
      %add3A_804 = arith.constant 2 : i32
      %add3A_805 = arith.addi %mul3A_124, %add3A_804 : i32
      %mul3A_806 = arith.constant 4 : i32
      %mul3A_807 = arith.muli %add3A_805, %mul3A_806 : i32
      %add3A_808 = arith.addi %mul3A_2, %mul3A_807 : i32
      %dma_wait3A_809 = arith.constant 0 : i32
      %dma_wait3A_810 = arith.constant 0 : i32
      %dma_wait3A_811 = arith.constant 0 : i32
      %dma_wait3A_812 = tpu.memref_slice %arg7[%dma_wait3A_809, %dma_wait3A_810, %dma_wait3A_811] : memref<16384x104x128xf32, #tpu.memory_space<hbm>> -> memref<4x100x64xf32, #tpu.memory_space<hbm>>
      %dma_wait3A_813 = arith.constant 0 : i32
      %dma_wait3A_814 = arith.constant 0 : i32
      %dma_wait3A_815 = arith.constant 0 : i32
      %dma_wait3A_816 = tpu.memref_slice %arg7[%dma_wait3A_813, %dma_wait3A_814, %dma_wait3A_815] : memref<16384x104x128xf32, #tpu.memory_space<hbm>> -> memref<4x100x64xf32, #tpu.memory_space<hbm>>
      tpu.wait_dma2 semaphore(%arg21 : memref<!tpu.dma_semaphore, #tpu.memory_space<semaphore_mem>>) src(%dma_wait3A_816 : memref<4x100x64xf32, #tpu.memory_space<hbm>>) dst(%arg14 : memref<4x100x64xf32, #tpu.memory_space<vmem>>)
      %scan3A_817 = arith.constant 0 : i32
      %scan3A_818 = arith.constant 0 : i32
      %scan3A_819 = arith.constant 100 : i32
      %scan3A_820 = arith.addi %scan3A_818, %scan3A_819 : i32
      %scan3A_821 = arith.constant 1 : i32
      scf.for %scan3A_1500 = %scan3A_818 to %scan3A_820 step %scan3A_821  : i32 {
        %get3A_1501 = arith.index_cast %scan3A_1500 : i32 to index
        %get3A_1502 = arith.constant 0 : index
        %get3A_1503 = tpu.vector_load %arg16[%get3A_1501, %get3A_1502] {strides = array<i32>} : memref<100x64xf32, #tpu.memory_space<vmem>>, vector<16xf32>,
        %get3A_1504 = arith.index_cast %scan3A_1500 : i32 to index
        %get3A_1505 = arith.constant 16 : index
        %get3A_1506 = tpu.vector_load %arg16[%get3A_1504, %get3A_1505] {strides = array<i32>} : memref<100x64xf32, #tpu.memory_space<vmem>>, vector<16xf32>,
        %get3A_1507 = arith.index_cast %scan3A_1500 : i32 to index
        %get3A_1508 = arith.constant 32 : index
        %get3A_1509 = tpu.vector_load %arg16[%get3A_1507, %get3A_1508] {strides = array<i32>} : memref<100x64xf32, #tpu.memory_space<vmem>>, vector<16xf32>,
        %get3A_1510 = arith.index_cast %scan3A_1500 : i32 to index
        %get3A_1511 = arith.constant 48 : index
        %get3A_1512 = tpu.vector_load %arg16[%get3A_1510, %get3A_1511] {strides = array<i32>} : memref<100x64xf32, #tpu.memory_space<vmem>>, vector<16xf32>,
        %get3A_1513 = arith.constant 0 : i32
        %get3A_1514 = arith.index_cast %get3A_1513 : i32 to index
        %get3A_1515 = arith.index_cast %scan3A_1500 : i32 to index
        %get3A_1516 = arith.constant 0 : index
        %get3A_1517 = tpu.vector_load %arg14[%get3A_1514, %get3A_1515, %get3A_1516] {strides = array<i32>} : memref<4x100x64xf32, #tpu.memory_space<vmem>>, vector<16xf32>,
        %add3A_1518 = arith.addf %get3A_1517, %get3A_1503 : vector<16xf32>
        %swap3A_1519 = arith.constant 0 : i32
        %swap3A_1520 = arith.index_cast %swap3A_1519 : i32 to index
        %swap3A_1521 = arith.index_cast %scan3A_1500 : i32 to index
        %swap3A_1522 = arith.constant 0 : index
        %swap3A_1523 = tpu.vector_load %arg14[%swap3A_1520, %swap3A_1521, %swap3A_1522] {strides = array<i32>} : memref<4x100x64xf32, #tpu.memory_space<vmem>>, vector<16xf32>,
        tpu.vector_store %arg14[%swap3A_1520, %swap3A_1521, %swap3A_1522], %add3A_1518 {strides = array<i32>} : memref<4x100x64xf32, #tpu.memory_space<vmem>>, vector<16xf32>,
        %get3A_1524 = arith.constant 0 : i32
        %get3A_1525 = arith.index_cast %get3A_1524 : i32 to index
        %get3A_1526 = arith.index_cast %scan3A_1500 : i32 to index
        %get3A_1527 = arith.constant 16 : index
        %get3A_1528 = tpu.vector_load %arg14[%get3A_1525, %get3A_1526, %get3A_1527] {strides = array<i32>} : memref<4x100x64xf32, #tpu.memory_space<vmem>>, vector<16xf32>,
        %add3A_1529 = arith.addf %get3A_1528, %get3A_1506 : vector<16xf32>
        %swap3A_1530 = arith.constant 0 : i32
        %swap3A_1531 = arith.index_cast %swap3A_1530 : i32 to index
        %swap3A_1532 = arith.index_cast %scan3A_1500 : i32 to index
        %swap3A_1533 = arith.constant 16 : index
        %swap3A_1534 = tpu.vector_load %arg14[%swap3A_1531, %swap3A_1532, %swap3A_1533] {strides = array<i32>} : memref<4x100x64xf32, #tpu.memory_space<vmem>>, vector<16xf32>,
        tpu.vector_store %arg14[%swap3A_1531, %swap3A_1532, %swap3A_1533], %add3A_1529 {strides = array<i32>} : memref<4x100x64xf32, #tpu.memory_space<vmem>>, vector<16xf32>,
        %get3A_1535 = arith.constant 0 : i32
        %get3A_1536 = arith.index_cast %get3A_1535 : i32 to index
        %get3A_1537 = arith.index_cast %scan3A_1500 : i32 to index
        %get3A_1538 = arith.constant 32 : index
        %get3A_1539 = tpu.vector_load %arg14[%get3A_1536, %get3A_1537, %get3A_1538] {strides = array<i32>} : memref<4x100x64xf32, #tpu.memory_space<vmem>>, vector<16xf32>,
        %add3A_1540 = arith.addf %get3A_1539, %get3A_1509 : vector<16xf32>
        %swap3A_1541 = arith.constant 0 : i32
        %swap3A_1542 = arith.index_cast %swap3A_1541 : i32 to index
        %swap3A_1543 = arith.index_cast %scan3A_1500 : i32 to index
        %swap3A_1544 = arith.constant 32 : index
        %swap3A_1545 = tpu.vector_load %arg14[%swap3A_1542, %swap3A_1543, %swap3A_1544] {strides = array<i32>} : memref<4x100x64xf32, #tpu.memory_space<vmem>>, vector<16xf32>,
        tpu.vector_store %arg14[%swap3A_1542, %swap3A_1543, %swap3A_1544], %add3A_1540 {strides = array<i32>} : memref<4x100x64xf32, #tpu.memory_space<vmem>>, vector<16xf32>,
        %get3A_1546 = arith.constant 0 : i32
        %get3A_1547 = arith.index_cast %get3A_1546 : i32 to index
        %get3A_1548 = arith.index_cast %scan3A_1500 : i32 to index
        %get3A_1549 = arith.constant 48 : index
        %get3A_1550 = tpu.vector_load %arg14[%get3A_1547, %get3A_1548, %get3A_1549] {strides = array<i32>} : memref<4x100x64xf32, #tpu.memory_space<vmem>>, vector<16xf32>,
        %add3A_1551 = arith.addf %get3A_1550, %get3A_1512 : vector<16xf32>
        %swap3A_1552 = arith.constant 0 : i32
        %swap3A_1553 = arith.index_cast %swap3A_1552 : i32 to index
        %swap3A_1554 = arith.index_cast %scan3A_1500 : i32 to index
        %swap3A_1555 = arith.constant 48 : index
        %swap3A_1556 = tpu.vector_load %arg14[%swap3A_1553, %swap3A_1554, %swap3A_1555] {strides = array<i32>} : memref<4x100x64xf32, #tpu.memory_space<vmem>>, vector<16xf32>,
        tpu.vector_store %arg14[%swap3A_1553, %swap3A_1554, %swap3A_1555], %add3A_1551 {strides = array<i32>} : memref<4x100x64xf32, #tpu.memory_space<vmem>>, vector<16xf32>,
        %get3A_1557 = arith.constant 1 : i32
        %get3A_1558 = arith.index_cast %get3A_1557 : i32 to index
        %get3A_1559 = arith.index_cast %scan3A_1500 : i32 to index
        %get3A_1560 = arith.constant 0 : index
        %get3A_1561 = tpu.vector_load %arg14[%get3A_1558, %get3A_1559, %get3A_1560] {strides = array<i32>} : memref<4x100x64xf32, #tpu.memory_space<vmem>>, vector<16xf32>,
        %add3A_1562 = arith.addf %get3A_1561, %get3A_1503 : vector<16xf32>
        %swap3A_1563 = arith.constant 1 : i32
        %swap3A_1564 = arith.index_cast %swap3A_1563 : i32 to index
        %swap3A_1565 = arith.index_cast %scan3A_1500 : i32 to index
        %swap3A_1566 = arith.constant 0 : index
        %swap3A_1567 = tpu.vector_load %arg14[%swap3A_1564, %swap3A_1565, %swap3A_1566] {strides = array<i32>} : memref<4x100x64xf32, #tpu.memory_space<vmem>>, vector<16xf32>,
        tpu.vector_store %arg14[%swap3A_1564, %swap3A_1565, %swap3A_1566], %add3A_1562 {strides = array<i32>} : memref<4x100x64xf32, #tpu.memory_space<vmem>>, vector<16xf32>,
        %get3A_1568 = arith.constant 1 : i32
        %get3A_1569 = arith.index_cast %get3A_1568 : i32 to index
        %get3A_1570 = arith.index_cast %scan3A_1500 : i32 to index
        %get3A_1571 = arith.constant 16 : index
        %get3A_1572 = tpu.vector_load %arg14[%get3A_1569, %get3A_1570, %get3A_1571] {strides = array<i32>} : memref<4x100x64xf32, #tpu.memory_space<vmem>>, vector<16xf32>,
        %add3A_1573 = arith.addf %get3A_1572, %get3A_1506 : vector<16xf32>
        %swap3A_1574 = arith.constant 1 : i32
        %swap3A_1575 = arith.index_cast %swap3A_1574 : i32 to index
        %swap3A_1576 = arith.index_cast %scan3A_1500 : i32 to index
        %swap3A_1577 = arith.constant 16 : index
        %swap3A_1578 = tpu.vector_load %arg14[%swap3A_1575, %swap3A_1576, %swap3A_1577] {strides = array<i32>} : memref<4x100x64xf32, #tpu.memory_space<vmem>>, vector<16xf32>,
        tpu.vector_store %arg14[%swap3A_1575, %swap3A_1576, %swap3A_1577], %add3A_1573 {strides = array<i32>} : memref<4x100x64xf32, #tpu.memory_space<vmem>>, vector<16xf32>,
        %get3A_1579 = arith.constant 1 : i32
        %get3A_1580 = arith.index_cast %get3A_1579 : i32 to index
        %get3A_1581 = arith.index_cast %scan3A_1500 : i32 to index
        %get3A_1582 = arith.constant 32 : index
        %get3A_1583 = tpu.vector_load %arg14[%get3A_1580, %get3A_1581, %get3A_1582] {strides = array<i32>} : memref<4x100x64xf32, #tpu.memory_space<vmem>>, vector<16xf32>,
        %add3A_1584 = arith.addf %get3A_1583, %get3A_1509 : vector<16xf32>
        %swap3A_1585 = arith.constant 1 : i32
        %swap3A_1586 = arith.index_cast %swap3A_1585 : i32 to index
        %swap3A_1587 = arith.index_cast %scan3A_1500 : i32 to index
        %swap3A_1588 = arith.constant 32 : index
        %swap3A_1589 = tpu.vector_load %arg14[%swap3A_1586, %swap3A_1587, %swap3A_1588] {strides = array<i32>} : memref<4x100x64xf32, #tpu.memory_space<vmem>>, vector<16xf32>,
        tpu.vector_store %arg14[%swap3A_1586, %swap3A_1587, %swap3A_1588], %add3A_1584 {strides = array<i32>} : memref<4x100x64xf32, #tpu.memory_space<vmem>>, vector<16xf32>,
        %get3A_1590 = arith.constant 1 : i32
        %get3A_1591 = arith.index_cast %get3A_1590 : i32 to index
        %get3A_1592 = arith.index_cast %scan3A_1500 : i32 to index
        %get3A_1593 = arith.constant 48 : index
        %get3A_1594 = tpu.vector_load %arg14[%get3A_1591, %get3A_1592, %get3A_1593] {strides = array<i32>} : memref<4x100x64xf32, #tpu.memory_space<vmem>>, vector<16xf32>,
        %add3A_1595 = arith.addf %get3A_1594, %get3A_1512 : vector<16xf32>
        %swap3A_1596 = arith.constant 1 : i32
        %swap3A_1597 = arith.index_cast %swap3A_1596 : i32 to index
        %swap3A_1598 = arith.index_cast %scan3A_1500 : i32 to index
        %swap3A_1599 = arith.constant 48 : index
        %swap3A_1600 = tpu.vector_load %arg14[%swap3A_1597, %swap3A_1598, %swap3A_1599] {strides = array<i32>} : memref<4x100x64xf32, #tpu.memory_space<vmem>>, vector<16xf32>,
        tpu.vector_store %arg14[%swap3A_1597, %swap3A_1598, %swap3A_1599], %add3A_1595 {strides = array<i32>} : memref<4x100x64xf32, #tpu.memory_space<vmem>>, vector<16xf32>,
        %get3A_1601 = arith.constant 2 : i32
        %get3A_1602 = arith.index_cast %get3A_1601 : i32 to index
        %get3A_1603 = arith.index_cast %scan3A_1500 : i32 to index
        %get3A_1604 = arith.constant 0 : index
        %get3A_1605 = tpu.vector_load %arg14[%get3A_1602, %get3A_1603, %get3A_1604] {strides = array<i32>} : memref<4x100x64xf32, #tpu.memory_space<vmem>>, vector<16xf32>,
        %add3A_1606 = arith.addf %get3A_1605, %get3A_1503 : vector<16xf32>
        %swap3A_1607 = arith.constant 2 : i32
        %swap3A_1608 = arith.index_cast %swap3A_1607 : i32 to index
        %swap3A_1609 = arith.index_cast %scan3A_1500 : i32 to index
        %swap3A_1610 = arith.constant 0 : index
        %swap3A_1611 = tpu.vector_load %arg14[%swap3A_1608, %swap3A_1609, %swap3A_1610] {strides = array<i32>} : memref<4x100x64xf32, #tpu.memory_space<vmem>>, vector<16xf32>,
        tpu.vector_store %arg14[%swap3A_1608, %swap3A_1609, %swap3A_1610], %add3A_1606 {strides = array<i32>} : memref<4x100x64xf32, #tpu.memory_space<vmem>>, vector<16xf32>,
        %get3A_1612 = arith.constant 2 : i32
        %get3A_1613 = arith.index_cast %get3A_1612 : i32 to index
        %get3A_1614 = arith.index_cast %scan3A_1500 : i32 to index
        %get3A_1615 = arith.constant 16 : index
        %get3A_1616 = tpu.vector_load %arg14[%get3A_1613, %get3A_1614, %get3A_1615] {strides = array<i32>} : memref<4x100x64xf32, #tpu.memory_space<vmem>>, vector<16xf32>,
        %add3A_1617 = arith.addf %get3A_1616, %get3A_1506 : vector<16xf32>
        %swap3A_1618 = arith.constant 2 : i32
        %swap3A_1619 = arith.index_cast %swap3A_1618 : i32 to index
        %swap3A_1620 = arith.index_cast %scan3A_1500 : i32 to index
        %swap3A_1621 = arith.constant 16 : index
        %swap3A_1622 = tpu.vector_load %arg14[%swap3A_1619, %swap3A_1620, %swap3A_1621] {strides = array<i32>} : memref<4x100x64xf32, #tpu.memory_space<vmem>>, vector<16xf32>,
        tpu.vector_store %arg14[%swap3A_1619, %swap3A_1620, %swap3A_1621], %add3A_1617 {strides = array<i32>} : memref<4x100x64xf32, #tpu.memory_space<vmem>>, vector<16xf32>,
        %get3A_1623 = arith.constant 2 : i32
        %get3A_1624 = arith.index_cast %get3A_1623 : i32 to index
        %get3A_1625 = arith.index_cast %scan3A_1500 : i32 to index
        %get3A_1626 = arith.constant 32 : index
        %get3A_1627 = tpu.vector_load %arg14[%get3A_1624, %get3A_1625, %get3A_1626] {strides = array<i32>} : memref<4x100x64xf32, #tpu.memory_space<vmem>>, vector<16xf32>,
        %add3A_1628 = arith.addf %get3A_1627, %get3A_1509 : vector<16xf32>
        %swap3A_1629 = arith.constant 2 : i32
        %swap3A_1630 = arith.index_cast %swap3A_1629 : i32 to index
        %swap3A_1631 = arith.index_cast %scan3A_1500 : i32 to index
        %swap3A_1632 = arith.constant 32 : index
        %swap3A_1633 = tpu.vector_load %arg14[%swap3A_1630, %swap3A_1631, %swap3A_1632] {strides = array<i32>} : memref<4x100x64xf32, #tpu.memory_space<vmem>>, vector<16xf32>,
        tpu.vector_store %arg14[%swap3A_1630, %swap3A_1631, %swap3A_1632], %add3A_1628 {strides = array<i32>} : memref<4x100x64xf32, #tpu.memory_space<vmem>>, vector<16xf32>,
        %get3A_1634 = arith.constant 2 : i32
        %get3A_1635 = arith.index_cast %get3A_1634 : i32 to index
        %get3A_1636 = arith.index_cast %scan3A_1500 : i32 to index
        %get3A_1637 = arith.constant 48 : index
        %get3A_1638 = tpu.vector_load %arg14[%get3A_1635, %get3A_1636, %get3A_1637] {strides = array<i32>} : memref<4x100x64xf32, #tpu.memory_space<vmem>>, vector<16xf32>,
        %add3A_1639 = arith.addf %get3A_1638, %get3A_1512 : vector<16xf32>
        %swap3A_1640 = arith.constant 2 : i32
        %swap3A_1641 = arith.index_cast %swap3A_1640 : i32 to index
        %swap3A_1642 = arith.index_cast %scan3A_1500 : i32 to index
        %swap3A_1643 = arith.constant 48 : index
        %swap3A_1644 = tpu.vector_load %arg14[%swap3A_1641, %swap3A_1642, %swap3A_1643] {strides = array<i32>} : memref<4x100x64xf32, #tpu.memory_space<vmem>>, vector<16xf32>,
        tpu.vector_store %arg14[%swap3A_1641, %swap3A_1642, %swap3A_1643], %add3A_1639 {strides = array<i32>} : memref<4x100x64xf32, #tpu.memory_space<vmem>>, vector<16xf32>,
        %get3A_1645 = arith.constant 3 : i32
        %get3A_1646 = arith.index_cast %get3A_1645 : i32 to index
        %get3A_1647 = arith.index_cast %scan3A_1500 : i32 to index
        %get3A_1648 = arith.constant 0 : index
        %get3A_1649 = tpu.vector_load %arg14[%get3A_1646, %get3A_1647, %get3A_1648] {strides = array<i32>} : memref<4x100x64xf32, #tpu.memory_space<vmem>>, vector<16xf32>,
        %add3A_1650 = arith.addf %get3A_1649, %get3A_1503 : vector<16xf32>
        %swap3A_1651 = arith.constant 3 : i32
        %swap3A_1652 = arith.index_cast %swap3A_1651 : i32 to index
        %swap3A_1653 = arith.index_cast %scan3A_1500 : i32 to index
        %swap3A_1654 = arith.constant 0 : index
        %swap3A_1655 = tpu.vector_load %arg14[%swap3A_1652, %swap3A_1653, %swap3A_1654] {strides = array<i32>} : memref<4x100x64xf32, #tpu.memory_space<vmem>>, vector<16xf32>,
        tpu.vector_store %arg14[%swap3A_1652, %swap3A_1653, %swap3A_1654], %add3A_1650 {strides = array<i32>} : memref<4x100x64xf32, #tpu.memory_space<vmem>>, vector<16xf32>,
        %get3A_1656 = arith.constant 3 : i32
        %get3A_1657 = arith.index_cast %get3A_1656 : i32 to index
        %get3A_1658 = arith.index_cast %scan3A_1500 : i32 to index
        %get3A_1659 = arith.constant 16 : index
        %get3A_1660 = tpu.vector_load %arg14[%get3A_1657, %get3A_1658, %get3A_1659] {strides = array<i32>} : memref<4x100x64xf32, #tpu.memory_space<vmem>>, vector<16xf32>,
        %add3A_1661 = arith.addf %get3A_1660, %get3A_1506 : vector<16xf32>
        %swap3A_1662 = arith.constant 3 : i32
        %swap3A_1663 = arith.index_cast %swap3A_1662 : i32 to index
        %swap3A_1664 = arith.index_cast %scan3A_1500 : i32 to index
        %swap3A_1665 = arith.constant 16 : index
        %swap3A_1666 = tpu.vector_load %arg14[%swap3A_1663, %swap3A_1664, %swap3A_1665] {strides = array<i32>} : memref<4x100x64xf32, #tpu.memory_space<vmem>>, vector<16xf32>,
        tpu.vector_store %arg14[%swap3A_1663, %swap3A_1664, %swap3A_1665], %add3A_1661 {strides = array<i32>} : memref<4x100x64xf32, #tpu.memory_space<vmem>>, vector<16xf32>,
        %get3A_1667 = arith.constant 3 : i32
        %get3A_1668 = arith.index_cast %get3A_1667 : i32 to index
        %get3A_1669 = arith.index_cast %scan3A_1500 : i32 to index
        %get3A_1670 = arith.constant 32 : index
        %get3A_1671 = tpu.vector_load %arg14[%get3A_1668, %get3A_1669, %get3A_1670] {strides = array<i32>} : memref<4x100x64xf32, #tpu.memory_space<vmem>>, vector<16xf32>,
        %add3A_1672 = arith.addf %get3A_1671, %get3A_1509 : vector<16xf32>
        %swap3A_1673 = arith.constant 3 : i32
        %swap3A_1674 = arith.index_cast %swap3A_1673 : i32 to index
        %swap3A_1675 = arith.index_cast %scan3A_1500 : i32 to index
        %swap3A_1676 = arith.constant 32 : index
        %swap3A_1677 = tpu.vector_load %arg14[%swap3A_1674, %swap3A_1675, %swap3A_1676] {strides = array<i32>} : memref<4x100x64xf32, #tpu.memory_space<vmem>>, vector<16xf32>,
        tpu.vector_store %arg14[%swap3A_1674, %swap3A_1675, %swap3A_1676], %add3A_1672 {strides = array<i32>} : memref<4x100x64xf32, #tpu.memory_space<vmem>>, vector<16xf32>,
        %get3A_1678 = arith.constant 3 : i32
        %get3A_1679 = arith.index_cast %get3A_1678 : i32 to index
        %get3A_1680 = arith.index_cast %scan3A_1500 : i32 to index
        %get3A_1681 = arith.constant 48 : index
        %get3A_1682 = tpu.vector_load %arg14[%get3A_1679, %get3A_1680, %get3A_1681] {strides = array<i32>} : memref<4x100x64xf32, #tpu.memory_space<vmem>>, vector<16xf32>,
        %add3A_1683 = arith.addf %get3A_1682, %get3A_1512 : vector<16xf32>
        %swap3A_1684 = arith.constant 3 : i32
        %swap3A_1685 = arith.index_cast %swap3A_1684 : i32 to index
        %swap3A_1686 = arith.index_cast %scan3A_1500 : i32 to index
        %swap3A_1687 = arith.constant 48 : index
        %swap3A_1688 = tpu.vector_load %arg14[%swap3A_1685, %swap3A_1686, %swap3A_1687] {strides = array<i32>} : memref<4x100x64xf32, #tpu.memory_space<vmem>>, vector<16xf32>,
        tpu.vector_store %arg14[%swap3A_1685, %swap3A_1686, %swap3A_1687], %add3A_1683 {strides = array<i32>} : memref<4x100x64xf32, #tpu.memory_space<vmem>>, vector<16xf32>,
      }
      %scan3A_822 = arith.constant 100 : i32
      %mul3A_823 = arith.constant 4 : i32
      %mul3A_824 = arith.muli %add3A_805, %mul3A_823 : i32
      %get3A_825 = arith.index_cast %mul3A_824 : i32 to index
      %get3A_826 = tpu.vector_load %arg18[%get3A_825] {strides = array<i32>} : memref<528xi32, #tpu.memory_space<vmem>>, vector<16xi32>,
      %eq3A_827 = arith.constant 0 : i32
      %eq3A_828 = vector.broadcast %eq3A_827 : i32 to vector<16xi32>
      %eq3A_829 = arith.cmpi eq, %iota3A, %eq3A_828 : vector<16xi32>
      %jit3A_830 = arith.constant 0 : i32
      %broadcast_in_dim3A_831 = vector.broadcast %jit3A_830 : i32 to vector<16xi32>
      %select_n3A_832 = arith.select %eq3A_829, %get3A_826, %broadcast_in_dim3A_831 : vector<16xi1>, vector<16xi32>
      %reduce_max3A_833 = arith.constant true
      %reduce_max3A_834 = vector.broadcast %reduce_max3A_833 : i1 to vector<16xi1>
      %reduce_max3A_835 = arith.constant -2147483648 : i32
      %reduce_max3A_836 = vector.broadcast %reduce_max3A_835 : i32 to vector<16xi32>
      %reduce_max3A_837 = arith.xori %select_n3A_832, %reduce_max3A_836 : vector<16xi32>
      %reduce_max3A_838 = tpu.scan <max>, %reduce_max3A_837 masked %reduce_max3A_834 : vector<16xi32>, vector<16xi1> -> vector<16xi32>
      %reduce_max3A_839 = arith.xori %reduce_max3A_838, %reduce_max3A_836 : vector<16xi32>
      %reduce_max3A_840 = vector.extract %reduce_max3A_839[15] : i32 from vector<16xi32>
      %get3A_841 = arith.constant 0 : index
      %get3A_842 = tpu.vector_load %arg17[%get3A_841] {strides = array<i32>} : memref<64xf32, #tpu.memory_space<vmem>>, vector<16xf32>,
      %get3A_843 = arith.index_cast %reduce_max3A_840 : i32 to index
      %get3A_844 = arith.constant 0 : index
      %get3A_845 = tpu.vector_load %arg16[%get3A_843, %get3A_844] {strides = array<i32>} : memref<100x64xf32, #tpu.memory_space<vmem>>, vector<16xf32>,
      %add3A_846 = arith.addf %get3A_842, %get3A_845 : vector<16xf32>
      %swap3A_847 = arith.constant 0 : i32
      %swap3A_848 = arith.index_cast %swap3A_847 : i32 to index
      %swap3A_849 = arith.index_cast %reduce_max3A_840 : i32 to index
      %swap3A_850 = arith.constant 0 : index
      %swap3A_851 = tpu.vector_load %arg14[%swap3A_848, %swap3A_849, %swap3A_850] {strides = array<i32>} : memref<4x100x64xf32, #tpu.memory_space<vmem>>, vector<16xf32>,
      tpu.vector_store %arg14[%swap3A_848, %swap3A_849, %swap3A_850], %add3A_846 {strides = array<i32>} : memref<4x100x64xf32, #tpu.memory_space<vmem>>, vector<16xf32>,
      %get3A_852 = arith.constant 16 : index
      %get3A_853 = tpu.vector_load %arg17[%get3A_852] {strides = array<i32>} : memref<64xf32, #tpu.memory_space<vmem>>, vector<16xf32>,
      %get3A_854 = arith.index_cast %reduce_max3A_840 : i32 to index
      %get3A_855 = arith.constant 16 : index
      %get3A_856 = tpu.vector_load %arg16[%get3A_854, %get3A_855] {strides = array<i32>} : memref<100x64xf32, #tpu.memory_space<vmem>>, vector<16xf32>,
      %add3A_857 = arith.addf %get3A_853, %get3A_856 : vector<16xf32>
      %swap3A_858 = arith.constant 0 : i32
      %swap3A_859 = arith.index_cast %swap3A_858 : i32 to index
      %swap3A_860 = arith.index_cast %reduce_max3A_840 : i32 to index
      %swap3A_861 = arith.constant 16 : index
      %swap3A_862 = tpu.vector_load %arg14[%swap3A_859, %swap3A_860, %swap3A_861] {strides = array<i32>} : memref<4x100x64xf32, #tpu.memory_space<vmem>>, vector<16xf32>,
      tpu.vector_store %arg14[%swap3A_859, %swap3A_860, %swap3A_861], %add3A_857 {strides = array<i32>} : memref<4x100x64xf32, #tpu.memory_space<vmem>>, vector<16xf32>,
      %get3A_863 = arith.constant 32 : index
      %get3A_864 = tpu.vector_load %arg17[%get3A_863] {strides = array<i32>} : memref<64xf32, #tpu.memory_space<vmem>>, vector<16xf32>,
      %get3A_865 = arith.index_cast %reduce_max3A_840 : i32 to index
      %get3A_866 = arith.constant 32 : index
      %get3A_867 = tpu.vector_load %arg16[%get3A_865, %get3A_866] {strides = array<i32>} : memref<100x64xf32, #tpu.memory_space<vmem>>, vector<16xf32>,
      %add3A_868 = arith.addf %get3A_864, %get3A_867 : vector<16xf32>
      %swap3A_869 = arith.constant 0 : i32
      %swap3A_870 = arith.index_cast %swap3A_869 : i32 to index
      %swap3A_871 = arith.index_cast %reduce_max3A_840 : i32 to index
      %swap3A_872 = arith.constant 32 : index
      %swap3A_873 = tpu.vector_load %arg14[%swap3A_870, %swap3A_871, %swap3A_872] {strides = array<i32>} : memref<4x100x64xf32, #tpu.memory_space<vmem>>, vector<16xf32>,
      tpu.vector_store %arg14[%swap3A_870, %swap3A_871, %swap3A_872], %add3A_868 {strides = array<i32>} : memref<4x100x64xf32, #tpu.memory_space<vmem>>, vector<16xf32>,
      %get3A_874 = arith.constant 48 : index
      %get3A_875 = tpu.vector_load %arg17[%get3A_874] {strides = array<i32>} : memref<64xf32, #tpu.memory_space<vmem>>, vector<16xf32>,
      %get3A_876 = arith.index_cast %reduce_max3A_840 : i32 to index
      %get3A_877 = arith.constant 48 : index
      %get3A_878 = tpu.vector_load %arg16[%get3A_876, %get3A_877] {strides = array<i32>} : memref<100x64xf32, #tpu.memory_space<vmem>>, vector<16xf32>,
      %add3A_879 = arith.addf %get3A_875, %get3A_878 : vector<16xf32>
      %swap3A_880 = arith.constant 0 : i32
      %swap3A_881 = arith.index_cast %swap3A_880 : i32 to index
      %swap3A_882 = arith.index_cast %reduce_max3A_840 : i32 to index
      %swap3A_883 = arith.constant 48 : index
      %swap3A_884 = tpu.vector_load %arg14[%swap3A_881, %swap3A_882, %swap3A_883] {strides = array<i32>} : memref<4x100x64xf32, #tpu.memory_space<vmem>>, vector<16xf32>,
      tpu.vector_store %arg14[%swap3A_881, %swap3A_882, %swap3A_883], %add3A_879 {strides = array<i32>} : memref<4x100x64xf32, #tpu.memory_space<vmem>>, vector<16xf32>,
      %eq3A_885 = arith.constant 1 : i32
      %eq3A_886 = vector.broadcast %eq3A_885 : i32 to vector<16xi32>
      %eq3A_887 = arith.cmpi eq, %iota3A, %eq3A_886 : vector<16xi32>
      %jit3A_888 = arith.constant 0 : i32
      %broadcast_in_dim3A_889 = vector.broadcast %jit3A_888 : i32 to vector<16xi32>
      %select_n3A_890 = arith.select %eq3A_887, %get3A_826, %broadcast_in_dim3A_889 : vector<16xi1>, vector<16xi32>
      %reduce_max3A_891 = arith.constant true
      %reduce_max3A_892 = vector.broadcast %reduce_max3A_891 : i1 to vector<16xi1>
      %reduce_max3A_893 = arith.constant -2147483648 : i32
      %reduce_max3A_894 = vector.broadcast %reduce_max3A_893 : i32 to vector<16xi32>
      %reduce_max3A_895 = arith.xori %select_n3A_890, %reduce_max3A_894 : vector<16xi32>
      %reduce_max3A_896 = tpu.scan <max>, %reduce_max3A_895 masked %reduce_max3A_892 : vector<16xi32>, vector<16xi1> -> vector<16xi32>
      %reduce_max3A_897 = arith.xori %reduce_max3A_896, %reduce_max3A_894 : vector<16xi32>
      %reduce_max3A_898 = vector.extract %reduce_max3A_897[15] : i32 from vector<16xi32>
      %get3A_899 = arith.constant 0 : index
      %get3A_900 = tpu.vector_load %arg17[%get3A_899] {strides = array<i32>} : memref<64xf32, #tpu.memory_space<vmem>>, vector<16xf32>,
      %get3A_901 = arith.index_cast %reduce_max3A_898 : i32 to index
      %get3A_902 = arith.constant 0 : index
      %get3A_903 = tpu.vector_load %arg16[%get3A_901, %get3A_902] {strides = array<i32>} : memref<100x64xf32, #tpu.memory_space<vmem>>, vector<16xf32>,
      %add3A_904 = arith.addf %get3A_900, %get3A_903 : vector<16xf32>
      %swap3A_905 = arith.constant 1 : i32
      %swap3A_906 = arith.index_cast %swap3A_905 : i32 to index
      %swap3A_907 = arith.index_cast %reduce_max3A_898 : i32 to index
      %swap3A_908 = arith.constant 0 : index
      %swap3A_909 = tpu.vector_load %arg14[%swap3A_906, %swap3A_907, %swap3A_908] {strides = array<i32>} : memref<4x100x64xf32, #tpu.memory_space<vmem>>, vector<16xf32>,
      tpu.vector_store %arg14[%swap3A_906, %swap3A_907, %swap3A_908], %add3A_904 {strides = array<i32>} : memref<4x100x64xf32, #tpu.memory_space<vmem>>, vector<16xf32>,
      %get3A_910 = arith.constant 16 : index
      %get3A_911 = tpu.vector_load %arg17[%get3A_910] {strides = array<i32>} : memref<64xf32, #tpu.memory_space<vmem>>, vector<16xf32>,
      %get3A_912 = arith.index_cast %reduce_max3A_898 : i32 to index
      %get3A_913 = arith.constant 16 : index
      %get3A_914 = tpu.vector_load %arg16[%get3A_912, %get3A_913] {strides = array<i32>} : memref<100x64xf32, #tpu.memory_space<vmem>>, vector<16xf32>,
      %add3A_915 = arith.addf %get3A_911, %get3A_914 : vector<16xf32>
      %swap3A_916 = arith.constant 1 : i32
      %swap3A_917 = arith.index_cast %swap3A_916 : i32 to index
      %swap3A_918 = arith.index_cast %reduce_max3A_898 : i32 to index
      %swap3A_919 = arith.constant 16 : index
      %swap3A_920 = tpu.vector_load %arg14[%swap3A_917, %swap3A_918, %swap3A_919] {strides = array<i32>} : memref<4x100x64xf32, #tpu.memory_space<vmem>>, vector<16xf32>,
      tpu.vector_store %arg14[%swap3A_917, %swap3A_918, %swap3A_919], %add3A_915 {strides = array<i32>} : memref<4x100x64xf32, #tpu.memory_space<vmem>>, vector<16xf32>,
      %get3A_921 = arith.constant 32 : index
      %get3A_922 = tpu.vector_load %arg17[%get3A_921] {strides = array<i32>} : memref<64xf32, #tpu.memory_space<vmem>>, vector<16xf32>,
      %get3A_923 = arith.index_cast %reduce_max3A_898 : i32 to index
      %get3A_924 = arith.constant 32 : index
      %get3A_925 = tpu.vector_load %arg16[%get3A_923, %get3A_924] {strides = array<i32>} : memref<100x64xf32, #tpu.memory_space<vmem>>, vector<16xf32>,
      %add3A_926 = arith.addf %get3A_922, %get3A_925 : vector<16xf32>
      %swap3A_927 = arith.constant 1 : i32
      %swap3A_928 = arith.index_cast %swap3A_927 : i32 to index
      %swap3A_929 = arith.index_cast %reduce_max3A_898 : i32 to index
      %swap3A_930 = arith.constant 32 : index
      %swap3A_931 = tpu.vector_load %arg14[%swap3A_928, %swap3A_929, %swap3A_930] {strides = array<i32>} : memref<4x100x64xf32, #tpu.memory_space<vmem>>, vector<16xf32>,
      tpu.vector_store %arg14[%swap3A_928, %swap3A_929, %swap3A_930], %add3A_926 {strides = array<i32>} : memref<4x100x64xf32, #tpu.memory_space<vmem>>, vector<16xf32>,
      %get3A_932 = arith.constant 48 : index
      %get3A_933 = tpu.vector_load %arg17[%get3A_932] {strides = array<i32>} : memref<64xf32, #tpu.memory_space<vmem>>, vector<16xf32>,
      %get3A_934 = arith.index_cast %reduce_max3A_898 : i32 to index
      %get3A_935 = arith.constant 48 : index
      %get3A_936 = tpu.vector_load %arg16[%get3A_934, %get3A_935] {strides = array<i32>} : memref<100x64xf32, #tpu.memory_space<vmem>>, vector<16xf32>,
      %add3A_937 = arith.addf %get3A_933, %get3A_936 : vector<16xf32>
      %swap3A_938 = arith.constant 1 : i32
      %swap3A_939 = arith.index_cast %swap3A_938 : i32 to index
      %swap3A_940 = arith.index_cast %reduce_max3A_898 : i32 to index
      %swap3A_941 = arith.constant 48 : index
      %swap3A_942 = tpu.vector_load %arg14[%swap3A_939, %swap3A_940, %swap3A_941] {strides = array<i32>} : memref<4x100x64xf32, #tpu.memory_space<vmem>>, vector<16xf32>,
      tpu.vector_store %arg14[%swap3A_939, %swap3A_940, %swap3A_941], %add3A_937 {strides = array<i32>} : memref<4x100x64xf32, #tpu.memory_space<vmem>>, vector<16xf32>,
      %eq3A_943 = arith.constant 2 : i32
      %eq3A_944 = vector.broadcast %eq3A_943 : i32 to vector<16xi32>
      %eq3A_945 = arith.cmpi eq, %iota3A, %eq3A_944 : vector<16xi32>
      %jit3A_946 = arith.constant 0 : i32
      %broadcast_in_dim3A_947 = vector.broadcast %jit3A_946 : i32 to vector<16xi32>
      %select_n3A_948 = arith.select %eq3A_945, %get3A_826, %broadcast_in_dim3A_947 : vector<16xi1>, vector<16xi32>
      %reduce_max3A_949 = arith.constant true
      %reduce_max3A_950 = vector.broadcast %reduce_max3A_949 : i1 to vector<16xi1>
      %reduce_max3A_951 = arith.constant -2147483648 : i32
      %reduce_max3A_952 = vector.broadcast %reduce_max3A_951 : i32 to vector<16xi32>
      %reduce_max3A_953 = arith.xori %select_n3A_948, %reduce_max3A_952 : vector<16xi32>
      %reduce_max3A_954 = tpu.scan <max>, %reduce_max3A_953 masked %reduce_max3A_950 : vector<16xi32>, vector<16xi1> -> vector<16xi32>
      %reduce_max3A_955 = arith.xori %reduce_max3A_954, %reduce_max3A_952 : vector<16xi32>
      %reduce_max3A_956 = vector.extract %reduce_max3A_955[15] : i32 from vector<16xi32>
      %get3A_957 = arith.constant 0 : index
      %get3A_958 = tpu.vector_load %arg17[%get3A_957] {strides = array<i32>} : memref<64xf32, #tpu.memory_space<vmem>>, vector<16xf32>,
      %get3A_959 = arith.index_cast %reduce_max3A_956 : i32 to index
      %get3A_960 = arith.constant 0 : index
      %get3A_961 = tpu.vector_load %arg16[%get3A_959, %get3A_960] {strides = array<i32>} : memref<100x64xf32, #tpu.memory_space<vmem>>, vector<16xf32>,
      %add3A_962 = arith.addf %get3A_958, %get3A_961 : vector<16xf32>
      %swap3A_963 = arith.constant 2 : i32
      %swap3A_964 = arith.index_cast %swap3A_963 : i32 to index
      %swap3A_965 = arith.index_cast %reduce_max3A_956 : i32 to index
      %swap3A_966 = arith.constant 0 : index
      %swap3A_967 = tpu.vector_load %arg14[%swap3A_964, %swap3A_965, %swap3A_966] {strides = array<i32>} : memref<4x100x64xf32, #tpu.memory_space<vmem>>, vector<16xf32>,
      tpu.vector_store %arg14[%swap3A_964, %swap3A_965, %swap3A_966], %add3A_962 {strides = array<i32>} : memref<4x100x64xf32, #tpu.memory_space<vmem>>, vector<16xf32>,
      %get3A_968 = arith.constant 16 : index
      %get3A_969 = tpu.vector_load %arg17[%get3A_968] {strides = array<i32>} : memref<64xf32, #tpu.memory_space<vmem>>, vector<16xf32>,
      %get3A_970 = arith.index_cast %reduce_max3A_956 : i32 to index
      %get3A_971 = arith.constant 16 : index
      %get3A_972 = tpu.vector_load %arg16[%get3A_970, %get3A_971] {strides = array<i32>} : memref<100x64xf32, #tpu.memory_space<vmem>>, vector<16xf32>,
      %add3A_973 = arith.addf %get3A_969, %get3A_972 : vector<16xf32>
      %swap3A_974 = arith.constant 2 : i32
      %swap3A_975 = arith.index_cast %swap3A_974 : i32 to index
      %swap3A_976 = arith.index_cast %reduce_max3A_956 : i32 to index
      %swap3A_977 = arith.constant 16 : index
      %swap3A_978 = tpu.vector_load %arg14[%swap3A_975, %swap3A_976, %swap3A_977] {strides = array<i32>} : memref<4x100x64xf32, #tpu.memory_space<vmem>>, vector<16xf32>,
      tpu.vector_store %arg14[%swap3A_975, %swap3A_976, %swap3A_977], %add3A_973 {strides = array<i32>} : memref<4x100x64xf32, #tpu.memory_space<vmem>>, vector<16xf32>,
      %get3A_979 = arith.constant 32 : index
      %get3A_980 = tpu.vector_load %arg17[%get3A_979] {strides = array<i32>} : memref<64xf32, #tpu.memory_space<vmem>>, vector<16xf32>,
      %get3A_981 = arith.index_cast %reduce_max3A_956 : i32 to index
      %get3A_982 = arith.constant 32 : index
      %get3A_983 = tpu.vector_load %arg16[%get3A_981, %get3A_982] {strides = array<i32>} : memref<100x64xf32, #tpu.memory_space<vmem>>, vector<16xf32>,
      %add3A_984 = arith.addf %get3A_980, %get3A_983 : vector<16xf32>
      %swap3A_985 = arith.constant 2 : i32
      %swap3A_986 = arith.index_cast %swap3A_985 : i32 to index
      %swap3A_987 = arith.index_cast %reduce_max3A_956 : i32 to index
      %swap3A_988 = arith.constant 32 : index
      %swap3A_989 = tpu.vector_load %arg14[%swap3A_986, %swap3A_987, %swap3A_988] {strides = array<i32>} : memref<4x100x64xf32, #tpu.memory_space<vmem>>, vector<16xf32>,
      tpu.vector_store %arg14[%swap3A_986, %swap3A_987, %swap3A_988], %add3A_984 {strides = array<i32>} : memref<4x100x64xf32, #tpu.memory_space<vmem>>, vector<16xf32>,
      %get3A_990 = arith.constant 48 : index
      %get3A_991 = tpu.vector_load %arg17[%get3A_990] {strides = array<i32>} : memref<64xf32, #tpu.memory_space<vmem>>, vector<16xf32>,
      %get3A_992 = arith.index_cast %reduce_max3A_956 : i32 to index
      %get3A_993 = arith.constant 48 : index
      %get3A_994 = tpu.vector_load %arg16[%get3A_992, %get3A_993] {strides = array<i32>} : memref<100x64xf32, #tpu.memory_space<vmem>>, vector<16xf32>,
      %add3A_995 = arith.addf %get3A_991, %get3A_994 : vector<16xf32>
      %swap3A_996 = arith.constant 2 : i32
      %swap3A_997 = arith.index_cast %swap3A_996 : i32 to index
      %swap3A_998 = arith.index_cast %reduce_max3A_956 : i32 to index
      %swap3A_999 = arith.constant 48 : index
      %swap3A_1000 = tpu.vector_load %arg14[%swap3A_997, %swap3A_998, %swap3A_999] {strides = array<i32>} : memref<4x100x64xf32, #tpu.memory_space<vmem>>, vector<16xf32>,
      tpu.vector_store %arg14[%swap3A_997, %swap3A_998, %swap3A_999], %add3A_995 {strides = array<i32>} : memref<4x100x64xf32, #tpu.memory_space<vmem>>, vector<16xf32>,
      %eq3A_1001 = arith.constant 3 : i32
      %eq3A_1002 = vector.broadcast %eq3A_1001 : i32 to vector<16xi32>
      %eq3A_1003 = arith.cmpi eq, %iota3A, %eq3A_1002 : vector<16xi32>
      %jit3A_1004 = arith.constant 0 : i32
      %broadcast_in_dim3A_1005 = vector.broadcast %jit3A_1004 : i32 to vector<16xi32>
      %select_n3A_1006 = arith.select %eq3A_1003, %get3A_826, %broadcast_in_dim3A_1005 : vector<16xi1>, vector<16xi32>
      %reduce_max3A_1007 = arith.constant true
      %reduce_max3A_1008 = vector.broadcast %reduce_max3A_1007 : i1 to vector<16xi1>
      %reduce_max3A_1009 = arith.constant -2147483648 : i32
      %reduce_max3A_1010 = vector.broadcast %reduce_max3A_1009 : i32 to vector<16xi32>
      %reduce_max3A_1011 = arith.xori %select_n3A_1006, %reduce_max3A_1010 : vector<16xi32>
      %reduce_max3A_1012 = tpu.scan <max>, %reduce_max3A_1011 masked %reduce_max3A_1008 : vector<16xi32>, vector<16xi1> -> vector<16xi32>
      %reduce_max3A_1013 = arith.xori %reduce_max3A_1012, %reduce_max3A_1010 : vector<16xi32>
      %reduce_max3A_1014 = vector.extract %reduce_max3A_1013[15] : i32 from vector<16xi32>
      %get3A_1015 = arith.constant 0 : index
      %get3A_1016 = tpu.vector_load %arg17[%get3A_1015] {strides = array<i32>} : memref<64xf32, #tpu.memory_space<vmem>>, vector<16xf32>,
      %get3A_1017 = arith.index_cast %reduce_max3A_1014 : i32 to index
      %get3A_1018 = arith.constant 0 : index
      %get3A_1019 = tpu.vector_load %arg16[%get3A_1017, %get3A_1018] {strides = array<i32>} : memref<100x64xf32, #tpu.memory_space<vmem>>, vector<16xf32>,
      %add3A_1020 = arith.addf %get3A_1016, %get3A_1019 : vector<16xf32>
      %swap3A_1021 = arith.constant 3 : i32
      %swap3A_1022 = arith.index_cast %swap3A_1021 : i32 to index
      %swap3A_1023 = arith.index_cast %reduce_max3A_1014 : i32 to index
      %swap3A_1024 = arith.constant 0 : index
      %swap3A_1025 = tpu.vector_load %arg14[%swap3A_1022, %swap3A_1023, %swap3A_1024] {strides = array<i32>} : memref<4x100x64xf32, #tpu.memory_space<vmem>>, vector<16xf32>,
      tpu.vector_store %arg14[%swap3A_1022, %swap3A_1023, %swap3A_1024], %add3A_1020 {strides = array<i32>} : memref<4x100x64xf32, #tpu.memory_space<vmem>>, vector<16xf32>,
      %get3A_1026 = arith.constant 16 : index
      %get3A_1027 = tpu.vector_load %arg17[%get3A_1026] {strides = array<i32>} : memref<64xf32, #tpu.memory_space<vmem>>, vector<16xf32>,
      %get3A_1028 = arith.index_cast %reduce_max3A_1014 : i32 to index
      %get3A_1029 = arith.constant 16 : index
      %get3A_1030 = tpu.vector_load %arg16[%get3A_1028, %get3A_1029] {strides = array<i32>} : memref<100x64xf32, #tpu.memory_space<vmem>>, vector<16xf32>,
      %add3A_1031 = arith.addf %get3A_1027, %get3A_1030 : vector<16xf32>
      %swap3A_1032 = arith.constant 3 : i32
      %swap3A_1033 = arith.index_cast %swap3A_1032 : i32 to index
      %swap3A_1034 = arith.index_cast %reduce_max3A_1014 : i32 to index
      %swap3A_1035 = arith.constant 16 : index
      %swap3A_1036 = tpu.vector_load %arg14[%swap3A_1033, %swap3A_1034, %swap3A_1035] {strides = array<i32>} : memref<4x100x64xf32, #tpu.memory_space<vmem>>, vector<16xf32>,
      tpu.vector_store %arg14[%swap3A_1033, %swap3A_1034, %swap3A_1035], %add3A_1031 {strides = array<i32>} : memref<4x100x64xf32, #tpu.memory_space<vmem>>, vector<16xf32>,
      %get3A_1037 = arith.constant 32 : index
      %get3A_1038 = tpu.vector_load %arg17[%get3A_1037] {strides = array<i32>} : memref<64xf32, #tpu.memory_space<vmem>>, vector<16xf32>,
      %get3A_1039 = arith.index_cast %reduce_max3A_1014 : i32 to index
      %get3A_1040 = arith.constant 32 : index
      %get3A_1041 = tpu.vector_load %arg16[%get3A_1039, %get3A_1040] {strides = array<i32>} : memref<100x64xf32, #tpu.memory_space<vmem>>, vector<16xf32>,
      %add3A_1042 = arith.addf %get3A_1038, %get3A_1041 : vector<16xf32>
      %swap3A_1043 = arith.constant 3 : i32
      %swap3A_1044 = arith.index_cast %swap3A_1043 : i32 to index
      %swap3A_1045 = arith.index_cast %reduce_max3A_1014 : i32 to index
      %swap3A_1046 = arith.constant 32 : index
      %swap3A_1047 = tpu.vector_load %arg14[%swap3A_1044, %swap3A_1045, %swap3A_1046] {strides = array<i32>} : memref<4x100x64xf32, #tpu.memory_space<vmem>>, vector<16xf32>,
      tpu.vector_store %arg14[%swap3A_1044, %swap3A_1045, %swap3A_1046], %add3A_1042 {strides = array<i32>} : memref<4x100x64xf32, #tpu.memory_space<vmem>>, vector<16xf32>,
      %get3A_1048 = arith.constant 48 : index
      %get3A_1049 = tpu.vector_load %arg17[%get3A_1048] {strides = array<i32>} : memref<64xf32, #tpu.memory_space<vmem>>, vector<16xf32>,
      %get3A_1050 = arith.index_cast %reduce_max3A_1014 : i32 to index
      %get3A_1051 = arith.constant 48 : index
      %get3A_1052 = tpu.vector_load %arg16[%get3A_1050, %get3A_1051] {strides = array<i32>} : memref<100x64xf32, #tpu.memory_space<vmem>>, vector<16xf32>,
      %add3A_1053 = arith.addf %get3A_1049, %get3A_1052 : vector<16xf32>
      %swap3A_1054 = arith.constant 3 : i32
      %swap3A_1055 = arith.index_cast %swap3A_1054 : i32 to index
      %swap3A_1056 = arith.index_cast %reduce_max3A_1014 : i32 to index
      %swap3A_1057 = arith.constant 48 : index
      %swap3A_1058 = tpu.vector_load %arg14[%swap3A_1055, %swap3A_1056, %swap3A_1057] {strides = array<i32>} : memref<4x100x64xf32, #tpu.memory_space<vmem>>, vector<16xf32>,
      tpu.vector_store %arg14[%swap3A_1055, %swap3A_1056, %swap3A_1057], %add3A_1053 {strides = array<i32>} : memref<4x100x64xf32, #tpu.memory_space<vmem>>, vector<16xf32>,
      %add3A_1059 = arith.constant 0 : i32
      %add3A_1060 = arith.addi %add3A_808, %add3A_1059 : i32
      %dma_start3A_1061 = arith.constant 0 : i32
      %dma_start3A_1062 = arith.constant 0 : i32
      %dma_start3A_1063 = arith.constant 0 : i32
      %dma_start3A_1064 = tpu.memref_slice %arg14[%dma_start3A_1061, %dma_start3A_1062, %dma_start3A_1063] : memref<4x100x64xf32, #tpu.memory_space<vmem>> -> memref<1x100x64xf32, #tpu.memory_space<vmem>>
      %dma_start3A_1065 = tpu.memref_squeeze %dma_start3A_1064 : memref<1x100x64xf32, #tpu.memory_space<vmem>> -> memref<100x64xf32, #tpu.memory_space<vmem>>
      %dma_start3A_1066 = arith.constant 0 : i32
      %dma_start3A_1067 = arith.constant 0 : i32
      %dma_start3A_1068 = tpu.memref_slice %arg7[%add3A_1060, %dma_start3A_1066, %dma_start3A_1067] : memref<16384x104x128xf32, #tpu.memory_space<hbm>> -> memref<1x100x64xf32, #tpu.memory_space<hbm>>
      %dma_start3A_1069 = tpu.memref_squeeze %dma_start3A_1068 : memref<1x100x64xf32, #tpu.memory_space<hbm>> -> memref<100x64xf32, #tpu.memory_space<hbm>>
      %dma_start3A_1070 = arith.constant 0 : i32
      %dma_start3A_1071 = arith.constant 0 : i32
      %dma_start3A_1072 = tpu.memref_slice %arg7[%add3A_1060, %dma_start3A_1070, %dma_start3A_1071] : memref<16384x104x128xf32, #tpu.memory_space<hbm>> -> memref<1x100x64xf32, #tpu.memory_space<hbm>>
      %dma_start3A_1073 = tpu.memref_squeeze %dma_start3A_1072 : memref<1x100x64xf32, #tpu.memory_space<hbm>> -> memref<100x64xf32, #tpu.memory_space<hbm>>
      %dma_start3A_1074 = arith.constant 0 : i32
      %dma_start3A_1075 = arith.constant 0 : i32
      %dma_start3A_1076 = tpu.memref_slice %arg14[%dma_start3A_1061, %dma_start3A_1074, %dma_start3A_1075] : memref<4x100x64xf32, #tpu.memory_space<vmem>> -> memref<1x100x64xf32, #tpu.memory_space<vmem>>
      %dma_start3A_1077 = tpu.memref_squeeze %dma_start3A_1076 : memref<1x100x64xf32, #tpu.memory_space<vmem>> -> memref<100x64xf32, #tpu.memory_space<vmem>>
      tpu.enqueue_dma source(%dma_start3A_1077 : memref<100x64xf32, #tpu.memory_space<vmem>>) target(%dma_start3A_1073 : memref<100x64xf32, #tpu.memory_space<hbm>>) target_semaphore(%arg25 : memref<!tpu.dma_semaphore, #tpu.memory_space<semaphore_mem>>)
      %add3A_1078 = arith.constant 1 : i32
      %add3A_1079 = arith.addi %add3A_808, %add3A_1078 : i32
      %dma_start3A_1080 = arith.constant 1 : i32
      %dma_start3A_1081 = arith.constant 0 : i32
      %dma_start3A_1082 = arith.constant 0 : i32
      %dma_start3A_1083 = tpu.memref_slice %arg14[%dma_start3A_1080, %dma_start3A_1081, %dma_start3A_1082] : memref<4x100x64xf32, #tpu.memory_space<vmem>> -> memref<1x100x64xf32, #tpu.memory_space<vmem>>
      %dma_start3A_1084 = tpu.memref_squeeze %dma_start3A_1083 : memref<1x100x64xf32, #tpu.memory_space<vmem>> -> memref<100x64xf32, #tpu.memory_space<vmem>>
      %dma_start3A_1085 = arith.constant 0 : i32
      %dma_start3A_1086 = arith.constant 0 : i32
      %dma_start3A_1087 = tpu.memref_slice %arg7[%add3A_1079, %dma_start3A_1085, %dma_start3A_1086] : memref<16384x104x128xf32, #tpu.memory_space<hbm>> -> memref<1x100x64xf32, #tpu.memory_space<hbm>>
      %dma_start3A_1088 = tpu.memref_squeeze %dma_start3A_1087 : memref<1x100x64xf32, #tpu.memory_space<hbm>> -> memref<100x64xf32, #tpu.memory_space<hbm>>
      %dma_start3A_1089 = arith.constant 0 : i32
      %dma_start3A_1090 = arith.constant 0 : i32
      %dma_start3A_1091 = tpu.memref_slice %arg7[%add3A_1079, %dma_start3A_1089, %dma_start3A_1090] : memref<16384x104x128xf32, #tpu.memory_space<hbm>> -> memref<1x100x64xf32, #tpu.memory_space<hbm>>
      %dma_start3A_1092 = tpu.memref_squeeze %dma_start3A_1091 : memref<1x100x64xf32, #tpu.memory_space<hbm>> -> memref<100x64xf32, #tpu.memory_space<hbm>>
      %dma_start3A_1093 = arith.constant 0 : i32
      %dma_start3A_1094 = arith.constant 0 : i32
      %dma_start3A_1095 = tpu.memref_slice %arg14[%dma_start3A_1080, %dma_start3A_1093, %dma_start3A_1094] : memref<4x100x64xf32, #tpu.memory_space<vmem>> -> memref<1x100x64xf32, #tpu.memory_space<vmem>>
      %dma_start3A_1096 = tpu.memref_squeeze %dma_start3A_1095 : memref<1x100x64xf32, #tpu.memory_space<vmem>> -> memref<100x64xf32, #tpu.memory_space<vmem>>
      tpu.enqueue_dma source(%dma_start3A_1096 : memref<100x64xf32, #tpu.memory_space<vmem>>) target(%dma_start3A_1092 : memref<100x64xf32, #tpu.memory_space<hbm>>) target_semaphore(%arg25 : memref<!tpu.dma_semaphore, #tpu.memory_space<semaphore_mem>>)
      %add3A_1097 = arith.constant 2 : i32
      %add3A_1098 = arith.addi %add3A_808, %add3A_1097 : i32
      %dma_start3A_1099 = arith.constant 2 : i32
      %dma_start3A_1100 = arith.constant 0 : i32
      %dma_start3A_1101 = arith.constant 0 : i32
      %dma_start3A_1102 = tpu.memref_slice %arg14[%dma_start3A_1099, %dma_start3A_1100, %dma_start3A_1101] : memref<4x100x64xf32, #tpu.memory_space<vmem>> -> memref<1x100x64xf32, #tpu.memory_space<vmem>>
      %dma_start3A_1103 = tpu.memref_squeeze %dma_start3A_1102 : memref<1x100x64xf32, #tpu.memory_space<vmem>> -> memref<100x64xf32, #tpu.memory_space<vmem>>
      %dma_start3A_1104 = arith.constant 0 : i32
      %dma_start3A_1105 = arith.constant 0 : i32
      %dma_start3A_1106 = tpu.memref_slice %arg7[%add3A_1098, %dma_start3A_1104, %dma_start3A_1105] : memref<16384x104x128xf32, #tpu.memory_space<hbm>> -> memref<1x100x64xf32, #tpu.memory_space<hbm>>
      %dma_start3A_1107 = tpu.memref_squeeze %dma_start3A_1106 : memref<1x100x64xf32, #tpu.memory_space<hbm>> -> memref<100x64xf32, #tpu.memory_space<hbm>>
      %dma_start3A_1108 = arith.constant 0 : i32
      %dma_start3A_1109 = arith.constant 0 : i32
      %dma_start3A_1110 = tpu.memref_slice %arg7[%add3A_1098, %dma_start3A_1108, %dma_start3A_1109] : memref<16384x104x128xf32, #tpu.memory_space<hbm>> -> memref<1x100x64xf32, #tpu.memory_space<hbm>>
      %dma_start3A_1111 = tpu.memref_squeeze %dma_start3A_1110 : memref<1x100x64xf32, #tpu.memory_space<hbm>> -> memref<100x64xf32, #tpu.memory_space<hbm>>
      %dma_start3A_1112 = arith.constant 0 : i32
      %dma_start3A_1113 = arith.constant 0 : i32
      %dma_start3A_1114 = tpu.memref_slice %arg14[%dma_start3A_1099, %dma_start3A_1112, %dma_start3A_1113] : memref<4x100x64xf32, #tpu.memory_space<vmem>> -> memref<1x100x64xf32, #tpu.memory_space<vmem>>
      %dma_start3A_1115 = tpu.memref_squeeze %dma_start3A_1114 : memref<1x100x64xf32, #tpu.memory_space<vmem>> -> memref<100x64xf32, #tpu.memory_space<vmem>>
      tpu.enqueue_dma source(%dma_start3A_1115 : memref<100x64xf32, #tpu.memory_space<vmem>>) target(%dma_start3A_1111 : memref<100x64xf32, #tpu.memory_space<hbm>>) target_semaphore(%arg25 : memref<!tpu.dma_semaphore, #tpu.memory_space<semaphore_mem>>)
      %add3A_1116 = arith.constant 3 : i32
      %add3A_1117 = arith.addi %add3A_808, %add3A_1116 : i32
      %dma_start3A_1118 = arith.constant 3 : i32
      %dma_start3A_1119 = arith.constant 0 : i32
      %dma_start3A_1120 = arith.constant 0 : i32
      %dma_start3A_1121 = tpu.memref_slice %arg14[%dma_start3A_1118, %dma_start3A_1119, %dma_start3A_1120] : memref<4x100x64xf32, #tpu.memory_space<vmem>> -> memref<1x100x64xf32, #tpu.memory_space<vmem>>
      %dma_start3A_1122 = tpu.memref_squeeze %dma_start3A_1121 : memref<1x100x64xf32, #tpu.memory_space<vmem>> -> memref<100x64xf32, #tpu.memory_space<vmem>>
      %dma_start3A_1123 = arith.constant 0 : i32
      %dma_start3A_1124 = arith.constant 0 : i32
      %dma_start3A_1125 = tpu.memref_slice %arg7[%add3A_1117, %dma_start3A_1123, %dma_start3A_1124] : memref<16384x104x128xf32, #tpu.memory_space<hbm>> -> memref<1x100x64xf32, #tpu.memory_space<hbm>>
      %dma_start3A_1126 = tpu.memref_squeeze %dma_start3A_1125 : memref<1x100x64xf32, #tpu.memory_space<hbm>> -> memref<100x64xf32, #tpu.memory_space<hbm>>
      %dma_start3A_1127 = arith.constant 0 : i32
      %dma_start3A_1128 = arith.constant 0 : i32
      %dma_start3A_1129 = tpu.memref_slice %arg7[%add3A_1117, %dma_start3A_1127, %dma_start3A_1128] : memref<16384x104x128xf32, #tpu.memory_space<hbm>> -> memref<1x100x64xf32, #tpu.memory_space<hbm>>
      %dma_start3A_1130 = tpu.memref_squeeze %dma_start3A_1129 : memref<1x100x64xf32, #tpu.memory_space<hbm>> -> memref<100x64xf32, #tpu.memory_space<hbm>>
      %dma_start3A_1131 = arith.constant 0 : i32
      %dma_start3A_1132 = arith.constant 0 : i32
      %dma_start3A_1133 = tpu.memref_slice %arg14[%dma_start3A_1118, %dma_start3A_1131, %dma_start3A_1132] : memref<4x100x64xf32, #tpu.memory_space<vmem>> -> memref<1x100x64xf32, #tpu.memory_space<vmem>>
      %dma_start3A_1134 = tpu.memref_squeeze %dma_start3A_1133 : memref<1x100x64xf32, #tpu.memory_space<vmem>> -> memref<100x64xf32, #tpu.memory_space<vmem>>
      tpu.enqueue_dma source(%dma_start3A_1134 : memref<100x64xf32, #tpu.memory_space<vmem>>) target(%dma_start3A_1130 : memref<100x64xf32, #tpu.memory_space<hbm>>) target_semaphore(%arg25 : memref<!tpu.dma_semaphore, #tpu.memory_space<semaphore_mem>>)
      %dma_wait3A_1135 = arith.constant 0 : i32
      %dma_wait3A_1136 = arith.constant 0 : i32
      %dma_wait3A_1137 = arith.constant 0 : i32
      %dma_wait3A_1138 = tpu.memref_slice %arg7[%dma_wait3A_1135, %dma_wait3A_1136, %dma_wait3A_1137] : memref<16384x104x128xf32, #tpu.memory_space<hbm>> -> memref<4x100x64xf32, #tpu.memory_space<hbm>>
      %dma_wait3A_1139 = arith.constant 0 : i32
      %dma_wait3A_1140 = arith.constant 0 : i32
      %dma_wait3A_1141 = arith.constant 0 : i32
      %dma_wait3A_1142 = tpu.memref_slice %arg7[%dma_wait3A_1139, %dma_wait3A_1140, %dma_wait3A_1141] : memref<16384x104x128xf32, #tpu.memory_space<hbm>> -> memref<4x100x64xf32, #tpu.memory_space<hbm>>
      tpu.wait_dma2 semaphore(%arg23 : memref<!tpu.dma_semaphore, #tpu.memory_space<semaphore_mem>>) src(%arg12 : memref<4x100x64xf32, #tpu.memory_space<vmem>>) dst(%dma_wait3A_1142 : memref<4x100x64xf32, #tpu.memory_space<hbm>>)
      %add3A_1143 = arith.constant 2 : i32
      %add3A_1144 = arith.addi %mul3A_124, %add3A_1143 : i32
      %add3A_1145 = arith.constant 2 : i32
      %add3A_1146 = arith.addi %add3A_1144, %add3A_1145 : i32
      %lt3A_1147 = arith.constant 128 : i32
      %lt3A_1148 = arith.cmpi slt, %add3A_1146, %lt3A_1147 : i32
      %convert_element_type3A_1149 = arith.extui %lt3A_1148 : i1 to i32
      %cond3A_1150 = arith.constant 0 : i32
      %cond3A_1151 = arith.cmpi ne, %convert_element_type3A_1149, %cond3A_1150 : i32
      scf.if %cond3A_1151 {
        %add3A_1500 = arith.constant 2 : i32
        %add3A_1501 = arith.addi %mul3A_124, %add3A_1500 : i32
        %add3A_1502 = arith.constant 2 : i32
        %add3A_1503 = arith.addi %add3A_1501, %add3A_1502 : i32
        %mul3A_1504 = arith.constant 4 : i32
        %mul3A_1505 = arith.muli %add3A_1503, %mul3A_1504 : i32
        %add3A_1506 = arith.addi %mul3A_2, %mul3A_1505 : i32
        "tpu.region"() ({
          %run_scoped3A = tpu.sem_alloc : memref<!tpu.dma_semaphore, #tpu.memory_space<semaphore_mem>>
          %dma_start3A_1555 = arith.constant 0 : i32
          %dma_start3A_1556 = tpu.memref_slice %arg2[%add3A_1506, %dma_start3A_1555] : memref<16384x100xi32, #tpu.memory_space<hbm>> -> memref<4x100xi32, #tpu.memory_space<hbm>>
          %dma_start3A_1557 = arith.constant 0 : i32
          %dma_start3A_1558 = tpu.memref_slice %arg2[%add3A_1506, %dma_start3A_1557] : memref<16384x100xi32, #tpu.memory_space<hbm>> -> memref<4x100xi32, #tpu.memory_space<hbm>>
          tpu.enqueue_dma source(%dma_start3A_1558 : memref<4x100xi32, #tpu.memory_space<hbm>>) target(%arg8 : memref<4x100xi32, #tpu.memory_space<vmem>>) target_semaphore(%run_scoped3A : memref<!tpu.dma_semaphore, #tpu.memory_space<semaphore_mem>>)
          %dma_wait3A_1559 = arith.constant 0 : i32
          %dma_wait3A_1560 = tpu.memref_slice %arg2[%add3A_1506, %dma_wait3A_1559] : memref<16384x100xi32, #tpu.memory_space<hbm>> -> memref<4x100xi32, #tpu.memory_space<hbm>>
          %dma_wait3A_1561 = arith.constant 0 : i32
          %dma_wait3A_1562 = tpu.memref_slice %arg2[%add3A_1506, %dma_wait3A_1561] : memref<16384x100xi32, #tpu.memory_space<hbm>> -> memref<4x100xi32, #tpu.memory_space<hbm>>
          tpu.wait_dma2 semaphore(%run_scoped3A : memref<!tpu.dma_semaphore, #tpu.memory_space<semaphore_mem>>) src(%dma_wait3A_1562 : memref<4x100xi32, #tpu.memory_space<hbm>>) dst(%arg8 : memref<4x100xi32, #tpu.memory_space<vmem>>)
          tpu.yield
        }) : () -> ()
        %dma_start3A_1507 = arith.constant 0 : i32
        %dma_start3A_1508 = arith.constant 0 : i32
        %dma_start3A_1509 = arith.constant 0 : i32
        %dma_start3A_1510 = arith.constant 0 : i32
        %dma_start3A_1511 = tpu.memref_slice %arg12[%dma_start3A_1508, %dma_start3A_1509, %dma_start3A_1510] : memref<4x100x64xf32, #tpu.memory_space<vmem>> -> memref<1x100x64xf32, #tpu.memory_space<vmem>>
        %dma_start3A_1512 = tpu.memref_squeeze %dma_start3A_1511 : memref<1x100x64xf32, #tpu.memory_space<vmem>> -> memref<100x64xf32, #tpu.memory_space<vmem>>
        %dma_start3A_1513 = arith.constant 0 : i32
        %dma_start3A_1514 = tpu.memref_slice %arg8[%dma_start3A_1507, %dma_start3A_1513] : memref<4x100xi32, #tpu.memory_space<vmem>> -> memref<1x100xi32, #tpu.memory_space<vmem>>
        %dma_start3A_1515 = tpu.memref_squeeze %dma_start3A_1514 : memref<1x100xi32, #tpu.memory_space<vmem>> -> memref<100xi32, #tpu.memory_space<vmem>>
        %dma_start3A_1516 = arith.constant 0 : i32
        %dma_start3A_1517 = arith.constant 0 : i32
        %dma_start3A_1518 = tpu.memref_slice %arg5[%dma_start3A_1516, %dma_start3A_1517] : memref<1000000x64xf32, #tpu.memory_space<hbm>> -> memref<1000000x64xf32, #tpu.memory_space<hbm>>
        tpu.enqueue_indirect_dma source(%dma_start3A_1518 : memref<1000000x64xf32, #tpu.memory_space<hbm>>) target(%dma_start3A_1512 : memref<100x64xf32, #tpu.memory_space<vmem>>) offsets(%dma_start3A_1515 : memref<100xi32, #tpu.memory_space<vmem>>) semaphore(%arg19 : memref<!tpu.dma_semaphore, #tpu.memory_space<semaphore_mem>>)
        %dma_start3A_1519 = arith.constant 1 : i32
        %dma_start3A_1520 = arith.constant 1 : i32
        %dma_start3A_1521 = arith.constant 0 : i32
        %dma_start3A_1522 = arith.constant 0 : i32
        %dma_start3A_1523 = tpu.memref_slice %arg12[%dma_start3A_1520, %dma_start3A_1521, %dma_start3A_1522] : memref<4x100x64xf32, #tpu.memory_space<vmem>> -> memref<1x100x64xf32, #tpu.memory_space<vmem>>
        %dma_start3A_1524 = tpu.memref_squeeze %dma_start3A_1523 : memref<1x100x64xf32, #tpu.memory_space<vmem>> -> memref<100x64xf32, #tpu.memory_space<vmem>>
        %dma_start3A_1525 = arith.constant 0 : i32
        %dma_start3A_1526 = tpu.memref_slice %arg8[%dma_start3A_1519, %dma_start3A_1525] : memref<4x100xi32, #tpu.memory_space<vmem>> -> memref<1x100xi32, #tpu.memory_space<vmem>>
        %dma_start3A_1527 = tpu.memref_squeeze %dma_start3A_1526 : memref<1x100xi32, #tpu.memory_space<vmem>> -> memref<100xi32, #tpu.memory_space<vmem>>
        %dma_start3A_1528 = arith.constant 0 : i32
        %dma_start3A_1529 = arith.constant 0 : i32
        %dma_start3A_1530 = tpu.memref_slice %arg5[%dma_start3A_1528, %dma_start3A_1529] : memref<1000000x64xf32, #tpu.memory_space<hbm>> -> memref<1000000x64xf32, #tpu.memory_space<hbm>>
        tpu.enqueue_indirect_dma source(%dma_start3A_1530 : memref<1000000x64xf32, #tpu.memory_space<hbm>>) target(%dma_start3A_1524 : memref<100x64xf32, #tpu.memory_space<vmem>>) offsets(%dma_start3A_1527 : memref<100xi32, #tpu.memory_space<vmem>>) semaphore(%arg19 : memref<!tpu.dma_semaphore, #tpu.memory_space<semaphore_mem>>)
        %dma_start3A_1531 = arith.constant 2 : i32
        %dma_start3A_1532 = arith.constant 2 : i32
        %dma_start3A_1533 = arith.constant 0 : i32
        %dma_start3A_1534 = arith.constant 0 : i32
        %dma_start3A_1535 = tpu.memref_slice %arg12[%dma_start3A_1532, %dma_start3A_1533, %dma_start3A_1534] : memref<4x100x64xf32, #tpu.memory_space<vmem>> -> memref<1x100x64xf32, #tpu.memory_space<vmem>>
        %dma_start3A_1536 = tpu.memref_squeeze %dma_start3A_1535 : memref<1x100x64xf32, #tpu.memory_space<vmem>> -> memref<100x64xf32, #tpu.memory_space<vmem>>
        %dma_start3A_1537 = arith.constant 0 : i32
        %dma_start3A_1538 = tpu.memref_slice %arg8[%dma_start3A_1531, %dma_start3A_1537] : memref<4x100xi32, #tpu.memory_space<vmem>> -> memref<1x100xi32, #tpu.memory_space<vmem>>
        %dma_start3A_1539 = tpu.memref_squeeze %dma_start3A_1538 : memref<1x100xi32, #tpu.memory_space<vmem>> -> memref<100xi32, #tpu.memory_space<vmem>>
        %dma_start3A_1540 = arith.constant 0 : i32
        %dma_start3A_1541 = arith.constant 0 : i32
        %dma_start3A_1542 = tpu.memref_slice %arg5[%dma_start3A_1540, %dma_start3A_1541] : memref<1000000x64xf32, #tpu.memory_space<hbm>> -> memref<1000000x64xf32, #tpu.memory_space<hbm>>
        tpu.enqueue_indirect_dma source(%dma_start3A_1542 : memref<1000000x64xf32, #tpu.memory_space<hbm>>) target(%dma_start3A_1536 : memref<100x64xf32, #tpu.memory_space<vmem>>) offsets(%dma_start3A_1539 : memref<100xi32, #tpu.memory_space<vmem>>) semaphore(%arg19 : memref<!tpu.dma_semaphore, #tpu.memory_space<semaphore_mem>>)
        %dma_start3A_1543 = arith.constant 3 : i32
        %dma_start3A_1544 = arith.constant 3 : i32
        %dma_start3A_1545 = arith.constant 0 : i32
        %dma_start3A_1546 = arith.constant 0 : i32
        %dma_start3A_1547 = tpu.memref_slice %arg12[%dma_start3A_1544, %dma_start3A_1545, %dma_start3A_1546] : memref<4x100x64xf32, #tpu.memory_space<vmem>> -> memref<1x100x64xf32, #tpu.memory_space<vmem>>
        %dma_start3A_1548 = tpu.memref_squeeze %dma_start3A_1547 : memref<1x100x64xf32, #tpu.memory_space<vmem>> -> memref<100x64xf32, #tpu.memory_space<vmem>>
        %dma_start3A_1549 = arith.constant 0 : i32
        %dma_start3A_1550 = tpu.memref_slice %arg8[%dma_start3A_1543, %dma_start3A_1549] : memref<4x100xi32, #tpu.memory_space<vmem>> -> memref<1x100xi32, #tpu.memory_space<vmem>>
        %dma_start3A_1551 = tpu.memref_squeeze %dma_start3A_1550 : memref<1x100xi32, #tpu.memory_space<vmem>> -> memref<100xi32, #tpu.memory_space<vmem>>
        %dma_start3A_1552 = arith.constant 0 : i32
        %dma_start3A_1553 = arith.constant 0 : i32
        %dma_start3A_1554 = tpu.memref_slice %arg5[%dma_start3A_1552, %dma_start3A_1553] : memref<1000000x64xf32, #tpu.memory_space<hbm>> -> memref<1000000x64xf32, #tpu.memory_space<hbm>>
        tpu.enqueue_indirect_dma source(%dma_start3A_1554 : memref<1000000x64xf32, #tpu.memory_space<hbm>>) target(%dma_start3A_1548 : memref<100x64xf32, #tpu.memory_space<vmem>>) offsets(%dma_start3A_1551 : memref<100xi32, #tpu.memory_space<vmem>>) semaphore(%arg19 : memref<!tpu.dma_semaphore, #tpu.memory_space<semaphore_mem>>)
      } else {
      }
      %add3A_1152 = arith.constant 3 : i32
      %add3A_1153 = arith.addi %mul3A_124, %add3A_1152 : i32
      %mul3A_1154 = arith.constant 4 : i32
      %mul3A_1155 = arith.muli %add3A_1153, %mul3A_1154 : i32
      %add3A_1156 = arith.addi %mul3A_2, %mul3A_1155 : i32
      %dma_wait3A_1157 = arith.constant 0 : i32
      %dma_wait3A_1158 = arith.constant 0 : i32
      %dma_wait3A_1159 = arith.constant 0 : i32
      %dma_wait3A_1160 = tpu.memref_slice %arg7[%dma_wait3A_1157, %dma_wait3A_1158, %dma_wait3A_1159] : memref<16384x104x128xf32, #tpu.memory_space<hbm>> -> memref<4x100x64xf32, #tpu.memory_space<hbm>>
      %dma_wait3A_1161 = arith.constant 0 : i32
      %dma_wait3A_1162 = arith.constant 0 : i32
      %dma_wait3A_1163 = arith.constant 0 : i32
      %dma_wait3A_1164 = tpu.memref_slice %arg7[%dma_wait3A_1161, %dma_wait3A_1162, %dma_wait3A_1163] : memref<16384x104x128xf32, #tpu.memory_space<hbm>> -> memref<4x100x64xf32, #tpu.memory_space<hbm>>
      tpu.wait_dma2 semaphore(%arg22 : memref<!tpu.dma_semaphore, #tpu.memory_space<semaphore_mem>>) src(%dma_wait3A_1164 : memref<4x100x64xf32, #tpu.memory_space<hbm>>) dst(%arg15 : memref<4x100x64xf32, #tpu.memory_space<vmem>>)
      %scan3A_1165 = arith.constant 0 : i32
      %scan3A_1166 = arith.constant 0 : i32
      %scan3A_1167 = arith.constant 100 : i32
      %scan3A_1168 = arith.addi %scan3A_1166, %scan3A_1167 : i32
      %scan3A_1169 = arith.constant 1 : i32
      scf.for %scan3A_1500 = %scan3A_1166 to %scan3A_1168 step %scan3A_1169  : i32 {
        %get3A_1501 = arith.index_cast %scan3A_1500 : i32 to index
        %get3A_1502 = arith.constant 0 : index
        %get3A_1503 = tpu.vector_load %arg16[%get3A_1501, %get3A_1502] {strides = array<i32>} : memref<100x64xf32, #tpu.memory_space<vmem>>, vector<16xf32>,
        %get3A_1504 = arith.index_cast %scan3A_1500 : i32 to index
        %get3A_1505 = arith.constant 16 : index
        %get3A_1506 = tpu.vector_load %arg16[%get3A_1504, %get3A_1505] {strides = array<i32>} : memref<100x64xf32, #tpu.memory_space<vmem>>, vector<16xf32>,
        %get3A_1507 = arith.index_cast %scan3A_1500 : i32 to index
        %get3A_1508 = arith.constant 32 : index
        %get3A_1509 = tpu.vector_load %arg16[%get3A_1507, %get3A_1508] {strides = array<i32>} : memref<100x64xf32, #tpu.memory_space<vmem>>, vector<16xf32>,
        %get3A_1510 = arith.index_cast %scan3A_1500 : i32 to index
        %get3A_1511 = arith.constant 48 : index
        %get3A_1512 = tpu.vector_load %arg16[%get3A_1510, %get3A_1511] {strides = array<i32>} : memref<100x64xf32, #tpu.memory_space<vmem>>, vector<16xf32>,
        %get3A_1513 = arith.constant 0 : i32
        %get3A_1514 = arith.index_cast %get3A_1513 : i32 to index
        %get3A_1515 = arith.index_cast %scan3A_1500 : i32 to index
        %get3A_1516 = arith.constant 0 : index
        %get3A_1517 = tpu.vector_load %arg15[%get3A_1514, %get3A_1515, %get3A_1516] {strides = array<i32>} : memref<4x100x64xf32, #tpu.memory_space<vmem>>, vector<16xf32>,
        %add3A_1518 = arith.addf %get3A_1517, %get3A_1503 : vector<16xf32>
        %swap3A_1519 = arith.constant 0 : i32
        %swap3A_1520 = arith.index_cast %swap3A_1519 : i32 to index
        %swap3A_1521 = arith.index_cast %scan3A_1500 : i32 to index
        %swap3A_1522 = arith.constant 0 : index
        %swap3A_1523 = tpu.vector_load %arg15[%swap3A_1520, %swap3A_1521, %swap3A_1522] {strides = array<i32>} : memref<4x100x64xf32, #tpu.memory_space<vmem>>, vector<16xf32>,
        tpu.vector_store %arg15[%swap3A_1520, %swap3A_1521, %swap3A_1522], %add3A_1518 {strides = array<i32>} : memref<4x100x64xf32, #tpu.memory_space<vmem>>, vector<16xf32>,
        %get3A_1524 = arith.constant 0 : i32
        %get3A_1525 = arith.index_cast %get3A_1524 : i32 to index
        %get3A_1526 = arith.index_cast %scan3A_1500 : i32 to index
        %get3A_1527 = arith.constant 16 : index
        %get3A_1528 = tpu.vector_load %arg15[%get3A_1525, %get3A_1526, %get3A_1527] {strides = array<i32>} : memref<4x100x64xf32, #tpu.memory_space<vmem>>, vector<16xf32>,
        %add3A_1529 = arith.addf %get3A_1528, %get3A_1506 : vector<16xf32>
        %swap3A_1530 = arith.constant 0 : i32
        %swap3A_1531 = arith.index_cast %swap3A_1530 : i32 to index
        %swap3A_1532 = arith.index_cast %scan3A_1500 : i32 to index
        %swap3A_1533 = arith.constant 16 : index
        %swap3A_1534 = tpu.vector_load %arg15[%swap3A_1531, %swap3A_1532, %swap3A_1533] {strides = array<i32>} : memref<4x100x64xf32, #tpu.memory_space<vmem>>, vector<16xf32>,
        tpu.vector_store %arg15[%swap3A_1531, %swap3A_1532, %swap3A_1533], %add3A_1529 {strides = array<i32>} : memref<4x100x64xf32, #tpu.memory_space<vmem>>, vector<16xf32>,
        %get3A_1535 = arith.constant 0 : i32
        %get3A_1536 = arith.index_cast %get3A_1535 : i32 to index
        %get3A_1537 = arith.index_cast %scan3A_1500 : i32 to index
        %get3A_1538 = arith.constant 32 : index
        %get3A_1539 = tpu.vector_load %arg15[%get3A_1536, %get3A_1537, %get3A_1538] {strides = array<i32>} : memref<4x100x64xf32, #tpu.memory_space<vmem>>, vector<16xf32>,
        %add3A_1540 = arith.addf %get3A_1539, %get3A_1509 : vector<16xf32>
        %swap3A_1541 = arith.constant 0 : i32
        %swap3A_1542 = arith.index_cast %swap3A_1541 : i32 to index
        %swap3A_1543 = arith.index_cast %scan3A_1500 : i32 to index
        %swap3A_1544 = arith.constant 32 : index
        %swap3A_1545 = tpu.vector_load %arg15[%swap3A_1542, %swap3A_1543, %swap3A_1544] {strides = array<i32>} : memref<4x100x64xf32, #tpu.memory_space<vmem>>, vector<16xf32>,
        tpu.vector_store %arg15[%swap3A_1542, %swap3A_1543, %swap3A_1544], %add3A_1540 {strides = array<i32>} : memref<4x100x64xf32, #tpu.memory_space<vmem>>, vector<16xf32>,
        %get3A_1546 = arith.constant 0 : i32
        %get3A_1547 = arith.index_cast %get3A_1546 : i32 to index
        %get3A_1548 = arith.index_cast %scan3A_1500 : i32 to index
        %get3A_1549 = arith.constant 48 : index
        %get3A_1550 = tpu.vector_load %arg15[%get3A_1547, %get3A_1548, %get3A_1549] {strides = array<i32>} : memref<4x100x64xf32, #tpu.memory_space<vmem>>, vector<16xf32>,
        %add3A_1551 = arith.addf %get3A_1550, %get3A_1512 : vector<16xf32>
        %swap3A_1552 = arith.constant 0 : i32
        %swap3A_1553 = arith.index_cast %swap3A_1552 : i32 to index
        %swap3A_1554 = arith.index_cast %scan3A_1500 : i32 to index
        %swap3A_1555 = arith.constant 48 : index
        %swap3A_1556 = tpu.vector_load %arg15[%swap3A_1553, %swap3A_1554, %swap3A_1555] {strides = array<i32>} : memref<4x100x64xf32, #tpu.memory_space<vmem>>, vector<16xf32>,
        tpu.vector_store %arg15[%swap3A_1553, %swap3A_1554, %swap3A_1555], %add3A_1551 {strides = array<i32>} : memref<4x100x64xf32, #tpu.memory_space<vmem>>, vector<16xf32>,
        %get3A_1557 = arith.constant 1 : i32
        %get3A_1558 = arith.index_cast %get3A_1557 : i32 to index
        %get3A_1559 = arith.index_cast %scan3A_1500 : i32 to index
        %get3A_1560 = arith.constant 0 : index
        %get3A_1561 = tpu.vector_load %arg15[%get3A_1558, %get3A_1559, %get3A_1560] {strides = array<i32>} : memref<4x100x64xf32, #tpu.memory_space<vmem>>, vector<16xf32>,
        %add3A_1562 = arith.addf %get3A_1561, %get3A_1503 : vector<16xf32>
        %swap3A_1563 = arith.constant 1 : i32
        %swap3A_1564 = arith.index_cast %swap3A_1563 : i32 to index
        %swap3A_1565 = arith.index_cast %scan3A_1500 : i32 to index
        %swap3A_1566 = arith.constant 0 : index
        %swap3A_1567 = tpu.vector_load %arg15[%swap3A_1564, %swap3A_1565, %swap3A_1566] {strides = array<i32>} : memref<4x100x64xf32, #tpu.memory_space<vmem>>, vector<16xf32>,
        tpu.vector_store %arg15[%swap3A_1564, %swap3A_1565, %swap3A_1566], %add3A_1562 {strides = array<i32>} : memref<4x100x64xf32, #tpu.memory_space<vmem>>, vector<16xf32>,
        %get3A_1568 = arith.constant 1 : i32
        %get3A_1569 = arith.index_cast %get3A_1568 : i32 to index
        %get3A_1570 = arith.index_cast %scan3A_1500 : i32 to index
        %get3A_1571 = arith.constant 16 : index
        %get3A_1572 = tpu.vector_load %arg15[%get3A_1569, %get3A_1570, %get3A_1571] {strides = array<i32>} : memref<4x100x64xf32, #tpu.memory_space<vmem>>, vector<16xf32>,
        %add3A_1573 = arith.addf %get3A_1572, %get3A_1506 : vector<16xf32>
        %swap3A_1574 = arith.constant 1 : i32
        %swap3A_1575 = arith.index_cast %swap3A_1574 : i32 to index
        %swap3A_1576 = arith.index_cast %scan3A_1500 : i32 to index
        %swap3A_1577 = arith.constant 16 : index
        %swap3A_1578 = tpu.vector_load %arg15[%swap3A_1575, %swap3A_1576, %swap3A_1577] {strides = array<i32>} : memref<4x100x64xf32, #tpu.memory_space<vmem>>, vector<16xf32>,
        tpu.vector_store %arg15[%swap3A_1575, %swap3A_1576, %swap3A_1577], %add3A_1573 {strides = array<i32>} : memref<4x100x64xf32, #tpu.memory_space<vmem>>, vector<16xf32>,
        %get3A_1579 = arith.constant 1 : i32
        %get3A_1580 = arith.index_cast %get3A_1579 : i32 to index
        %get3A_1581 = arith.index_cast %scan3A_1500 : i32 to index
        %get3A_1582 = arith.constant 32 : index
        %get3A_1583 = tpu.vector_load %arg15[%get3A_1580, %get3A_1581, %get3A_1582] {strides = array<i32>} : memref<4x100x64xf32, #tpu.memory_space<vmem>>, vector<16xf32>,
        %add3A_1584 = arith.addf %get3A_1583, %get3A_1509 : vector<16xf32>
        %swap3A_1585 = arith.constant 1 : i32
        %swap3A_1586 = arith.index_cast %swap3A_1585 : i32 to index
        %swap3A_1587 = arith.index_cast %scan3A_1500 : i32 to index
        %swap3A_1588 = arith.constant 32 : index
        %swap3A_1589 = tpu.vector_load %arg15[%swap3A_1586, %swap3A_1587, %swap3A_1588] {strides = array<i32>} : memref<4x100x64xf32, #tpu.memory_space<vmem>>, vector<16xf32>,
        tpu.vector_store %arg15[%swap3A_1586, %swap3A_1587, %swap3A_1588], %add3A_1584 {strides = array<i32>} : memref<4x100x64xf32, #tpu.memory_space<vmem>>, vector<16xf32>,
        %get3A_1590 = arith.constant 1 : i32
        %get3A_1591 = arith.index_cast %get3A_1590 : i32 to index
        %get3A_1592 = arith.index_cast %scan3A_1500 : i32 to index
        %get3A_1593 = arith.constant 48 : index
        %get3A_1594 = tpu.vector_load %arg15[%get3A_1591, %get3A_1592, %get3A_1593] {strides = array<i32>} : memref<4x100x64xf32, #tpu.memory_space<vmem>>, vector<16xf32>,
        %add3A_1595 = arith.addf %get3A_1594, %get3A_1512 : vector<16xf32>
        %swap3A_1596 = arith.constant 1 : i32
        %swap3A_1597 = arith.index_cast %swap3A_1596 : i32 to index
        %swap3A_1598 = arith.index_cast %scan3A_1500 : i32 to index
        %swap3A_1599 = arith.constant 48 : index
        %swap3A_1600 = tpu.vector_load %arg15[%swap3A_1597, %swap3A_1598, %swap3A_1599] {strides = array<i32>} : memref<4x100x64xf32, #tpu.memory_space<vmem>>, vector<16xf32>,
        tpu.vector_store %arg15[%swap3A_1597, %swap3A_1598, %swap3A_1599], %add3A_1595 {strides = array<i32>} : memref<4x100x64xf32, #tpu.memory_space<vmem>>, vector<16xf32>,
        %get3A_1601 = arith.constant 2 : i32
        %get3A_1602 = arith.index_cast %get3A_1601 : i32 to index
        %get3A_1603 = arith.index_cast %scan3A_1500 : i32 to index
        %get3A_1604 = arith.constant 0 : index
        %get3A_1605 = tpu.vector_load %arg15[%get3A_1602, %get3A_1603, %get3A_1604] {strides = array<i32>} : memref<4x100x64xf32, #tpu.memory_space<vmem>>, vector<16xf32>,
        %add3A_1606 = arith.addf %get3A_1605, %get3A_1503 : vector<16xf32>
        %swap3A_1607 = arith.constant 2 : i32
        %swap3A_1608 = arith.index_cast %swap3A_1607 : i32 to index
        %swap3A_1609 = arith.index_cast %scan3A_1500 : i32 to index
        %swap3A_1610 = arith.constant 0 : index
        %swap3A_1611 = tpu.vector_load %arg15[%swap3A_1608, %swap3A_1609, %swap3A_1610] {strides = array<i32>} : memref<4x100x64xf32, #tpu.memory_space<vmem>>, vector<16xf32>,
        tpu.vector_store %arg15[%swap3A_1608, %swap3A_1609, %swap3A_1610], %add3A_1606 {strides = array<i32>} : memref<4x100x64xf32, #tpu.memory_space<vmem>>, vector<16xf32>,
        %get3A_1612 = arith.constant 2 : i32
        %get3A_1613 = arith.index_cast %get3A_1612 : i32 to index
        %get3A_1614 = arith.index_cast %scan3A_1500 : i32 to index
        %get3A_1615 = arith.constant 16 : index
        %get3A_1616 = tpu.vector_load %arg15[%get3A_1613, %get3A_1614, %get3A_1615] {strides = array<i32>} : memref<4x100x64xf32, #tpu.memory_space<vmem>>, vector<16xf32>,
        %add3A_1617 = arith.addf %get3A_1616, %get3A_1506 : vector<16xf32>
        %swap3A_1618 = arith.constant 2 : i32
        %swap3A_1619 = arith.index_cast %swap3A_1618 : i32 to index
        %swap3A_1620 = arith.index_cast %scan3A_1500 : i32 to index
        %swap3A_1621 = arith.constant 16 : index
        %swap3A_1622 = tpu.vector_load %arg15[%swap3A_1619, %swap3A_1620, %swap3A_1621] {strides = array<i32>} : memref<4x100x64xf32, #tpu.memory_space<vmem>>, vector<16xf32>,
        tpu.vector_store %arg15[%swap3A_1619, %swap3A_1620, %swap3A_1621], %add3A_1617 {strides = array<i32>} : memref<4x100x64xf32, #tpu.memory_space<vmem>>, vector<16xf32>,
        %get3A_1623 = arith.constant 2 : i32
        %get3A_1624 = arith.index_cast %get3A_1623 : i32 to index
        %get3A_1625 = arith.index_cast %scan3A_1500 : i32 to index
        %get3A_1626 = arith.constant 32 : index
        %get3A_1627 = tpu.vector_load %arg15[%get3A_1624, %get3A_1625, %get3A_1626] {strides = array<i32>} : memref<4x100x64xf32, #tpu.memory_space<vmem>>, vector<16xf32>,
        %add3A_1628 = arith.addf %get3A_1627, %get3A_1509 : vector<16xf32>
        %swap3A_1629 = arith.constant 2 : i32
        %swap3A_1630 = arith.index_cast %swap3A_1629 : i32 to index
        %swap3A_1631 = arith.index_cast %scan3A_1500 : i32 to index
        %swap3A_1632 = arith.constant 32 : index
        %swap3A_1633 = tpu.vector_load %arg15[%swap3A_1630, %swap3A_1631, %swap3A_1632] {strides = array<i32>} : memref<4x100x64xf32, #tpu.memory_space<vmem>>, vector<16xf32>,
        tpu.vector_store %arg15[%swap3A_1630, %swap3A_1631, %swap3A_1632], %add3A_1628 {strides = array<i32>} : memref<4x100x64xf32, #tpu.memory_space<vmem>>, vector<16xf32>,
        %get3A_1634 = arith.constant 2 : i32
        %get3A_1635 = arith.index_cast %get3A_1634 : i32 to index
        %get3A_1636 = arith.index_cast %scan3A_1500 : i32 to index
        %get3A_1637 = arith.constant 48 : index
        %get3A_1638 = tpu.vector_load %arg15[%get3A_1635, %get3A_1636, %get3A_1637] {strides = array<i32>} : memref<4x100x64xf32, #tpu.memory_space<vmem>>, vector<16xf32>,
        %add3A_1639 = arith.addf %get3A_1638, %get3A_1512 : vector<16xf32>
        %swap3A_1640 = arith.constant 2 : i32
        %swap3A_1641 = arith.index_cast %swap3A_1640 : i32 to index
        %swap3A_1642 = arith.index_cast %scan3A_1500 : i32 to index
        %swap3A_1643 = arith.constant 48 : index
        %swap3A_1644 = tpu.vector_load %arg15[%swap3A_1641, %swap3A_1642, %swap3A_1643] {strides = array<i32>} : memref<4x100x64xf32, #tpu.memory_space<vmem>>, vector<16xf32>,
        tpu.vector_store %arg15[%swap3A_1641, %swap3A_1642, %swap3A_1643], %add3A_1639 {strides = array<i32>} : memref<4x100x64xf32, #tpu.memory_space<vmem>>, vector<16xf32>,
        %get3A_1645 = arith.constant 3 : i32
        %get3A_1646 = arith.index_cast %get3A_1645 : i32 to index
        %get3A_1647 = arith.index_cast %scan3A_1500 : i32 to index
        %get3A_1648 = arith.constant 0 : index
        %get3A_1649 = tpu.vector_load %arg15[%get3A_1646, %get3A_1647, %get3A_1648] {strides = array<i32>} : memref<4x100x64xf32, #tpu.memory_space<vmem>>, vector<16xf32>,
        %add3A_1650 = arith.addf %get3A_1649, %get3A_1503 : vector<16xf32>
        %swap3A_1651 = arith.constant 3 : i32
        %swap3A_1652 = arith.index_cast %swap3A_1651 : i32 to index
        %swap3A_1653 = arith.index_cast %scan3A_1500 : i32 to index
        %swap3A_1654 = arith.constant 0 : index
        %swap3A_1655 = tpu.vector_load %arg15[%swap3A_1652, %swap3A_1653, %swap3A_1654] {strides = array<i32>} : memref<4x100x64xf32, #tpu.memory_space<vmem>>, vector<16xf32>,
        tpu.vector_store %arg15[%swap3A_1652, %swap3A_1653, %swap3A_1654], %add3A_1650 {strides = array<i32>} : memref<4x100x64xf32, #tpu.memory_space<vmem>>, vector<16xf32>,
        %get3A_1656 = arith.constant 3 : i32
        %get3A_1657 = arith.index_cast %get3A_1656 : i32 to index
        %get3A_1658 = arith.index_cast %scan3A_1500 : i32 to index
        %get3A_1659 = arith.constant 16 : index
        %get3A_1660 = tpu.vector_load %arg15[%get3A_1657, %get3A_1658, %get3A_1659] {strides = array<i32>} : memref<4x100x64xf32, #tpu.memory_space<vmem>>, vector<16xf32>,
        %add3A_1661 = arith.addf %get3A_1660, %get3A_1506 : vector<16xf32>
        %swap3A_1662 = arith.constant 3 : i32
        %swap3A_1663 = arith.index_cast %swap3A_1662 : i32 to index
        %swap3A_1664 = arith.index_cast %scan3A_1500 : i32 to index
        %swap3A_1665 = arith.constant 16 : index
        %swap3A_1666 = tpu.vector_load %arg15[%swap3A_1663, %swap3A_1664, %swap3A_1665] {strides = array<i32>} : memref<4x100x64xf32, #tpu.memory_space<vmem>>, vector<16xf32>,
        tpu.vector_store %arg15[%swap3A_1663, %swap3A_1664, %swap3A_1665], %add3A_1661 {strides = array<i32>} : memref<4x100x64xf32, #tpu.memory_space<vmem>>, vector<16xf32>,
        %get3A_1667 = arith.constant 3 : i32
        %get3A_1668 = arith.index_cast %get3A_1667 : i32 to index
        %get3A_1669 = arith.index_cast %scan3A_1500 : i32 to index
        %get3A_1670 = arith.constant 32 : index
        %get3A_1671 = tpu.vector_load %arg15[%get3A_1668, %get3A_1669, %get3A_1670] {strides = array<i32>} : memref<4x100x64xf32, #tpu.memory_space<vmem>>, vector<16xf32>,
        %add3A_1672 = arith.addf %get3A_1671, %get3A_1509 : vector<16xf32>
        %swap3A_1673 = arith.constant 3 : i32
        %swap3A_1674 = arith.index_cast %swap3A_1673 : i32 to index
        %swap3A_1675 = arith.index_cast %scan3A_1500 : i32 to index
        %swap3A_1676 = arith.constant 32 : index
        %swap3A_1677 = tpu.vector_load %arg15[%swap3A_1674, %swap3A_1675, %swap3A_1676] {strides = array<i32>} : memref<4x100x64xf32, #tpu.memory_space<vmem>>, vector<16xf32>,
        tpu.vector_store %arg15[%swap3A_1674, %swap3A_1675, %swap3A_1676], %add3A_1672 {strides = array<i32>} : memref<4x100x64xf32, #tpu.memory_space<vmem>>, vector<16xf32>,
        %get3A_1678 = arith.constant 3 : i32
        %get3A_1679 = arith.index_cast %get3A_1678 : i32 to index
        %get3A_1680 = arith.index_cast %scan3A_1500 : i32 to index
        %get3A_1681 = arith.constant 48 : index
        %get3A_1682 = tpu.vector_load %arg15[%get3A_1679, %get3A_1680, %get3A_1681] {strides = array<i32>} : memref<4x100x64xf32, #tpu.memory_space<vmem>>, vector<16xf32>,
        %add3A_1683 = arith.addf %get3A_1682, %get3A_1512 : vector<16xf32>
        %swap3A_1684 = arith.constant 3 : i32
        %swap3A_1685 = arith.index_cast %swap3A_1684 : i32 to index
        %swap3A_1686 = arith.index_cast %scan3A_1500 : i32 to index
        %swap3A_1687 = arith.constant 48 : index
        %swap3A_1688 = tpu.vector_load %arg15[%swap3A_1685, %swap3A_1686, %swap3A_1687] {strides = array<i32>} : memref<4x100x64xf32, #tpu.memory_space<vmem>>, vector<16xf32>,
        tpu.vector_store %arg15[%swap3A_1685, %swap3A_1686, %swap3A_1687], %add3A_1683 {strides = array<i32>} : memref<4x100x64xf32, #tpu.memory_space<vmem>>, vector<16xf32>,
      }
      %scan3A_1170 = arith.constant 100 : i32
      %mul3A_1171 = arith.constant 4 : i32
      %mul3A_1172 = arith.muli %add3A_1153, %mul3A_1171 : i32
      %get3A_1173 = arith.index_cast %mul3A_1172 : i32 to index
      %get3A_1174 = tpu.vector_load %arg18[%get3A_1173] {strides = array<i32>} : memref<528xi32, #tpu.memory_space<vmem>>, vector<16xi32>,
      %eq3A_1175 = arith.constant 0 : i32
      %eq3A_1176 = vector.broadcast %eq3A_1175 : i32 to vector<16xi32>
      %eq3A_1177 = arith.cmpi eq, %iota3A, %eq3A_1176 : vector<16xi32>
      %jit3A_1178 = arith.constant 0 : i32
      %broadcast_in_dim3A_1179 = vector.broadcast %jit3A_1178 : i32 to vector<16xi32>
      %select_n3A_1180 = arith.select %eq3A_1177, %get3A_1174, %broadcast_in_dim3A_1179 : vector<16xi1>, vector<16xi32>
      %reduce_max3A_1181 = arith.constant true
      %reduce_max3A_1182 = vector.broadcast %reduce_max3A_1181 : i1 to vector<16xi1>
      %reduce_max3A_1183 = arith.constant -2147483648 : i32
      %reduce_max3A_1184 = vector.broadcast %reduce_max3A_1183 : i32 to vector<16xi32>
      %reduce_max3A_1185 = arith.xori %select_n3A_1180, %reduce_max3A_1184 : vector<16xi32>
      %reduce_max3A_1186 = tpu.scan <max>, %reduce_max3A_1185 masked %reduce_max3A_1182 : vector<16xi32>, vector<16xi1> -> vector<16xi32>
      %reduce_max3A_1187 = arith.xori %reduce_max3A_1186, %reduce_max3A_1184 : vector<16xi32>
      %reduce_max3A_1188 = vector.extract %reduce_max3A_1187[15] : i32 from vector<16xi32>
      %get3A_1189 = arith.constant 0 : index
      %get3A_1190 = tpu.vector_load %arg17[%get3A_1189] {strides = array<i32>} : memref<64xf32, #tpu.memory_space<vmem>>, vector<16xf32>,
      %get3A_1191 = arith.index_cast %reduce_max3A_1188 : i32 to index
      %get3A_1192 = arith.constant 0 : index
      %get3A_1193 = tpu.vector_load %arg16[%get3A_1191, %get3A_1192] {strides = array<i32>} : memref<100x64xf32, #tpu.memory_space<vmem>>, vector<16xf32>,
      %add3A_1194 = arith.addf %get3A_1190, %get3A_1193 : vector<16xf32>
      %swap3A_1195 = arith.constant 0 : i32
      %swap3A_1196 = arith.index_cast %swap3A_1195 : i32 to index
      %swap3A_1197 = arith.index_cast %reduce_max3A_1188 : i32 to index
      %swap3A_1198 = arith.constant 0 : index
      %swap3A_1199 = tpu.vector_load %arg15[%swap3A_1196, %swap3A_1197, %swap3A_1198] {strides = array<i32>} : memref<4x100x64xf32, #tpu.memory_space<vmem>>, vector<16xf32>,
      tpu.vector_store %arg15[%swap3A_1196, %swap3A_1197, %swap3A_1198], %add3A_1194 {strides = array<i32>} : memref<4x100x64xf32, #tpu.memory_space<vmem>>, vector<16xf32>,
      %get3A_1200 = arith.constant 16 : index
      %get3A_1201 = tpu.vector_load %arg17[%get3A_1200] {strides = array<i32>} : memref<64xf32, #tpu.memory_space<vmem>>, vector<16xf32>,
      %get3A_1202 = arith.index_cast %reduce_max3A_1188 : i32 to index
      %get3A_1203 = arith.constant 16 : index
      %get3A_1204 = tpu.vector_load %arg16[%get3A_1202, %get3A_1203] {strides = array<i32>} : memref<100x64xf32, #tpu.memory_space<vmem>>, vector<16xf32>,
      %add3A_1205 = arith.addf %get3A_1201, %get3A_1204 : vector<16xf32>
      %swap3A_1206 = arith.constant 0 : i32
      %swap3A_1207 = arith.index_cast %swap3A_1206 : i32 to index
      %swap3A_1208 = arith.index_cast %reduce_max3A_1188 : i32 to index
      %swap3A_1209 = arith.constant 16 : index
      %swap3A_1210 = tpu.vector_load %arg15[%swap3A_1207, %swap3A_1208, %swap3A_1209] {strides = array<i32>} : memref<4x100x64xf32, #tpu.memory_space<vmem>>, vector<16xf32>,
      tpu.vector_store %arg15[%swap3A_1207, %swap3A_1208, %swap3A_1209], %add3A_1205 {strides = array<i32>} : memref<4x100x64xf32, #tpu.memory_space<vmem>>, vector<16xf32>,
      %get3A_1211 = arith.constant 32 : index
      %get3A_1212 = tpu.vector_load %arg17[%get3A_1211] {strides = array<i32>} : memref<64xf32, #tpu.memory_space<vmem>>, vector<16xf32>,
      %get3A_1213 = arith.index_cast %reduce_max3A_1188 : i32 to index
      %get3A_1214 = arith.constant 32 : index
      %get3A_1215 = tpu.vector_load %arg16[%get3A_1213, %get3A_1214] {strides = array<i32>} : memref<100x64xf32, #tpu.memory_space<vmem>>, vector<16xf32>,
      %add3A_1216 = arith.addf %get3A_1212, %get3A_1215 : vector<16xf32>
      %swap3A_1217 = arith.constant 0 : i32
      %swap3A_1218 = arith.index_cast %swap3A_1217 : i32 to index
      %swap3A_1219 = arith.index_cast %reduce_max3A_1188 : i32 to index
      %swap3A_1220 = arith.constant 32 : index
      %swap3A_1221 = tpu.vector_load %arg15[%swap3A_1218, %swap3A_1219, %swap3A_1220] {strides = array<i32>} : memref<4x100x64xf32, #tpu.memory_space<vmem>>, vector<16xf32>,
      tpu.vector_store %arg15[%swap3A_1218, %swap3A_1219, %swap3A_1220], %add3A_1216 {strides = array<i32>} : memref<4x100x64xf32, #tpu.memory_space<vmem>>, vector<16xf32>,
      %get3A_1222 = arith.constant 48 : index
      %get3A_1223 = tpu.vector_load %arg17[%get3A_1222] {strides = array<i32>} : memref<64xf32, #tpu.memory_space<vmem>>, vector<16xf32>,
      %get3A_1224 = arith.index_cast %reduce_max3A_1188 : i32 to index
      %get3A_1225 = arith.constant 48 : index
      %get3A_1226 = tpu.vector_load %arg16[%get3A_1224, %get3A_1225] {strides = array<i32>} : memref<100x64xf32, #tpu.memory_space<vmem>>, vector<16xf32>,
      %add3A_1227 = arith.addf %get3A_1223, %get3A_1226 : vector<16xf32>
      %swap3A_1228 = arith.constant 0 : i32
      %swap3A_1229 = arith.index_cast %swap3A_1228 : i32 to index
      %swap3A_1230 = arith.index_cast %reduce_max3A_1188 : i32 to index
      %swap3A_1231 = arith.constant 48 : index
      %swap3A_1232 = tpu.vector_load %arg15[%swap3A_1229, %swap3A_1230, %swap3A_1231] {strides = array<i32>} : memref<4x100x64xf32, #tpu.memory_space<vmem>>, vector<16xf32>,
      tpu.vector_store %arg15[%swap3A_1229, %swap3A_1230, %swap3A_1231], %add3A_1227 {strides = array<i32>} : memref<4x100x64xf32, #tpu.memory_space<vmem>>, vector<16xf32>,
      %eq3A_1233 = arith.constant 1 : i32
      %eq3A_1234 = vector.broadcast %eq3A_1233 : i32 to vector<16xi32>
      %eq3A_1235 = arith.cmpi eq, %iota3A, %eq3A_1234 : vector<16xi32>
      %jit3A_1236 = arith.constant 0 : i32
      %broadcast_in_dim3A_1237 = vector.broadcast %jit3A_1236 : i32 to vector<16xi32>
      %select_n3A_1238 = arith.select %eq3A_1235, %get3A_1174, %broadcast_in_dim3A_1237 : vector<16xi1>, vector<16xi32>
      %reduce_max3A_1239 = arith.constant true
      %reduce_max3A_1240 = vector.broadcast %reduce_max3A_1239 : i1 to vector<16xi1>
      %reduce_max3A_1241 = arith.constant -2147483648 : i32
      %reduce_max3A_1242 = vector.broadcast %reduce_max3A_1241 : i32 to vector<16xi32>
      %reduce_max3A_1243 = arith.xori %select_n3A_1238, %reduce_max3A_1242 : vector<16xi32>
      %reduce_max3A_1244 = tpu.scan <max>, %reduce_max3A_1243 masked %reduce_max3A_1240 : vector<16xi32>, vector<16xi1> -> vector<16xi32>
      %reduce_max3A_1245 = arith.xori %reduce_max3A_1244, %reduce_max3A_1242 : vector<16xi32>
      %reduce_max3A_1246 = vector.extract %reduce_max3A_1245[15] : i32 from vector<16xi32>
      %get3A_1247 = arith.constant 0 : index
      %get3A_1248 = tpu.vector_load %arg17[%get3A_1247] {strides = array<i32>} : memref<64xf32, #tpu.memory_space<vmem>>, vector<16xf32>,
      %get3A_1249 = arith.index_cast %reduce_max3A_1246 : i32 to index
      %get3A_1250 = arith.constant 0 : index
      %get3A_1251 = tpu.vector_load %arg16[%get3A_1249, %get3A_1250] {strides = array<i32>} : memref<100x64xf32, #tpu.memory_space<vmem>>, vector<16xf32>,
      %add3A_1252 = arith.addf %get3A_1248, %get3A_1251 : vector<16xf32>
      %swap3A_1253 = arith.constant 1 : i32
      %swap3A_1254 = arith.index_cast %swap3A_1253 : i32 to index
      %swap3A_1255 = arith.index_cast %reduce_max3A_1246 : i32 to index
      %swap3A_1256 = arith.constant 0 : index
      %swap3A_1257 = tpu.vector_load %arg15[%swap3A_1254, %swap3A_1255, %swap3A_1256] {strides = array<i32>} : memref<4x100x64xf32, #tpu.memory_space<vmem>>, vector<16xf32>,
      tpu.vector_store %arg15[%swap3A_1254, %swap3A_1255, %swap3A_1256], %add3A_1252 {strides = array<i32>} : memref<4x100x64xf32, #tpu.memory_space<vmem>>, vector<16xf32>,
      %get3A_1258 = arith.constant 16 : index
      %get3A_1259 = tpu.vector_load %arg17[%get3A_1258] {strides = array<i32>} : memref<64xf32, #tpu.memory_space<vmem>>, vector<16xf32>,
      %get3A_1260 = arith.index_cast %reduce_max3A_1246 : i32 to index
      %get3A_1261 = arith.constant 16 : index
      %get3A_1262 = tpu.vector_load %arg16[%get3A_1260, %get3A_1261] {strides = array<i32>} : memref<100x64xf32, #tpu.memory_space<vmem>>, vector<16xf32>,
      %add3A_1263 = arith.addf %get3A_1259, %get3A_1262 : vector<16xf32>
      %swap3A_1264 = arith.constant 1 : i32
      %swap3A_1265 = arith.index_cast %swap3A_1264 : i32 to index
      %swap3A_1266 = arith.index_cast %reduce_max3A_1246 : i32 to index
      %swap3A_1267 = arith.constant 16 : index
      %swap3A_1268 = tpu.vector_load %arg15[%swap3A_1265, %swap3A_1266, %swap3A_1267] {strides = array<i32>} : memref<4x100x64xf32, #tpu.memory_space<vmem>>, vector<16xf32>,
      tpu.vector_store %arg15[%swap3A_1265, %swap3A_1266, %swap3A_1267], %add3A_1263 {strides = array<i32>} : memref<4x100x64xf32, #tpu.memory_space<vmem>>, vector<16xf32>,
      %get3A_1269 = arith.constant 32 : index
      %get3A_1270 = tpu.vector_load %arg17[%get3A_1269] {strides = array<i32>} : memref<64xf32, #tpu.memory_space<vmem>>, vector<16xf32>,
      %get3A_1271 = arith.index_cast %reduce_max3A_1246 : i32 to index
      %get3A_1272 = arith.constant 32 : index
      %get3A_1273 = tpu.vector_load %arg16[%get3A_1271, %get3A_1272] {strides = array<i32>} : memref<100x64xf32, #tpu.memory_space<vmem>>, vector<16xf32>,
      %add3A_1274 = arith.addf %get3A_1270, %get3A_1273 : vector<16xf32>
      %swap3A_1275 = arith.constant 1 : i32
      %swap3A_1276 = arith.index_cast %swap3A_1275 : i32 to index
      %swap3A_1277 = arith.index_cast %reduce_max3A_1246 : i32 to index
      %swap3A_1278 = arith.constant 32 : index
      %swap3A_1279 = tpu.vector_load %arg15[%swap3A_1276, %swap3A_1277, %swap3A_1278] {strides = array<i32>} : memref<4x100x64xf32, #tpu.memory_space<vmem>>, vector<16xf32>,
      tpu.vector_store %arg15[%swap3A_1276, %swap3A_1277, %swap3A_1278], %add3A_1274 {strides = array<i32>} : memref<4x100x64xf32, #tpu.memory_space<vmem>>, vector<16xf32>,
      %get3A_1280 = arith.constant 48 : index
      %get3A_1281 = tpu.vector_load %arg17[%get3A_1280] {strides = array<i32>} : memref<64xf32, #tpu.memory_space<vmem>>, vector<16xf32>,
      %get3A_1282 = arith.index_cast %reduce_max3A_1246 : i32 to index
      %get3A_1283 = arith.constant 48 : index
      %get3A_1284 = tpu.vector_load %arg16[%get3A_1282, %get3A_1283] {strides = array<i32>} : memref<100x64xf32, #tpu.memory_space<vmem>>, vector<16xf32>,
      %add3A_1285 = arith.addf %get3A_1281, %get3A_1284 : vector<16xf32>
      %swap3A_1286 = arith.constant 1 : i32
      %swap3A_1287 = arith.index_cast %swap3A_1286 : i32 to index
      %swap3A_1288 = arith.index_cast %reduce_max3A_1246 : i32 to index
      %swap3A_1289 = arith.constant 48 : index
      %swap3A_1290 = tpu.vector_load %arg15[%swap3A_1287, %swap3A_1288, %swap3A_1289] {strides = array<i32>} : memref<4x100x64xf32, #tpu.memory_space<vmem>>, vector<16xf32>,
      tpu.vector_store %arg15[%swap3A_1287, %swap3A_1288, %swap3A_1289], %add3A_1285 {strides = array<i32>} : memref<4x100x64xf32, #tpu.memory_space<vmem>>, vector<16xf32>,
      %eq3A_1291 = arith.constant 2 : i32
      %eq3A_1292 = vector.broadcast %eq3A_1291 : i32 to vector<16xi32>
      %eq3A_1293 = arith.cmpi eq, %iota3A, %eq3A_1292 : vector<16xi32>
      %jit3A_1294 = arith.constant 0 : i32
      %broadcast_in_dim3A_1295 = vector.broadcast %jit3A_1294 : i32 to vector<16xi32>
      %select_n3A_1296 = arith.select %eq3A_1293, %get3A_1174, %broadcast_in_dim3A_1295 : vector<16xi1>, vector<16xi32>
      %reduce_max3A_1297 = arith.constant true
      %reduce_max3A_1298 = vector.broadcast %reduce_max3A_1297 : i1 to vector<16xi1>
      %reduce_max3A_1299 = arith.constant -2147483648 : i32
      %reduce_max3A_1300 = vector.broadcast %reduce_max3A_1299 : i32 to vector<16xi32>
      %reduce_max3A_1301 = arith.xori %select_n3A_1296, %reduce_max3A_1300 : vector<16xi32>
      %reduce_max3A_1302 = tpu.scan <max>, %reduce_max3A_1301 masked %reduce_max3A_1298 : vector<16xi32>, vector<16xi1> -> vector<16xi32>
      %reduce_max3A_1303 = arith.xori %reduce_max3A_1302, %reduce_max3A_1300 : vector<16xi32>
      %reduce_max3A_1304 = vector.extract %reduce_max3A_1303[15] : i32 from vector<16xi32>
      %get3A_1305 = arith.constant 0 : index
      %get3A_1306 = tpu.vector_load %arg17[%get3A_1305] {strides = array<i32>} : memref<64xf32, #tpu.memory_space<vmem>>, vector<16xf32>,
      %get3A_1307 = arith.index_cast %reduce_max3A_1304 : i32 to index
      %get3A_1308 = arith.constant 0 : index
      %get3A_1309 = tpu.vector_load %arg16[%get3A_1307, %get3A_1308] {strides = array<i32>} : memref<100x64xf32, #tpu.memory_space<vmem>>, vector<16xf32>,
      %add3A_1310 = arith.addf %get3A_1306, %get3A_1309 : vector<16xf32>
      %swap3A_1311 = arith.constant 2 : i32
      %swap3A_1312 = arith.index_cast %swap3A_1311 : i32 to index
      %swap3A_1313 = arith.index_cast %reduce_max3A_1304 : i32 to index
      %swap3A_1314 = arith.constant 0 : index
      %swap3A_1315 = tpu.vector_load %arg15[%swap3A_1312, %swap3A_1313, %swap3A_1314] {strides = array<i32>} : memref<4x100x64xf32, #tpu.memory_space<vmem>>, vector<16xf32>,
      tpu.vector_store %arg15[%swap3A_1312, %swap3A_1313, %swap3A_1314], %add3A_1310 {strides = array<i32>} : memref<4x100x64xf32, #tpu.memory_space<vmem>>, vector<16xf32>,
      %get3A_1316 = arith.constant 16 : index
      %get3A_1317 = tpu.vector_load %arg17[%get3A_1316] {strides = array<i32>} : memref<64xf32, #tpu.memory_space<vmem>>, vector<16xf32>,
      %get3A_1318 = arith.index_cast %reduce_max3A_1304 : i32 to index
      %get3A_1319 = arith.constant 16 : index
      %get3A_1320 = tpu.vector_load %arg16[%get3A_1318, %get3A_1319] {strides = array<i32>} : memref<100x64xf32, #tpu.memory_space<vmem>>, vector<16xf32>,
      %add3A_1321 = arith.addf %get3A_1317, %get3A_1320 : vector<16xf32>
      %swap3A_1322 = arith.constant 2 : i32
      %swap3A_1323 = arith.index_cast %swap3A_1322 : i32 to index
      %swap3A_1324 = arith.index_cast %reduce_max3A_1304 : i32 to index
      %swap3A_1325 = arith.constant 16 : index
      %swap3A_1326 = tpu.vector_load %arg15[%swap3A_1323, %swap3A_1324, %swap3A_1325] {strides = array<i32>} : memref<4x100x64xf32, #tpu.memory_space<vmem>>, vector<16xf32>,
      tpu.vector_store %arg15[%swap3A_1323, %swap3A_1324, %swap3A_1325], %add3A_1321 {strides = array<i32>} : memref<4x100x64xf32, #tpu.memory_space<vmem>>, vector<16xf32>,
      %get3A_1327 = arith.constant 32 : index
      %get3A_1328 = tpu.vector_load %arg17[%get3A_1327] {strides = array<i32>} : memref<64xf32, #tpu.memory_space<vmem>>, vector<16xf32>,
      %get3A_1329 = arith.index_cast %reduce_max3A_1304 : i32 to index
      %get3A_1330 = arith.constant 32 : index
      %get3A_1331 = tpu.vector_load %arg16[%get3A_1329, %get3A_1330] {strides = array<i32>} : memref<100x64xf32, #tpu.memory_space<vmem>>, vector<16xf32>,
      %add3A_1332 = arith.addf %get3A_1328, %get3A_1331 : vector<16xf32>
      %swap3A_1333 = arith.constant 2 : i32
      %swap3A_1334 = arith.index_cast %swap3A_1333 : i32 to index
      %swap3A_1335 = arith.index_cast %reduce_max3A_1304 : i32 to index
      %swap3A_1336 = arith.constant 32 : index
      %swap3A_1337 = tpu.vector_load %arg15[%swap3A_1334, %swap3A_1335, %swap3A_1336] {strides = array<i32>} : memref<4x100x64xf32, #tpu.memory_space<vmem>>, vector<16xf32>,
      tpu.vector_store %arg15[%swap3A_1334, %swap3A_1335, %swap3A_1336], %add3A_1332 {strides = array<i32>} : memref<4x100x64xf32, #tpu.memory_space<vmem>>, vector<16xf32>,
      %get3A_1338 = arith.constant 48 : index
      %get3A_1339 = tpu.vector_load %arg17[%get3A_1338] {strides = array<i32>} : memref<64xf32, #tpu.memory_space<vmem>>, vector<16xf32>,
      %get3A_1340 = arith.index_cast %reduce_max3A_1304 : i32 to index
      %get3A_1341 = arith.constant 48 : index
      %get3A_1342 = tpu.vector_load %arg16[%get3A_1340, %get3A_1341] {strides = array<i32>} : memref<100x64xf32, #tpu.memory_space<vmem>>, vector<16xf32>,
      %add3A_1343 = arith.addf %get3A_1339, %get3A_1342 : vector<16xf32>
      %swap3A_1344 = arith.constant 2 : i32
      %swap3A_1345 = arith.index_cast %swap3A_1344 : i32 to index
      %swap3A_1346 = arith.index_cast %reduce_max3A_1304 : i32 to index
      %swap3A_1347 = arith.constant 48 : index
      %swap3A_1348 = tpu.vector_load %arg15[%swap3A_1345, %swap3A_1346, %swap3A_1347] {strides = array<i32>} : memref<4x100x64xf32, #tpu.memory_space<vmem>>, vector<16xf32>,
      tpu.vector_store %arg15[%swap3A_1345, %swap3A_1346, %swap3A_1347], %add3A_1343 {strides = array<i32>} : memref<4x100x64xf32, #tpu.memory_space<vmem>>, vector<16xf32>,
      %eq3A_1349 = arith.constant 3 : i32
      %eq3A_1350 = vector.broadcast %eq3A_1349 : i32 to vector<16xi32>
      %eq3A_1351 = arith.cmpi eq, %iota3A, %eq3A_1350 : vector<16xi32>
      %jit3A_1352 = arith.constant 0 : i32
      %broadcast_in_dim3A_1353 = vector.broadcast %jit3A_1352 : i32 to vector<16xi32>
      %select_n3A_1354 = arith.select %eq3A_1351, %get3A_1174, %broadcast_in_dim3A_1353 : vector<16xi1>, vector<16xi32>
      %reduce_max3A_1355 = arith.constant true
      %reduce_max3A_1356 = vector.broadcast %reduce_max3A_1355 : i1 to vector<16xi1>
      %reduce_max3A_1357 = arith.constant -2147483648 : i32
      %reduce_max3A_1358 = vector.broadcast %reduce_max3A_1357 : i32 to vector<16xi32>
      %reduce_max3A_1359 = arith.xori %select_n3A_1354, %reduce_max3A_1358 : vector<16xi32>
      %reduce_max3A_1360 = tpu.scan <max>, %reduce_max3A_1359 masked %reduce_max3A_1356 : vector<16xi32>, vector<16xi1> -> vector<16xi32>
      %reduce_max3A_1361 = arith.xori %reduce_max3A_1360, %reduce_max3A_1358 : vector<16xi32>
      %reduce_max3A_1362 = vector.extract %reduce_max3A_1361[15] : i32 from vector<16xi32>
      %get3A_1363 = arith.constant 0 : index
      %get3A_1364 = tpu.vector_load %arg17[%get3A_1363] {strides = array<i32>} : memref<64xf32, #tpu.memory_space<vmem>>, vector<16xf32>,
      %get3A_1365 = arith.index_cast %reduce_max3A_1362 : i32 to index
      %get3A_1366 = arith.constant 0 : index
      %get3A_1367 = tpu.vector_load %arg16[%get3A_1365, %get3A_1366] {strides = array<i32>} : memref<100x64xf32, #tpu.memory_space<vmem>>, vector<16xf32>,
      %add3A_1368 = arith.addf %get3A_1364, %get3A_1367 : vector<16xf32>
      %swap3A_1369 = arith.constant 3 : i32
      %swap3A_1370 = arith.index_cast %swap3A_1369 : i32 to index
      %swap3A_1371 = arith.index_cast %reduce_max3A_1362 : i32 to index
      %swap3A_1372 = arith.constant 0 : index
      %swap3A_1373 = tpu.vector_load %arg15[%swap3A_1370, %swap3A_1371, %swap3A_1372] {strides = array<i32>} : memref<4x100x64xf32, #tpu.memory_space<vmem>>, vector<16xf32>,
      tpu.vector_store %arg15[%swap3A_1370, %swap3A_1371, %swap3A_1372], %add3A_1368 {strides = array<i32>} : memref<4x100x64xf32, #tpu.memory_space<vmem>>, vector<16xf32>,
      %get3A_1374 = arith.constant 16 : index
      %get3A_1375 = tpu.vector_load %arg17[%get3A_1374] {strides = array<i32>} : memref<64xf32, #tpu.memory_space<vmem>>, vector<16xf32>,
      %get3A_1376 = arith.index_cast %reduce_max3A_1362 : i32 to index
      %get3A_1377 = arith.constant 16 : index
      %get3A_1378 = tpu.vector_load %arg16[%get3A_1376, %get3A_1377] {strides = array<i32>} : memref<100x64xf32, #tpu.memory_space<vmem>>, vector<16xf32>,
      %add3A_1379 = arith.addf %get3A_1375, %get3A_1378 : vector<16xf32>
      %swap3A_1380 = arith.constant 3 : i32
      %swap3A_1381 = arith.index_cast %swap3A_1380 : i32 to index
      %swap3A_1382 = arith.index_cast %reduce_max3A_1362 : i32 to index
      %swap3A_1383 = arith.constant 16 : index
      %swap3A_1384 = tpu.vector_load %arg15[%swap3A_1381, %swap3A_1382, %swap3A_1383] {strides = array<i32>} : memref<4x100x64xf32, #tpu.memory_space<vmem>>, vector<16xf32>,
      tpu.vector_store %arg15[%swap3A_1381, %swap3A_1382, %swap3A_1383], %add3A_1379 {strides = array<i32>} : memref<4x100x64xf32, #tpu.memory_space<vmem>>, vector<16xf32>,
      %get3A_1385 = arith.constant 32 : index
      %get3A_1386 = tpu.vector_load %arg17[%get3A_1385] {strides = array<i32>} : memref<64xf32, #tpu.memory_space<vmem>>, vector<16xf32>,
      %get3A_1387 = arith.index_cast %reduce_max3A_1362 : i32 to index
      %get3A_1388 = arith.constant 32 : index
      %get3A_1389 = tpu.vector_load %arg16[%get3A_1387, %get3A_1388] {strides = array<i32>} : memref<100x64xf32, #tpu.memory_space<vmem>>, vector<16xf32>,
      %add3A_1390 = arith.addf %get3A_1386, %get3A_1389 : vector<16xf32>
      %swap3A_1391 = arith.constant 3 : i32
      %swap3A_1392 = arith.index_cast %swap3A_1391 : i32 to index
      %swap3A_1393 = arith.index_cast %reduce_max3A_1362 : i32 to index
      %swap3A_1394 = arith.constant 32 : index
      %swap3A_1395 = tpu.vector_load %arg15[%swap3A_1392, %swap3A_1393, %swap3A_1394] {strides = array<i32>} : memref<4x100x64xf32, #tpu.memory_space<vmem>>, vector<16xf32>,
      tpu.vector_store %arg15[%swap3A_1392, %swap3A_1393, %swap3A_1394], %add3A_1390 {strides = array<i32>} : memref<4x100x64xf32, #tpu.memory_space<vmem>>, vector<16xf32>,
      %get3A_1396 = arith.constant 48 : index
      %get3A_1397 = tpu.vector_load %arg17[%get3A_1396] {strides = array<i32>} : memref<64xf32, #tpu.memory_space<vmem>>, vector<16xf32>,
      %get3A_1398 = arith.index_cast %reduce_max3A_1362 : i32 to index
      %get3A_1399 = arith.constant 48 : index
      %get3A_1400 = tpu.vector_load %arg16[%get3A_1398, %get3A_1399] {strides = array<i32>} : memref<100x64xf32, #tpu.memory_space<vmem>>, vector<16xf32>,
      %add3A_1401 = arith.addf %get3A_1397, %get3A_1400 : vector<16xf32>
      %swap3A_1402 = arith.constant 3 : i32
      %swap3A_1403 = arith.index_cast %swap3A_1402 : i32 to index
      %swap3A_1404 = arith.index_cast %reduce_max3A_1362 : i32 to index
      %swap3A_1405 = arith.constant 48 : index
      %swap3A_1406 = tpu.vector_load %arg15[%swap3A_1403, %swap3A_1404, %swap3A_1405] {strides = array<i32>} : memref<4x100x64xf32, #tpu.memory_space<vmem>>, vector<16xf32>,
      tpu.vector_store %arg15[%swap3A_1403, %swap3A_1404, %swap3A_1405], %add3A_1401 {strides = array<i32>} : memref<4x100x64xf32, #tpu.memory_space<vmem>>, vector<16xf32>,
      %add3A_1407 = arith.constant 0 : i32
      %add3A_1408 = arith.addi %add3A_1156, %add3A_1407 : i32
      %dma_start3A_1409 = arith.constant 0 : i32
      %dma_start3A_1410 = arith.constant 0 : i32
      %dma_start3A_1411 = arith.constant 0 : i32
      %dma_start3A_1412 = tpu.memref_slice %arg15[%dma_start3A_1409, %dma_start3A_1410, %dma_start3A_1411] : memref<4x100x64xf32, #tpu.memory_space<vmem>> -> memref<1x100x64xf32, #tpu.memory_space<vmem>>
      %dma_start3A_1413 = tpu.memref_squeeze %dma_start3A_1412 : memref<1x100x64xf32, #tpu.memory_space<vmem>> -> memref<100x64xf32, #tpu.memory_space<vmem>>
      %dma_start3A_1414 = arith.constant 0 : i32
      %dma_start3A_1415 = arith.constant 0 : i32
      %dma_start3A_1416 = tpu.memref_slice %arg7[%add3A_1408, %dma_start3A_1414, %dma_start3A_1415] : memref<16384x104x128xf32, #tpu.memory_space<hbm>> -> memref<1x100x64xf32, #tpu.memory_space<hbm>>
      %dma_start3A_1417 = tpu.memref_squeeze %dma_start3A_1416 : memref<1x100x64xf32, #tpu.memory_space<hbm>> -> memref<100x64xf32, #tpu.memory_space<hbm>>
      %dma_start3A_1418 = arith.constant 0 : i32
      %dma_start3A_1419 = arith.constant 0 : i32
      %dma_start3A_1420 = tpu.memref_slice %arg7[%add3A_1408, %dma_start3A_1418, %dma_start3A_1419] : memref<16384x104x128xf32, #tpu.memory_space<hbm>> -> memref<1x100x64xf32, #tpu.memory_space<hbm>>
      %dma_start3A_1421 = tpu.memref_squeeze %dma_start3A_1420 : memref<1x100x64xf32, #tpu.memory_space<hbm>> -> memref<100x64xf32, #tpu.memory_space<hbm>>
      %dma_start3A_1422 = arith.constant 0 : i32
      %dma_start3A_1423 = arith.constant 0 : i32
      %dma_start3A_1424 = tpu.memref_slice %arg15[%dma_start3A_1409, %dma_start3A_1422, %dma_start3A_1423] : memref<4x100x64xf32, #tpu.memory_space<vmem>> -> memref<1x100x64xf32, #tpu.memory_space<vmem>>
      %dma_start3A_1425 = tpu.memref_squeeze %dma_start3A_1424 : memref<1x100x64xf32, #tpu.memory_space<vmem>> -> memref<100x64xf32, #tpu.memory_space<vmem>>
      tpu.enqueue_dma source(%dma_start3A_1425 : memref<100x64xf32, #tpu.memory_space<vmem>>) target(%dma_start3A_1421 : memref<100x64xf32, #tpu.memory_space<hbm>>) target_semaphore(%arg26 : memref<!tpu.dma_semaphore, #tpu.memory_space<semaphore_mem>>)
      %add3A_1426 = arith.constant 1 : i32
      %add3A_1427 = arith.addi %add3A_1156, %add3A_1426 : i32
      %dma_start3A_1428 = arith.constant 1 : i32
      %dma_start3A_1429 = arith.constant 0 : i32
      %dma_start3A_1430 = arith.constant 0 : i32
      %dma_start3A_1431 = tpu.memref_slice %arg15[%dma_start3A_1428, %dma_start3A_1429, %dma_start3A_1430] : memref<4x100x64xf32, #tpu.memory_space<vmem>> -> memref<1x100x64xf32, #tpu.memory_space<vmem>>
      %dma_start3A_1432 = tpu.memref_squeeze %dma_start3A_1431 : memref<1x100x64xf32, #tpu.memory_space<vmem>> -> memref<100x64xf32, #tpu.memory_space<vmem>>
      %dma_start3A_1433 = arith.constant 0 : i32
      %dma_start3A_1434 = arith.constant 0 : i32
      %dma_start3A_1435 = tpu.memref_slice %arg7[%add3A_1427, %dma_start3A_1433, %dma_start3A_1434] : memref<16384x104x128xf32, #tpu.memory_space<hbm>> -> memref<1x100x64xf32, #tpu.memory_space<hbm>>
      %dma_start3A_1436 = tpu.memref_squeeze %dma_start3A_1435 : memref<1x100x64xf32, #tpu.memory_space<hbm>> -> memref<100x64xf32, #tpu.memory_space<hbm>>
      %dma_start3A_1437 = arith.constant 0 : i32
      %dma_start3A_1438 = arith.constant 0 : i32
      %dma_start3A_1439 = tpu.memref_slice %arg7[%add3A_1427, %dma_start3A_1437, %dma_start3A_1438] : memref<16384x104x128xf32, #tpu.memory_space<hbm>> -> memref<1x100x64xf32, #tpu.memory_space<hbm>>
      %dma_start3A_1440 = tpu.memref_squeeze %dma_start3A_1439 : memref<1x100x64xf32, #tpu.memory_space<hbm>> -> memref<100x64xf32, #tpu.memory_space<hbm>>
      %dma_start3A_1441 = arith.constant 0 : i32
      %dma_start3A_1442 = arith.constant 0 : i32
      %dma_start3A_1443 = tpu.memref_slice %arg15[%dma_start3A_1428, %dma_start3A_1441, %dma_start3A_1442] : memref<4x100x64xf32, #tpu.memory_space<vmem>> -> memref<1x100x64xf32, #tpu.memory_space<vmem>>
      %dma_start3A_1444 = tpu.memref_squeeze %dma_start3A_1443 : memref<1x100x64xf32, #tpu.memory_space<vmem>> -> memref<100x64xf32, #tpu.memory_space<vmem>>
      tpu.enqueue_dma source(%dma_start3A_1444 : memref<100x64xf32, #tpu.memory_space<vmem>>) target(%dma_start3A_1440 : memref<100x64xf32, #tpu.memory_space<hbm>>) target_semaphore(%arg26 : memref<!tpu.dma_semaphore, #tpu.memory_space<semaphore_mem>>)
      %add3A_1445 = arith.constant 2 : i32
      %add3A_1446 = arith.addi %add3A_1156, %add3A_1445 : i32
      %dma_start3A_1447 = arith.constant 2 : i32
      %dma_start3A_1448 = arith.constant 0 : i32
      %dma_start3A_1449 = arith.constant 0 : i32
      %dma_start3A_1450 = tpu.memref_slice %arg15[%dma_start3A_1447, %dma_start3A_1448, %dma_start3A_1449] : memref<4x100x64xf32, #tpu.memory_space<vmem>> -> memref<1x100x64xf32, #tpu.memory_space<vmem>>
      %dma_start3A_1451 = tpu.memref_squeeze %dma_start3A_1450 : memref<1x100x64xf32, #tpu.memory_space<vmem>> -> memref<100x64xf32, #tpu.memory_space<vmem>>
      %dma_start3A_1452 = arith.constant 0 : i32
      %dma_start3A_1453 = arith.constant 0 : i32
      %dma_start3A_1454 = tpu.memref_slice %arg7[%add3A_1446, %dma_start3A_1452, %dma_start3A_1453] : memref<16384x104x128xf32, #tpu.memory_space<hbm>> -> memref<1x100x64xf32, #tpu.memory_space<hbm>>
      %dma_start3A_1455 = tpu.memref_squeeze %dma_start3A_1454 : memref<1x100x64xf32, #tpu.memory_space<hbm>> -> memref<100x64xf32, #tpu.memory_space<hbm>>
      %dma_start3A_1456 = arith.constant 0 : i32
      %dma_start3A_1457 = arith.constant 0 : i32
      %dma_start3A_1458 = tpu.memref_slice %arg7[%add3A_1446, %dma_start3A_1456, %dma_start3A_1457] : memref<16384x104x128xf32, #tpu.memory_space<hbm>> -> memref<1x100x64xf32, #tpu.memory_space<hbm>>
      %dma_start3A_1459 = tpu.memref_squeeze %dma_start3A_1458 : memref<1x100x64xf32, #tpu.memory_space<hbm>> -> memref<100x64xf32, #tpu.memory_space<hbm>>
      %dma_start3A_1460 = arith.constant 0 : i32
      %dma_start3A_1461 = arith.constant 0 : i32
      %dma_start3A_1462 = tpu.memref_slice %arg15[%dma_start3A_1447, %dma_start3A_1460, %dma_start3A_1461] : memref<4x100x64xf32, #tpu.memory_space<vmem>> -> memref<1x100x64xf32, #tpu.memory_space<vmem>>
      %dma_start3A_1463 = tpu.memref_squeeze %dma_start3A_1462 : memref<1x100x64xf32, #tpu.memory_space<vmem>> -> memref<100x64xf32, #tpu.memory_space<vmem>>
      tpu.enqueue_dma source(%dma_start3A_1463 : memref<100x64xf32, #tpu.memory_space<vmem>>) target(%dma_start3A_1459 : memref<100x64xf32, #tpu.memory_space<hbm>>) target_semaphore(%arg26 : memref<!tpu.dma_semaphore, #tpu.memory_space<semaphore_mem>>)
      %add3A_1464 = arith.constant 3 : i32
      %add3A_1465 = arith.addi %add3A_1156, %add3A_1464 : i32
      %dma_start3A_1466 = arith.constant 3 : i32
      %dma_start3A_1467 = arith.constant 0 : i32
      %dma_start3A_1468 = arith.constant 0 : i32
      %dma_start3A_1469 = tpu.memref_slice %arg15[%dma_start3A_1466, %dma_start3A_1467, %dma_start3A_1468] : memref<4x100x64xf32, #tpu.memory_space<vmem>> -> memref<1x100x64xf32, #tpu.memory_space<vmem>>
      %dma_start3A_1470 = tpu.memref_squeeze %dma_start3A_1469 : memref<1x100x64xf32, #tpu.memory_space<vmem>> -> memref<100x64xf32, #tpu.memory_space<vmem>>
      %dma_start3A_1471 = arith.constant 0 : i32
      %dma_start3A_1472 = arith.constant 0 : i32
      %dma_start3A_1473 = tpu.memref_slice %arg7[%add3A_1465, %dma_start3A_1471, %dma_start3A_1472] : memref<16384x104x128xf32, #tpu.memory_space<hbm>> -> memref<1x100x64xf32, #tpu.memory_space<hbm>>
      %dma_start3A_1474 = tpu.memref_squeeze %dma_start3A_1473 : memref<1x100x64xf32, #tpu.memory_space<hbm>> -> memref<100x64xf32, #tpu.memory_space<hbm>>
      %dma_start3A_1475 = arith.constant 0 : i32
      %dma_start3A_1476 = arith.constant 0 : i32
      %dma_start3A_1477 = tpu.memref_slice %arg7[%add3A_1465, %dma_start3A_1475, %dma_start3A_1476] : memref<16384x104x128xf32, #tpu.memory_space<hbm>> -> memref<1x100x64xf32, #tpu.memory_space<hbm>>
      %dma_start3A_1478 = tpu.memref_squeeze %dma_start3A_1477 : memref<1x100x64xf32, #tpu.memory_space<hbm>> -> memref<100x64xf32, #tpu.memory_space<hbm>>
      %dma_start3A_1479 = arith.constant 0 : i32
      %dma_start3A_1480 = arith.constant 0 : i32
      %dma_start3A_1481 = tpu.memref_slice %arg15[%dma_start3A_1466, %dma_start3A_1479, %dma_start3A_1480] : memref<4x100x64xf32, #tpu.memory_space<vmem>> -> memref<1x100x64xf32, #tpu.memory_space<vmem>>
      %dma_start3A_1482 = tpu.memref_squeeze %dma_start3A_1481 : memref<1x100x64xf32, #tpu.memory_space<vmem>> -> memref<100x64xf32, #tpu.memory_space<vmem>>
      tpu.enqueue_dma source(%dma_start3A_1482 : memref<100x64xf32, #tpu.memory_space<vmem>>) target(%dma_start3A_1478 : memref<100x64xf32, #tpu.memory_space<hbm>>) target_semaphore(%arg26 : memref<!tpu.dma_semaphore, #tpu.memory_space<semaphore_mem>>)
      %dma_wait3A_1483 = arith.constant 0 : i32
      %dma_wait3A_1484 = arith.constant 0 : i32
      %dma_wait3A_1485 = arith.constant 0 : i32
      %dma_wait3A_1486 = tpu.memref_slice %arg7[%dma_wait3A_1483, %dma_wait3A_1484, %dma_wait3A_1485] : memref<16384x104x128xf32, #tpu.memory_space<hbm>> -> memref<4x100x64xf32, #tpu.memory_space<hbm>>
      %dma_wait3A_1487 = arith.constant 0 : i32
      %dma_wait3A_1488 = arith.constant 0 : i32
      %dma_wait3A_1489 = arith.constant 0 : i32
      %dma_wait3A_1490 = tpu.memref_slice %arg7[%dma_wait3A_1487, %dma_wait3A_1488, %dma_wait3A_1489] : memref<16384x104x128xf32, #tpu.memory_space<hbm>> -> memref<4x100x64xf32, #tpu.memory_space<hbm>>
      tpu.wait_dma2 semaphore(%arg24 : memref<!tpu.dma_semaphore, #tpu.memory_space<semaphore_mem>>) src(%arg13 : memref<4x100x64xf32, #tpu.memory_space<vmem>>) dst(%dma_wait3A_1490 : memref<4x100x64xf32, #tpu.memory_space<hbm>>)
      %add3A_1491 = arith.constant 3 : i32
      %add3A_1492 = arith.addi %mul3A_124, %add3A_1491 : i32
      %add3A_1493 = arith.constant 2 : i32
      %add3A_1494 = arith.addi %add3A_1492, %add3A_1493 : i32
      %lt3A_1495 = arith.constant 128 : i32
      %lt3A_1496 = arith.cmpi slt, %add3A_1494, %lt3A_1495 : i32
      %convert_element_type3A_1497 = arith.extui %lt3A_1496 : i1 to i32
      %cond3A_1498 = arith.constant 0 : i32
      %cond3A_1499 = arith.cmpi ne, %convert_element_type3A_1497, %cond3A_1498 : i32
      scf.if %cond3A_1499 {
        %add3A_1500 = arith.constant 3 : i32
        %add3A_1501 = arith.addi %mul3A_124, %add3A_1500 : i32
        %add3A_1502 = arith.constant 2 : i32
        %add3A_1503 = arith.addi %add3A_1501, %add3A_1502 : i32
        %mul3A_1504 = arith.constant 4 : i32
        %mul3A_1505 = arith.muli %add3A_1503, %mul3A_1504 : i32
        %add3A_1506 = arith.addi %mul3A_2, %mul3A_1505 : i32
        "tpu.region"() ({
          %run_scoped3A = tpu.sem_alloc : memref<!tpu.dma_semaphore, #tpu.memory_space<semaphore_mem>>
          %dma_start3A_1555 = arith.constant 0 : i32
          %dma_start3A_1556 = tpu.memref_slice %arg2[%add3A_1506, %dma_start3A_1555] : memref<16384x100xi32, #tpu.memory_space<hbm>> -> memref<4x100xi32, #tpu.memory_space<hbm>>
          %dma_start3A_1557 = arith.constant 0 : i32
          %dma_start3A_1558 = tpu.memref_slice %arg2[%add3A_1506, %dma_start3A_1557] : memref<16384x100xi32, #tpu.memory_space<hbm>> -> memref<4x100xi32, #tpu.memory_space<hbm>>
          tpu.enqueue_dma source(%dma_start3A_1558 : memref<4x100xi32, #tpu.memory_space<hbm>>) target(%arg9 : memref<4x100xi32, #tpu.memory_space<vmem>>) target_semaphore(%run_scoped3A : memref<!tpu.dma_semaphore, #tpu.memory_space<semaphore_mem>>)
          %dma_wait3A_1559 = arith.constant 0 : i32
          %dma_wait3A_1560 = tpu.memref_slice %arg2[%add3A_1506, %dma_wait3A_1559] : memref<16384x100xi32, #tpu.memory_space<hbm>> -> memref<4x100xi32, #tpu.memory_space<hbm>>
          %dma_wait3A_1561 = arith.constant 0 : i32
          %dma_wait3A_1562 = tpu.memref_slice %arg2[%add3A_1506, %dma_wait3A_1561] : memref<16384x100xi32, #tpu.memory_space<hbm>> -> memref<4x100xi32, #tpu.memory_space<hbm>>
          tpu.wait_dma2 semaphore(%run_scoped3A : memref<!tpu.dma_semaphore, #tpu.memory_space<semaphore_mem>>) src(%dma_wait3A_1562 : memref<4x100xi32, #tpu.memory_space<hbm>>) dst(%arg9 : memref<4x100xi32, #tpu.memory_space<vmem>>)
          tpu.yield
        }) : () -> ()
        %dma_start3A_1507 = arith.constant 0 : i32
        %dma_start3A_1508 = arith.constant 0 : i32
        %dma_start3A_1509 = arith.constant 0 : i32
        %dma_start3A_1510 = arith.constant 0 : i32
        %dma_start3A_1511 = tpu.memref_slice %arg13[%dma_start3A_1508, %dma_start3A_1509, %dma_start3A_1510] : memref<4x100x64xf32, #tpu.memory_space<vmem>> -> memref<1x100x64xf32, #tpu.memory_space<vmem>>
        %dma_start3A_1512 = tpu.memref_squeeze %dma_start3A_1511 : memref<1x100x64xf32, #tpu.memory_space<vmem>> -> memref<100x64xf32, #tpu.memory_space<vmem>>
        %dma_start3A_1513 = arith.constant 0 : i32
        %dma_start3A_1514 = tpu.memref_slice %arg9[%dma_start3A_1507, %dma_start3A_1513] : memref<4x100xi32, #tpu.memory_space<vmem>> -> memref<1x100xi32, #tpu.memory_space<vmem>>
        %dma_start3A_1515 = tpu.memref_squeeze %dma_start3A_1514 : memref<1x100xi32, #tpu.memory_space<vmem>> -> memref<100xi32, #tpu.memory_space<vmem>>
        %dma_start3A_1516 = arith.constant 0 : i32
        %dma_start3A_1517 = arith.constant 0 : i32
        %dma_start3A_1518 = tpu.memref_slice %arg5[%dma_start3A_1516, %dma_start3A_1517] : memref<1000000x64xf32, #tpu.memory_space<hbm>> -> memref<1000000x64xf32, #tpu.memory_space<hbm>>
        tpu.enqueue_indirect_dma source(%dma_start3A_1518 : memref<1000000x64xf32, #tpu.memory_space<hbm>>) target(%dma_start3A_1512 : memref<100x64xf32, #tpu.memory_space<vmem>>) offsets(%dma_start3A_1515 : memref<100xi32, #tpu.memory_space<vmem>>) semaphore(%arg20 : memref<!tpu.dma_semaphore, #tpu.memory_space<semaphore_mem>>)
        %dma_start3A_1519 = arith.constant 1 : i32
        %dma_start3A_1520 = arith.constant 1 : i32
        %dma_start3A_1521 = arith.constant 0 : i32
        %dma_start3A_1522 = arith.constant 0 : i32
        %dma_start3A_1523 = tpu.memref_slice %arg13[%dma_start3A_1520, %dma_start3A_1521, %dma_start3A_1522] : memref<4x100x64xf32, #tpu.memory_space<vmem>> -> memref<1x100x64xf32, #tpu.memory_space<vmem>>
        %dma_start3A_1524 = tpu.memref_squeeze %dma_start3A_1523 : memref<1x100x64xf32, #tpu.memory_space<vmem>> -> memref<100x64xf32, #tpu.memory_space<vmem>>
        %dma_start3A_1525 = arith.constant 0 : i32
        %dma_start3A_1526 = tpu.memref_slice %arg9[%dma_start3A_1519, %dma_start3A_1525] : memref<4x100xi32, #tpu.memory_space<vmem>> -> memref<1x100xi32, #tpu.memory_space<vmem>>
        %dma_start3A_1527 = tpu.memref_squeeze %dma_start3A_1526 : memref<1x100xi32, #tpu.memory_space<vmem>> -> memref<100xi32, #tpu.memory_space<vmem>>
        %dma_start3A_1528 = arith.constant 0 : i32
        %dma_start3A_1529 = arith.constant 0 : i32
        %dma_start3A_1530 = tpu.memref_slice %arg5[%dma_start3A_1528, %dma_start3A_1529] : memref<1000000x64xf32, #tpu.memory_space<hbm>> -> memref<1000000x64xf32, #tpu.memory_space<hbm>>
        tpu.enqueue_indirect_dma source(%dma_start3A_1530 : memref<1000000x64xf32, #tpu.memory_space<hbm>>) target(%dma_start3A_1524 : memref<100x64xf32, #tpu.memory_space<vmem>>) offsets(%dma_start3A_1527 : memref<100xi32, #tpu.memory_space<vmem>>) semaphore(%arg20 : memref<!tpu.dma_semaphore, #tpu.memory_space<semaphore_mem>>)
        %dma_start3A_1531 = arith.constant 2 : i32
        %dma_start3A_1532 = arith.constant 2 : i32
        %dma_start3A_1533 = arith.constant 0 : i32
        %dma_start3A_1534 = arith.constant 0 : i32
        %dma_start3A_1535 = tpu.memref_slice %arg13[%dma_start3A_1532, %dma_start3A_1533, %dma_start3A_1534] : memref<4x100x64xf32, #tpu.memory_space<vmem>> -> memref<1x100x64xf32, #tpu.memory_space<vmem>>
        %dma_start3A_1536 = tpu.memref_squeeze %dma_start3A_1535 : memref<1x100x64xf32, #tpu.memory_space<vmem>> -> memref<100x64xf32, #tpu.memory_space<vmem>>
        %dma_start3A_1537 = arith.constant 0 : i32
        %dma_start3A_1538 = tpu.memref_slice %arg9[%dma_start3A_1531, %dma_start3A_1537] : memref<4x100xi32, #tpu.memory_space<vmem>> -> memref<1x100xi32, #tpu.memory_space<vmem>>
        %dma_start3A_1539 = tpu.memref_squeeze %dma_start3A_1538 : memref<1x100xi32, #tpu.memory_space<vmem>> -> memref<100xi32, #tpu.memory_space<vmem>>
        %dma_start3A_1540 = arith.constant 0 : i32
        %dma_start3A_1541 = arith.constant 0 : i32
        %dma_start3A_1542 = tpu.memref_slice %arg5[%dma_start3A_1540, %dma_start3A_1541] : memref<1000000x64xf32, #tpu.memory_space<hbm>> -> memref<1000000x64xf32, #tpu.memory_space<hbm>>
        tpu.enqueue_indirect_dma source(%dma_start3A_1542 : memref<1000000x64xf32, #tpu.memory_space<hbm>>) target(%dma_start3A_1536 : memref<100x64xf32, #tpu.memory_space<vmem>>) offsets(%dma_start3A_1539 : memref<100xi32, #tpu.memory_space<vmem>>) semaphore(%arg20 : memref<!tpu.dma_semaphore, #tpu.memory_space<semaphore_mem>>)
        %dma_start3A_1543 = arith.constant 3 : i32
        %dma_start3A_1544 = arith.constant 3 : i32
        %dma_start3A_1545 = arith.constant 0 : i32
        %dma_start3A_1546 = arith.constant 0 : i32
        %dma_start3A_1547 = tpu.memref_slice %arg13[%dma_start3A_1544, %dma_start3A_1545, %dma_start3A_1546] : memref<4x100x64xf32, #tpu.memory_space<vmem>> -> memref<1x100x64xf32, #tpu.memory_space<vmem>>
        %dma_start3A_1548 = tpu.memref_squeeze %dma_start3A_1547 : memref<1x100x64xf32, #tpu.memory_space<vmem>> -> memref<100x64xf32, #tpu.memory_space<vmem>>
        %dma_start3A_1549 = arith.constant 0 : i32
        %dma_start3A_1550 = tpu.memref_slice %arg9[%dma_start3A_1543, %dma_start3A_1549] : memref<4x100xi32, #tpu.memory_space<vmem>> -> memref<1x100xi32, #tpu.memory_space<vmem>>
        %dma_start3A_1551 = tpu.memref_squeeze %dma_start3A_1550 : memref<1x100xi32, #tpu.memory_space<vmem>> -> memref<100xi32, #tpu.memory_space<vmem>>
        %dma_start3A_1552 = arith.constant 0 : i32
        %dma_start3A_1553 = arith.constant 0 : i32
        %dma_start3A_1554 = tpu.memref_slice %arg5[%dma_start3A_1552, %dma_start3A_1553] : memref<1000000x64xf32, #tpu.memory_space<hbm>> -> memref<1000000x64xf32, #tpu.memory_space<hbm>>
        tpu.enqueue_indirect_dma source(%dma_start3A_1554 : memref<1000000x64xf32, #tpu.memory_space<hbm>>) target(%dma_start3A_1548 : memref<100x64xf32, #tpu.memory_space<vmem>>) offsets(%dma_start3A_1551 : memref<100xi32, #tpu.memory_space<vmem>>) semaphore(%arg20 : memref<!tpu.dma_semaphore, #tpu.memory_space<semaphore_mem>>)
      } else {
      }
    }
    %scan3A_106 = arith.constant 32 : i32
    %dma_wait3A = arith.constant 0 : i32
    %dma_wait3A_107 = arith.constant 0 : i32
    %dma_wait3A_108 = arith.constant 0 : i32
    %dma_wait3A_109 = tpu.memref_slice %arg7[%dma_wait3A, %dma_wait3A_107, %dma_wait3A_108] : memref<16384x104x128xf32, #tpu.memory_space<hbm>> -> memref<4x100x64xf32, #tpu.memory_space<hbm>>
    %dma_wait3A_110 = arith.constant 0 : i32
    %dma_wait3A_111 = arith.constant 0 : i32
    %dma_wait3A_112 = arith.constant 0 : i32
    %dma_wait3A_113 = tpu.memref_slice %arg7[%dma_wait3A_110, %dma_wait3A_111, %dma_wait3A_112] : memref<16384x104x128xf32, #tpu.memory_space<hbm>> -> memref<4x100x64xf32, #tpu.memory_space<hbm>>
    tpu.wait_dma2 semaphore(%arg25 : memref<!tpu.dma_semaphore, #tpu.memory_space<semaphore_mem>>) src(%arg14 : memref<4x100x64xf32, #tpu.memory_space<vmem>>) dst(%dma_wait3A_113 : memref<4x100x64xf32, #tpu.memory_space<hbm>>)
    %dma_wait3A_114 = arith.constant 0 : i32
    %dma_wait3A_115 = arith.constant 0 : i32
    %dma_wait3A_116 = arith.constant 0 : i32
    %dma_wait3A_117 = tpu.memref_slice %arg7[%dma_wait3A_114, %dma_wait3A_115, %dma_wait3A_116] : memref<16384x104x128xf32, #tpu.memory_space<hbm>> -> memref<4x100x64xf32, #tpu.memory_space<hbm>>
    %dma_wait3A_118 = arith.constant 0 : i32
    %dma_wait3A_119 = arith.constant 0 : i32
    %dma_wait3A_120 = arith.constant 0 : i32
    %dma_wait3A_121 = tpu.memref_slice %arg7[%dma_wait3A_118, %dma_wait3A_119, %dma_wait3A_120] : memref<16384x104x128xf32, #tpu.memory_space<hbm>> -> memref<4x100x64xf32, #tpu.memory_space<hbm>>
    tpu.wait_dma2 semaphore(%arg26 : memref<!tpu.dma_semaphore, #tpu.memory_space<semaphore_mem>>) src(%arg15 : memref<4x100x64xf32, #tpu.memory_space<vmem>>) dst(%dma_wait3A_121 : memref<4x100x64xf32, #tpu.memory_space<hbm>>)
    return
  }
}

</mosaic_0001>

<sc_bundles>
// kernel: kernel.3.cloned.1.call-start
scs
__scs_entry_jumppad:
0x0: {  	(pc) =	sbr.rel $0x88, $3  }
0x1: {  	(tag) =	ssettag $0x0;
	lr =	simm.s32 $0x1  }
0x2: {  	[smem:$0x3F9C] =	sst lr;
	_ =	strace $0xD0000000  }
0x3: {  	_ = 	snop  }
0x4: {  	_ = 	snop  }
0x5: {  	_ = 	snop  }
0x6: {  	_ = 	snop  }
0x7: {  	_ = 	snop  }
__scs_overlays_trampoline_lowered:
0x8: {  	[smem:$0x3FAB] =	sst s0  }
0x9: {  	[smem:$0x3FAC] =	sst s1  }
0xa: {  	[smem:$0x3FAD] =	sst s2  }
0xb: {  	[smem:$0x3FAE] =	sst s3  }
0xc: {  	[smem:$0x3FAF] =	sst s4  }
0xd: {  	[smem:$0x3FB0] =	sst s5  }
0xe: {  	[smem:$0x3FB1] =	sst s6  }
0xf: {  	[smem:$0x3FB2] =	sst s7  }
0x10: {  	[smem:$0x3FB3] =	sst s8  }
0x11: {  	[smem:$0x3FB4] =	sst s9;
	s0 =	simm.s32 @!p0 $0x0  }
0x12: {  	s1 =	sld [smem:$0x3F9A];
	s0 =	simm.s32 @p0 $0x1  }
0x13: {  	[smem:$0x3FB5] =	sst s0;
	s0 =	simm.s32 @!p1 $0x0  }
0x14: {  	s2 =	sld [smem:$0x3F99];
	s0 =	simm.s32 @p1 $0x1  }
0x15: {  	[smem:$0x3FB6] =	sst s0;
	s0 =	simm.s32 @!p2 $0x0  }
0x16: {  	s3 =	sld [smem:$0x3FDB];
	s0 =	simm.s32 @p2 $0x1  }
0x17: {  	s4 =	simm.s32 $0x1BF5;
	[smem:$0x3FB8] =	sst s0  }
0x18: {  	s0 =	sld [smem:$0x3F9B];
	_ =	swait.ge [sflag:s4], $0x0  }
0x19: {  	s7 =	sld [smem:$0x3F9C]  }
0x1a: {  	s8 =	sadd.s32 $0xFFFFE003, lr  }
0x1b: {  	s9 =	sadd.s32 $0xFFFFFEF7, lr;
	s5 =	simm.s32 $0xFFFFFFFF;
	p2 =	slt.u32 s8, $0xFFFFF086  }
0x1c: {  	p1 =	slt.u32 s9, $0xF7A;
	s5 =	simm.s32 @!p2 $0x0  }
0x1d: {  	s5 =	simm.s32 @p1 $0x1;
	p0 =	seq.s32 s7, s2  }
0x1e: {  	s7 =	smul.u32 @!p0 $0xF7A, s2;
	p2 =	seq.s32 @!p0 s5, $0x0  }
0x1f: {  	s9 =	smul.u32 $0xF7A, s1;
	s8 =	simm.s32 @!p0 $0x1BF5;
	p2 =	por !p2, p0  }
0x20: {  	[sflag:s8] =	ssyncset.s32 @!p0 $0xFFFFF086;
	s6 =	sadd.s32 @!p0 s3, s7;
	s7 =	simm.s32 @!p0 $0x108  }
0x21: {  	s3 =	sadd.s32 s3, s9;
	s6 =	sadd.s32 @!p0 $0x88, s6;
	s7 =	simm.s32 @p2 $0x1082  }
0x22: {  	[simem:s7], [sflag:s8] =	dma.local @!p0 [hbm:s6], $0xF7A  }
0x23: {  	s9 =	sor.u32 $0xD0000000, s2;
	s6 =	simm.s32 $0x108;
	_ =	swait.ge @!p0 [sflag:s8], $0x0  }
0x24: {  	s3 =	sadd.s32 $0x88, s3;
	s6 =	simm.s32 @!p1 $0x1082;
	[sflag:s4] =	ssyncset.s32 $0xFFFFF086  }
0x25: {  	[simem:s6], [sflag:s4] =	dma.local [hbm:s3], $0xF7A  }
0x26: {  	[smem:$0x3F9C] =	sst s1;
	(tag) =	ssettag s2;
	_ =	strace s9  }
0x27: {  	s1 =	sld [smem:$0x3FAC]  }
0x28: {  	s2 =	sld [smem:$0x3FAD]  }
0x29: {  	s4 =	sld [smem:$0x3FAF]  }
0x2a: {  	p0 =	seq.s32 s5, $0x0;
	s5 =	sld [smem:$0x3FB0]  }
0x2b: {  	s6 =	sld [smem:$0x3FB1]  }
0x2c: {  	s7 =	sld [smem:$0x3FB2]  }
0x2d: {  	s3 =	simm.s32 $0x108;
	s8 =	sld [smem:$0x3FB3]  }
0x2e: {  	s3 =	simm.s32 @!p0 $0x1082;
	s9 =	sld [smem:$0x3FB4]  }
0x2f: {  	lr =	sadd.s32 s0, s3;
	s0 =	sld [smem:$0x3FAB]  }
0x30: {  	s3 =	sld [smem:$0x3FAE]  }
0x31: {  	[smem:$0x3FB7] =	sst s10  }
0x32: {  	s10 =	sld [smem:$0x3FB5];
	_ =	sdelay $0x3  }
0x33: {  	p0 =	seq.s32 s10, $0x1;
	s10 =	sld [smem:$0x3FB7];
	_ =	sdelay $0x3  }
0x34: {  	[smem:$0x3FB7] =	sst s10  }
0x35: {  	s10 =	sld [smem:$0x3FB6];
	_ =	sdelay $0x3  }
0x36: {  	p1 =	seq.s32 s10, $0x1;
	s10 =	sld [smem:$0x3FB7];
	_ =	sdelay $0x3  }
0x37: {  	[smem:$0x3FB7] =	sst s10  }
0x38: {  	s10 =	sld [smem:$0x3FB8]  }
0x39: {  	_ = 	snop;
	(pc) =	sbr.ind lr, $3  }
0x3a: {  	_ = 	snop  }
0x3b: {  	_ = 	snop  }
0x3c: {  	p2 =	seq.s32 s10, $0x1;
	s10 =	sld [smem:$0x3FB7]  }
0x3d: {  	_ =	shalt  }
0x3e: {  	_ =	shalt  }
0x3f: {  	_ =	shalt  }
0x40: {  	_ =	shalt  }
0x41: {  	_ =	shalt  }
0x42: {  	_ =	shalt  }
0x43: {  	_ =	shalt  }
0x44: {  	_ =	shalt  }
0x45: {  	_ =	shalt  }
0x46: {  	_ =	shalt  }
0x47: {  	_ =	shalt  }
0x48: {  	_ =	shalt  }
0x49: {  	_ =	shalt  }
0x4a: {  	_ =	shalt  }
0x4b: {  	_ =	shalt  }
0x4c: {  	_ =	shalt  }
0x4d: {  	_ =	shalt  }
0x4e: {  	_ =	shalt  }
0x4f: {  	_ =	shalt  }
0x50: {  	_ =	shalt  }
0x51: {  	_ =	shalt  }
0x52: {  	_ =	shalt  }
0x53: {  	_ =	shalt  }
0x54: {  	_ =	shalt  }
0x55: {  	_ =	shalt  }
0x56: {  	_ =	shalt  }
0x57: {  	_ =	shalt  }
0x58: {  	_ =	shalt  }
0x59: {  	_ =	shalt  }
0x5a: {  	_ =	shalt  }
0x5b: {  	_ =	shalt  }
0x5c: {  	_ =	shalt  }
0x5d: {  	_ =	shalt  }
0x5e: {  	_ =	shalt  }
0x5f: {  	_ =	shalt  }
0x60: {  	_ =	shalt  }
0x61: {  	_ =	shalt  }
0x62: {  	_ =	shalt  }
0x63: {  	_ =	shalt  }
0x64: {  	_ =	shalt  }
0x65: {  	_ =	shalt  }
0x66: {  	_ =	shalt  }
0x67: {  	_ =	shalt  }
0x68: {  	_ =	shalt  }
0x69: {  	_ =	shalt  }
0x6a: {  	_ =	shalt  }
0x6b: {  	_ =	shalt  }
0x6c: {  	_ =	shalt  }
0x6d: {  	_ =	shalt  }
0x6e: {  	_ =	shalt  }
0x6f: {  	_ =	shalt  }
0x70: {  	_ =	shalt  }
0x71: {  	_ =	shalt  }
0x72: {  	_ =	shalt  }
0x73: {  	_ =	shalt  }
0x74: {  	_ =	shalt  }
0x75: {  	_ =	shalt  }
0x76: {  	_ =	shalt  }
0x77: {  	_ =	shalt  }
0x78: {  	_ =	shalt  }
0x79: {  	_ =	shalt  }
0x7a: {  	_ =	shalt  }
0x7b: {  	_ =	shalt  }
0x7c: {  	_ =	shalt  }
0x7d: {  	_ =	shalt  }
0x7e: {  	_ =	shalt  }
0x7f: {  	_ =	shalt  }
0x80: {  	_ =	shalt  }
0x81: {  	_ =	shalt  }
0x82: {  	_ =	shalt  }
0x83: {  	_ =	shalt  }
0x84: {  	_ =	shalt  }
0x85: {  	_ =	shalt  }
0x86: {  	_ =	shalt  }
0x87: {  	_ =	shalt  }
.Lfunc_end0:
.L_simem_size_0:
called_computation.1_lowered:
.L_overlay_start_0:
0x88: {  	s2 =	sld [smem:$0x3FD9]  }
0x89: {  	s3 =	sld [smem:$0x3FFE];
	_ =	sdelay $0x1  }
0x8a: {  	s1 =	srdreg.scid  }
0x8b: {  	s0 =	sand.u32 $0x1, s1  }
0x8c: {  	s17 =	sshll.u32 s0, $0xA;
	s2 =	sadd.s32 s3, s2  }
0x8d: {  	s2 =	sadd.s32 s2, s17  }
0x8e: {  	[smem:$0x3FC3] =	sst s2  }
0x8f: {  	_ = 	snop  }
0x90: {  	s2 =	sld [smem:$0x3FC8]  }
0x91: {  	s18 =	sld [smem:$0x3FC5]  }
0x92: {  	s4 =	sld [smem:$0x3FD0];
	(tm) =	ssettm $0x1  }
0x93: {  	s5 =	sld [smem:$0x3FFB];
	_ =	sdelay $0x3  }
0x94: {  	_ =	strace s5  }
0x95: {  	s5 =	sld [smem:$0x3FFC];
	_ =	sdelay $0x3  }
0x96: {  	_ =	strace s5  }
0x97: {  	s5 =	sld [smem:$0x3FFD];
	_ =	sdelay $0x3  }
0x98: {  	_ =	strace s5  }
0x99: {  	_ =	strace $0x8FFFFFFF  }
0x9a: {  	s19 =	sld [smem:$0x3FDB];
	_ =	sdelay $0x1  }
0x9b: {  	s6 =	simm.s32 $_scs_section_size  }
0x9c: {  	s7 =	simm.s32 $_size__tile_overlayer_lowered;
	s8 =	simm.s32 $_tile_overlayer_lowered  }
0x9d: {  	s22 =	simm.s32 $0x1BFF;
	s21 =	sshll.u32 s8, $0x1;
	s5 =	sadd.s32 s6, s19  }
0x9e: {  	s9 =	simm.s32 $0x0;
	s20 =	sshll.u32 s7, $0x1;
	s7 =	sadd.s32 s21, s5  }
0x9f: {  	[timem:s9], [sflag:s22] =	dma.local [hbm:s7], s20  }
0xa0: {  	_ =	swait.ge [sflag:s22], s20  }
0xa1: {  	s6 =	ssub.s32 $0x0, s20;
	[sflag:s22] =	ssyncset.done $0x0  }
0xa2: {  	[sflag:s22] =	ssyncadd.s32 s6;
	_ =	sdelay $0x1  }
0xa3: {  	s23 =	simm.s32 $0x1B8B  }
0xa4: {  	_ =	swait.ge [sflag:s23], $0x1  }
0xa5: {  	[sflag:s23] =	ssyncset.done $0x0  }
0xa6: {  	s25 =	simm.s32 $0x1B8E;
	s24 =	sld [smem:$0x3FFE];
	[sflag:s23] =	ssyncadd.s32 $0xFFFFFFFF  }
0xa7: {  	s26 =	simm.s32 $execute0_lowered;
	[smem:$0x3FD2] =	sst s25  }
0xa8: {  	s7 =	sshll.u32 s26, $0x1;
	_ =	strace $0x80000046;
	[dreg:$0x1] =	wrdreg $0xFFFFFFFF  }
0xa9: {  	s28 =	simm.s32 $_size_execute0_lowered;
	s5 =	sadd.s32 s5, s7;
	[dreg:$0x0] =	wrdreg $0x0  }
0xaa: {  	s7 =	sshll.u32 s28, $0x1;
	[dreg:$0x2] =	wrdreg s5  }
0xab: {  	[dreg:$0x3] =	wrdreg s7  }
0xac: {  	[dreg:$0x4] =	wrdreg $0xC0  }
0xad: {  	_ =	task [dreg:s9], $0x5FFFF  }
0xae: {  	[dreg:$0x1] =	wrdreg $0xFFFFFFFF  }
0xaf: {  	[dreg:$0x0] =	wrdreg $0x60  }
0xb0: {  	[dreg:$0x2] =	wrdreg s24  }
0xb1: {  	[dreg:$0x3] =	wrdreg s2  }
0xb2: {  	[dreg:$0x4] =	wrdreg s4  }
0xb3: {  	[dreg:$0x5] =	wrdreg s18  }
0xb4: {  	[dreg:$0x6] =	wrdreg $0x9  }
0xb5: {  	_ =	task.clear_ibuf [dreg:s9], $0x7FFFF;
	_ =	strace $0x90000046  }
0xb6: {  	s29 =	simm.s32 $0x9;
	_ =	strace $0x80000048  }
0xb7: {  	_ =	swait.ge [sflag:s29], $0x1  }
0xb8: {  	[sflag:s29] =	ssyncadd.s32 $0xFFFFFFFF  }
0xb9: {  	_ =	strace $0x90000048  }
0xba: {  	_ =	sfence  }
0xbb: {  	s30 =	sld [smem:$0x0];
	_ =	sdelay $0x2  }
0xbc: {  	s31 =	sshll.u32 s1, $0xD;
	s1 =	sshrl.u32 s1, $0x2  }
0xbd: {  	s3 =	sand.u32 $0x4000, s31;
	s1 =	sadd.s32 s1, s30  }
0xbe: {  	s0 =	sor.u32 s3, s0;
	s1 =	sshll.u32 s1, $0x11  }
0xbf: {  	s0 =	sor.u32 s1, s0  }
0xc0: {  	s0 =	sadd.s32 $0x8F2B, s0  }
0xc1: {  	[sflag:s0] =	ssyncadd.remote.s32 $0x1  }
0xc2: {  	_ =	sfence.sel $0xFFFF  }
0xc3: {  	[dreg:$0x0] =	wrdreg $0xFFFFFFFF;
	(pc) =	sbr.abs _section_cstart, $3  }
0xc4: {  	[dreg:$0x1] =	wrdreg $0xFFFFFFFF  }
0xc5: {  	_ =	task.clear_ibuf [dreg:s9], $0x2FFFF;
	_ =	strace $0x9FFFFFFF  }
0xc6: {  	(tm) =	ssettm $0x7FFFFFFF  }
0xc7: {  	_ =	shalt  }
tec
execute0_lowered:
.L_overlay_start_1:
0x0: {  	(tag) =	ssettag $0x1  }
0x1: {  	s0 =	rddreg [dreg:$0x0]  }
0x2: {  	s1 =	rddreg [dreg:$0x1]  }
0x3: {  	s2 =	rddreg [dreg:$0x2];
	s3 =	srdreg.scid  }
0x4: {  	s4 =	stileid.u32;
	s6 =	simm.s32 $0x0;
	s17 =	simm.s32 $0x9  }
0x5: {  	s20 =	simm.s32 $0x64;
	s19 =	simm.s32 $0x1;
	s22 =	simm.s32 $0x40  }
0x6: {  	s11 =	simm.s32 $0xE780;
	s16 =	simm.s32 $0x2;
	s10 =	simm.s32 $0x4E0  }
0x7: {  	s15 =	simm.s32 $0x13280;
	s31 =	simm.s32 $0x14B80;
	s21 =	simm.s32 $0x16480  }
0x8: {  	s23 =	simm.s32 $0x17D80;
	s28 =	simm.s32 $0x5;
	s14 =	simm.s32 $0x6  }
0x9: {  	s3 =	sand.u32 $0x1, s3;
	s4 =	sshll.u32 s4, $0xA;
	[smem:$0x7FF] =	sst s6  }
0xa: {  	s6 =	sadd.s32 $0xC00, s0;
	s7 =	sadd.s32 $0x800, s0;
	s8 =	sadd.s32 $0x34C00, s0  }
0xb: {  	s0 =	sadd.s32 $0x35280, s0;
	_ =	strace $0x80000047;
	[dreg:$0x5] =	wrdreg s7  }
0xc: {  	s5 =	sshll.u32 s3, $0x9;
	s3 =	ssub.s32 $0x2, s3;
	[dreg:$0x9] =	wrdreg s0  }
0xd: {  	s7 =	simm.s32 $0x0;
	s5 =	sor.u32 s5, s4;
	s24 =	sshrl.u32 s3, $0x1  }
0xe: {  	s4 =	smul.u32 $0xD, s5;
	s9 =	sshrl.u32 s5, $0x3;
	s26 =	sor.u32 $0x10, s5  }
0xf: {  	s3 =	ssub.s32 s3, s24;
	s29 =	sor.u32 $0x14, s5;
	[dreg:$0xa] =	wrdreg s26  }
.Ltmp0:
0x10: {  	s1 =	sadd.s32 s1, s9;
	[dreg:$0xb] =	wrdreg s29;
	(pc) =	sbr.rel .LBB2_1-.Ltmp0, $4  }
0x11: {  	s24 =	simm.s32 $0x80;
	s30 =	smax.u32 s3, $0x1;
	[dreg:$0x7] =	wrdreg s1  }
0x12: {  	s9 =	simm.s32 $0x10080;
	s4 =	sadd.s32 s6, s4;
	[dreg:$0xc] =	wrdreg s30  }
0x13: {  	vm0 =	vmmov $0x1;
	s1 =	simm.s32 $0x11980;
	[dreg:$0x6] =	wrdreg s4;
	s25 =	sadd.s32 $0x34, s4  }
0x14: {  	vm1 =	vcmask $0x308;
	vm2 =	vcmask $0x70C;
	vm3 =	vcmask $0xB10;
	s4 =	simm.s32 $0x4;
	[dreg:$0x8] =	wrdreg s25;
	s25 =	simm.s32 $0x3  }
.LBB2_12:
0x15: {  	s0 =	simm.s32 $0x7  }
0x16: {  	_ =	swait.ge [sflag:s0], $0x6400  }
0x17: {  	[sflag:s0] =	ssyncset.done $0x0  }
0x18: {  	s3 =	simm.s32 $0x8;
	[sflag:s0] =	ssyncadd.s32 $0xFFFF9C00  }
0x19: {  	_ =	swait.ge [sflag:s3], $0x6400  }
0x1a: {  	s7 =	rddreg [dreg:$0xd]  }
0x1b: {  	s30 =	rddreg [dreg:$0xc];
	s7 =	sadd.s32 $0x1, s7  }
0x1c: {  	p0 =	sne.s32 s7, s30  }
.Ltmp1:
0x1d: {  	_ = 	snop;
	(pc) =	sbr.rel @!p0 .LBB2_13-.Ltmp1, $3  }
0x1e: {  	_ =	sdelay $0x1  }
0x1f: {  	[sflag:s3] =	ssyncset.done $0x0  }
0x20: {  	[sflag:s3] =	ssyncadd.s32 $0xFFFF9C00  }
.LBB2_1:
0x21: {  	[dreg:$0xd] =	wrdreg s7  }
0x22: {  	s3 =	simm.s32 $0x0;
	s0 =	rddreg [dreg:$0x5];
	s26 =	simm.s32 $0x19680  }
0x23: {  	[tilespmem:s26], [sflag:$0x9] =	stream.linear.gather [hbm4b:s0+s3], $0x1900, $0x38;
	[tilespmem:$0x1B1D0] =	vst v63  }
0x24: {  	_ =	swait.ge [sflag:s17], $0x1900  }
0x25: {  	[sflag:s17] =	ssyncset.done $0x0  }
0x26: {  	[sflag:s17] =	ssyncadd.s32 $0xFFFFE700  }
0x27: {  	s30 =	simm.s32 $0x1AF80;
	s29 =	rddreg [dreg:$0x3]  }
0x28: {  	[tilespmem:s30], [sflag:$0x9] =	stream.linear.gather [hbm4b:s29+s3], $0x40, $0x38;
	[tilespmem:$0x1B1D0] =	vst v63  }
0x29: {  	_ =	swait.ge [sflag:s17], $0x40  }
0x2a: {  	[sflag:s17] =	ssyncset.done $0x0  }
0x2b: {  	s13 =	simm.s32 $0x1AFC0;
	s12 =	rddreg [dreg:$0x7];
	[sflag:s17] =	ssyncadd.s32 $0xFFFFFFC0  }
0x2c: {  	[tilespmem:s13], [sflag:$0x9] =	stream.linear.gather [hbm4b:s12+s3], $0x200, $0x38;
	[tilespmem:$0x1B1D0] =	vst v63  }
0x2d: {  	_ =	swait.ge [sflag:s17], $0x200  }
0x2e: {  	[sflag:s17] =	ssyncset.done $0x0  }
0x2f: {  	s18 =	rddreg [dreg:$0x6];
	[sflag:s17] =	ssyncadd.s32 $0xFFFFFE00  }
0x30: {  	[tilespmem:s3], [sflag:$0x9] =	stream.linear.gather [hbm4b:s18+s3], $0x1A0, $0x38;
	[tilespmem:$0x1B1D0] =	vst v63  }
0x31: {  	_ =	swait.ge [sflag:s17], $0x1A0  }
0x32: {  	[sflag:s17] =	ssyncset.done $0x0  }
0x33: {  	s26 =	simm.s32 $0x680;
	[sflag:s17] =	ssyncadd.s32 $0xFFFFFE60  }
0x34: {  	[tilespmem:s26], [sflag:$0x1] =	stream.indirect.gather [hbm4b:s2+s20], $0x40, s3, s20, $0xb8;
	[tilespmem:$0x1B1D0] =	vst v63  }
0x35: {  	s29 =	simm.s32 $0x68;
	s30 =	simm.s32 $0x1F80  }
0x36: {  	[tilespmem:s30], [sflag:$0x1] =	stream.indirect.gather [hbm4b:s2+s20], $0x40, s29, s20, $0xb8;
	[tilespmem:$0x1B1D0] =	vst v63  }
0x37: {  	s12 =	simm.s32 $0xD0;
	s13 =	simm.s32 $0x3880  }
0x38: {  	[tilespmem:s13], [sflag:$0x1] =	stream.indirect.gather [hbm4b:s2+s20], $0x40, s12, s20, $0xb8;
	[tilespmem:$0x1B1D0] =	vst v63  }
0x39: {  	s18 =	simm.s32 $0x138;
	s26 =	simm.s32 $0x5180  }
0x3a: {  	[tilespmem:s26], [sflag:$0x1] =	stream.indirect.gather [hbm4b:s2+s20], $0x40, s18, s20, $0xb8;
	[tilespmem:$0x1B1D0] =	vst v63  }
0x3b: {  	s29 =	rddreg [dreg:$0x8];
	s30 =	simm.s32 $0x1A0  }
0x3c: {  	[tilespmem:s30], [sflag:$0x9] =	stream.linear.gather [hbm4b:s29+s3], $0x1A0, $0x38;
	[tilespmem:$0x1B1D0] =	vst v63  }
0x3d: {  	_ =	swait.ge [sflag:s17], $0x1A0  }
0x3e: {  	[sflag:s17] =	ssyncset.done $0x0  }
0x3f: {  	s3 =	simm.s32 $0x6A80;
	[sflag:s17] =	ssyncadd.s32 $0xFFFFFE60  }
0x40: {  	[tilespmem:s3], [sflag:$0x2] =	stream.indirect.gather [hbm4b:s2+s20], $0x40, s30, s20, $0xb8;
	[tilespmem:$0x1B1D0] =	vst v63  }
0x41: {  	s12 =	simm.s32 $0x208;
	s13 =	simm.s32 $0x8380  }
0x42: {  	[tilespmem:s13], [sflag:$0x2] =	stream.indirect.gather [hbm4b:s2+s20], $0x40, s12, s20, $0xb8;
	[tilespmem:$0x1B1D0] =	vst v63  }
0x43: {  	s18 =	simm.s32 $0x270;
	s26 =	simm.s32 $0x9C80  }
0x44: {  	[tilespmem:s26], [sflag:$0x2] =	stream.indirect.gather [hbm4b:s2+s20], $0x40, s18, s20, $0xb8;
	[tilespmem:$0x1B1D0] =	vst v63  }
0x45: {  	s29 =	simm.s32 $0x2D8;
	s30 =	simm.s32 $0xB580;
	s12 =	simm.s32 $0x0  }
0x46: {  	[tilespmem:s30], [sflag:$0x2] =	stream.indirect.gather [hbm4b:s2+s20], $0x40, s29, s20, $0xb8;
	[tilespmem:$0x1B1D0] =	vst v63  }
.LBB2_2:
0x47: {  	_ =	swait.ge [sflag:s19], $0x6400  }
0x48: {  	[sflag:s19] =	ssyncset.done $0x0  }
0x49: {  	s0 =	simm.s32 $0x0;
	[sflag:s19] =	ssyncadd.s32 $0xFFFF9C00  }
0x4a: {  	v3 =	vld [tilespmem:s0+$0x19680]  }
0x4b: {  	v2 =	vld [tilespmem:s0+$0x19690]  }
0x4c: {  	v1 =	vld [tilespmem:s0+$0x196A0]  }
0x4d: {  	v0 =	vld [tilespmem:s0+$0x196B0]  }
0x4e: {  	v4 =	vld [tilespmem:s0+$0x680]  }
0x4f: {  	v5 =	vld [tilespmem:s0+$0x690]  }
0x50: {  	v6 =	vld [tilespmem:s0+$0x6A0]  }
0x51: {  	v7 =	vld [tilespmem:s0+$0x6B0]  }
0x52: {  	v8 =	vld [tilespmem:s0+$0x1F80]  }
0x53: {  	v9 =	vld [tilespmem:s0+$0x1F90];
	v4 =	vadd.f32 v4, v3  }
0x54: {  	v10 =	vld [tilespmem:s0+$0x1FA0];
	v5 =	vadd.f32 v5, v2  }
0x55: {  	v11 =	vld [tilespmem:s0+$0x1FB0];
	[tilespmem:s0+$0x680] =	vst v4;
	v4 =	vadd.f32 v6, v1  }
0x56: {  	v12 =	vld [tilespmem:s0+$0x3880];
	[tilespmem:s0+$0x690] =	vst v5;
	v5 =	vadd.f32 v7, v0  }
0x57: {  	v13 =	vld [tilespmem:s0+$0x3890];
	[tilespmem:s0+$0x6A0] =	vst v4;
	v4 =	vadd.f32 v8, v3  }
0x58: {  	v6 =	vadd.f32 v9, v2;
	[tilespmem:s0+$0x6B0] =	vst v5;
	v5 =	vld [tilespmem:s0+$0x38A0]  }
0x59: {  	v7 =	vadd.f32 v10, v1;
	[tilespmem:s0+$0x1F80] =	vst v4;
	v4 =	vld [tilespmem:s0+$0x38B0]  }
0x5a: {  	[tilespmem:s0+$0x1F90] =	vst v6;
	v6 =	vld [tilespmem:s0+$0x5180];
	v8 =	vadd.f32 v11, v0  }
0x5b: {  	v10 =	vadd.f32 v12, v3;
	[tilespmem:s0+$0x1FA0] =	vst v7;
	v7 =	vld [tilespmem:s0+$0x5190]  }
0x5c: {  	s3 =	simm.s32 $0x100;
	v9 =	vadd.f32 v13, v2;
	[tilespmem:s0+$0x1FB0] =	vst v8;
	v8 =	vld [tilespmem:s0+$0x51A0]  }
.LBB2_3:
0x5d: {  	s13 =	sshra.s32 s3, $0x2;
	p0 =	sne.s32 s3, $0x6300;
	[tilespmem:s0+$0x3880] =	vst v10;
	v5 =	vadd.f32 v5, v1;
	v10 =	vld [tilespmem:s0+$0x51B0]  }
0x5e: {  	v11 =	vld [tilespmem:s13+$0x19680];
	[tilespmem:s0+$0x3890] =	vst v9;
	v4 =	vadd.f32 v4, v0  }
0x5f: {  	v9 =	vld [tilespmem:s13+$0x19690];
	[tilespmem:s0+$0x38A0] =	vst v5;
	v3 =	vadd.f32 v6, v3  }
0x60: {  	v5 =	vld [tilespmem:s13+$0x196A0];
	[tilespmem:s0+$0x38B0] =	vst v4;
	v2 =	vadd.f32 v7, v2  }
0x61: {  	v4 =	vld [tilespmem:s13+$0x196B0];
	[tilespmem:s0+$0x5180] =	vst v3;
	v1 =	vadd.f32 v8, v1  }
0x62: {  	v6 =	vld [tilespmem:s13+$0x680];
	[tilespmem:s0+$0x5190] =	vst v2;
	v0 =	vadd.f32 v10, v0  }
0x63: {  	v7 =	vld [tilespmem:s13+$0x690];
	[tilespmem:s0+$0x51A0] =	vst v1;
	v3 =	vmov v11  }
0x64: {  	v8 =	vld [tilespmem:s13+$0x6A0];
	[tilespmem:s0+$0x51B0] =	vst v0;
	v2 =	vmov v9;
	s0 =	smov.u32 s13  }
0x65: {  	v9 =	vld [tilespmem:s0+$0x6B0];
	v1 =	vmov v5  }
0x66: {  	v5 =	vld [tilespmem:s0+$0x1F80];
	v0 =	vmov v4  }
0x67: {  	v4 =	vadd.f32 v6, v3;
	v6 =	vld [tilespmem:s0+$0x1F90]  }
0x68: {  	v7 =	vadd.f32 v7, v2;
	v10 =	vld [tilespmem:s0+$0x1FA0]  }
0x69: {  	[tilespmem:s0+$0x680] =	vst v4;
	v4 =	vadd.f32 v8, v1;
	v8 =	vld [tilespmem:s0+$0x1FB0]  }
0x6a: {  	[tilespmem:s0+$0x690] =	vst v7;
	v7 =	vadd.f32 v9, v0;
	v9 =	vld [tilespmem:s0+$0x3880]  }
0x6b: {  	[tilespmem:s0+$0x6A0] =	vst v4;
	v4 =	vadd.f32 v5, v3;
	v11 =	vld [tilespmem:s0+$0x3890]  }
.Ltmp2:
0x6c: {  	[tilespmem:s0+$0x6B0] =	vst v7;
	v6 =	vadd.f32 v6, v2;
	v5 =	vld [tilespmem:s0+$0x38A0];
	(pc) =	sbr.rel @p0 .LBB2_3-.Ltmp2, $4  }
0x6d: {  	[tilespmem:s0+$0x1F80] =	vst v4;
	v7 =	vadd.f32 v10, v1;
	v4 =	vld [tilespmem:s0+$0x38B0]  }
0x6e: {  	[tilespmem:s0+$0x1F90] =	vst v6;
	v8 =	vadd.f32 v8, v0;
	v6 =	vld [tilespmem:s0+$0x5180]  }
0x6f: {  	[tilespmem:s0+$0x1FA0] =	vst v7;
	v10 =	vadd.f32 v9, v3;
	v7 =	vld [tilespmem:s0+$0x5190]  }
0x70: {  	s3 =	sadd.s32 $0x100, s3;
	[tilespmem:s0+$0x1FB0] =	vst v8;
	v9 =	vadd.f32 v11, v2;
	v8 =	vld [tilespmem:s0+$0x51A0]  }
0x71: {  	[tilespmem:s0+$0x3880] =	vst v10;
	v5 =	vadd.f32 v5, v1;
	v10 =	vld [tilespmem:s0+$0x51B0]  }
0x72: {  	[tilespmem:s0+$0x3890] =	vst v9;
	v4 =	vadd.f32 v4, v0  }
0x73: {  	[tilespmem:s0+$0x38A0] =	vst v5;
	v3 =	vadd.f32 v6, v3  }
0x74: {  	[tilespmem:s0+$0x38B0] =	vst v4;
	v2 =	vadd.f32 v7, v2  }
0x75: {  	[tilespmem:s0+$0x5180] =	vst v3;
	v1 =	vadd.f32 v8, v1  }
0x76: {  	[tilespmem:s0+$0x5190] =	vst v2;
	v0 =	vadd.f32 v10, v0  }
0x77: {  	[tilespmem:s0+$0x51A0] =	vst v1  }
0x78: {  	s13 =	sshll.u32 s12, $0x4;
	[tilespmem:s0+$0x51B0] =	vst v0  }
0x79: {  	v0 =	vld [tilespmem:s13+$0x1AFC0];
	_ =	sdelay $0x4  }
0x7a: {  	v1 =	vnsel vm0, $0x0, v0  }
0x7b: {  	v1 =	vxor.u32 $0x80000000, v1  }
0x7c: {  	(xrf0) =	vmax.scan.msk.u32 $0xffff, v1;
	_ =	sdelay $0x5  }
0x7d: {  	v1, _, _ =	vpop (xrf0)  }
0x7e: {  	(v2sf) =	vpush v1, $0xF;
	_ =	sdelay $0xe  }
0x7f: {  	s26 =	spop (v2sf)  }
0x80: {  	v1 =	vld [tilespmem:$0x1AF80];
	s0 =	sshll.u32 s26, $0x6  }
0x81: {  	v2 =	vld [tilespmem:s0+$0x19680];
	_ =	sdelay $0x4  }
0x82: {  	v1 =	vadd.f32 v2, v1;
	_ =	sdelay $0x1  }
0x83: {  	v3 =	vsel vm1, $0x0, v0;
	v2 =	vld [tilespmem:s0+$0x19690];
	[tilespmem:s0+$0x680] =	vst v1  }
0x84: {  	v3 =	vxor.u32 $0x80000000, v3;
	v1 =	vld [tilespmem:$0x1AF90]  }
0x85: {  	(xrf0) =	vmax.scan.msk.u32 $0xffff, v3;
	_ =	sdelay $0x3  }
0x86: {  	v1 =	vadd.f32 v2, v1;
	_ =	sdelay $0x1  }
0x87: {  	v3, _, _ =	vpop (xrf0);
	v2 =	vld [tilespmem:s0+$0x196A0];
	[tilespmem:s0+$0x690] =	vst v1  }
0x88: {  	(v2sf) =	vpush v3, $0xF;
	v1 =	vld [tilespmem:$0x1AFA0];
	_ =	sdelay $0x4  }
0x89: {  	v1 =	vadd.f32 v2, v1;
	_ =	sdelay $0x1  }
0x8a: {  	v2 =	vld [tilespmem:s0+$0x196B0];
	[tilespmem:s0+$0x6A0] =	vst v1  }
0x8b: {  	v1 =	vld [tilespmem:$0x1AFB0];
	_ =	sdelay $0x4  }
0x8c: {  	v1 =	vadd.f32 v2, v1;
	_ =	sdelay $0x1  }
0x8d: {  	s3 =	spop (v2sf);
	[tilespmem:s0+$0x6B0] =	vst v1  }
0x8e: {  	s0 =	sshll.u32 s3, $0x6;
	v1 =	vld [tilespmem:$0x1AF80]  }
0x8f: {  	v2 =	vld [tilespmem:s0+$0x19680];
	_ =	sdelay $0x4  }
0x90: {  	v1 =	vadd.f32 v2, v1;
	_ =	sdelay $0x1  }
0x91: {  	v3 =	vsel vm2, $0x0, v0;
	v2 =	vld [tilespmem:s0+$0x19690];
	[tilespmem:s0+$0x1F80] =	vst v1  }
0x92: {  	v3 =	vxor.u32 $0x80000000, v3;
	v1 =	vld [tilespmem:$0x1AF90]  }
0x93: {  	(xrf0) =	vmax.scan.msk.u32 $0xffff, v3;
	_ =	sdelay $0x3  }
0x94: {  	v1 =	vadd.f32 v2, v1;
	_ =	sdelay $0x1  }
0x95: {  	v3, _, _ =	vpop (xrf0);
	v2 =	vld [tilespmem:s0+$0x196A0];
	[tilespmem:s0+$0x1F90] =	vst v1  }
0x96: {  	(v2sf) =	vpush v3, $0xF;
	v1 =	vld [tilespmem:$0x1AFA0];
	_ =	sdelay $0x4  }
0x97: {  	v1 =	vadd.f32 v2, v1;
	_ =	sdelay $0x1  }
0x98: {  	v2 =	vld [tilespmem:s0+$0x196B0];
	[tilespmem:s0+$0x1FA0] =	vst v1  }
0x99: {  	v1 =	vld [tilespmem:$0x1AFB0];
	_ =	sdelay $0x4  }
0x9a: {  	v1 =	vadd.f32 v2, v1;
	_ =	sdelay $0x1  }
0x9b: {  	s7 =	spop (v2sf);
	[tilespmem:s0+$0x1FB0] =	vst v1  }
0x9c: {  	s0 =	sshll.u32 s7, $0x6;
	v1 =	vld [tilespmem:$0x1AF80]  }
0x9d: {  	v2 =	vld [tilespmem:s0+$0x19680];
	_ =	sdelay $0x4  }
0x9e: {  	v1 =	vadd.f32 v2, v1;
	_ =	sdelay $0x1  }
0x9f: {  	v0 =	vsel vm3, $0x0, v0;
	v2 =	vld [tilespmem:s0+$0x19690];
	[tilespmem:s0+$0x3880] =	vst v1  }
0xa0: {  	v0 =	vxor.u32 $0x80000000, v0;
	v1 =	vld [tilespmem:$0x1AF90]  }
0xa1: {  	(xrf0) =	vmax.scan.msk.u32 $0xffff, v0;
	_ =	sdelay $0x3  }
0xa2: {  	v0 =	vadd.f32 v2, v1;
	_ =	sdelay $0x1  }
0xa3: {  	v1 =	vld [tilespmem:s0+$0x196A0];
	v2, _, _ =	vpop (xrf0);
	[tilespmem:s0+$0x3890] =	vst v0  }
0xa4: {  	(v2sf) =	vpush v2, $0xF;
	v0 =	vld [tilespmem:$0x1AFA0];
	_ =	sdelay $0x4  }
0xa5: {  	v0 =	vadd.f32 v1, v0;
	_ =	sdelay $0x1  }
0xa6: {  	v1 =	vld [tilespmem:s0+$0x196B0];
	[tilespmem:s0+$0x38A0] =	vst v0  }
0xa7: {  	v0 =	vld [tilespmem:$0x1AFB0];
	_ =	sdelay $0x4  }
0xa8: {  	v0 =	vadd.f32 v1, v0;
	_ =	sdelay $0x1  }
0xa9: {  	s18 =	spop (v2sf);
	[tilespmem:s0+$0x38B0] =	vst v0  }
0xaa: {  	s3 =	sshll.u32 s18, $0x6;
	v0 =	vld [tilespmem:$0x1AF80]  }
0xab: {  	v1 =	vld [tilespmem:s3+$0x19680];
	_ =	sdelay $0x4  }
0xac: {  	v0 =	vadd.f32 v1, v0;
	_ =	sdelay $0x1  }
0xad: {  	v1 =	vld [tilespmem:s3+$0x19690];
	[tilespmem:s3+$0x5180] =	vst v0  }
0xae: {  	v0 =	vld [tilespmem:$0x1AF90];
	_ =	sdelay $0x4  }
0xaf: {  	v0 =	vadd.f32 v1, v0;
	_ =	sdelay $0x1  }
0xb0: {  	v1 =	vld [tilespmem:s3+$0x196A0];
	[tilespmem:s3+$0x5190] =	vst v0  }
0xb1: {  	v0 =	vld [tilespmem:$0x1AFA0];
	_ =	sdelay $0x4  }
0xb2: {  	v0 =	vadd.f32 v1, v0;
	_ =	sdelay $0x1  }
0xb3: {  	v1 =	vld [tilespmem:s3+$0x196B0];
	[tilespmem:s3+$0x51A0] =	vst v0  }
0xb4: {  	v0 =	vld [tilespmem:$0x1AFB0];
	_ =	sdelay $0x3  }
0xb5: {  	s0 =	sor.u32 s5, s13  }
0xb6: {  	s18 =	smul.u32 $0x680, s0;
	v0 =	vadd.f32 v1, v0;
	_ =	sdelay $0x1  }
0xb7: {  	s7 =	simm.s32 $0x680;
	s26 =	sadd.s32 s8, s18;
	[tilespmem:s3+$0x51B0] =	vst v0  }
0xb8: {  	[hbm4b:s26+s22] =	stream.strided.scatter [tilespmem:s7], [sflag:$0x5], $0x1900, s24, s22, $0x38;
	[tilespmem:$0x1B1D0] =	vst v63  }
0xb9: {  	s7 =	rddreg [dreg:$0x9]  }
0xba: {  	s26 =	simm.s32 $0x1F80;
	s3 =	sadd.s32 s18, s7;
	s18 =	smul.u32 $0x3400, s0  }
0xbb: {  	[hbm4b:s3+s22] =	stream.strided.scatter [tilespmem:s26], [sflag:$0x5], $0x1900, s24, s22, $0x38;
	[tilespmem:$0x1B1D0] =	vst v63  }
0xbc: {  	s26 =	sshrl.u32 s18, $0x3  }
0xbd: {  	s3 =	sadd.s32 s8, s26  }
0xbe: {  	s26 =	simm.s32 $0x3880;
	s7 =	sadd.s32 $0xD00, s3  }
0xbf: {  	[hbm4b:s7+s22] =	stream.strided.scatter [tilespmem:s26], [sflag:$0x5], $0x1900, s24, s22, $0x38;
	[tilespmem:$0x1B1D0] =	vst v63  }
0xc0: {  	s18 =	simm.s32 $0x5180;
	s3 =	sadd.s32 $0x1380, s3  }
0xc1: {  	[hbm4b:s3+s22] =	stream.strided.scatter [tilespmem:s18], [sflag:$0x5], $0x1900, s24, s22, $0x38;
	[tilespmem:$0x1B1D0] =	vst v63  }
0xc2: {  	p0 =	seq.s32 s12, $0x0;
	s3 =	sor.u32 $0x8, s13  }
0xc3: {  	s18 =	simm.s32 @!p0 $0x7;
	s30 =	sor.u32 s5, s3  }
0xc4: {  	_ =	swait.ge @!p0 [sflag:s18], $0x6400;
	s26 =	smul.u32 $0xD, s30  }
0xc5: {  	s7 =	simm.s32 $0x340;
	[sflag:s18] =	ssyncset.done @!p0 $0x0  }
0xc6: {  	[sflag:s18] =	ssyncadd.s32 @!p0 $0xFFFF9C00;
	s18 =	sadd.s32 s6, s26;
	s26 =	simm.s32 $0x0  }
0xc7: {  	[tilespmem:s7], [sflag:$0x9] =	stream.linear.gather [hbm4b:s18+s26], $0x1A0, $0x38;
	[tilespmem:$0x1B1D0] =	vst v63  }
0xc8: {  	_ =	swait.ge [sflag:s17], $0x1A0  }
0xc9: {  	[sflag:s17] =	ssyncset.done $0x0  }
0xca: {  	s26 =	simm.s32 $0xCE80;
	[sflag:s17] =	ssyncadd.s32 $0xFFFFFE60  }
0xcb: {  	[tilespmem:s26], [sflag:$0x3] =	stream.indirect.gather [hbm4b:s2+s20], $0x40, s7, s20, $0xb8;
	[tilespmem:$0x1B1D0] =	vst v63  }
0xcc: {  	s26 =	simm.s32 $0x3A8  }
0xcd: {  	[tilespmem:s11], [sflag:$0x3] =	stream.indirect.gather [hbm4b:s2+s20], $0x40, s26, s20, $0xb8;
	[tilespmem:$0x1B1D0] =	vst v63  }
0xce: {  	s18 =	simm.s32 $0x410  }
0xcf: {  	[tilespmem:s9], [sflag:$0x3] =	stream.indirect.gather [hbm4b:s2+s20], $0x40, s18, s20, $0xb8;
	[tilespmem:$0x1B1D0] =	vst v63  }
0xd0: {  	s26 =	simm.s32 $0x478  }
0xd1: {  	[tilespmem:s1], [sflag:$0x3] =	stream.indirect.gather [hbm4b:s2+s20], $0x40, s26, s20, $0xb8;
	[tilespmem:$0x1B1D0] =	vst v63  }
0xd2: {  	_ =	swait.ge [sflag:s16], $0x6400  }
0xd3: {  	[sflag:s16] =	ssyncset.done $0x0  }
0xd4: {  	s29 =	simm.s32 $0x0;
	[sflag:s16] =	ssyncadd.s32 $0xFFFF9C00  }
0xd5: {  	v3 =	vld [tilespmem:s29+$0x19680]  }
0xd6: {  	v2 =	vld [tilespmem:s29+$0x19690]  }
0xd7: {  	v1 =	vld [tilespmem:s29+$0x196A0]  }
0xd8: {  	v0 =	vld [tilespmem:s29+$0x196B0]  }
0xd9: {  	v4 =	vld [tilespmem:s29+$0x6A80]  }
0xda: {  	v5 =	vld [tilespmem:s29+$0x6A90]  }
0xdb: {  	v6 =	vld [tilespmem:s29+$0x6AA0]  }
0xdc: {  	v7 =	vld [tilespmem:s29+$0x6AB0]  }
0xdd: {  	v8 =	vld [tilespmem:s29+$0x8380]  }
0xde: {  	v9 =	vld [tilespmem:s29+$0x8390];
	v4 =	vadd.f32 v4, v3  }
0xdf: {  	v10 =	vld [tilespmem:s29+$0x83A0];
	v5 =	vadd.f32 v5, v2  }
0xe0: {  	v11 =	vld [tilespmem:s29+$0x83B0];
	[tilespmem:s29+$0x6A80] =	vst v4;
	v4 =	vadd.f32 v6, v1  }
0xe1: {  	v12 =	vld [tilespmem:s29+$0x9C80];
	[tilespmem:s29+$0x6A90] =	vst v5;
	v5 =	vadd.f32 v7, v0  }
0xe2: {  	v13 =	vld [tilespmem:s29+$0x9C90];
	[tilespmem:s29+$0x6AA0] =	vst v4;
	v4 =	vadd.f32 v8, v3  }
0xe3: {  	v6 =	vadd.f32 v9, v2;
	[tilespmem:s29+$0x6AB0] =	vst v5;
	v5 =	vld [tilespmem:s29+$0x9CA0]  }
0xe4: {  	v7 =	vadd.f32 v10, v1;
	[tilespmem:s29+$0x8380] =	vst v4;
	v4 =	vld [tilespmem:s29+$0x9CB0]  }
0xe5: {  	[tilespmem:s29+$0x8390] =	vst v6;
	v6 =	vld [tilespmem:s29+$0xB580];
	v8 =	vadd.f32 v11, v0  }
0xe6: {  	v10 =	vadd.f32 v12, v3;
	[tilespmem:s29+$0x83A0] =	vst v7;
	v7 =	vld [tilespmem:s29+$0xB590]  }
0xe7: {  	s18 =	simm.s32 $0x100;
	v9 =	vadd.f32 v13, v2;
	[tilespmem:s29+$0x83B0] =	vst v8;
	v8 =	vld [tilespmem:s29+$0xB5A0]  }
.LBB2_5:
0xe8: {  	s26 =	sshra.s32 s18, $0x2;
	p1 =	sne.s32 s18, $0x6300;
	[tilespmem:s29+$0x9C80] =	vst v10;
	v5 =	vadd.f32 v5, v1;
	v10 =	vld [tilespmem:s29+$0xB5B0]  }
0xe9: {  	v11 =	vld [tilespmem:s26+$0x19680];
	[tilespmem:s29+$0x9C90] =	vst v9;
	v4 =	vadd.f32 v4, v0  }
0xea: {  	v9 =	vld [tilespmem:s26+$0x19690];
	[tilespmem:s29+$0x9CA0] =	vst v5;
	v3 =	vadd.f32 v6, v3  }
0xeb: {  	v5 =	vld [tilespmem:s26+$0x196A0];
	[tilespmem:s29+$0x9CB0] =	vst v4;
	v2 =	vadd.f32 v7, v2  }
0xec: {  	v4 =	vld [tilespmem:s26+$0x196B0];
	[tilespmem:s29+$0xB580] =	vst v3;
	v1 =	vadd.f32 v8, v1  }
0xed: {  	v6 =	vld [tilespmem:s26+$0x6A80];
	[tilespmem:s29+$0xB590] =	vst v2;
	v0 =	vadd.f32 v10, v0  }
0xee: {  	v7 =	vld [tilespmem:s26+$0x6A90];
	[tilespmem:s29+$0xB5A0] =	vst v1;
	v3 =	vmov v11  }
0xef: {  	v8 =	vld [tilespmem:s26+$0x6AA0];
	[tilespmem:s29+$0xB5B0] =	vst v0;
	v2 =	vmov v9;
	s29 =	smov.u32 s26  }
0xf0: {  	v9 =	vld [tilespmem:s29+$0x6AB0];
	v1 =	vmov v5  }
0xf1: {  	v5 =	vld [tilespmem:s29+$0x8380];
	v0 =	vmov v4  }
0xf2: {  	v4 =	vadd.f32 v6, v3;
	v6 =	vld [tilespmem:s29+$0x8390]  }
0xf3: {  	v7 =	vadd.f32 v7, v2;
	v10 =	vld [tilespmem:s29+$0x83A0]  }
0xf4: {  	[tilespmem:s29+$0x6A80] =	vst v4;
	v4 =	vadd.f32 v8, v1;
	v8 =	vld [tilespmem:s29+$0x83B0]  }
0xf5: {  	[tilespmem:s29+$0x6A90] =	vst v7;
	v7 =	vadd.f32 v9, v0;
	v9 =	vld [tilespmem:s29+$0x9C80]  }
0xf6: {  	[tilespmem:s29+$0x6AA0] =	vst v4;
	v4 =	vadd.f32 v5, v3;
	v11 =	vld [tilespmem:s29+$0x9C90]  }
.Ltmp3:
0xf7: {  	[tilespmem:s29+$0x6AB0] =	vst v7;
	v6 =	vadd.f32 v6, v2;
	v5 =	vld [tilespmem:s29+$0x9CA0];
	(pc) =	sbr.rel @p1 .LBB2_5-.Ltmp3, $4  }
0xf8: {  	[tilespmem:s29+$0x8380] =	vst v4;
	v7 =	vadd.f32 v10, v1;
	v4 =	vld [tilespmem:s29+$0x9CB0]  }
0xf9: {  	[tilespmem:s29+$0x8390] =	vst v6;
	v8 =	vadd.f32 v8, v0;
	v6 =	vld [tilespmem:s29+$0xB580]  }
0xfa: {  	[tilespmem:s29+$0x83A0] =	vst v7;
	v10 =	vadd.f32 v9, v3;
	v7 =	vld [tilespmem:s29+$0xB590]  }
0xfb: {  	s18 =	sadd.s32 $0x100, s18;
	[tilespmem:s29+$0x83B0] =	vst v8;
	v9 =	vadd.f32 v11, v2;
	v8 =	vld [tilespmem:s29+$0xB5A0]  }
0xfc: {  	[tilespmem:s29+$0x9C80] =	vst v10;
	v5 =	vadd.f32 v5, v1;
	v10 =	vld [tilespmem:s29+$0xB5B0]  }
0xfd: {  	[tilespmem:s29+$0x9C90] =	vst v9;
	v4 =	vadd.f32 v4, v0  }
0xfe: {  	[tilespmem:s29+$0x9CA0] =	vst v5;
	v3 =	vadd.f32 v6, v3  }
0xff: {  	[tilespmem:s29+$0x9CB0] =	vst v4;
	v2 =	vadd.f32 v7, v2  }
0x100: {  	[tilespmem:s29+$0xB580] =	vst v3;
	v1 =	vadd.f32 v8, v1  }
0x101: {  	[tilespmem:s29+$0xB590] =	vst v2;
	v0 =	vadd.f32 v10, v0  }
0x102: {  	[tilespmem:s29+$0xB5A0] =	vst v1  }
0x103: {  	[tilespmem:s29+$0xB5B0] =	vst v0  }
0x104: {  	v0 =	vld [tilespmem:s13+$0x1AFC4];
	_ =	sdelay $0x4  }
0x105: {  	v1 =	vnsel vm0, $0x0, v0  }
0x106: {  	v1 =	vxor.u32 $0x80000000, v1  }
0x107: {  	(xrf0) =	vmax.scan.msk.u32 $0xffff, v1;
	_ =	sdelay $0x5  }
0x108: {  	v1, _, _ =	vpop (xrf0)  }
0x109: {  	(v2sf) =	vpush v1, $0xF;
	_ =	sdelay $0xe  }
0x10a: {  	s18 =	spop (v2sf)  }
0x10b: {  	v1 =	vld [tilespmem:$0x1AF80];
	s18 =	sshll.u32 s18, $0x6  }
0x10c: {  	v2 =	vld [tilespmem:s18+$0x19680];
	_ =	sdelay $0x4  }
0x10d: {  	v1 =	vadd.f32 v2, v1;
	_ =	sdelay $0x1  }
0x10e: {  	v3 =	vsel vm1, $0x0, v0;
	v2 =	vld [tilespmem:s18+$0x19690];
	[tilespmem:s18+$0x6A80] =	vst v1  }
0x10f: {  	v3 =	vxor.u32 $0x80000000, v3;
	v1 =	vld [tilespmem:$0x1AF90]  }
0x110: {  	(xrf0) =	vmax.scan.msk.u32 $0xffff, v3;
	_ =	sdelay $0x3  }
0x111: {  	v1 =	vadd.f32 v2, v1;
	_ =	sdelay $0x1  }
0x112: {  	v3, _, _ =	vpop (xrf0);
	v2 =	vld [tilespmem:s18+$0x196A0];
	[tilespmem:s18+$0x6A90] =	vst v1  }
0x113: {  	(v2sf) =	vpush v3, $0xF;
	v1 =	vld [tilespmem:$0x1AFA0];
	_ =	sdelay $0x4  }
0x114: {  	v1 =	vadd.f32 v2, v1;
	_ =	sdelay $0x1  }
0x115: {  	v2 =	vld [tilespmem:s18+$0x196B0];
	[tilespmem:s18+$0x6AA0] =	vst v1  }
0x116: {  	v1 =	vld [tilespmem:$0x1AFB0];
	_ =	sdelay $0x4  }
0x117: {  	v1 =	vadd.f32 v2, v1;
	_ =	sdelay $0x1  }
0x118: {  	s7 =	spop (v2sf);
	[tilespmem:s18+$0x6AB0] =	vst v1  }
0x119: {  	s18 =	sshll.u32 s7, $0x6;
	v1 =	vld [tilespmem:$0x1AF80]  }
0x11a: {  	v2 =	vld [tilespmem:s18+$0x19680];
	_ =	sdelay $0x4  }
0x11b: {  	v1 =	vadd.f32 v2, v1;
	_ =	sdelay $0x1  }
0x11c: {  	v3 =	vsel vm2, $0x0, v0;
	v2 =	vld [tilespmem:s18+$0x19690];
	[tilespmem:s18+$0x8380] =	vst v1  }
0x11d: {  	v3 =	vxor.u32 $0x80000000, v3;
	v1 =	vld [tilespmem:$0x1AF90]  }
0x11e: {  	(xrf0) =	vmax.scan.msk.u32 $0xffff, v3;
	_ =	sdelay $0x3  }
0x11f: {  	v1 =	vadd.f32 v2, v1;
	_ =	sdelay $0x1  }
0x120: {  	v3, _, _ =	vpop (xrf0);
	v2 =	vld [tilespmem:s18+$0x196A0];
	[tilespmem:s18+$0x8390] =	vst v1  }
0x121: {  	(v2sf) =	vpush v3, $0xF;
	v1 =	vld [tilespmem:$0x1AFA0];
	_ =	sdelay $0x4  }
0x122: {  	v1 =	vadd.f32 v2, v1;
	_ =	sdelay $0x1  }
0x123: {  	v2 =	vld [tilespmem:s18+$0x196B0];
	[tilespmem:s18+$0x83A0] =	vst v1  }
0x124: {  	v1 =	vld [tilespmem:$0x1AFB0];
	_ =	sdelay $0x4  }
0x125: {  	v1 =	vadd.f32 v2, v1;
	_ =	sdelay $0x1  }
0x126: {  	s26 =	spop (v2sf);
	[tilespmem:s18+$0x83B0] =	vst v1  }
0x127: {  	s18 =	sshll.u32 s26, $0x6;
	v1 =	vld [tilespmem:$0x1AF80]  }
0x128: {  	v2 =	vld [tilespmem:s18+$0x19680];
	_ =	sdelay $0x4  }
0x129: {  	v1 =	vadd.f32 v2, v1;
	_ =	sdelay $0x1  }
0x12a: {  	v0 =	vsel vm3, $0x0, v0;
	v2 =	vld [tilespmem:s18+$0x19690];
	[tilespmem:s18+$0x9C80] =	vst v1  }
0x12b: {  	v0 =	vxor.u32 $0x80000000, v0;
	v1 =	vld [tilespmem:$0x1AF90]  }
0x12c: {  	(xrf0) =	vmax.scan.msk.u32 $0xffff, v0;
	_ =	sdelay $0x3  }
0x12d: {  	v0 =	vadd.f32 v2, v1;
	_ =	sdelay $0x1  }
0x12e: {  	v1 =	vld [tilespmem:s18+$0x196A0];
	v2, _, _ =	vpop (xrf0);
	[tilespmem:s18+$0x9C90] =	vst v0  }
0x12f: {  	(v2sf) =	vpush v2, $0xF;
	v0 =	vld [tilespmem:$0x1AFA0];
	_ =	sdelay $0x4  }
0x130: {  	v0 =	vadd.f32 v1, v0;
	_ =	sdelay $0x1  }
0x131: {  	v1 =	vld [tilespmem:s18+$0x196B0];
	[tilespmem:s18+$0x9CA0] =	vst v0  }
0x132: {  	v0 =	vld [tilespmem:$0x1AFB0];
	_ =	sdelay $0x4  }
0x133: {  	v0 =	vadd.f32 v1, v0;
	_ =	sdelay $0x1  }
0x134: {  	s7 =	spop (v2sf);
	[tilespmem:s18+$0x9CB0] =	vst v0  }
0x135: {  	s18 =	sshll.u32 s7, $0x6;
	v0 =	vld [tilespmem:$0x1AF80]  }
0x136: {  	v1 =	vld [tilespmem:s18+$0x19680];
	_ =	sdelay $0x4  }
0x137: {  	v0 =	vadd.f32 v1, v0;
	_ =	sdelay $0x1  }
0x138: {  	v1 =	vld [tilespmem:s18+$0x19690];
	[tilespmem:s18+$0xB580] =	vst v0  }
0x139: {  	v0 =	vld [tilespmem:$0x1AF90];
	_ =	sdelay $0x4  }
0x13a: {  	v0 =	vadd.f32 v1, v0;
	_ =	sdelay $0x1  }
0x13b: {  	v1 =	vld [tilespmem:s18+$0x196A0];
	[tilespmem:s18+$0xB590] =	vst v0  }
0x13c: {  	v0 =	vld [tilespmem:$0x1AFA0];
	_ =	sdelay $0x4  }
0x13d: {  	v0 =	vadd.f32 v1, v0;
	_ =	sdelay $0x1  }
0x13e: {  	v1 =	vld [tilespmem:s18+$0x196B0];
	[tilespmem:s18+$0xB5A0] =	vst v0  }
0x13f: {  	v0 =	vld [tilespmem:$0x1AFB0];
	_ =	sdelay $0x1  }
0x140: {  	s0 =	sor.u32 $0x4, s0  }
0x141: {  	s26 =	smul.u32 $0x680, s0  }
0x142: {  	s0 =	smul.u32 $0x3400, s0  }
0x143: {  	v0 =	vadd.f32 v1, v0  }
0x144: {  	s0 =	sshrl.u32 s0, $0x3  }
0x145: {  	s26 =	sadd.s32 s8, s26;
	s0 =	sadd.s32 s8, s0;
	s7 =	simm.s32 $0x6A80;
	[tilespmem:s18+$0xB5B0] =	vst v0  }
0x146: {  	[hbm4b:s26+s22] =	stream.strided.scatter [tilespmem:s7], [sflag:$0x6], $0x1900, s24, s22, $0x38;
	[tilespmem:$0x1B1D0] =	vst v63  }
0x147: {  	s7 =	sadd.s32 $0x680, s0;
	s26 =	simm.s32 $0x8380  }
0x148: {  	[hbm4b:s7+s22] =	stream.strided.scatter [tilespmem:s26], [sflag:$0x6], $0x1900, s24, s22, $0x38;
	[tilespmem:$0x1B1D0] =	vst v63  }
0x149: {  	s7 =	sadd.s32 $0xD00, s0;
	s26 =	simm.s32 $0x9C80  }
0x14a: {  	[hbm4b:s7+s22] =	stream.strided.scatter [tilespmem:s26], [sflag:$0x6], $0x1900, s24, s22, $0x38;
	[tilespmem:$0x1B1D0] =	vst v63  }
0x14b: {  	s0 =	sadd.s32 $0x1380, s0;
	s26 =	simm.s32 $0xB580  }
0x14c: {  	[hbm4b:s0+s22] =	stream.strided.scatter [tilespmem:s26], [sflag:$0x6], $0x1900, s24, s22, $0x38;
	[tilespmem:$0x1B1D0] =	vst v63  }
0x14d: {  	s0 =	sor.u32 $0xC, s13  }
0x14e: {  	s18 =	simm.s32 @!p0 $0x8;
	s29 =	sor.u32 s5, s0  }
0x14f: {  	_ =	swait.ge @!p0 [sflag:s18], $0x6400;
	s7 =	smul.u32 $0xD, s29  }
0x150: {  	[sflag:s18] =	ssyncset.done @!p0 $0x0  }
0x151: {  	[sflag:s18] =	ssyncadd.s32 @!p0 $0xFFFF9C00;
	s26 =	sadd.s32 s6, s7;
	s7 =	simm.s32 $0x0  }
0x152: {  	[tilespmem:s10], [sflag:$0x9] =	stream.linear.gather [hbm4b:s26+s7], $0x1A0, $0x38;
	[tilespmem:$0x1B1D0] =	vst v63  }
0x153: {  	_ =	swait.ge [sflag:s17], $0x1A0  }
0x154: {  	[sflag:s17] =	ssyncset.done $0x0  }
0x155: {  	[sflag:s17] =	ssyncadd.s32 $0xFFFFFE60  }
0x156: {  	[tilespmem:s15], [sflag:$0x4] =	stream.indirect.gather [hbm4b:s2+s20], $0x40, s10, s20, $0xb8;
	[tilespmem:$0x1B1D0] =	vst v63  }
0x157: {  	s26 =	simm.s32 $0x548  }
0x158: {  	[tilespmem:s31], [sflag:$0x4] =	stream.indirect.gather [hbm4b:s2+s20], $0x40, s26, s20, $0xb8;
	[tilespmem:$0x1B1D0] =	vst v63  }
0x159: {  	s18 =	simm.s32 $0x5B0  }
0x15a: {  	[tilespmem:s21], [sflag:$0x4] =	stream.indirect.gather [hbm4b:s2+s20], $0x40, s18, s20, $0xb8;
	[tilespmem:$0x1B1D0] =	vst v63  }
0x15b: {  	s26 =	simm.s32 $0x618  }
0x15c: {  	[tilespmem:s23], [sflag:$0x4] =	stream.indirect.gather [hbm4b:s2+s20], $0x40, s26, s20, $0xb8;
	[tilespmem:$0x1B1D0] =	vst v63  }
0x15d: {  	_ =	swait.ge [sflag:s25], $0x6400  }
0x15e: {  	[sflag:s25] =	ssyncset.done $0x0  }
0x15f: {  	s18 =	simm.s32 $0x0;
	[sflag:s25] =	ssyncadd.s32 $0xFFFF9C00  }
0x160: {  	v3 =	vld [tilespmem:s18+$0x19680]  }
0x161: {  	v2 =	vld [tilespmem:s18+$0x19690]  }
0x162: {  	v1 =	vld [tilespmem:s18+$0x196A0]  }
0x163: {  	v0 =	vld [tilespmem:s18+$0x196B0]  }
0x164: {  	v4 =	vld [tilespmem:s18+$0xCE80]  }
0x165: {  	v5 =	vld [tilespmem:s18+$0xCE90]  }
0x166: {  	v6 =	vld [tilespmem:s18+$0xCEA0]  }
0x167: {  	v7 =	vld [tilespmem:s18+$0xCEB0]  }
0x168: {  	v8 =	vld [tilespmem:s18+$0xE780]  }
0x169: {  	v9 =	vld [tilespmem:s18+$0xE790];
	v4 =	vadd.f32 v4, v3  }
0x16a: {  	v10 =	vld [tilespmem:s18+$0xE7A0];
	v5 =	vadd.f32 v5, v2  }
0x16b: {  	v11 =	vld [tilespmem:s18+$0xE7B0];
	[tilespmem:s18+$0xCE80] =	vst v4;
	v4 =	vadd.f32 v6, v1  }
0x16c: {  	v12 =	vld [tilespmem:s18+$0x10080];
	[tilespmem:s18+$0xCE90] =	vst v5;
	v5 =	vadd.f32 v7, v0  }
0x16d: {  	v13 =	vld [tilespmem:s18+$0x10090];
	[tilespmem:s18+$0xCEA0] =	vst v4;
	v4 =	vadd.f32 v8, v3  }
0x16e: {  	v6 =	vadd.f32 v9, v2;
	[tilespmem:s18+$0xCEB0] =	vst v5;
	v5 =	vld [tilespmem:s18+$0x100A0]  }
0x16f: {  	v7 =	vadd.f32 v10, v1;
	[tilespmem:s18+$0xE780] =	vst v4;
	v4 =	vld [tilespmem:s18+$0x100B0]  }
0x170: {  	[tilespmem:s18+$0xE790] =	vst v6;
	v6 =	vld [tilespmem:s18+$0x11980];
	v8 =	vadd.f32 v11, v0  }
0x171: {  	v10 =	vadd.f32 v12, v3;
	[tilespmem:s18+$0xE7A0] =	vst v7;
	v7 =	vld [tilespmem:s18+$0x11990]  }
0x172: {  	s26 =	simm.s32 $0x100;
	v9 =	vadd.f32 v13, v2;
	[tilespmem:s18+$0xE7B0] =	vst v8;
	v8 =	vld [tilespmem:s18+$0x119A0]  }
.LBB2_7:
0x173: {  	s7 =	sshra.s32 s26, $0x2;
	p0 =	sne.s32 s26, $0x6300;
	[tilespmem:s18+$0x10080] =	vst v10;
	v5 =	vadd.f32 v5, v1;
	v10 =	vld [tilespmem:s18+$0x119B0]  }
0x174: {  	v11 =	vld [tilespmem:s7+$0x19680];
	[tilespmem:s18+$0x10090] =	vst v9;
	v4 =	vadd.f32 v4, v0  }
0x175: {  	v9 =	vld [tilespmem:s7+$0x19690];
	[tilespmem:s18+$0x100A0] =	vst v5;
	v3 =	vadd.f32 v6, v3  }
0x176: {  	v5 =	vld [tilespmem:s7+$0x196A0];
	[tilespmem:s18+$0x100B0] =	vst v4;
	v2 =	vadd.f32 v7, v2  }
0x177: {  	v4 =	vld [tilespmem:s7+$0x196B0];
	[tilespmem:s18+$0x11980] =	vst v3;
	v1 =	vadd.f32 v8, v1  }
0x178: {  	v6 =	vld [tilespmem:s7+$0xCE80];
	[tilespmem:s18+$0x11990] =	vst v2;
	v0 =	vadd.f32 v10, v0  }
0x179: {  	v7 =	vld [tilespmem:s7+$0xCE90];
	[tilespmem:s18+$0x119A0] =	vst v1;
	v3 =	vmov v11  }
0x17a: {  	v8 =	vld [tilespmem:s7+$0xCEA0];
	[tilespmem:s18+$0x119B0] =	vst v0;
	v2 =	vmov v9;
	s18 =	smov.u32 s7  }
0x17b: {  	v9 =	vld [tilespmem:s18+$0xCEB0];
	v1 =	vmov v5  }
0x17c: {  	v5 =	vld [tilespmem:s18+$0xE780];
	v0 =	vmov v4  }
0x17d: {  	v4 =	vadd.f32 v6, v3;
	v6 =	vld [tilespmem:s18+$0xE790]  }
0x17e: {  	v7 =	vadd.f32 v7, v2;
	v10 =	vld [tilespmem:s18+$0xE7A0]  }
0x17f: {  	[tilespmem:s18+$0xCE80] =	vst v4;
	v4 =	vadd.f32 v8, v1;
	v8 =	vld [tilespmem:s18+$0xE7B0]  }
0x180: {  	[tilespmem:s18+$0xCE90] =	vst v7;
	v7 =	vadd.f32 v9, v0;
	v9 =	vld [tilespmem:s18+$0x10080]  }
0x181: {  	[tilespmem:s18+$0xCEA0] =	vst v4;
	v4 =	vadd.f32 v5, v3;
	v11 =	vld [tilespmem:s18+$0x10090]  }
.Ltmp4:
0x182: {  	[tilespmem:s18+$0xCEB0] =	vst v7;
	v6 =	vadd.f32 v6, v2;
	v5 =	vld [tilespmem:s18+$0x100A0];
	(pc) =	sbr.rel @p0 .LBB2_7-.Ltmp4, $4  }
0x183: {  	[tilespmem:s18+$0xE780] =	vst v4;
	v7 =	vadd.f32 v10, v1;
	v4 =	vld [tilespmem:s18+$0x100B0]  }
0x184: {  	[tilespmem:s18+$0xE790] =	vst v6;
	v8 =	vadd.f32 v8, v0;
	v6 =	vld [tilespmem:s18+$0x11980]  }
0x185: {  	[tilespmem:s18+$0xE7A0] =	vst v7;
	v10 =	vadd.f32 v9, v3;
	v7 =	vld [tilespmem:s18+$0x11990]  }
0x186: {  	s26 =	sadd.s32 $0x100, s26;
	[tilespmem:s18+$0xE7B0] =	vst v8;
	v9 =	vadd.f32 v11, v2;
	v8 =	vld [tilespmem:s18+$0x119A0]  }
0x187: {  	[tilespmem:s18+$0x10080] =	vst v10;
	v5 =	vadd.f32 v5, v1;
	v10 =	vld [tilespmem:s18+$0x119B0]  }
0x188: {  	[tilespmem:s18+$0x10090] =	vst v9;
	v4 =	vadd.f32 v4, v0  }
0x189: {  	[tilespmem:s18+$0x100A0] =	vst v5;
	v3 =	vadd.f32 v6, v3  }
0x18a: {  	[tilespmem:s18+$0x100B0] =	vst v4;
	v2 =	vadd.f32 v7, v2  }
0x18b: {  	[tilespmem:s18+$0x11980] =	vst v3;
	v1 =	vadd.f32 v8, v1  }
0x18c: {  	[tilespmem:s18+$0x11990] =	vst v2;
	v0 =	vadd.f32 v10, v0  }
0x18d: {  	[tilespmem:s18+$0x119A0] =	vst v1  }
0x18e: {  	[tilespmem:s18+$0x119B0] =	vst v0  }
0x18f: {  	v0 =	vld [tilespmem:s3+$0x1AFC0];
	_ =	sdelay $0x4  }
0x190: {  	v1 =	vnsel vm0, $0x0, v0  }
0x191: {  	v1 =	vxor.u32 $0x80000000, v1  }
0x192: {  	(xrf0) =	vmax.scan.msk.u32 $0xffff, v1;
	_ =	sdelay $0x5  }
0x193: {  	v1, _, _ =	vpop (xrf0)  }
0x194: {  	(v2sf) =	vpush v1, $0xF;
	_ =	sdelay $0xe  }
0x195: {  	s7 =	spop (v2sf)  }
0x196: {  	v1 =	vld [tilespmem:$0x1AF80];
	s3 =	sshll.u32 s7, $0x6  }
0x197: {  	v2 =	vld [tilespmem:s3+$0x19680];
	_ =	sdelay $0x4  }
0x198: {  	v1 =	vadd.f32 v2, v1;
	_ =	sdelay $0x1  }
0x199: {  	v3 =	vsel vm1, $0x0, v0;
	v2 =	vld [tilespmem:s3+$0x19690];
	[tilespmem:s3+$0xCE80] =	vst v1  }
0x19a: {  	v3 =	vxor.u32 $0x80000000, v3;
	v1 =	vld [tilespmem:$0x1AF90]  }
0x19b: {  	(xrf0) =	vmax.scan.msk.u32 $0xffff, v3;
	_ =	sdelay $0x3  }
0x19c: {  	v1 =	vadd.f32 v2, v1;
	_ =	sdelay $0x1  }
0x19d: {  	v3, _, _ =	vpop (xrf0);
	v2 =	vld [tilespmem:s3+$0x196A0];
	[tilespmem:s3+$0xCE90] =	vst v1  }
0x19e: {  	(v2sf) =	vpush v3, $0xF;
	v1 =	vld [tilespmem:$0x1AFA0];
	_ =	sdelay $0x4  }
0x19f: {  	v1 =	vadd.f32 v2, v1;
	_ =	sdelay $0x1  }
0x1a0: {  	v2 =	vld [tilespmem:s3+$0x196B0];
	[tilespmem:s3+$0xCEA0] =	vst v1  }
0x1a1: {  	v1 =	vld [tilespmem:$0x1AFB0];
	_ =	sdelay $0x4  }
0x1a2: {  	v1 =	vadd.f32 v2, v1;
	_ =	sdelay $0x1  }
0x1a3: {  	s18 =	spop (v2sf);
	[tilespmem:s3+$0xCEB0] =	vst v1  }
0x1a4: {  	s3 =	sshll.u32 s18, $0x6;
	v1 =	vld [tilespmem:$0x1AF80]  }
0x1a5: {  	v2 =	vld [tilespmem:s3+$0x19680];
	_ =	sdelay $0x4  }
0x1a6: {  	v1 =	vadd.f32 v2, v1;
	_ =	sdelay $0x1  }
0x1a7: {  	v3 =	vsel vm2, $0x0, v0;
	v2 =	vld [tilespmem:s3+$0x19690];
	[tilespmem:s3+$0xE780] =	vst v1  }
0x1a8: {  	v3 =	vxor.u32 $0x80000000, v3;
	v1 =	vld [tilespmem:$0x1AF90]  }
0x1a9: {  	(xrf0) =	vmax.scan.msk.u32 $0xffff, v3;
	_ =	sdelay $0x3  }
0x1aa: {  	v1 =	vadd.f32 v2, v1;
	_ =	sdelay $0x1  }
0x1ab: {  	v3, _, _ =	vpop (xrf0);
	v2 =	vld [tilespmem:s3+$0x196A0];
	[tilespmem:s3+$0xE790] =	vst v1  }
0x1ac: {  	(v2sf) =	vpush v3, $0xF;
	v1 =	vld [tilespmem:$0x1AFA0];
	_ =	sdelay $0x4  }
0x1ad: {  	v1 =	vadd.f32 v2, v1;
	_ =	sdelay $0x1  }
0x1ae: {  	v2 =	vld [tilespmem:s3+$0x196B0];
	[tilespmem:s3+$0xE7A0] =	vst v1  }
0x1af: {  	v1 =	vld [tilespmem:$0x1AFB0];
	_ =	sdelay $0x4  }
0x1b0: {  	v1 =	vadd.f32 v2, v1;
	_ =	sdelay $0x1  }
0x1b1: {  	s26 =	spop (v2sf);
	[tilespmem:s3+$0xE7B0] =	vst v1  }
0x1b2: {  	s3 =	sshll.u32 s26, $0x6;
	v1 =	vld [tilespmem:$0x1AF80]  }
0x1b3: {  	v2 =	vld [tilespmem:s3+$0x19680];
	_ =	sdelay $0x4  }
0x1b4: {  	v1 =	vadd.f32 v2, v1;
	_ =	sdelay $0x1  }
0x1b5: {  	v0 =	vsel vm3, $0x0, v0;
	v2 =	vld [tilespmem:s3+$0x19690];
	[tilespmem:s3+$0x10080] =	vst v1  }
0x1b6: {  	v0 =	vxor.u32 $0x80000000, v0;
	v1 =	vld [tilespmem:$0x1AF90]  }
0x1b7: {  	(xrf0) =	vmax.scan.msk.u32 $0xffff, v0;
	_ =	sdelay $0x3  }
0x1b8: {  	v0 =	vadd.f32 v2, v1;
	_ =	sdelay $0x1  }
0x1b9: {  	v1 =	vld [tilespmem:s3+$0x196A0];
	v2, _, _ =	vpop (xrf0);
	[tilespmem:s3+$0x10090] =	vst v0  }
0x1ba: {  	(v2sf) =	vpush v2, $0xF;
	v0 =	vld [tilespmem:$0x1AFA0];
	_ =	sdelay $0x4  }
0x1bb: {  	v0 =	vadd.f32 v1, v0;
	_ =	sdelay $0x1  }
0x1bc: {  	v1 =	vld [tilespmem:s3+$0x196B0];
	[tilespmem:s3+$0x100A0] =	vst v0  }
0x1bd: {  	v0 =	vld [tilespmem:$0x1AFB0];
	_ =	sdelay $0x4  }
0x1be: {  	v0 =	vadd.f32 v1, v0;
	_ =	sdelay $0x1  }
0x1bf: {  	s7 =	spop (v2sf);
	[tilespmem:s3+$0x100B0] =	vst v0  }
0x1c0: {  	s3 =	sshll.u32 s7, $0x6;
	v0 =	vld [tilespmem:$0x1AF80]  }
0x1c1: {  	v1 =	vld [tilespmem:s3+$0x19680];
	_ =	sdelay $0x4  }
0x1c2: {  	v0 =	vadd.f32 v1, v0;
	_ =	sdelay $0x1  }
0x1c3: {  	v1 =	vld [tilespmem:s3+$0x19690];
	[tilespmem:s3+$0x11980] =	vst v0  }
0x1c4: {  	v0 =	vld [tilespmem:$0x1AF90];
	_ =	sdelay $0x4  }
0x1c5: {  	v0 =	vadd.f32 v1, v0;
	_ =	sdelay $0x1  }
0x1c6: {  	v1 =	vld [tilespmem:s3+$0x196A0];
	[tilespmem:s3+$0x11990] =	vst v0  }
0x1c7: {  	v0 =	vld [tilespmem:$0x1AFA0];
	_ =	sdelay $0x4  }
0x1c8: {  	v0 =	vadd.f32 v1, v0;
	_ =	sdelay $0x1  }
0x1c9: {  	v1 =	vld [tilespmem:s3+$0x196B0];
	[tilespmem:s3+$0x119A0] =	vst v0  }
0x1ca: {  	v0 =	vld [tilespmem:$0x1AFB0];
	_ =	sdelay $0x4  }
0x1cb: {  	s7 =	smul.u32 $0x680, s30;
	v0 =	vadd.f32 v1, v0;
	_ =	sdelay $0x1  }
0x1cc: {  	s26 =	smul.u32 $0x3400, s30;
	s30 =	simm.s32 $0xCE80;
	s18 =	sadd.s32 s8, s7;
	[tilespmem:s3+$0x119B0] =	vst v0  }
0x1cd: {  	[hbm4b:s18+s22] =	stream.strided.scatter [tilespmem:s30], [sflag:$0x7], $0x1900, s24, s22, $0x38;
	[tilespmem:$0x1B1D0] =	vst v63  }
0x1ce: {  	s18 =	sshrl.u32 s26, $0x3  }
0x1cf: {  	s3 =	sadd.s32 s8, s18  }
0x1d0: {  	s26 =	sadd.s32 $0x680, s3  }
0x1d1: {  	[hbm4b:s26+s22] =	stream.strided.scatter [tilespmem:s11], [sflag:$0x7], $0x1900, s24, s22, $0x38;
	[tilespmem:$0x1B1D0] =	vst v63  }
0x1d2: {  	s30 =	sadd.s32 $0xD00, s3  }
0x1d3: {  	[hbm4b:s30+s22] =	stream.strided.scatter [tilespmem:s9], [sflag:$0x7], $0x1900, s24, s22, $0x38;
	[tilespmem:$0x1B1D0] =	vst v63  }
0x1d4: {  	s3 =	sadd.s32 $0x1380, s3  }
0x1d5: {  	[hbm4b:s3+s22] =	stream.strided.scatter [tilespmem:s1], [sflag:$0x7], $0x1900, s24, s22, $0x38;
	[tilespmem:$0x1B1D0] =	vst v63  }
0x1d6: {  	p0 =	seq.s32 s12, $0x1F;
	s3 =	rddreg [dreg:$0xa]  }
0x1d7: {  	s3 =	sadd.s32 @!p0 s13, s3  }
0x1d8: {  	_ =	swait.ge [sflag:s28], $0x6400;
	s3 =	smul.u32 @!p0 $0xD, s3  }
0x1d9: {  	[sflag:s28] =	ssyncset.done $0x0  }
0x1da: {  	s7 =	simm.s32 @!p0 $0x0;
	[sflag:s28] =	ssyncadd.s32 $0xFFFF9C00;
	s3 =	sadd.s32 @!p0 s6, s3  }
0x1db: {  	[tilespmem:s7], [sflag:$0x9] =	stream.linear.gather @!p0 [hbm4b:s3+s7], $0x1A0, $0x38;
	[tilespmem:$0x1B1D0] =	vst v63  }
0x1dc: {  	s3 =	simm.s32 @!p0 $0x9  }
0x1dd: {  	_ =	swait.ge @!p0 [sflag:s3], $0x1A0  }
0x1de: {  	[sflag:s3] =	ssyncset.done @!p0 $0x0  }
0x1df: {  	s18 =	simm.s32 @!p0 $0x680;
	[sflag:s3] =	ssyncadd.s32 @!p0 $0xFFFFFE60;
	s3 =	simm.s32 @!p0 $0x64  }
0x1e0: {  	[tilespmem:s18], [sflag:$0x1] =	stream.indirect.gather @!p0 [hbm4b:s2+s3], $0x40, s7, s3, $0xb8;
	[tilespmem:$0x1B1D0] =	vst v63  }
0x1e1: {  	s7 =	simm.s32 @!p0 $0x68;
	s18 =	simm.s32 @!p0 $0x1F80  }
0x1e2: {  	[tilespmem:s18], [sflag:$0x1] =	stream.indirect.gather @!p0 [hbm4b:s2+s3], $0x40, s7, s3, $0xb8;
	[tilespmem:$0x1B1D0] =	vst v63  }
0x1e3: {  	s7 =	simm.s32 @!p0 $0xD0;
	s18 =	simm.s32 @!p0 $0x3880  }
0x1e4: {  	[tilespmem:s18], [sflag:$0x1] =	stream.indirect.gather @!p0 [hbm4b:s2+s3], $0x40, s7, s3, $0xb8;
	[tilespmem:$0x1B1D0] =	vst v63  }
0x1e5: {  	s7 =	simm.s32 @!p0 $0x138;
	s18 =	simm.s32 @!p0 $0x5180  }
0x1e6: {  	[tilespmem:s18], [sflag:$0x1] =	stream.indirect.gather @!p0 [hbm4b:s2+s3], $0x40, s7, s3, $0xb8;
	[tilespmem:$0x1B1D0] =	vst v63  }
0x1e7: {  	_ =	swait.ge [sflag:s4], $0x6400  }
0x1e8: {  	[sflag:s4] =	ssyncset.done $0x0  }
0x1e9: {  	s3 =	simm.s32 $0x0;
	[sflag:s4] =	ssyncadd.s32 $0xFFFF9C00  }
0x1ea: {  	v3 =	vld [tilespmem:s3+$0x19680]  }
0x1eb: {  	v2 =	vld [tilespmem:s3+$0x19690]  }
0x1ec: {  	v1 =	vld [tilespmem:s3+$0x196A0]  }
0x1ed: {  	v0 =	vld [tilespmem:s3+$0x196B0]  }
0x1ee: {  	v4 =	vld [tilespmem:s3+$0x13280]  }
0x1ef: {  	v5 =	vld [tilespmem:s3+$0x13290]  }
0x1f0: {  	v6 =	vld [tilespmem:s3+$0x132A0]  }
0x1f1: {  	v7 =	vld [tilespmem:s3+$0x132B0]  }
0x1f2: {  	v8 =	vld [tilespmem:s3+$0x14B80]  }
0x1f3: {  	v9 =	vld [tilespmem:s3+$0x14B90];
	v4 =	vadd.f32 v4, v3  }
0x1f4: {  	v10 =	vld [tilespmem:s3+$0x14BA0];
	v5 =	vadd.f32 v5, v2  }
0x1f5: {  	v11 =	vld [tilespmem:s3+$0x14BB0];
	[tilespmem:s3+$0x13280] =	vst v4;
	v4 =	vadd.f32 v6, v1  }
0x1f6: {  	v12 =	vld [tilespmem:s3+$0x16480];
	[tilespmem:s3+$0x13290] =	vst v5;
	v5 =	vadd.f32 v7, v0  }
0x1f7: {  	v13 =	vld [tilespmem:s3+$0x16490];
	[tilespmem:s3+$0x132A0] =	vst v4;
	v4 =	vadd.f32 v8, v3  }
0x1f8: {  	v6 =	vadd.f32 v9, v2;
	[tilespmem:s3+$0x132B0] =	vst v5;
	v5 =	vld [tilespmem:s3+$0x164A0]  }
0x1f9: {  	v7 =	vadd.f32 v10, v1;
	[tilespmem:s3+$0x14B80] =	vst v4;
	v4 =	vld [tilespmem:s3+$0x164B0]  }
0x1fa: {  	[tilespmem:s3+$0x14B90] =	vst v6;
	v6 =	vld [tilespmem:s3+$0x17D80];
	v8 =	vadd.f32 v11, v0  }
0x1fb: {  	v10 =	vadd.f32 v12, v3;
	[tilespmem:s3+$0x14BA0] =	vst v7;
	v7 =	vld [tilespmem:s3+$0x17D90]  }
0x1fc: {  	s18 =	simm.s32 $0x100;
	v9 =	vadd.f32 v13, v2;
	[tilespmem:s3+$0x14BB0] =	vst v8;
	v8 =	vld [tilespmem:s3+$0x17DA0]  }
.LBB2_9:
0x1fd: {  	s7 =	sshra.s32 s18, $0x2;
	p1 =	sne.s32 s18, $0x6300;
	[tilespmem:s3+$0x16480] =	vst v10;
	v5 =	vadd.f32 v5, v1;
	v10 =	vld [tilespmem:s3+$0x17DB0]  }
0x1fe: {  	v11 =	vld [tilespmem:s7+$0x19680];
	[tilespmem:s3+$0x16490] =	vst v9;
	v4 =	vadd.f32 v4, v0  }
0x1ff: {  	v9 =	vld [tilespmem:s7+$0x19690];
	[tilespmem:s3+$0x164A0] =	vst v5;
	v3 =	vadd.f32 v6, v3  }
0x200: {  	v5 =	vld [tilespmem:s7+$0x196A0];
	[tilespmem:s3+$0x164B0] =	vst v4;
	v2 =	vadd.f32 v7, v2  }
0x201: {  	v4 =	vld [tilespmem:s7+$0x196B0];
	[tilespmem:s3+$0x17D80] =	vst v3;
	v1 =	vadd.f32 v8, v1  }
0x202: {  	v6 =	vld [tilespmem:s7+$0x13280];
	[tilespmem:s3+$0x17D90] =	vst v2;
	v0 =	vadd.f32 v10, v0  }
0x203: {  	v7 =	vld [tilespmem:s7+$0x13290];
	[tilespmem:s3+$0x17DA0] =	vst v1;
	v3 =	vmov v11  }
0x204: {  	v8 =	vld [tilespmem:s7+$0x132A0];
	[tilespmem:s3+$0x17DB0] =	vst v0;
	v2 =	vmov v9;
	s3 =	smov.u32 s7  }
0x205: {  	v9 =	vld [tilespmem:s3+$0x132B0];
	v1 =	vmov v5  }
0x206: {  	v5 =	vld [tilespmem:s3+$0x14B80];
	v0 =	vmov v4  }
0x207: {  	v4 =	vadd.f32 v6, v3;
	v6 =	vld [tilespmem:s3+$0x14B90]  }
0x208: {  	v7 =	vadd.f32 v7, v2;
	v10 =	vld [tilespmem:s3+$0x14BA0]  }
0x209: {  	[tilespmem:s3+$0x13280] =	vst v4;
	v4 =	vadd.f32 v8, v1;
	v8 =	vld [tilespmem:s3+$0x14BB0]  }
0x20a: {  	[tilespmem:s3+$0x13290] =	vst v7;
	v7 =	vadd.f32 v9, v0;
	v9 =	vld [tilespmem:s3+$0x16480]  }
0x20b: {  	[tilespmem:s3+$0x132A0] =	vst v4;
	v4 =	vadd.f32 v5, v3;
	v11 =	vld [tilespmem:s3+$0x16490]  }
.Ltmp5:
0x20c: {  	[tilespmem:s3+$0x132B0] =	vst v7;
	v6 =	vadd.f32 v6, v2;
	v5 =	vld [tilespmem:s3+$0x164A0];
	(pc) =	sbr.rel @p1 .LBB2_9-.Ltmp5, $4  }
0x20d: {  	[tilespmem:s3+$0x14B80] =	vst v4;
	v7 =	vadd.f32 v10, v1;
	v4 =	vld [tilespmem:s3+$0x164B0]  }
0x20e: {  	[tilespmem:s3+$0x14B90] =	vst v6;
	v8 =	vadd.f32 v8, v0;
	v6 =	vld [tilespmem:s3+$0x17D80]  }
0x20f: {  	[tilespmem:s3+$0x14BA0] =	vst v7;
	v10 =	vadd.f32 v9, v3;
	v7 =	vld [tilespmem:s3+$0x17D90]  }
0x210: {  	s18 =	sadd.s32 $0x100, s18;
	[tilespmem:s3+$0x14BB0] =	vst v8;
	v9 =	vadd.f32 v11, v2;
	v8 =	vld [tilespmem:s3+$0x17DA0]  }
0x211: {  	[tilespmem:s3+$0x16480] =	vst v10;
	v5 =	vadd.f32 v5, v1;
	v40 =	vld [tilespmem:s3+$0x17DB0]  }
0x212: {  	[tilespmem:s3+$0x16490] =	vst v9;
	v4 =	vadd.f32 v4, v0  }
0x213: {  	[tilespmem:s3+$0x164A0] =	vst v5;
	v3 =	vadd.f32 v6, v3  }
0x214: {  	[tilespmem:s3+$0x164B0] =	vst v4;
	v2 =	vadd.f32 v7, v2  }
0x215: {  	[tilespmem:s3+$0x17D80] =	vst v3;
	v41 =	vadd.f32 v8, v1  }
0x216: {  	[tilespmem:s3+$0x17D90] =	vst v2;
	v42 =	vadd.f32 v40, v0  }
0x217: {  	[tilespmem:s3+$0x17DA0] =	vst v41  }
0x218: {  	[tilespmem:s3+$0x17DB0] =	vst v42  }
0x219: {  	v0 =	vld [tilespmem:s0+$0x1AFC0];
	_ =	sdelay $0x4  }
0x21a: {  	v43 =	vnsel vm0, $0x0, v0  }
0x21b: {  	v1 =	vxor.u32 $0x80000000, v43  }
0x21c: {  	(xrf0) =	vmax.scan.msk.u32 $0xffff, v1;
	_ =	sdelay $0x5  }
0x21d: {  	v1, _, _ =	vpop (xrf0)  }
0x21e: {  	(v2sf) =	vpush v1, $0xF;
	_ =	sdelay $0xe  }
0x21f: {  	s3 =	spop (v2sf)  }
0x220: {  	v44 =	vld [tilespmem:$0x1AF80];
	s0 =	sshll.u32 s3, $0x6  }
0x221: {  	v2 =	vld [tilespmem:s0+$0x19680];
	_ =	sdelay $0x4  }
0x222: {  	v1 =	vadd.f32 v2, v44;
	_ =	sdelay $0x1  }
0x223: {  	v46 =	vsel vm1, $0x0, v0;
	v45 =	vld [tilespmem:s0+$0x19690];
	[tilespmem:s0+$0x13280] =	vst v1  }
0x224: {  	v3 =	vxor.u32 $0x80000000, v46;
	v1 =	vld [tilespmem:$0x1AF90]  }
0x225: {  	(xrf0) =	vmax.scan.msk.u32 $0xffff, v3;
	_ =	sdelay $0x3  }
0x226: {  	v1 =	vadd.f32 v45, v1;
	_ =	sdelay $0x1  }
0x227: {  	v3, _, _ =	vpop (xrf0);
	v47 =	vld [tilespmem:s0+$0x196A0];
	[tilespmem:s0+$0x13290] =	vst v1  }
0x228: {  	(v2sf) =	vpush v3, $0xF;
	v1 =	vld [tilespmem:$0x1AFA0];
	_ =	sdelay $0x4  }
0x229: {  	v1 =	vadd.f32 v47, v1;
	_ =	sdelay $0x1  }
0x22a: {  	v48 =	vld [tilespmem:s0+$0x196B0];
	[tilespmem:s0+$0x132A0] =	vst v1  }
0x22b: {  	v1 =	vld [tilespmem:$0x1AFB0];
	_ =	sdelay $0x4  }
0x22c: {  	v1 =	vadd.f32 v48, v1;
	_ =	sdelay $0x1  }
0x22d: {  	s7 =	spop (v2sf);
	[tilespmem:s0+$0x132B0] =	vst v1  }
0x22e: {  	s0 =	sshll.u32 s7, $0x6;
	v1 =	vld [tilespmem:$0x1AF80]  }
0x22f: {  	v49 =	vld [tilespmem:s0+$0x19680];
	_ =	sdelay $0x4  }
0x230: {  	v1 =	vadd.f32 v49, v1;
	_ =	sdelay $0x1  }
0x231: {  	v51 =	vsel vm2, $0x0, v0;
	v50 =	vld [tilespmem:s0+$0x19690];
	[tilespmem:s0+$0x14B80] =	vst v1  }
0x232: {  	v3 =	vxor.u32 $0x80000000, v51;
	v1 =	vld [tilespmem:$0x1AF90]  }
0x233: {  	(xrf0) =	vmax.scan.msk.u32 $0xffff, v3;
	_ =	sdelay $0x3  }
0x234: {  	v1 =	vadd.f32 v50, v1;
	_ =	sdelay $0x1  }
0x235: {  	v3, _, _ =	vpop (xrf0);
	v52 =	vld [tilespmem:s0+$0x196A0];
	[tilespmem:s0+$0x14B90] =	vst v1  }
0x236: {  	(v2sf) =	vpush v3, $0xF;
	v1 =	vld [tilespmem:$0x1AFA0];
	_ =	sdelay $0x4  }
0x237: {  	v1 =	vadd.f32 v52, v1;
	_ =	sdelay $0x1  }
0x238: {  	v53 =	vld [tilespmem:s0+$0x196B0];
	[tilespmem:s0+$0x14BA0] =	vst v1  }
0x239: {  	v1 =	vld [tilespmem:$0x1AFB0];
	_ =	sdelay $0x4  }
0x23a: {  	v1 =	vadd.f32 v53, v1;
	_ =	sdelay $0x1  }
0x23b: {  	s18 =	spop (v2sf);
	[tilespmem:s0+$0x14BB0] =	vst v1  }
0x23c: {  	s0 =	sshll.u32 s18, $0x6;
	v1 =	vld [tilespmem:$0x1AF80]  }
0x23d: {  	v54 =	vld [tilespmem:s0+$0x19680];
	_ =	sdelay $0x4  }
0x23e: {  	v1 =	vadd.f32 v54, v1;
	_ =	sdelay $0x1  }
0x23f: {  	v0 =	vsel vm3, $0x0, v0;
	v55 =	vld [tilespmem:s0+$0x19690];
	[tilespmem:s0+$0x16480] =	vst v1  }
0x240: {  	v0 =	vxor.u32 $0x80000000, v0;
	v1 =	vld [tilespmem:$0x1AF90]  }
0x241: {  	(xrf0) =	vmax.scan.msk.u32 $0xffff, v0;
	_ =	sdelay $0x3  }
0x242: {  	v56 =	vadd.f32 v55, v1;
	_ =	sdelay $0x1  }
0x243: {  	v58, _, _ =	vpop (xrf0);
	v57 =	vld [tilespmem:s0+$0x196A0];
	[tilespmem:s0+$0x16490] =	vst v56  }
0x244: {  	(v2sf) =	vpush v58, $0xF;
	v0 =	vld [tilespmem:$0x1AFA0];
	_ =	sdelay $0x4  }
0x245: {  	v0 =	vadd.f32 v57, v0;
	_ =	sdelay $0x1  }
0x246: {  	v59 =	vld [tilespmem:s0+$0x196B0];
	[tilespmem:s0+$0x164A0] =	vst v0  }
0x247: {  	v0 =	vld [tilespmem:$0x1AFB0];
	_ =	sdelay $0x4  }
0x248: {  	v0 =	vadd.f32 v59, v0;
	_ =	sdelay $0x1  }
0x249: {  	s26 =	spop (v2sf);
	[tilespmem:s0+$0x164B0] =	vst v0  }
0x24a: {  	s0 =	sshll.u32 s26, $0x6;
	v0 =	vld [tilespmem:$0x1AF80]  }
0x24b: {  	v60 =	vld [tilespmem:s0+$0x19680];
	_ =	sdelay $0x4  }
0x24c: {  	v0 =	vadd.f32 v60, v0;
	_ =	sdelay $0x1  }
0x24d: {  	v61 =	vld [tilespmem:s0+$0x19690];
	[tilespmem:s0+$0x17D80] =	vst v0  }
0x24e: {  	v0 =	vld [tilespmem:$0x1AF90];
	_ =	sdelay $0x4  }
0x24f: {  	v0 =	vadd.f32 v61, v0;
	_ =	sdelay $0x1  }
0x250: {  	v62 =	vld [tilespmem:s0+$0x196A0];
	[tilespmem:s0+$0x17D90] =	vst v0  }
0x251: {  	v0 =	vld [tilespmem:$0x1AFA0];
	_ =	sdelay $0x4  }
0x252: {  	v0 =	vadd.f32 v62, v0;
	_ =	sdelay $0x1  }
0x253: {  	v63 =	vld [tilespmem:s0+$0x196B0];
	[tilespmem:s0+$0x17DA0] =	vst v0  }
0x254: {  	v0 =	vld [tilespmem:$0x1AFB0];
	_ =	sdelay $0x3  }
0x255: {  	s18 =	smul.u32 $0x3400, s29  }
0x256: {  	s30 =	smul.u32 $0x680, s29;
	v0 =	vadd.f32 v63, v0  }
0x257: {  	s26 =	sshrl.u32 s18, $0x3  }
0x258: {  	s7 =	sadd.s32 s8, s30;
	[tilespmem:s0+$0x17DB0] =	vst v0;
	s0 =	sadd.s32 s8, s26  }
0x259: {  	[hbm4b:s7+s22] =	stream.strided.scatter [tilespmem:s15], [sflag:$0x8], $0x1900, s24, s22, $0x38;
	[tilespmem:$0x1B1D0] =	vst v63  }
0x25a: {  	s29 =	sadd.s32 $0x680, s0  }
0x25b: {  	[hbm4b:s29+s22] =	stream.strided.scatter [tilespmem:s31], [sflag:$0x8], $0x1900, s24, s22, $0x38;
	[tilespmem:$0x1B1D0] =	vst v63  }
0x25c: {  	s30 =	sadd.s32 $0xD00, s0  }
0x25d: {  	[hbm4b:s30+s22] =	stream.strided.scatter [tilespmem:s21], [sflag:$0x8], $0x1900, s24, s22, $0x38;
	[tilespmem:$0x1B1D0] =	vst v63  }
.Ltmp6:
0x25e: {  	s0 =	sadd.s32 $0x1380, s0;
	(pc) =	sbr.rel @p0 .LBB2_12-.Ltmp6, $4  }
0x25f: {  	[hbm4b:s0+s22] =	stream.strided.scatter [tilespmem:s23], [sflag:$0x8], $0x1900, s24, s22, $0x38;
	[tilespmem:$0x1B1D0] =	vst v63  }
0x260: {  	_ =	swait.ge [sflag:s14], $0x6400  }
0x261: {  	[sflag:s14] =	ssyncset.done $0x0  }
0x262: {  	[sflag:s14] =	ssyncadd.s32 $0xFFFF9C00  }
0x263: {  	s0 =	rddreg [dreg:$0xb]  }
0x264: {  	s0 =	sadd.s32 s13, s0  }
0x265: {  	s0 =	smul.u32 $0xD, s0;
	_ =	sdelay $0x1  }
0x266: {  	s3 =	simm.s32 $0x0;
	s7 =	simm.s32 $0x1A0;
	s0 =	sadd.s32 s6, s0  }
0x267: {  	[tilespmem:s7], [sflag:$0x9] =	stream.linear.gather [hbm4b:s0+s3], $0x1A0, $0x38;
	[tilespmem:$0x1B1D0] =	vst v63  }
0x268: {  	_ =	swait.ge [sflag:s17], $0x1A0  }
0x269: {  	[sflag:s17] =	ssyncset.done $0x0  }
0x26a: {  	s3 =	simm.s32 $0x6A80;
	[sflag:s17] =	ssyncadd.s32 $0xFFFFFE60  }
0x26b: {  	[tilespmem:s3], [sflag:$0x2] =	stream.indirect.gather [hbm4b:s2+s20], $0x40, s7, s20, $0xb8;
	[tilespmem:$0x1B1D0] =	vst v63  }
0x26c: {  	s13 =	simm.s32 $0x8380;
	s7 =	simm.s32 $0x208  }
0x26d: {  	[tilespmem:s13], [sflag:$0x2] =	stream.indirect.gather [hbm4b:s2+s20], $0x40, s7, s20, $0xb8;
	[tilespmem:$0x1B1D0] =	vst v63  }
.Ltmp7:
0x26e: {  	_ = 	snop;
	(pc) =	sbr.rel .LBB2_2-.Ltmp7, $4  }
0x26f: {  	s18 =	simm.s32 $0x270;
	s26 =	simm.s32 $0x9C80  }
0x270: {  	[tilespmem:s26], [sflag:$0x2] =	stream.indirect.gather [hbm4b:s2+s20], $0x40, s18, s20, $0xb8;
	[tilespmem:$0x1B1D0] =	vst v63  }
0x271: {  	s29 =	simm.s32 $0x2D8;
	s30 =	simm.s32 $0xB580;
	s12 =	sadd.s32 $0x1, s12  }
0x272: {  	[tilespmem:s30], [sflag:$0x2] =	stream.indirect.gather [hbm4b:s2+s20], $0x40, s29, s20, $0xb8;
	[tilespmem:$0x1B1D0] =	vst v63  }
.LBB2_13:
0x273: {  	_ =	sfence.sel $0x180000  }
0x274: {  	[bflag:$0x0] =	sbarrier.arrive $0xFFFF  }
0x275: {  	_ =	strace $0x90000047  }
0x276: {  	s0 =	stileid.u32;
	[bflag:$0x2] =	sbarrier.arrive $0xFFFF  }
0x277: {  	p0 =	sne.s32 s0, $0x0;
	s0 =	rddreg [dreg:$0x4]  }
0x278: {  	s0 =	sadd.s32 @!p0 $0x100000, s0  }
0x279: {  	[sflag:s0] =	ssyncadd.tile.s32 @!p0 $0x1;
	_ =	shalt  }
.Lfunc_end2:
_tile_overlayer_lowered:
.L_overlay_start_2:
0x27a: {  	(tag) =	ssettag $0x2  }
0x27b: {  	s0 =	rddreg [dreg:$0x0];
	s2 =	stileid.u32  }
0x27c: {  	s1 =	rddreg [dreg:$0x1];
	p0 =	sne.s32 s2, $0x0  }
0x27d: {  	s3 =	rddreg [dreg:$0x2];
	[bflag:$0x3] =	sbarrier.arrive $0xFFFF;
	s2 =	simm.s32 @!p0 $0x1C09  }
0x27e: {  	[timem:s3], [sflag:s2] =	dma.local @!p0 [hbm:s0], s1  }
0x27f: {  	s0 =	simm.s32 @!p0 $0x9  }
0x280: {  	_ =	swait.ge @!p0 [sflag:s0], s1  }
0x281: {  	s1 =	ssub.s32 @!p0 $0x0, s1;
	[sflag:s0] =	ssyncset.done @!p0 $0x0  }
0x282: {  	[sflag:s0] =	ssyncadd.s32 @!p0 s1  }
0x283: {  	[bflag:$0x3] =	sbarrier.arrive $0xFFFF  }
0x284: {  	_ =	shalt  }

// kernel: sparse-core-data-format-call.cloned.1.call-start
scs
called_computation_lowered:
.L_overlay_start_0:
0x0: {  	s2 =	sld [smem:$0x3FD9]  }
0x1: {  	s3 =	sld [smem:$0x3FFE];
	_ =	sdelay $0x1  }
0x2: {  	s1 =	srdreg.scid  }
0x3: {  	s0 =	sand.u32 $0x1, s1  }
0x4: {  	s18 =	sshll.u32 s0, $0xA;
	s2 =	sadd.s32 s3, s2  }
0x5: {  	s2 =	sadd.s32 s2, s18  }
0x6: {  	[smem:$0x3FC3] =	sst s2  }
0x7: {  	_ = 	snop  }
0x8: {  	s2 =	sld [smem:$0x3FD0];
	(tm) =	ssettm $0x1  }
0x9: {  	s19 =	sld [smem:$0x3FFB];
	_ =	sdelay $0x3  }
0xa: {  	_ =	strace s19  }
0xb: {  	s3 =	sld [smem:$0x3FFC];
	_ =	sdelay $0x3  }
0xc: {  	_ =	strace s3  }
0xd: {  	s3 =	sld [smem:$0x3FFD];
	_ =	sdelay $0x3  }
0xe: {  	_ =	strace s3  }
0xf: {  	_ =	strace $0x8FFFFFFF  }
0x10: {  	s20 =	sld [smem:$0x3FDB];
	_ =	sdelay $0x1  }
0x11: {  	s4 =	simm.s32 $_scs_section_size  }
0x12: {  	s5 =	simm.s32 $_size__tile_overlayer_lowered;
	s6 =	simm.s32 $_tile_overlayer_lowered  }
0x13: {  	s23 =	simm.s32 $0x1BFF;
	s22 =	sshll.u32 s6, $0x1;
	s3 =	sadd.s32 s4, s20  }
0x14: {  	s7 =	simm.s32 $0x0;
	s21 =	sshll.u32 s5, $0x1;
	s5 =	sadd.s32 s22, s3  }
0x15: {  	[timem:s7], [sflag:s23] =	dma.local [hbm:s5], s21  }
0x16: {  	_ =	swait.ge [sflag:s23], s21  }
0x17: {  	s4 =	ssub.s32 $0x0, s21;
	[sflag:s23] =	ssyncset.done $0x0  }
0x18: {  	[sflag:s23] =	ssyncadd.s32 s4;
	_ =	sdelay $0x1  }
0x19: {  	s24 =	simm.s32 $0x1B8B  }
0x1a: {  	_ =	swait.ge [sflag:s24], $0x1  }
0x1b: {  	[sflag:s24] =	ssyncset.done $0x0  }
0x1c: {  	s26 =	simm.s32 $0x1B8E;
	s25 =	sld [smem:$0x3FFE];
	[sflag:s24] =	ssyncadd.s32 $0xFFFFFFFF  }
0x1d: {  	s27 =	simm.s32 $execute0_lowered;
	[smem:$0x3FD2] =	sst s26  }
0x1e: {  	s5 =	sshll.u32 s27, $0x1;
	_ =	strace $0x80000049;
	[dreg:$0x1] =	wrdreg $0xFFFFFFFF  }
0x1f: {  	s28 =	simm.s32 $_size_execute0_lowered;
	s3 =	sadd.s32 s3, s5;
	[dreg:$0x0] =	wrdreg $0x0  }
0x20: {  	s5 =	sshll.u32 s28, $0x1;
	[dreg:$0x2] =	wrdreg s3  }
0x21: {  	[dreg:$0x3] =	wrdreg s5  }
0x22: {  	[dreg:$0x4] =	wrdreg $0xC0  }
0x23: {  	_ =	task [dreg:s7], $0x5FFFF  }
0x24: {  	[dreg:$0x1] =	wrdreg $0xFFFFFFFF  }
0x25: {  	[dreg:$0x0] =	wrdreg $0x60  }
0x26: {  	[dreg:$0x2] =	wrdreg s25  }
0x27: {  	[dreg:$0x3] =	wrdreg s2  }
0x28: {  	[dreg:$0x4] =	wrdreg $0x9  }
0x29: {  	_ =	task.clear_ibuf [dreg:s7], $0x5FFFF;
	_ =	strace $0x90000049  }
0x2a: {  	s29 =	simm.s32 $0x9;
	_ =	strace $0x8000004B  }
0x2b: {  	_ =	swait.ge [sflag:s29], $0x1  }
0x2c: {  	[sflag:s29] =	ssyncadd.s32 $0xFFFFFFFF  }
0x2d: {  	_ =	strace $0x9000004B  }
0x2e: {  	_ =	sfence  }
0x2f: {  	s30 =	sld [smem:$0x0];
	_ =	sdelay $0x2  }
0x30: {  	s31 =	sshll.u32 s1, $0xD;
	s1 =	sshrl.u32 s1, $0x2  }
0x31: {  	s3 =	sand.u32 $0x4000, s31;
	s1 =	sadd.s32 s1, s30  }
0x32: {  	s0 =	sor.u32 s3, s0;
	s1 =	sshll.u32 s1, $0x11  }
0x33: {  	s0 =	sor.u32 s1, s0  }
0x34: {  	s0 =	sadd.s32 $0x8F2B, s0  }
0x35: {  	[sflag:s0] =	ssyncadd.remote.s32 $0x1  }
0x36: {  	_ =	sfence.sel $0xFFFF  }
0x37: {  	[dreg:$0x0] =	wrdreg $0xFFFFFFFF;
	(pc) =	sbr.abs _section_cstart, $3  }
0x38: {  	[dreg:$0x1] =	wrdreg $0xFFFFFFFF  }
0x39: {  	_ =	task.clear_ibuf [dreg:s7], $0x2FFFF;
	_ =	strace $0x9FFFFFFF  }
0x3a: {  	(tm) =	ssettm $0x7FFFFFFF  }
0x3b: {  	_ =	shalt  }
tec
execute0_lowered:
.L_overlay_start_1:
0x0: {  	(tag) =	ssettag $0x1  }
0x1: {  	s0 =	srdreg.scid  }
0x2: {  	s1 =	sshll.u32 s0, $0x4  }
0x3: {  	s0 =	stileid.u32;
	s1 =	sand.u32 $0x10, s1  }
0x4: {  	s1 =	sor.u32 s0, s1  }
0x5: {  	s6 =	rddreg [dreg:$0x0];
	s4 =	simm.s32 $0x1;
	s2 =	sshll.u32 s1, $0x7  }
0x6: {  	s7 =	simm.s32 $0x2;
	s12 =	simm.s32 $0x0;
	s1 =	ssub.s32 $0x4000, s2  }
0x7: {  	s8 =	simm.s32 $0x20000;
	s13 =	simm.s32 $0x0;
	s3 =	sand.u32 $0xF80, s1  }
0x8: {  	s9 =	simm.s32 $0x0;
	s5 =	sshrl.u32 s1, $0xC;
	p0 =	sne.s32 s3, $0x0  }
.Ltmp0:
0x9: {  	s1 =	rddreg [dreg:$0x2];
	s4 =	simm.s32 @!p0 $0x0;
	(pc) =	sbr.rel .LBB1_1-.Ltmp0, $4  }
0xa: {  	s11 =	simm.s32 $0x0;
	s3 =	rddreg [dreg:$0x1];
	s5 =	sadd.s32 s4, s5  }
0xb: {  	_ =	strace $0x8000004A;
	s4 =	simm.s32 $0x1;
	s5 =	smul.u32 $0x64, s5  }
0xc: {  	s6 =	sadd.s32 $0x34C00, s6;
	s10 =	smov.u32 s2;
	[sflag:s4] =	ssyncpa.u1 $0x0  }
0xd: {  	p0 =	por $0x0, $0x0;
	[sflag:s7] =	ssyncpa.u1 $0x0;
	s7 =	sor.u32 $0x1, s5  }
.LBB1_4:
0xe: {  	s16 =	sshll.u32 s13, $0x3;
	s17 =	sand.u32 $0x78, s13  }
0xf: {  	s30 =	sand.u32 $0x1F800, s13;
	s12 =	sshll.u32 s12, $0x11;
	s16 =	sand.u32 $0x3C00, s16  }
0x10: {  	[tilespmem:s15+$0x810 ss:$0x81] =	vst.msk $0xffff, v2;
	s31 =	sand.u32 $0x7, s13;
	s16 =	sor.u32 s17, s16;
	s17 =	sadd.s32 s3, s30  }
0x11: {  	[tilespmem:s15+$0x1020 ss:$0x81] =	vst.msk $0xffff, v0;
	s13 =	sshll.u32 s31, $0x12;
	s12 =	sadd.s32 s12, s17;
	s16 =	sshrl.u32 s16, $0x3  }
0x12: {  	[tilespmem:s15+$0x0 ss:$0x81] =	vst.msk $0xffff, v1;
	s13 =	sor.u32 $0x400, s13;
	s12 =	sadd.s32 s16, s12  }
0x13: {  	[hbm4b:s12+s13] =	stream.strided.scatter [tilespmem:s14], [sflag:$0x2], $0x2000, s8, s13, $0x20;
	[tilespmem:$0x8080] =	vst v63  }
.LBB1_5:
0x14: {  	s14 =	sadd.s32 $0x1, s9  }
0x15: {  	s12 =	sadd.s32 $0x1000, s10;
	s16 =	smov.u32 s10;
	p2 =	sgt.s32 s14, $0x63  }
0x16: {  	s16 =	smov.u32 @p2 s12  }
0x17: {  	s14 =	simm.s32 @p2 $0x0;
	p2 =	sgt.s32 s16, $0x3FFF  }
0x18: {  	s16 =	smov.u32 @p2 s2;
	p2 =	sne.s32 s11, s7  }
.Ltmp1:
0x19: {  	p1 =	slt.u32 s11, $0x2;
	(pc) =	sbr.rel @!p2 .LBB1_6-.Ltmp1, $4  }
0x1a: {  	s15 =	simm.s32 @!p1 $0x2  }
0x1b: {  	s13 =	smov.u32 s10;
	p0 =	por !p0, !p0;
	_ =	swait.ge @!p1 [sflag:s15], $0x2000  }
0x1c: {  	s12 =	smov.u32 s9;
	[sflag:s15] =	ssyncset.done @!p1 $0x0;
	s9 =	smov.u32 s14  }
0x1d: {  	s11 =	sadd.s32 $0x1, s11;
	[sflag:s15] =	ssyncadd.s32 @!p1 $0xFFFFE000;
	s10 =	smov.u32 s16  }
.LBB1_1:
0x1e: {  	p1 =	sge.u32 s11, s5  }
0x1f: {  	s14 =	sand.u32 @!p1 $0x1FFFFFF, s9  }
0x20: {  	s15 =	smulhi.u32 @!p1 $0x2762763, s14;
	_ =	sdelay $0x1  }
0x21: {  	s15 =	smul.u32 @!p1 $0x68, s15  }
0x22: {  	s16 =	sxor.u32 @!p1 $0xFFFFFFFF, s11;
	s17 =	smul.u32 @!p1 $0x680, s10  }
0x23: {  	s31 =	sadd.s32 $0xFFFFFFFF, s11;
	s16 =	sshll.u32 @!p1 s16, $0xD;
	s14 =	ssub.s32 @!p1 s14, s15  }
0x24: {  	s15 =	sand.u32 @!p1 $0x2000, s16;
	s16 =	sadd.s32 @!p1 s6, s17;
	s14 =	sshll.u32 @!p1 s14, $0x4  }
0x25: {  	s17 =	simm.s32 @!p1 $0x3400;
	s14 =	sadd.s32 @!p1 s14, s16;
	s16 =	simm.s32 @!p1 $0x40  }
0x26: {  	[tilespmem:s15], [sflag:$0x1] =	stream.strided.gather @!p1 [hbm4b:s14+s16], $0x2000, s17, s16, $0x38;
	[tilespmem:$0x8080] =	vst v63  }
0x27: {  	p1 =	sge.u32 s31, s5  }
.Ltmp2:
0x28: {  	_ = 	snop;
	(pc) =	sbr.rel @p1 .LBB1_5-.Ltmp2, $1  }
0x29: {  	_ =	sdelay $0x3  }
0x2a: {  	s14 =	simm.s32 $0x1  }
0x2b: {  	_ =	swait.ge [sflag:s4], $0x2000;
	s14 =	simm.s32 @!p0 $0x0  }
0x2c: {  	[sflag:s4] =	ssyncset.done $0x0;
	s15 =	sshll.u32 s14, $0xD  }
0x2d: {  	[sflag:s4] =	ssyncadd.s32 $0xFFFFE000;
	s18 =	sor.u32 $0x20, s15  }
0x2e: {  	s14 =	smul.u32 $0x8100, s14;
	v3 =	vld [tilespmem:s18+$0x10]  }
0x2f: {  	s30 =	sand.u32 $0x1, s11;
	v2 =	vld [tilespmem:s18+$0xFFFFFFF0]  }
0x30: {  	s15 =	smul.u32 $0x8100, s30;
	s14 =	sshrl.u32 s14, $0x2;
	v0 =	vld [tilespmem:s18+$0x0]  }
0x31: {  	v1 =	vld [tilespmem:s18+$0xFFFFFFE0];
	s16 =	sor.u32 $0x4000, s14  }
0x32: {  	s31 =	sshrl.u32 s15, $0x2;
	s15 =	sadd.s32 $0x0, s16  }
0x33: {  	s17 =	simm.s32 $0x4;
	s18 =	sadd.s32 $0x40, s18;
	s14 =	sor.u32 $0x4000, s31;
	[tilespmem:s15+$0x1830 ss:$0x81] =	vst.msk $0xffff, v3  }
.LBB1_3:
0x34: {  	v3 =	vld [tilespmem:s18+$0x10];
	p1 =	sne.s32 s17, $0x1FC;
	[tilespmem:s15+$0x810 ss:$0x81] =	vst.msk $0xffff, v2;
	s19 =	smov.u32 s17;
	s17 =	sadd.s32 $0x4, s17  }
.Ltmp3:
0x35: {  	v2 =	vld [tilespmem:s18+$0xFFFFFFF0];
	[tilespmem:s15+$0x1020 ss:$0x81] =	vst.msk $0xffff, v0;
	(pc) =	sbr.rel @p1 .LBB1_3-.Ltmp3, $4  }
0x36: {  	v0 =	vld [tilespmem:s18+$0x0];
	[tilespmem:s15+$0x0 ss:$0x81] =	vst.msk $0xffff, v1  }
0x37: {  	s15 =	sshra.s32 s19, $0x2;
	v1 =	vld [tilespmem:s18+$0xFFFFFFE0]  }
0x38: {  	s15 =	sadd.s32 s15, s16  }
0x39: {  	s18 =	sadd.s32 $0x40, s18;
	[tilespmem:s15+$0x1830 ss:$0x81] =	vst.msk $0xffff, v3  }
.Ltmp4:
0x3a: {  	_ = 	snop;
	(pc) =	sbr.rel .LBB1_4-.Ltmp4, $1  }
0x3b: {  	_ =	sdelay $0x3  }
.LBB1_6:
0x3c: {  	_ =	sfence.sel $0x180000  }
0x3d: {  	s2 =	simm.s32 $0x1;
	[bflag:$0x0] =	sbarrier.arrive $0xFFFF  }
0x3e: {  	s31 =	simm.s32 $0x2;
	[sflag:s2] =	ssyncpa.u1 $0x1  }
0x3f: {  	[sflag:s31] =	ssyncpa.u1 $0x1  }
0x40: {  	p0 =	sne.s32 s0, $0x0;
	_ =	strace $0x9000004A  }
0x41: {  	s0 =	sadd.s32 @!p0 $0x100000, s1;
	[bflag:$0x2] =	sbarrier.arrive $0xFFFF  }
0x42: {  	[sflag:s0] =	ssyncadd.tile.s32 @!p0 $0x1;
	_ =	shalt  }
.Lfunc_end1:
_tile_overlayer_lowered:
.L_overlay_start_2:
0x43: {  	(tag) =	ssettag $0x2  }
0x44: {  	s0 =	rddreg [dreg:$0x0];
	s2 =	stileid.u32  }
0x45: {  	s1 =	rddreg [dreg:$0x1];
	p0 =	sne.s32 s2, $0x0  }
0x46: {  	s3 =	rddreg [dreg:$0x2];
	[bflag:$0x3] =	sbarrier.arrive $0xFFFF;
	s2 =	simm.s32 @!p0 $0x1C01  }
0x47: {  	[timem:s3], [sflag:s2] =	dma.local @!p0 [hbm:s0], s1  }
0x48: {  	s0 =	simm.s32 @!p0 $0x1  }
0x49: {  	_ =	swait.ge @!p0 [sflag:s0], s1  }
0x4a: {  	s1 =	ssub.s32 @!p0 $0x0, s1;
	[sflag:s0] =	ssyncset.done @!p0 $0x0  }
0x4b: {  	[sflag:s0] =	ssyncadd.s32 @!p0 s1  }
0x4c: {  	[bflag:$0x3] =	sbarrier.arrive $0xFFFF  }
0x4d: {  	_ =	shalt  }

</sc_bundles>
